<compile_context>
chip_gen: v7x
topology: tpu7x:2x2x1
jax: 0.10.2.dev20260603
libtpu: 0.0.44.dev20260713+nightly
codegen_flags: <defaults>
</compile_context>

<pallas_src>
import functools

import jax
import jax.numpy as jnp
from jax import lax
from jax.experimental import pallas as pl
from jax.experimental.pallas import tpu as pltpu
from jax.experimental.pallas import tpu_sc as plsc

NC = 2
NS = 16
NW = NC * NS
LANES = 16
NLIGHT = 4

_LN2 = 0.6931471805599453
_SRGB_TH = 0.0031308


def _srgb(c):
    c_safe = jnp.where(c > _SRGB_TH, c, 0.5)
    b = plsc.bitcast(c_safe, jnp.int32)
    e = ((b >> 23) & 0xFF) - 127
    ef = e.astype(jnp.float32)
    m = plsc.bitcast((b & 0x007FFFFF) | 0x3F800000, jnp.float32)
    s = (m - 1.0) / (m + 1.0)
    s2 = s * s
    p = 1.0 + s2 * ((1.0 / 3.0) + s2 * ((1.0 / 5.0) + s2 * ((1.0 / 7.0) + s2 * (1.0 / 9.0))))
    log2c = ef + (2.0 / _LN2) * s * p
    y = jnp.exp(log2c * (_LN2 / 2.4))
    return jnp.where(c <= _SRGB_TH, 12.92 * c, 1.055 * y - 0.055)


def _sc_render(n_samples, n_rays, block):
    N, R, S = n_samples, n_rays, block
    RT = R // NW
    RTP = RT + 16
    NG = S // LANES

    mesh = plsc.VectorSubcoreMesh(core_axis_name="c", subcore_axis_name="s",
                                  num_cores=NC, num_subcores=NS)

    def buf_set():
        return [
            pltpu.VMEM((3 * S,), jnp.float32),
            pltpu.VMEM((3 * S,), jnp.float32),
            pltpu.VMEM((12 * S,), jnp.float32),
            pltpu.VMEM((12 * S,), jnp.float32),
            pltpu.VMEM((4 * S,), jnp.float32),
            pltpu.VMEM((S,), jnp.float32),
            pltpu.VMEM((S,), jnp.int32),
        ]

    @functools.partial(
        pl.kernel,
        out_type=jax.ShapeDtypeStruct((3 * R,), jnp.float32),
        mesh=mesh,
        compiler_params=pltpu.CompilerParams(needs_layout_passes=False),
        scratch_types=buf_set() + buf_set() + [
            pltpu.VMEM((48,), jnp.int32),
            pltpu.VMEM((4 * RTP,), jnp.float32),
            pltpu.VMEM((3 * RT,), jnp.float32),
            pltpu.VMEM((3 * RT,), jnp.float32),
            pltpu.SemaphoreType.DMA,
            pltpu.SemaphoreType.DMA,
            pltpu.SemaphoreType.DMA,
        ],
    )
    def k(alb_h, nrm_h, ld_h, lc_h, vis_h, w_h, idx_h, st_h, bg_h, out_h,
          *refs):
        bufA = refs[0:7]
        bufB = refs[7:14]
        st_v, acc_v, bg_v, o_v, semA, semB, sem2 = refs[14:]
        cid = lax.axis_index("c")
        sid = lax.axis_index("s")
        wid = cid * NS + sid
        lane = lax.iota(jnp.int32, 16)
        fzero = jnp.zeros((16,), jnp.float32)

        bgcp = [pltpu.async_copy(bg_h.at[pl.ds(c * R + wid * RT, RT)],
                                 bg_v.at[pl.ds(c * RT, RT)], sem2)
                for c in range(3)]
        pltpu.sync_copy(st_h, st_v)

        @pl.loop(0, 4 * RTP // 16)
        def _z(zi):
            acc_v[pl.ds(zi * 16, 16)] = fzero

        def pick(i):
            chunk = st_v[pl.ds((i // 16) * 16, 16)]
            return jnp.sum(jnp.where(lane == (i % 16), chunk, 0))

        p_lo = pick(wid)
        p_hi = pick(wid + 1)
        start = pl.multiple_of((p_lo // 128) * 128, 128)
        nblk = lax.div(p_hi - start + (S - 1), S)
        ray0 = wid * RT

        def blk0(bi):
            b0u = start + bi * S
            return b0u, pl.multiple_of(jnp.minimum(b0u, N - S), 128)

        def fire(bi, bufs, sem):
            _, b0 = blk0(bi)
            a_v, n_v, ld_v, lc_v, vis_v, w_v, idx_v = bufs
            for c in range(3):
                pltpu.async_copy(alb_h.at[pl.ds(c * N + b0, S)],
                                 a_v.at[pl.ds(c * S, S)], sem)
                pltpu.async_copy(nrm_h.at[pl.ds(c * N + b0, S)],
                                 n_v.at[pl.ds(c * S, S)], sem)
                pltpu.async_copy(ld_h.at[pl.ds(c * 4 * N + b0 * 4, 4 * S)],
                                 ld_v.at[pl.ds(c * 4 * S, 4 * S)], sem)
                pltpu.async_copy(lc_h.at[pl.ds(c * 4 * N + b0 * 4, 4 * S)],
                                 lc_v.at[pl.ds(c * 4 * S, 4 * S)], sem)
            for j in range(NLIGHT):
                pltpu.async_copy(vis_h.at[pl.ds(j * N + b0, S)],
                                 vis_v.at[pl.ds(j * S, S)], sem)
            pltpu.async_copy(w_h.at[pl.ds(b0, S)], w_v, sem)
            pltpu.async_copy(idx_h.at[pl.ds(b0, S)], idx_v, sem)

        def wait_set(bufs, sem):
            a_v, n_v, ld_v, lc_v, vis_v, w_v, idx_v = bufs
            for c in range(3):
                pltpu.make_async_copy(alb_h.at[pl.ds(c * N, S)],
                                      a_v.at[pl.ds(c * S, S)], sem).wait()
                pltpu.make_async_copy(nrm_h.at[pl.ds(c * N, S)],
                                      n_v.at[pl.ds(c * S, S)], sem).wait()
                pltpu.make_async_copy(ld_h.at[pl.ds(0, 4 * S)],
                                      ld_v.at[pl.ds(c * 4 * S, 4 * S)], sem).wait()
                pltpu.make_async_copy(lc_h.at[pl.ds(0, 4 * S)],
                                      lc_v.at[pl.ds(c * 4 * S, 4 * S)], sem).wait()
            for j in range(NLIGHT):
                pltpu.make_async_copy(vis_h.at[pl.ds(j * N, S)],
                                      vis_v.at[pl.ds(j * S, S)], sem).wait()
            pltpu.make_async_copy(w_h.at[pl.ds(0, S)], w_v, sem).wait()
            pltpu.make_async_copy(idx_h.at[pl.ds(0, S)], idx_v, sem).wait()

        def compute(bi, bufs):
            b0u, b0 = blk0(bi)
            a_v, n_v, ld_v, lc_v, vis_v, w_v, idx_v = bufs
            skip = b0u - b0

            @plsc.parallel_loop(0, NG, unroll=8)
            def _group(gi):
                o = gi * LANES
                sub = (gi >> 3) * 4 * 128 + (gi & 7) * 16
                nx = n_v[pl.ds(o, 16)]
                ny = n_v[pl.ds(S + o, 16)]
                nz = n_v[pl.ds(2 * S + o, 16)]
                dps = []
                cnt = fzero
                for j in range(NLIGHT):
                    jo = sub + j * 128
                    ldx = ld_v[pl.ds(jo, 16)]
                    ldy = ld_v[pl.ds(4 * S + jo, 16)]
                    ldz = ld_v[pl.ds(8 * S + jo, 16)]
                    dp = nx * ldx + ny * ldy + nz * ldz
                    dp = jnp.minimum(jnp.maximum(dp, 0.0), 1.0)
                    cnt = cnt + (dp > 0.0).astype(jnp.float32)
                    dps.append(dp)
                inv = 1.0 / jnp.maximum(cnt, 1.0)
                cr = fzero
                cg = fzero
                cb = fzero
                for j in range(NLIGHT):
                    jo = sub + j * 128
                    dpv = dps[j] * inv * vis_v[pl.ds(j * S + o, 16)]
                    cr = cr + dpv * lc_v[pl.ds(jo, 16)]
                    cg = cg + dpv * lc_v[pl.ds(4 * S + jo, 16)]
                    cb = cb + dpv * lc_v[pl.ds(8 * S + jo, 16)]
                wv = w_v[pl.ds(o, 16)]
                sl = o + lane
                rel = idx_v[pl.ds(o, 16)] - ray0
                mask = ((rel >= 0) & (rel < RT)) & (sl >= skip)
                r = jnp.minimum(jnp.maximum(rel, 0), RT)
                plsc.addupdate_scatter(acc_v, [r],
                                       wv * a_v[pl.ds(o, 16)] * cr, mask=mask)
                plsc.addupdate_scatter(acc_v, [r + RTP],
                                       wv * a_v[pl.ds(S + o, 16)] * cg, mask=mask)
                plsc.addupdate_scatter(acc_v, [r + 2 * RTP],
                                       wv * a_v[pl.ds(2 * S + o, 16)] * cb,
                                       mask=mask)
                plsc.addupdate_scatter(acc_v, [r + 3 * RTP], wv, mask=mask)

        @pl.when(nblk > 0)
        def _prime():
            fire(0, bufA, semA)

        @pl.loop(0, lax.div(nblk + 1, 2))
        def _outer(oi):
            b0i = 2 * oi
            b1i = b0i + 1

            @pl.when(b1i < nblk)
            def _():
                fire(b1i, bufB, semB)

            wait_set(bufA, semA)
            compute(b0i, bufA)

            @pl.when(b0i + 2 < nblk)
            def _():
                fire(b0i + 2, bufA, semA)

            @pl.when(b1i < nblk)
            def _():
                wait_set(bufB, semB)
                compute(b1i, bufB)

        for cp in bgcp:
            cp.wait()

        @plsc.parallel_loop(0, RT // 16, unroll=4)
        def _fin(ri):
            o = ri * 16
            aw = acc_v[pl.ds(3 * RTP + o, 16)]
            one_m_w = 1.0 - aw
            for c in range(3):
                comp = (acc_v[pl.ds(c * RTP + o, 16)]
                        + bg_v[pl.ds(c * RT + o, 16)] * one_m_w)
                o_v[pl.ds(c * RT + o, 16)] = _srgb(comp)

        for c in range(3):
            pltpu.sync_copy(o_v.at[pl.ds(c * RT, RT)],
                            out_h.at[pl.ds(c * R + ray0, RT)])

    return k


def kernel(albedos, normals, light_directions, light_colors, visibility,
           background_illumination, weights, ray_indices, num_rays):
    N = weights.shape[0]
    R = background_illumination.shape[0]

    alb = albedos.T.reshape(-1)
    nrm = normals.T.reshape(-1)
    ld = jnp.transpose(light_directions.reshape(N // 128, 128, NLIGHT, 3),
                       (3, 0, 2, 1)).reshape(-1)
    lc = jnp.transpose(light_colors.reshape(N // 128, 128, NLIGHT, 3),
                       (3, 0, 2, 1)).reshape(-1)
    vis = jnp.transpose(visibility, (1, 2, 0)).reshape(-1)
    w = weights.reshape(-1)
    bg = background_illumination.T.reshape(-1)
    idx = jnp.minimum(ray_indices.astype(jnp.int32), num_rays - 1)

    bounds = (jnp.arange(33, dtype=jnp.int32) * (R // NW)).astype(jnp.int32)
    starts = jnp.searchsorted(idx, bounds, side="left").astype(jnp.int32)
    starts = starts.at[32].set(N)
    starts = jnp.concatenate([starts, jnp.full((15,), N, jnp.int32)])

    sc = _sc_render(N, R, block=1280)
    flat = sc(alb, nrm, ld, lc, vis, w, idx, starts, bg)
    return flat.reshape(3, R).T

# --- scband reference (transcript-rebuilt; emitter-appended) ---
"""Pipeline reference for scband-rgblambertian-renderer-with-visibility-3624952398724 (READ-ONLY COPY).

The authoritative reference and input builder live on the scoring server;
editing this copy changes nothing except your own understanding.
"""

import jax, jax.numpy as jnp
import numpy as np


def sRGB(c):
    # standard linear->sRGB transfer; safe pow to avoid nan for the untaken branch
    c_safe = jnp.where(c > 0.0031308, c, 0.5)
    return jnp.where(c <= 0.0031308, 12.92 * c, 1.055 * jnp.power(c_safe, 1.0 / 2.4) - 0.055)


def setup_inputs(seed: int = 0) -> dict:
    key = jax.random.key(seed)
    ks = jax.random.split(key, 8)
    N = 1048576  # packed samples
    L = 4        # lights per sample
    R = 65536    # rays
    return {
        'albedos': jax.random.uniform(ks[0], (N, 3), jnp.float32),
        'normals': jax.random.normal(ks[1], (N, 3), jnp.float32),
        'light_directions': jax.random.normal(ks[2], (N, L, 3), jnp.float32),
        'light_colors': jax.random.uniform(ks[3], (N, L, 3), jnp.float32),
        'visibility': jax.random.uniform(ks[4], (N, L, 1), jnp.float32),
        'background_illumination': jax.random.uniform(ks[5], (R, 3), jnp.float32),
        'weights': jax.random.uniform(ks[6], (N, 1), jnp.float32),
        'ray_indices': jnp.sort(jax.random.randint(ks[7], (N,), 0, R, dtype=jnp.int32)),
        'num_rays': R,
    }


def reference(albedos, normals, light_directions, light_colors, visibility,
              background_illumination, weights, ray_indices, num_rays):
    albedos = albedos.reshape(-1, 3)
    normals = normals.reshape(-1, 3)
    dot_prod = jnp.einsum('bi,bji->bj', normals, light_directions)
    dot_prod = jnp.clip(dot_prod, 0.0, 1.0)
    count = jnp.sum((dot_prod > 0).astype(jnp.float32), axis=1, keepdims=True)
    count = jnp.where(count > 0, count, jnp.ones_like(count))
    dot_prod = dot_prod / count
    dot_prod = dot_prod * jnp.squeeze(visibility, axis=-1)
    color = jnp.einsum('bi,bj,bji->bi', albedos, dot_prod, light_colors)
    radiance = color.reshape(weights.shape[0], 3)
    num_segments = background_illumination.shape[0]
    ray_indices = jnp.minimum(ray_indices, num_rays - 1)
    # nerfacc.accumulate_along_rays == segment-sum of weights*values over ray ids
    comp_rgb = jax.ops.segment_sum(weights * radiance, ray_indices, num_segments=num_segments)
    accumulated_weight = jax.ops.segment_sum(weights, ray_indices, num_segments=num_segments)
    comp_rgb = comp_rgb + background_illumination * (1.0 - accumulated_weight)
    comp_rgb = sRGB(comp_rgb)
    # module default training=True -> no final clamp
    return comp_rgb

if __name__ == "__main__":
    import jax
    _d = setup_inputs()
    print(jax.jit(kernel)(*tuple(_d.values())))

</pallas_src>

<mosaic_0001>
#map = affine_map<(d0, d1) -> (0)>
module attributes {stable_mosaic.version = 14 : i64} {
  func.func @k(%arg0: i32, %arg1: i32, %arg2: memref<3145728xf32, #tpu.memory_space<hbm>>, %arg3: memref<3145728xf32, #tpu.memory_space<hbm>>, %arg4: memref<12582912xf32, #tpu.memory_space<hbm>>, %arg5: memref<12582912xf32, #tpu.memory_space<hbm>>, %arg6: memref<4194304xf32, #tpu.memory_space<hbm>>, %arg7: memref<1048576xf32, #tpu.memory_space<hbm>>, %arg8: memref<1048576xi32, #tpu.memory_space<hbm>>, %arg9: memref<48xi32, #tpu.memory_space<hbm>>, %arg10: memref<196608xf32, #tpu.memory_space<hbm>>, %arg11: memref<196608xf32, #tpu.memory_space<hbm>>, %arg12: memref<3840xf32, #tpu.memory_space<vmem>>, %arg13: memref<3840xf32, #tpu.memory_space<vmem>>, %arg14: memref<15360xf32, #tpu.memory_space<vmem>>, %arg15: memref<15360xf32, #tpu.memory_space<vmem>>, %arg16: memref<5120xf32, #tpu.memory_space<vmem>>, %arg17: memref<1280xf32, #tpu.memory_space<vmem>>, %arg18: memref<1280xi32, #tpu.memory_space<vmem>>, %arg19: memref<3840xf32, #tpu.memory_space<vmem>>, %arg20: memref<3840xf32, #tpu.memory_space<vmem>>, %arg21: memref<15360xf32, #tpu.memory_space<vmem>>, %arg22: memref<15360xf32, #tpu.memory_space<vmem>>, %arg23: memref<5120xf32, #tpu.memory_space<vmem>>, %arg24: memref<1280xf32, #tpu.memory_space<vmem>>, %arg25: memref<1280xi32, #tpu.memory_space<vmem>>, %arg26: memref<48xi32, #tpu.memory_space<vmem>>, %arg27: memref<8256xf32, #tpu.memory_space<vmem>>, %arg28: memref<6144xf32, #tpu.memory_space<vmem>>, %arg29: memref<6144xf32, #tpu.memory_space<vmem>>, %arg30: memref<!tpu.dma_semaphore, #tpu.memory_space<semaphore_mem>>, %arg31: memref<!tpu.dma_semaphore, #tpu.memory_space<semaphore_mem>>, %arg32: memref<!tpu.dma_semaphore, #tpu.memory_space<semaphore_mem>>) attributes {dimension_semantics = [#tpu.dimension_semantics<core_parallel>, #tpu.dimension_semantics<subcore_parallel>], iteration_bounds = array<i64: 2, 16>, scalar_prefetch = 0 : i64, scratch_operands = 21 : i64, tpu.core_type = #tpu.core_type<sc_vector_subcore>, window_params = [{transform_indices = #map}, {transform_indices = #map}, {transform_indices = #map}, {transform_indices = #map}, {transform_indices = #map}, {transform_indices = #map}, {transform_indices = #map}, {transform_indices = #map}, {transform_indices = #map}, {transform_indices = #map}]} {
    %mul3A = arith.constant 16 : i32
    %mul3A_0 = arith.muli %arg0, %mul3A : i32
    %add3A = arith.addi %mul3A_0, %arg1 : i32
    %iota3A = tpu.iota {dimensions = array<i32: 0>} : vector<16xi32>
    %broadcast_in_dim3A = arith.constant 0.000000e+00 : f32
    %broadcast_in_dim3A_1 = vector.broadcast %broadcast_in_dim3A : f32 to vector<16xf32>
    %mul3A_2 = arith.constant 2048 : i32
    %mul3A_3 = arith.muli %add3A, %mul3A_2 : i32
    %add3A_4 = arith.constant 0 : i32
    %add3A_5 = arith.addi %add3A_4, %mul3A_3 : i32
    %dma_start3A = arith.constant 0 : i32
    %dma_start3A_6 = tpu.memref_slice %arg28[%dma_start3A] : memref<6144xf32, #tpu.memory_space<vmem>> -> memref<2048xf32, #tpu.memory_space<vmem>>
    %dma_start3A_7 = tpu.memref_slice %arg10[%add3A_5] : memref<196608xf32, #tpu.memory_space<hbm>> -> memref<2048xf32, #tpu.memory_space<hbm>>
    %dma_start3A_8 = arith.constant 0 : i32
    %dma_start3A_9 = tpu.memref_slice %arg28[%dma_start3A_8] : memref<6144xf32, #tpu.memory_space<vmem>> -> memref<2048xf32, #tpu.memory_space<vmem>>
    %dma_start3A_10 = tpu.memref_slice %arg10[%add3A_5] : memref<196608xf32, #tpu.memory_space<hbm>> -> memref<2048xf32, #tpu.memory_space<hbm>>
    tpu.enqueue_dma source(%dma_start3A_10 : memref<2048xf32, #tpu.memory_space<hbm>>) target(%dma_start3A_9 : memref<2048xf32, #tpu.memory_space<vmem>>) target_semaphore(%arg32 : memref<!tpu.dma_semaphore, #tpu.memory_space<semaphore_mem>>)
    %mul3A_11 = arith.constant 2048 : i32
    %mul3A_12 = arith.muli %add3A, %mul3A_11 : i32
    %add3A_13 = arith.constant 65536 : i32
    %add3A_14 = arith.addi %add3A_13, %mul3A_12 : i32
    %dma_start3A_15 = arith.constant 2048 : i32
    %dma_start3A_16 = tpu.memref_slice %arg28[%dma_start3A_15] : memref<6144xf32, #tpu.memory_space<vmem>> -> memref<2048xf32, #tpu.memory_space<vmem>>
    %dma_start3A_17 = tpu.memref_slice %arg10[%add3A_14] : memref<196608xf32, #tpu.memory_space<hbm>> -> memref<2048xf32, #tpu.memory_space<hbm>>
    %dma_start3A_18 = arith.constant 2048 : i32
    %dma_start3A_19 = tpu.memref_slice %arg28[%dma_start3A_18] : memref<6144xf32, #tpu.memory_space<vmem>> -> memref<2048xf32, #tpu.memory_space<vmem>>
    %dma_start3A_20 = tpu.memref_slice %arg10[%add3A_14] : memref<196608xf32, #tpu.memory_space<hbm>> -> memref<2048xf32, #tpu.memory_space<hbm>>
    tpu.enqueue_dma source(%dma_start3A_20 : memref<2048xf32, #tpu.memory_space<hbm>>) target(%dma_start3A_19 : memref<2048xf32, #tpu.memory_space<vmem>>) target_semaphore(%arg32 : memref<!tpu.dma_semaphore, #tpu.memory_space<semaphore_mem>>)
    %mul3A_21 = arith.constant 2048 : i32
    %mul3A_22 = arith.muli %add3A, %mul3A_21 : i32
    %add3A_23 = arith.constant 131072 : i32
    %add3A_24 = arith.addi %add3A_23, %mul3A_22 : i32
    %dma_start3A_25 = arith.constant 4096 : i32
    %dma_start3A_26 = tpu.memref_slice %arg28[%dma_start3A_25] : memref<6144xf32, #tpu.memory_space<vmem>> -> memref<2048xf32, #tpu.memory_space<vmem>>
    %dma_start3A_27 = tpu.memref_slice %arg10[%add3A_24] : memref<196608xf32, #tpu.memory_space<hbm>> -> memref<2048xf32, #tpu.memory_space<hbm>>
    %dma_start3A_28 = arith.constant 4096 : i32
    %dma_start3A_29 = tpu.memref_slice %arg28[%dma_start3A_28] : memref<6144xf32, #tpu.memory_space<vmem>> -> memref<2048xf32, #tpu.memory_space<vmem>>
    %dma_start3A_30 = tpu.memref_slice %arg10[%add3A_24] : memref<196608xf32, #tpu.memory_space<hbm>> -> memref<2048xf32, #tpu.memory_space<hbm>>
    tpu.enqueue_dma source(%dma_start3A_30 : memref<2048xf32, #tpu.memory_space<hbm>>) target(%dma_start3A_29 : memref<2048xf32, #tpu.memory_space<vmem>>) target_semaphore(%arg32 : memref<!tpu.dma_semaphore, #tpu.memory_space<semaphore_mem>>)
    "tpu.region"() ({
      %run_scoped3A = tpu.sem_alloc : memref<!tpu.dma_semaphore, #tpu.memory_space<semaphore_mem>>
      tpu.enqueue_dma source(%arg9 : memref<48xi32, #tpu.memory_space<hbm>>) target(%arg26 : memref<48xi32, #tpu.memory_space<vmem>>) target_semaphore(%run_scoped3A : memref<!tpu.dma_semaphore, #tpu.memory_space<semaphore_mem>>)
      tpu.wait_dma2 semaphore(%run_scoped3A : memref<!tpu.dma_semaphore, #tpu.memory_space<semaphore_mem>>) src(%arg9 : memref<48xi32, #tpu.memory_space<hbm>>) dst(%arg26 : memref<48xi32, #tpu.memory_space<vmem>>)
      tpu.yield
    }) : () -> ()
    %scan3A = arith.constant 0 : i32
    %scan3A_31 = arith.constant 516 : i32
    %scan3A_32 = arith.addi %scan3A, %scan3A_31 : i32
    %scan3A_33 = arith.constant 1 : i32
    scf.for %scan3A_213 = %scan3A to %scan3A_32 step %scan3A_33  : i32 {
      %mul3A_214 = arith.constant 1 : i32
      %mul3A_215 = arith.muli %scan3A_213, %mul3A_214 : i32
      %add3A_216 = arith.constant 0 : i32
      %add3A_217 = arith.addi %add3A_216, %mul3A_215 : i32
      %mul3A_218 = arith.constant 16 : i32
      %mul3A_219 = arith.muli %add3A_217, %mul3A_218 : i32
      %swap3A = arith.index_cast %mul3A_219 : i32 to index
      %swap3A_220 = tpu.vector_load %arg27[%swap3A] {strides = array<i32>} : memref<8256xf32, #tpu.memory_space<vmem>>, vector<16xf32>,
      tpu.vector_store %arg27[%swap3A], %broadcast_in_dim3A_1 {strides = array<i32>} : memref<8256xf32, #tpu.memory_space<vmem>>, vector<16xf32>,
    }
    %scan3A_34 = arith.constant 516 : i32
    %jit3A = arith.constant 16 : i32
    %div3A = arith.divsi %add3A, %jit3A : i32
    %sign3A = arith.constant 0 : i32
    %sign3A_35 = arith.cmpi sgt, %add3A, %sign3A : i32
    %sign3A_36 = arith.extui %sign3A_35 : i1 to i32
    %sign3A_37 = arith.constant 0 : i32
    %sign3A_38 = arith.cmpi slt, %add3A, %sign3A_37 : i32
    %sign3A_39 = arith.extui %sign3A_38 : i1 to i32
    %sign3A_40 = arith.subi %sign3A_36, %sign3A_39 : i32
    %sign3A_41 = arith.constant 0 : i32
    %sign3A_42 = arith.cmpi sgt, %jit3A, %sign3A_41 : i32
    %sign3A_43 = arith.extui %sign3A_42 : i1 to i32
    %sign3A_44 = arith.constant 0 : i32
    %sign3A_45 = arith.cmpi slt, %jit3A, %sign3A_44 : i32
    %sign3A_46 = arith.extui %sign3A_45 : i1 to i32
    %sign3A_47 = arith.subi %sign3A_43, %sign3A_46 : i32
    %ne3A = arith.cmpi ne, %sign3A_40, %sign3A_47 : i32
    %rem3A = arith.remsi %add3A, %jit3A : i32
    %ne3A_48 = arith.constant 0 : i32
    %ne3A_49 = arith.cmpi ne, %rem3A, %ne3A_48 : i32
    %and3A = arith.andi %ne3A, %ne3A_49 : i1
    %sub3A = arith.constant 1 : i32
    %sub3A_50 = arith.subi %div3A, %sub3A : i32
    %select_n3A = arith.select %and3A, %sub3A_50, %div3A : i32
    %mul3A_51 = arith.constant 16 : i32
    %mul3A_52 = arith.muli %select_n3A, %mul3A_51 : i32
    %get3A = arith.index_cast %mul3A_52 : i32 to index
    %get3A_53 = tpu.vector_load %arg26[%get3A] {strides = array<i32>} : memref<48xi32, #tpu.memory_space<vmem>>, vector<16xi32>,
    %jit3A_54 = arith.constant 16 : i32
    %eq3A = arith.constant 0 : i32
    %eq3A_55 = arith.cmpi eq, %jit3A_54, %eq3A : i32
    %jit3A_56 = arith.constant 1 : i32
    %select_n3A_57 = arith.select %eq3A_55, %jit3A_56, %jit3A_54 : i32
    %rem3A_58 = arith.remsi %add3A, %select_n3A_57 : i32
    %ne3A_59 = arith.constant 0 : i32
    %ne3A_60 = arith.cmpi ne, %rem3A_58, %ne3A_59 : i32
    %lt3A = arith.constant 0 : i32
    %lt3A_61 = arith.cmpi slt, %rem3A_58, %lt3A : i32
    %lt3A_62 = arith.constant 0 : i32
    %lt3A_63 = arith.cmpi slt, %select_n3A_57, %lt3A_62 : i32
    %ne3A_64 = arith.xori %lt3A_61, %lt3A_63 : i1
    %and3A_65 = arith.andi %ne3A_64, %ne3A_60 : i1
    %add3A_66 = arith.addi %rem3A_58, %select_n3A_57 : i32
    %select_n3A_67 = arith.select %and3A_65, %add3A_66, %rem3A_58 : i32
    %eq3A_68 = vector.broadcast %select_n3A_67 : i32 to vector<16xi32>
    %eq3A_69 = arith.cmpi eq, %iota3A, %eq3A_68 : vector<16xi32>
    %jit3A_70 = arith.constant 0 : i32
    %broadcast_in_dim3A_71 = vector.broadcast %jit3A_70 : i32 to vector<16xi32>
    %select_n3A_72 = arith.select %eq3A_69, %get3A_53, %broadcast_in_dim3A_71 : vector<16xi1>, vector<16xi32>
    %reduce_sum3A = arith.constant true
    %reduce_sum3A_73 = vector.broadcast %reduce_sum3A : i1 to vector<16xi1>
    %reduce_sum3A_74 = tpu.scan <sum>, %select_n3A_72 masked %reduce_sum3A_73 : vector<16xi32>, vector<16xi1> -> vector<16xi32>
    %reduce_sum3A_75 = vector.extract %reduce_sum3A_74[15] : i32 from vector<16xi32>
    %add3A_76 = arith.constant 1 : i32
    %add3A_77 = arith.addi %add3A, %add3A_76 : i32
    %jit3A_78 = arith.constant 16 : i32
    %div3A_79 = arith.divsi %add3A_77, %jit3A_78 : i32
    %sign3A_80 = arith.constant 0 : i32
    %sign3A_81 = arith.cmpi sgt, %add3A_77, %sign3A_80 : i32
    %sign3A_82 = arith.extui %sign3A_81 : i1 to i32
    %sign3A_83 = arith.constant 0 : i32
    %sign3A_84 = arith.cmpi slt, %add3A_77, %sign3A_83 : i32
    %sign3A_85 = arith.extui %sign3A_84 : i1 to i32
    %sign3A_86 = arith.subi %sign3A_82, %sign3A_85 : i32
    %sign3A_87 = arith.constant 0 : i32
    %sign3A_88 = arith.cmpi sgt, %jit3A_78, %sign3A_87 : i32
    %sign3A_89 = arith.extui %sign3A_88 : i1 to i32
    %sign3A_90 = arith.constant 0 : i32
    %sign3A_91 = arith.cmpi slt, %jit3A_78, %sign3A_90 : i32
    %sign3A_92 = arith.extui %sign3A_91 : i1 to i32
    %sign3A_93 = arith.subi %sign3A_89, %sign3A_92 : i32
    %ne3A_94 = arith.cmpi ne, %sign3A_86, %sign3A_93 : i32
    %rem3A_95 = arith.remsi %add3A_77, %jit3A_78 : i32
    %ne3A_96 = arith.constant 0 : i32
    %ne3A_97 = arith.cmpi ne, %rem3A_95, %ne3A_96 : i32
    %and3A_98 = arith.andi %ne3A_94, %ne3A_97 : i1
    %sub3A_99 = arith.constant 1 : i32
    %sub3A_100 = arith.subi %div3A_79, %sub3A_99 : i32
    %select_n3A_101 = arith.select %and3A_98, %sub3A_100, %div3A_79 : i32
    %mul3A_102 = arith.constant 16 : i32
    %mul3A_103 = arith.muli %select_n3A_101, %mul3A_102 : i32
    %get3A_104 = arith.index_cast %mul3A_103 : i32 to index
    %get3A_105 = tpu.vector_load %arg26[%get3A_104] {strides = array<i32>} : memref<48xi32, #tpu.memory_space<vmem>>, vector<16xi32>,
    %jit3A_106 = arith.constant 16 : i32
    %eq3A_107 = arith.constant 0 : i32
    %eq3A_108 = arith.cmpi eq, %jit3A_106, %eq3A_107 : i32
    %jit3A_109 = arith.constant 1 : i32
    %select_n3A_110 = arith.select %eq3A_108, %jit3A_109, %jit3A_106 : i32
    %rem3A_111 = arith.remsi %add3A_77, %select_n3A_110 : i32
    %ne3A_112 = arith.constant 0 : i32
    %ne3A_113 = arith.cmpi ne, %rem3A_111, %ne3A_112 : i32
    %lt3A_114 = arith.constant 0 : i32
    %lt3A_115 = arith.cmpi slt, %rem3A_111, %lt3A_114 : i32
    %lt3A_116 = arith.constant 0 : i32
    %lt3A_117 = arith.cmpi slt, %select_n3A_110, %lt3A_116 : i32
    %ne3A_118 = arith.xori %lt3A_115, %lt3A_117 : i1
    %and3A_119 = arith.andi %ne3A_118, %ne3A_113 : i1
    %add3A_120 = arith.addi %rem3A_111, %select_n3A_110 : i32
    %select_n3A_121 = arith.select %and3A_119, %add3A_120, %rem3A_111 : i32
    %eq3A_122 = vector.broadcast %select_n3A_121 : i32 to vector<16xi32>
    %eq3A_123 = arith.cmpi eq, %iota3A, %eq3A_122 : vector<16xi32>
    %jit3A_124 = arith.constant 0 : i32
    %broadcast_in_dim3A_125 = vector.broadcast %jit3A_124 : i32 to vector<16xi32>
    %select_n3A_126 = arith.select %eq3A_123, %get3A_105, %broadcast_in_dim3A_125 : vector<16xi1>, vector<16xi32>
    %reduce_sum3A_127 = arith.constant true
    %reduce_sum3A_128 = vector.broadcast %reduce_sum3A_127 : i1 to vector<16xi1>
    %reduce_sum3A_129 = tpu.scan <sum>, %select_n3A_126 masked %reduce_sum3A_128 : vector<16xi32>, vector<16xi1> -> vector<16xi32>
    %reduce_sum3A_130 = vector.extract %reduce_sum3A_129[15] : i32 from vector<16xi32>
    %jit3A_131 = arith.constant 128 : i32
    %div3A_132 = arith.divsi %reduce_sum3A_75, %jit3A_131 : i32
    %sign3A_133 = arith.constant 0 : i32
    %sign3A_134 = arith.cmpi sgt, %reduce_sum3A_75, %sign3A_133 : i32
    %sign3A_135 = arith.extui %sign3A_134 : i1 to i32
    %sign3A_136 = arith.constant 0 : i32
    %sign3A_137 = arith.cmpi slt, %reduce_sum3A_75, %sign3A_136 : i32
    %sign3A_138 = arith.extui %sign3A_137 : i1 to i32
    %sign3A_139 = arith.subi %sign3A_135, %sign3A_138 : i32
    %sign3A_140 = arith.constant 0 : i32
    %sign3A_141 = arith.cmpi sgt, %jit3A_131, %sign3A_140 : i32
    %sign3A_142 = arith.extui %sign3A_141 : i1 to i32
    %sign3A_143 = arith.constant 0 : i32
    %sign3A_144 = arith.cmpi slt, %jit3A_131, %sign3A_143 : i32
    %sign3A_145 = arith.extui %sign3A_144 : i1 to i32
    %sign3A_146 = arith.subi %sign3A_142, %sign3A_145 : i32
    %ne3A_147 = arith.cmpi ne, %sign3A_139, %sign3A_146 : i32
    %rem3A_148 = arith.remsi %reduce_sum3A_75, %jit3A_131 : i32
    %ne3A_149 = arith.constant 0 : i32
    %ne3A_150 = arith.cmpi ne, %rem3A_148, %ne3A_149 : i32
    %and3A_151 = arith.andi %ne3A_147, %ne3A_150 : i1
    %sub3A_152 = arith.constant 1 : i32
    %sub3A_153 = arith.subi %div3A_132, %sub3A_152 : i32
    %select_n3A_154 = arith.select %and3A_151, %sub3A_153, %div3A_132 : i32
    %mul3A_155 = arith.constant 128 : i32
    %mul3A_156 = arith.muli %select_n3A_154, %mul3A_155 : i32
    %multiple_of3A = tpu.assume_multiple %mul3A_156, 128 : i32
    %sub3A_157 = arith.subi %reduce_sum3A_130, %multiple_of3A : i32
    %add3A_158 = arith.constant 1279 : i32
    %add3A_159 = arith.addi %sub3A_157, %add3A_158 : i32
    %div3A_160 = arith.constant 1280 : i32
    %div3A_161 = arith.divsi %add3A_159, %div3A_160 : i32
    %mul3A_162 = arith.constant 2048 : i32
    %mul3A_163 = arith.muli %add3A, %mul3A_162 : i32
    %gt3A = arith.constant 0 : i32
    %gt3A_164 = arith.cmpi sgt, %div3A_161, %gt3A : i32
    %convert_element_type3A = arith.extui %gt3A_164 : i1 to i32
    %cond3A = arith.constant 0 : i32
    %cond3A_165 = arith.cmpi ne, %convert_element_type3A, %cond3A : i32
    scf.if %cond3A_165 {
      %add3A_213 = arith.constant 0 : i32
      %add3A_214 = arith.addi %multiple_of3A, %add3A_213 : i32
      %min3A = arith.constant 1047296 : i32
      %min3A_215 = arith.minsi %add3A_214, %min3A : i32
      %multiple_of3A_216 = tpu.assume_multiple %min3A_215, 128 : i32
      %add3A_217 = arith.constant 0 : i32
      %add3A_218 = arith.addi %add3A_217, %multiple_of3A_216 : i32
      %dma_start3A_219 = arith.constant 0 : i32
      %dma_start3A_220 = tpu.memref_slice %arg12[%dma_start3A_219] : memref<3840xf32, #tpu.memory_space<vmem>> -> memref<1280xf32, #tpu.memory_space<vmem>>
      %dma_start3A_221 = tpu.memref_slice %arg2[%add3A_218] : memref<3145728xf32, #tpu.memory_space<hbm>> -> memref<1280xf32, #tpu.memory_space<hbm>>
      %dma_start3A_222 = arith.constant 0 : i32
      %dma_start3A_223 = tpu.memref_slice %arg12[%dma_start3A_222] : memref<3840xf32, #tpu.memory_space<vmem>> -> memref<1280xf32, #tpu.memory_space<vmem>>
      %dma_start3A_224 = tpu.memref_slice %arg2[%add3A_218] : memref<3145728xf32, #tpu.memory_space<hbm>> -> memref<1280xf32, #tpu.memory_space<hbm>>
      tpu.enqueue_dma source(%dma_start3A_224 : memref<1280xf32, #tpu.memory_space<hbm>>) target(%dma_start3A_223 : memref<1280xf32, #tpu.memory_space<vmem>>) target_semaphore(%arg30 : memref<!tpu.dma_semaphore, #tpu.memory_space<semaphore_mem>>)
      %add3A_225 = arith.constant 0 : i32
      %add3A_226 = arith.addi %add3A_225, %multiple_of3A_216 : i32
      %dma_start3A_227 = arith.constant 0 : i32
      %dma_start3A_228 = tpu.memref_slice %arg13[%dma_start3A_227] : memref<3840xf32, #tpu.memory_space<vmem>> -> memref<1280xf32, #tpu.memory_space<vmem>>
      %dma_start3A_229 = tpu.memref_slice %arg3[%add3A_226] : memref<3145728xf32, #tpu.memory_space<hbm>> -> memref<1280xf32, #tpu.memory_space<hbm>>
      %dma_start3A_230 = arith.constant 0 : i32
      %dma_start3A_231 = tpu.memref_slice %arg13[%dma_start3A_230] : memref<3840xf32, #tpu.memory_space<vmem>> -> memref<1280xf32, #tpu.memory_space<vmem>>
      %dma_start3A_232 = tpu.memref_slice %arg3[%add3A_226] : memref<3145728xf32, #tpu.memory_space<hbm>> -> memref<1280xf32, #tpu.memory_space<hbm>>
      tpu.enqueue_dma source(%dma_start3A_232 : memref<1280xf32, #tpu.memory_space<hbm>>) target(%dma_start3A_231 : memref<1280xf32, #tpu.memory_space<vmem>>) target_semaphore(%arg30 : memref<!tpu.dma_semaphore, #tpu.memory_space<semaphore_mem>>)
      %mul3A_233 = arith.constant 4 : i32
      %mul3A_234 = arith.muli %multiple_of3A_216, %mul3A_233 : i32
      %add3A_235 = arith.constant 0 : i32
      %add3A_236 = arith.addi %add3A_235, %mul3A_234 : i32
      %dma_start3A_237 = arith.constant 0 : i32
      %dma_start3A_238 = tpu.memref_slice %arg14[%dma_start3A_237] : memref<15360xf32, #tpu.memory_space<vmem>> -> memref<5120xf32, #tpu.memory_space<vmem>>
      %dma_start3A_239 = tpu.memref_slice %arg4[%add3A_236] : memref<12582912xf32, #tpu.memory_space<hbm>> -> memref<5120xf32, #tpu.memory_space<hbm>>
      %dma_start3A_240 = arith.constant 0 : i32
      %dma_start3A_241 = tpu.memref_slice %arg14[%dma_start3A_240] : memref<15360xf32, #tpu.memory_space<vmem>> -> memref<5120xf32, #tpu.memory_space<vmem>>
      %dma_start3A_242 = tpu.memref_slice %arg4[%add3A_236] : memref<12582912xf32, #tpu.memory_space<hbm>> -> memref<5120xf32, #tpu.memory_space<hbm>>
      tpu.enqueue_dma source(%dma_start3A_242 : memref<5120xf32, #tpu.memory_space<hbm>>) target(%dma_start3A_241 : memref<5120xf32, #tpu.memory_space<vmem>>) target_semaphore(%arg30 : memref<!tpu.dma_semaphore, #tpu.memory_space<semaphore_mem>>)
      %mul3A_243 = arith.constant 4 : i32
      %mul3A_244 = arith.muli %multiple_of3A_216, %mul3A_243 : i32
      %add3A_245 = arith.constant 0 : i32
      %add3A_246 = arith.addi %add3A_245, %mul3A_244 : i32
      %dma_start3A_247 = arith.constant 0 : i32
      %dma_start3A_248 = tpu.memref_slice %arg15[%dma_start3A_247] : memref<15360xf32, #tpu.memory_space<vmem>> -> memref<5120xf32, #tpu.memory_space<vmem>>
      %dma_start3A_249 = tpu.memref_slice %arg5[%add3A_246] : memref<12582912xf32, #tpu.memory_space<hbm>> -> memref<5120xf32, #tpu.memory_space<hbm>>
      %dma_start3A_250 = arith.constant 0 : i32
      %dma_start3A_251 = tpu.memref_slice %arg15[%dma_start3A_250] : memref<15360xf32, #tpu.memory_space<vmem>> -> memref<5120xf32, #tpu.memory_space<vmem>>
      %dma_start3A_252 = tpu.memref_slice %arg5[%add3A_246] : memref<12582912xf32, #tpu.memory_space<hbm>> -> memref<5120xf32, #tpu.memory_space<hbm>>
      tpu.enqueue_dma source(%dma_start3A_252 : memref<5120xf32, #tpu.memory_space<hbm>>) target(%dma_start3A_251 : memref<5120xf32, #tpu.memory_space<vmem>>) target_semaphore(%arg30 : memref<!tpu.dma_semaphore, #tpu.memory_space<semaphore_mem>>)
      %add3A_253 = arith.constant 1048576 : i32
      %add3A_254 = arith.addi %add3A_253, %multiple_of3A_216 : i32
      %dma_start3A_255 = arith.constant 1280 : i32
      %dma_start3A_256 = tpu.memref_slice %arg12[%dma_start3A_255] : memref<3840xf32, #tpu.memory_space<vmem>> -> memref<1280xf32, #tpu.memory_space<vmem>>
      %dma_start3A_257 = tpu.memref_slice %arg2[%add3A_254] : memref<3145728xf32, #tpu.memory_space<hbm>> -> memref<1280xf32, #tpu.memory_space<hbm>>
      %dma_start3A_258 = arith.constant 1280 : i32
      %dma_start3A_259 = tpu.memref_slice %arg12[%dma_start3A_258] : memref<3840xf32, #tpu.memory_space<vmem>> -> memref<1280xf32, #tpu.memory_space<vmem>>
      %dma_start3A_260 = tpu.memref_slice %arg2[%add3A_254] : memref<3145728xf32, #tpu.memory_space<hbm>> -> memref<1280xf32, #tpu.memory_space<hbm>>
      tpu.enqueue_dma source(%dma_start3A_260 : memref<1280xf32, #tpu.memory_space<hbm>>) target(%dma_start3A_259 : memref<1280xf32, #tpu.memory_space<vmem>>) target_semaphore(%arg30 : memref<!tpu.dma_semaphore, #tpu.memory_space<semaphore_mem>>)
      %add3A_261 = arith.constant 1048576 : i32
      %add3A_262 = arith.addi %add3A_261, %multiple_of3A_216 : i32
      %dma_start3A_263 = arith.constant 1280 : i32
      %dma_start3A_264 = tpu.memref_slice %arg13[%dma_start3A_263] : memref<3840xf32, #tpu.memory_space<vmem>> -> memref<1280xf32, #tpu.memory_space<vmem>>
      %dma_start3A_265 = tpu.memref_slice %arg3[%add3A_262] : memref<3145728xf32, #tpu.memory_space<hbm>> -> memref<1280xf32, #tpu.memory_space<hbm>>
      %dma_start3A_266 = arith.constant 1280 : i32
      %dma_start3A_267 = tpu.memref_slice %arg13[%dma_start3A_266] : memref<3840xf32, #tpu.memory_space<vmem>> -> memref<1280xf32, #tpu.memory_space<vmem>>
      %dma_start3A_268 = tpu.memref_slice %arg3[%add3A_262] : memref<3145728xf32, #tpu.memory_space<hbm>> -> memref<1280xf32, #tpu.memory_space<hbm>>
      tpu.enqueue_dma source(%dma_start3A_268 : memref<1280xf32, #tpu.memory_space<hbm>>) target(%dma_start3A_267 : memref<1280xf32, #tpu.memory_space<vmem>>) target_semaphore(%arg30 : memref<!tpu.dma_semaphore, #tpu.memory_space<semaphore_mem>>)
      %mul3A_269 = arith.constant 4 : i32
      %mul3A_270 = arith.muli %multiple_of3A_216, %mul3A_269 : i32
      %add3A_271 = arith.constant 4194304 : i32
      %add3A_272 = arith.addi %add3A_271, %mul3A_270 : i32
      %dma_start3A_273 = arith.constant 5120 : i32
      %dma_start3A_274 = tpu.memref_slice %arg14[%dma_start3A_273] : memref<15360xf32, #tpu.memory_space<vmem>> -> memref<5120xf32, #tpu.memory_space<vmem>>
      %dma_start3A_275 = tpu.memref_slice %arg4[%add3A_272] : memref<12582912xf32, #tpu.memory_space<hbm>> -> memref<5120xf32, #tpu.memory_space<hbm>>
      %dma_start3A_276 = arith.constant 5120 : i32
      %dma_start3A_277 = tpu.memref_slice %arg14[%dma_start3A_276] : memref<15360xf32, #tpu.memory_space<vmem>> -> memref<5120xf32, #tpu.memory_space<vmem>>
      %dma_start3A_278 = tpu.memref_slice %arg4[%add3A_272] : memref<12582912xf32, #tpu.memory_space<hbm>> -> memref<5120xf32, #tpu.memory_space<hbm>>
      tpu.enqueue_dma source(%dma_start3A_278 : memref<5120xf32, #tpu.memory_space<hbm>>) target(%dma_start3A_277 : memref<5120xf32, #tpu.memory_space<vmem>>) target_semaphore(%arg30 : memref<!tpu.dma_semaphore, #tpu.memory_space<semaphore_mem>>)
      %mul3A_279 = arith.constant 4 : i32
      %mul3A_280 = arith.muli %multiple_of3A_216, %mul3A_279 : i32
      %add3A_281 = arith.constant 4194304 : i32
      %add3A_282 = arith.addi %add3A_281, %mul3A_280 : i32
      %dma_start3A_283 = arith.constant 5120 : i32
      %dma_start3A_284 = tpu.memref_slice %arg15[%dma_start3A_283] : memref<15360xf32, #tpu.memory_space<vmem>> -> memref<5120xf32, #tpu.memory_space<vmem>>
      %dma_start3A_285 = tpu.memref_slice %arg5[%add3A_282] : memref<12582912xf32, #tpu.memory_space<hbm>> -> memref<5120xf32, #tpu.memory_space<hbm>>
      %dma_start3A_286 = arith.constant 5120 : i32
      %dma_start3A_287 = tpu.memref_slice %arg15[%dma_start3A_286] : memref<15360xf32, #tpu.memory_space<vmem>> -> memref<5120xf32, #tpu.memory_space<vmem>>
      %dma_start3A_288 = tpu.memref_slice %arg5[%add3A_282] : memref<12582912xf32, #tpu.memory_space<hbm>> -> memref<5120xf32, #tpu.memory_space<hbm>>
      tpu.enqueue_dma source(%dma_start3A_288 : memref<5120xf32, #tpu.memory_space<hbm>>) target(%dma_start3A_287 : memref<5120xf32, #tpu.memory_space<vmem>>) target_semaphore(%arg30 : memref<!tpu.dma_semaphore, #tpu.memory_space<semaphore_mem>>)
      %add3A_289 = arith.constant 2097152 : i32
      %add3A_290 = arith.addi %add3A_289, %multiple_of3A_216 : i32
      %dma_start3A_291 = arith.constant 2560 : i32
      %dma_start3A_292 = tpu.memref_slice %arg12[%dma_start3A_291] : memref<3840xf32, #tpu.memory_space<vmem>> -> memref<1280xf32, #tpu.memory_space<vmem>>
      %dma_start3A_293 = tpu.memref_slice %arg2[%add3A_290] : memref<3145728xf32, #tpu.memory_space<hbm>> -> memref<1280xf32, #tpu.memory_space<hbm>>
      %dma_start3A_294 = arith.constant 2560 : i32
      %dma_start3A_295 = tpu.memref_slice %arg12[%dma_start3A_294] : memref<3840xf32, #tpu.memory_space<vmem>> -> memref<1280xf32, #tpu.memory_space<vmem>>
      %dma_start3A_296 = tpu.memref_slice %arg2[%add3A_290] : memref<3145728xf32, #tpu.memory_space<hbm>> -> memref<1280xf32, #tpu.memory_space<hbm>>
      tpu.enqueue_dma source(%dma_start3A_296 : memref<1280xf32, #tpu.memory_space<hbm>>) target(%dma_start3A_295 : memref<1280xf32, #tpu.memory_space<vmem>>) target_semaphore(%arg30 : memref<!tpu.dma_semaphore, #tpu.memory_space<semaphore_mem>>)
      %add3A_297 = arith.constant 2097152 : i32
      %add3A_298 = arith.addi %add3A_297, %multiple_of3A_216 : i32
      %dma_start3A_299 = arith.constant 2560 : i32
      %dma_start3A_300 = tpu.memref_slice %arg13[%dma_start3A_299] : memref<3840xf32, #tpu.memory_space<vmem>> -> memref<1280xf32, #tpu.memory_space<vmem>>
      %dma_start3A_301 = tpu.memref_slice %arg3[%add3A_298] : memref<3145728xf32, #tpu.memory_space<hbm>> -> memref<1280xf32, #tpu.memory_space<hbm>>
      %dma_start3A_302 = arith.constant 2560 : i32
      %dma_start3A_303 = tpu.memref_slice %arg13[%dma_start3A_302] : memref<3840xf32, #tpu.memory_space<vmem>> -> memref<1280xf32, #tpu.memory_space<vmem>>
      %dma_start3A_304 = tpu.memref_slice %arg3[%add3A_298] : memref<3145728xf32, #tpu.memory_space<hbm>> -> memref<1280xf32, #tpu.memory_space<hbm>>
      tpu.enqueue_dma source(%dma_start3A_304 : memref<1280xf32, #tpu.memory_space<hbm>>) target(%dma_start3A_303 : memref<1280xf32, #tpu.memory_space<vmem>>) target_semaphore(%arg30 : memref<!tpu.dma_semaphore, #tpu.memory_space<semaphore_mem>>)
      %mul3A_305 = arith.constant 4 : i32
      %mul3A_306 = arith.muli %multiple_of3A_216, %mul3A_305 : i32
      %add3A_307 = arith.constant 8388608 : i32
      %add3A_308 = arith.addi %add3A_307, %mul3A_306 : i32
      %dma_start3A_309 = arith.constant 10240 : i32
      %dma_start3A_310 = tpu.memref_slice %arg14[%dma_start3A_309] : memref<15360xf32, #tpu.memory_space<vmem>> -> memref<5120xf32, #tpu.memory_space<vmem>>
      %dma_start3A_311 = tpu.memref_slice %arg4[%add3A_308] : memref<12582912xf32, #tpu.memory_space<hbm>> -> memref<5120xf32, #tpu.memory_space<hbm>>
      %dma_start3A_312 = arith.constant 10240 : i32
      %dma_start3A_313 = tpu.memref_slice %arg14[%dma_start3A_312] : memref<15360xf32, #tpu.memory_space<vmem>> -> memref<5120xf32, #tpu.memory_space<vmem>>
      %dma_start3A_314 = tpu.memref_slice %arg4[%add3A_308] : memref<12582912xf32, #tpu.memory_space<hbm>> -> memref<5120xf32, #tpu.memory_space<hbm>>
      tpu.enqueue_dma source(%dma_start3A_314 : memref<5120xf32, #tpu.memory_space<hbm>>) target(%dma_start3A_313 : memref<5120xf32, #tpu.memory_space<vmem>>) target_semaphore(%arg30 : memref<!tpu.dma_semaphore, #tpu.memory_space<semaphore_mem>>)
      %mul3A_315 = arith.constant 4 : i32
      %mul3A_316 = arith.muli %multiple_of3A_216, %mul3A_315 : i32
      %add3A_317 = arith.constant 8388608 : i32
      %add3A_318 = arith.addi %add3A_317, %mul3A_316 : i32
      %dma_start3A_319 = arith.constant 10240 : i32
      %dma_start3A_320 = tpu.memref_slice %arg15[%dma_start3A_319] : memref<15360xf32, #tpu.memory_space<vmem>> -> memref<5120xf32, #tpu.memory_space<vmem>>
      %dma_start3A_321 = tpu.memref_slice %arg5[%add3A_318] : memref<12582912xf32, #tpu.memory_space<hbm>> -> memref<5120xf32, #tpu.memory_space<hbm>>
      %dma_start3A_322 = arith.constant 10240 : i32
      %dma_start3A_323 = tpu.memref_slice %arg15[%dma_start3A_322] : memref<15360xf32, #tpu.memory_space<vmem>> -> memref<5120xf32, #tpu.memory_space<vmem>>
      %dma_start3A_324 = tpu.memref_slice %arg5[%add3A_318] : memref<12582912xf32, #tpu.memory_space<hbm>> -> memref<5120xf32, #tpu.memory_space<hbm>>
      tpu.enqueue_dma source(%dma_start3A_324 : memref<5120xf32, #tpu.memory_space<hbm>>) target(%dma_start3A_323 : memref<5120xf32, #tpu.memory_space<vmem>>) target_semaphore(%arg30 : memref<!tpu.dma_semaphore, #tpu.memory_space<semaphore_mem>>)
      %add3A_325 = arith.constant 0 : i32
      %add3A_326 = arith.addi %add3A_325, %multiple_of3A_216 : i32
      %dma_start3A_327 = arith.constant 0 : i32
      %dma_start3A_328 = tpu.memref_slice %arg16[%dma_start3A_327] : memref<5120xf32, #tpu.memory_space<vmem>> -> memref<1280xf32, #tpu.memory_space<vmem>>
      %dma_start3A_329 = tpu.memref_slice %arg6[%add3A_326] : memref<4194304xf32, #tpu.memory_space<hbm>> -> memref<1280xf32, #tpu.memory_space<hbm>>
      %dma_start3A_330 = arith.constant 0 : i32
      %dma_start3A_331 = tpu.memref_slice %arg16[%dma_start3A_330] : memref<5120xf32, #tpu.memory_space<vmem>> -> memref<1280xf32, #tpu.memory_space<vmem>>
      %dma_start3A_332 = tpu.memref_slice %arg6[%add3A_326] : memref<4194304xf32, #tpu.memory_space<hbm>> -> memref<1280xf32, #tpu.memory_space<hbm>>
      tpu.enqueue_dma source(%dma_start3A_332 : memref<1280xf32, #tpu.memory_space<hbm>>) target(%dma_start3A_331 : memref<1280xf32, #tpu.memory_space<vmem>>) target_semaphore(%arg30 : memref<!tpu.dma_semaphore, #tpu.memory_space<semaphore_mem>>)
      %add3A_333 = arith.constant 1048576 : i32
      %add3A_334 = arith.addi %add3A_333, %multiple_of3A_216 : i32
      %dma_start3A_335 = arith.constant 1280 : i32
      %dma_start3A_336 = tpu.memref_slice %arg16[%dma_start3A_335] : memref<5120xf32, #tpu.memory_space<vmem>> -> memref<1280xf32, #tpu.memory_space<vmem>>
      %dma_start3A_337 = tpu.memref_slice %arg6[%add3A_334] : memref<4194304xf32, #tpu.memory_space<hbm>> -> memref<1280xf32, #tpu.memory_space<hbm>>
      %dma_start3A_338 = arith.constant 1280 : i32
      %dma_start3A_339 = tpu.memref_slice %arg16[%dma_start3A_338] : memref<5120xf32, #tpu.memory_space<vmem>> -> memref<1280xf32, #tpu.memory_space<vmem>>
      %dma_start3A_340 = tpu.memref_slice %arg6[%add3A_334] : memref<4194304xf32, #tpu.memory_space<hbm>> -> memref<1280xf32, #tpu.memory_space<hbm>>
      tpu.enqueue_dma source(%dma_start3A_340 : memref<1280xf32, #tpu.memory_space<hbm>>) target(%dma_start3A_339 : memref<1280xf32, #tpu.memory_space<vmem>>) target_semaphore(%arg30 : memref<!tpu.dma_semaphore, #tpu.memory_space<semaphore_mem>>)
      %add3A_341 = arith.constant 2097152 : i32
      %add3A_342 = arith.addi %add3A_341, %multiple_of3A_216 : i32
      %dma_start3A_343 = arith.constant 2560 : i32
      %dma_start3A_344 = tpu.memref_slice %arg16[%dma_start3A_343] : memref<5120xf32, #tpu.memory_space<vmem>> -> memref<1280xf32, #tpu.memory_space<vmem>>
      %dma_start3A_345 = tpu.memref_slice %arg6[%add3A_342] : memref<4194304xf32, #tpu.memory_space<hbm>> -> memref<1280xf32, #tpu.memory_space<hbm>>
      %dma_start3A_346 = arith.constant 2560 : i32
      %dma_start3A_347 = tpu.memref_slice %arg16[%dma_start3A_346] : memref<5120xf32, #tpu.memory_space<vmem>> -> memref<1280xf32, #tpu.memory_space<vmem>>
      %dma_start3A_348 = tpu.memref_slice %arg6[%add3A_342] : memref<4194304xf32, #tpu.memory_space<hbm>> -> memref<1280xf32, #tpu.memory_space<hbm>>
      tpu.enqueue_dma source(%dma_start3A_348 : memref<1280xf32, #tpu.memory_space<hbm>>) target(%dma_start3A_347 : memref<1280xf32, #tpu.memory_space<vmem>>) target_semaphore(%arg30 : memref<!tpu.dma_semaphore, #tpu.memory_space<semaphore_mem>>)
      %add3A_349 = arith.constant 3145728 : i32
      %add3A_350 = arith.addi %add3A_349, %multiple_of3A_216 : i32
      %dma_start3A_351 = arith.constant 3840 : i32
      %dma_start3A_352 = tpu.memref_slice %arg16[%dma_start3A_351] : memref<5120xf32, #tpu.memory_space<vmem>> -> memref<1280xf32, #tpu.memory_space<vmem>>
      %dma_start3A_353 = tpu.memref_slice %arg6[%add3A_350] : memref<4194304xf32, #tpu.memory_space<hbm>> -> memref<1280xf32, #tpu.memory_space<hbm>>
      %dma_start3A_354 = arith.constant 3840 : i32
      %dma_start3A_355 = tpu.memref_slice %arg16[%dma_start3A_354] : memref<5120xf32, #tpu.memory_space<vmem>> -> memref<1280xf32, #tpu.memory_space<vmem>>
      %dma_start3A_356 = tpu.memref_slice %arg6[%add3A_350] : memref<4194304xf32, #tpu.memory_space<hbm>> -> memref<1280xf32, #tpu.memory_space<hbm>>
      tpu.enqueue_dma source(%dma_start3A_356 : memref<1280xf32, #tpu.memory_space<hbm>>) target(%dma_start3A_355 : memref<1280xf32, #tpu.memory_space<vmem>>) target_semaphore(%arg30 : memref<!tpu.dma_semaphore, #tpu.memory_space<semaphore_mem>>)
      %dma_start3A_357 = tpu.memref_slice %arg7[%multiple_of3A_216] : memref<1048576xf32, #tpu.memory_space<hbm>> -> memref<1280xf32, #tpu.memory_space<hbm>>
      %dma_start3A_358 = tpu.memref_slice %arg7[%multiple_of3A_216] : memref<1048576xf32, #tpu.memory_space<hbm>> -> memref<1280xf32, #tpu.memory_space<hbm>>
      tpu.enqueue_dma source(%dma_start3A_358 : memref<1280xf32, #tpu.memory_space<hbm>>) target(%arg17 : memref<1280xf32, #tpu.memory_space<vmem>>) target_semaphore(%arg30 : memref<!tpu.dma_semaphore, #tpu.memory_space<semaphore_mem>>)
      %dma_start3A_359 = tpu.memref_slice %arg8[%multiple_of3A_216] : memref<1048576xi32, #tpu.memory_space<hbm>> -> memref<1280xi32, #tpu.memory_space<hbm>>
      %dma_start3A_360 = tpu.memref_slice %arg8[%multiple_of3A_216] : memref<1048576xi32, #tpu.memory_space<hbm>> -> memref<1280xi32, #tpu.memory_space<hbm>>
      tpu.enqueue_dma source(%dma_start3A_360 : memref<1280xi32, #tpu.memory_space<hbm>>) target(%arg18 : memref<1280xi32, #tpu.memory_space<vmem>>) target_semaphore(%arg30 : memref<!tpu.dma_semaphore, #tpu.memory_space<semaphore_mem>>)
    } else {
    }
    %add3A_166 = arith.constant 1 : i32
    %add3A_167 = arith.addi %div3A_161, %add3A_166 : i32
    %div3A_168 = arith.constant 2 : i32
    %div3A_169 = arith.divsi %add3A_167, %div3A_168 : i32
    %sub3A_170 = arith.constant 0 : i32
    %sub3A_171 = arith.subi %div3A_169, %sub3A_170 : i32
    %sub3A_172 = arith.constant 1 : i32
    %sub3A_173 = arith.constant 1 : i32
    %sub3A_174 = arith.subi %sub3A_172, %sub3A_173 : i32
    %add3A_175 = arith.addi %sub3A_171, %sub3A_174 : i32
    %div3A_176 = arith.constant 1 : i32
    %div3A_177 = arith.divsi %add3A_175, %div3A_176 : i32
    %while3A = arith.constant 1 : i32
    %while3A_178 = arith.constant 0 : i32
    %while3A_179 = arith.constant 0 : i32
    %while3A_180 = arith.subi %div3A_177, %while3A_179 : i32
    %while3A_181 = arith.addi %while3A_179, %while3A_180 : i32
    %while3A_182 = arith.constant 1 : i32
    %while3A_183 = arith.divsi %while3A_180, %while3A_182 : i32
    %while3A_184 = arith.muli %while3A_183, %while3A_182 : i32
    %while3A_185 = arith.addi %while3A_179, %while3A_184 : i32
    %while3A_186 = arith.constant 1 : i32
    scf.for %while3A_213 = %while3A_179 to %while3A_185 step %while3A_186  : i32 {
      %mul3A_214 = arith.muli %while3A_213, %while3A : i32
      %add3A_215 = arith.addi %while3A_178, %mul3A_214 : i32
      %mul3A_216 = arith.constant 2 : i32
      %mul3A_217 = arith.muli %mul3A_216, %add3A_215 : i32
      %add3A_218 = arith.constant 1 : i32
      %add3A_219 = arith.addi %mul3A_217, %add3A_218 : i32
      %lt3A_220 = arith.cmpi slt, %add3A_219, %div3A_161 : i32
      %convert_element_type3A_221 = arith.extui %lt3A_220 : i1 to i32
      %cond3A_222 = arith.constant 0 : i32
      %cond3A_223 = arith.cmpi ne, %convert_element_type3A_221, %cond3A_222 : i32
      scf.if %cond3A_223 {
        %mul3A_379 = arith.constant 1280 : i32
        %mul3A_380 = arith.muli %add3A_219, %mul3A_379 : i32
        %add3A_381 = arith.addi %multiple_of3A, %mul3A_380 : i32
        %min3A_382 = arith.constant 1047296 : i32
        %min3A_383 = arith.minsi %add3A_381, %min3A_382 : i32
        %multiple_of3A_384 = tpu.assume_multiple %min3A_383, 128 : i32
        %add3A_385 = arith.constant 0 : i32
        %add3A_386 = arith.addi %add3A_385, %multiple_of3A_384 : i32
        %dma_start3A_387 = arith.constant 0 : i32
        %dma_start3A_388 = tpu.memref_slice %arg19[%dma_start3A_387] : memref<3840xf32, #tpu.memory_space<vmem>> -> memref<1280xf32, #tpu.memory_space<vmem>>
        %dma_start3A_389 = tpu.memref_slice %arg2[%add3A_386] : memref<3145728xf32, #tpu.memory_space<hbm>> -> memref<1280xf32, #tpu.memory_space<hbm>>
        %dma_start3A_390 = arith.constant 0 : i32
        %dma_start3A_391 = tpu.memref_slice %arg19[%dma_start3A_390] : memref<3840xf32, #tpu.memory_space<vmem>> -> memref<1280xf32, #tpu.memory_space<vmem>>
        %dma_start3A_392 = tpu.memref_slice %arg2[%add3A_386] : memref<3145728xf32, #tpu.memory_space<hbm>> -> memref<1280xf32, #tpu.memory_space<hbm>>
        tpu.enqueue_dma source(%dma_start3A_392 : memref<1280xf32, #tpu.memory_space<hbm>>) target(%dma_start3A_391 : memref<1280xf32, #tpu.memory_space<vmem>>) target_semaphore(%arg31 : memref<!tpu.dma_semaphore, #tpu.memory_space<semaphore_mem>>)
        %add3A_393 = arith.constant 0 : i32
        %add3A_394 = arith.addi %add3A_393, %multiple_of3A_384 : i32
        %dma_start3A_395 = arith.constant 0 : i32
        %dma_start3A_396 = tpu.memref_slice %arg20[%dma_start3A_395] : memref<3840xf32, #tpu.memory_space<vmem>> -> memref<1280xf32, #tpu.memory_space<vmem>>
        %dma_start3A_397 = tpu.memref_slice %arg3[%add3A_394] : memref<3145728xf32, #tpu.memory_space<hbm>> -> memref<1280xf32, #tpu.memory_space<hbm>>
        %dma_start3A_398 = arith.constant 0 : i32
        %dma_start3A_399 = tpu.memref_slice %arg20[%dma_start3A_398] : memref<3840xf32, #tpu.memory_space<vmem>> -> memref<1280xf32, #tpu.memory_space<vmem>>
        %dma_start3A_400 = tpu.memref_slice %arg3[%add3A_394] : memref<3145728xf32, #tpu.memory_space<hbm>> -> memref<1280xf32, #tpu.memory_space<hbm>>
        tpu.enqueue_dma source(%dma_start3A_400 : memref<1280xf32, #tpu.memory_space<hbm>>) target(%dma_start3A_399 : memref<1280xf32, #tpu.memory_space<vmem>>) target_semaphore(%arg31 : memref<!tpu.dma_semaphore, #tpu.memory_space<semaphore_mem>>)
        %mul3A_401 = arith.constant 4 : i32
        %mul3A_402 = arith.muli %multiple_of3A_384, %mul3A_401 : i32
        %add3A_403 = arith.constant 0 : i32
        %add3A_404 = arith.addi %add3A_403, %mul3A_402 : i32
        %dma_start3A_405 = arith.constant 0 : i32
        %dma_start3A_406 = tpu.memref_slice %arg21[%dma_start3A_405] : memref<15360xf32, #tpu.memory_space<vmem>> -> memref<5120xf32, #tpu.memory_space<vmem>>
        %dma_start3A_407 = tpu.memref_slice %arg4[%add3A_404] : memref<12582912xf32, #tpu.memory_space<hbm>> -> memref<5120xf32, #tpu.memory_space<hbm>>
        %dma_start3A_408 = arith.constant 0 : i32
        %dma_start3A_409 = tpu.memref_slice %arg21[%dma_start3A_408] : memref<15360xf32, #tpu.memory_space<vmem>> -> memref<5120xf32, #tpu.memory_space<vmem>>
        %dma_start3A_410 = tpu.memref_slice %arg4[%add3A_404] : memref<12582912xf32, #tpu.memory_space<hbm>> -> memref<5120xf32, #tpu.memory_space<hbm>>
        tpu.enqueue_dma source(%dma_start3A_410 : memref<5120xf32, #tpu.memory_space<hbm>>) target(%dma_start3A_409 : memref<5120xf32, #tpu.memory_space<vmem>>) target_semaphore(%arg31 : memref<!tpu.dma_semaphore, #tpu.memory_space<semaphore_mem>>)
        %mul3A_411 = arith.constant 4 : i32
        %mul3A_412 = arith.muli %multiple_of3A_384, %mul3A_411 : i32
        %add3A_413 = arith.constant 0 : i32
        %add3A_414 = arith.addi %add3A_413, %mul3A_412 : i32
        %dma_start3A_415 = arith.constant 0 : i32
        %dma_start3A_416 = tpu.memref_slice %arg22[%dma_start3A_415] : memref<15360xf32, #tpu.memory_space<vmem>> -> memref<5120xf32, #tpu.memory_space<vmem>>
        %dma_start3A_417 = tpu.memref_slice %arg5[%add3A_414] : memref<12582912xf32, #tpu.memory_space<hbm>> -> memref<5120xf32, #tpu.memory_space<hbm>>
        %dma_start3A_418 = arith.constant 0 : i32
        %dma_start3A_419 = tpu.memref_slice %arg22[%dma_start3A_418] : memref<15360xf32, #tpu.memory_space<vmem>> -> memref<5120xf32, #tpu.memory_space<vmem>>
        %dma_start3A_420 = tpu.memref_slice %arg5[%add3A_414] : memref<12582912xf32, #tpu.memory_space<hbm>> -> memref<5120xf32, #tpu.memory_space<hbm>>
        tpu.enqueue_dma source(%dma_start3A_420 : memref<5120xf32, #tpu.memory_space<hbm>>) target(%dma_start3A_419 : memref<5120xf32, #tpu.memory_space<vmem>>) target_semaphore(%arg31 : memref<!tpu.dma_semaphore, #tpu.memory_space<semaphore_mem>>)
        %add3A_421 = arith.constant 1048576 : i32
        %add3A_422 = arith.addi %add3A_421, %multiple_of3A_384 : i32
        %dma_start3A_423 = arith.constant 1280 : i32
        %dma_start3A_424 = tpu.memref_slice %arg19[%dma_start3A_423] : memref<3840xf32, #tpu.memory_space<vmem>> -> memref<1280xf32, #tpu.memory_space<vmem>>
        %dma_start3A_425 = tpu.memref_slice %arg2[%add3A_422] : memref<3145728xf32, #tpu.memory_space<hbm>> -> memref<1280xf32, #tpu.memory_space<hbm>>
        %dma_start3A_426 = arith.constant 1280 : i32
        %dma_start3A_427 = tpu.memref_slice %arg19[%dma_start3A_426] : memref<3840xf32, #tpu.memory_space<vmem>> -> memref<1280xf32, #tpu.memory_space<vmem>>
        %dma_start3A_428 = tpu.memref_slice %arg2[%add3A_422] : memref<3145728xf32, #tpu.memory_space<hbm>> -> memref<1280xf32, #tpu.memory_space<hbm>>
        tpu.enqueue_dma source(%dma_start3A_428 : memref<1280xf32, #tpu.memory_space<hbm>>) target(%dma_start3A_427 : memref<1280xf32, #tpu.memory_space<vmem>>) target_semaphore(%arg31 : memref<!tpu.dma_semaphore, #tpu.memory_space<semaphore_mem>>)
        %add3A_429 = arith.constant 1048576 : i32
        %add3A_430 = arith.addi %add3A_429, %multiple_of3A_384 : i32
        %dma_start3A_431 = arith.constant 1280 : i32
        %dma_start3A_432 = tpu.memref_slice %arg20[%dma_start3A_431] : memref<3840xf32, #tpu.memory_space<vmem>> -> memref<1280xf32, #tpu.memory_space<vmem>>
        %dma_start3A_433 = tpu.memref_slice %arg3[%add3A_430] : memref<3145728xf32, #tpu.memory_space<hbm>> -> memref<1280xf32, #tpu.memory_space<hbm>>
        %dma_start3A_434 = arith.constant 1280 : i32
        %dma_start3A_435 = tpu.memref_slice %arg20[%dma_start3A_434] : memref<3840xf32, #tpu.memory_space<vmem>> -> memref<1280xf32, #tpu.memory_space<vmem>>
        %dma_start3A_436 = tpu.memref_slice %arg3[%add3A_430] : memref<3145728xf32, #tpu.memory_space<hbm>> -> memref<1280xf32, #tpu.memory_space<hbm>>
        tpu.enqueue_dma source(%dma_start3A_436 : memref<1280xf32, #tpu.memory_space<hbm>>) target(%dma_start3A_435 : memref<1280xf32, #tpu.memory_space<vmem>>) target_semaphore(%arg31 : memref<!tpu.dma_semaphore, #tpu.memory_space<semaphore_mem>>)
        %mul3A_437 = arith.constant 4 : i32
        %mul3A_438 = arith.muli %multiple_of3A_384, %mul3A_437 : i32
        %add3A_439 = arith.constant 4194304 : i32
        %add3A_440 = arith.addi %add3A_439, %mul3A_438 : i32
        %dma_start3A_441 = arith.constant 5120 : i32
        %dma_start3A_442 = tpu.memref_slice %arg21[%dma_start3A_441] : memref<15360xf32, #tpu.memory_space<vmem>> -> memref<5120xf32, #tpu.memory_space<vmem>>
        %dma_start3A_443 = tpu.memref_slice %arg4[%add3A_440] : memref<12582912xf32, #tpu.memory_space<hbm>> -> memref<5120xf32, #tpu.memory_space<hbm>>
        %dma_start3A_444 = arith.constant 5120 : i32
        %dma_start3A_445 = tpu.memref_slice %arg21[%dma_start3A_444] : memref<15360xf32, #tpu.memory_space<vmem>> -> memref<5120xf32, #tpu.memory_space<vmem>>
        %dma_start3A_446 = tpu.memref_slice %arg4[%add3A_440] : memref<12582912xf32, #tpu.memory_space<hbm>> -> memref<5120xf32, #tpu.memory_space<hbm>>
        tpu.enqueue_dma source(%dma_start3A_446 : memref<5120xf32, #tpu.memory_space<hbm>>) target(%dma_start3A_445 : memref<5120xf32, #tpu.memory_space<vmem>>) target_semaphore(%arg31 : memref<!tpu.dma_semaphore, #tpu.memory_space<semaphore_mem>>)
        %mul3A_447 = arith.constant 4 : i32
        %mul3A_448 = arith.muli %multiple_of3A_384, %mul3A_447 : i32
        %add3A_449 = arith.constant 4194304 : i32
        %add3A_450 = arith.addi %add3A_449, %mul3A_448 : i32
        %dma_start3A_451 = arith.constant 5120 : i32
        %dma_start3A_452 = tpu.memref_slice %arg22[%dma_start3A_451] : memref<15360xf32, #tpu.memory_space<vmem>> -> memref<5120xf32, #tpu.memory_space<vmem>>
        %dma_start3A_453 = tpu.memref_slice %arg5[%add3A_450] : memref<12582912xf32, #tpu.memory_space<hbm>> -> memref<5120xf32, #tpu.memory_space<hbm>>
        %dma_start3A_454 = arith.constant 5120 : i32
        %dma_start3A_455 = tpu.memref_slice %arg22[%dma_start3A_454] : memref<15360xf32, #tpu.memory_space<vmem>> -> memref<5120xf32, #tpu.memory_space<vmem>>
        %dma_start3A_456 = tpu.memref_slice %arg5[%add3A_450] : memref<12582912xf32, #tpu.memory_space<hbm>> -> memref<5120xf32, #tpu.memory_space<hbm>>
        tpu.enqueue_dma source(%dma_start3A_456 : memref<5120xf32, #tpu.memory_space<hbm>>) target(%dma_start3A_455 : memref<5120xf32, #tpu.memory_space<vmem>>) target_semaphore(%arg31 : memref<!tpu.dma_semaphore, #tpu.memory_space<semaphore_mem>>)
        %add3A_457 = arith.constant 2097152 : i32
        %add3A_458 = arith.addi %add3A_457, %multiple_of3A_384 : i32
        %dma_start3A_459 = arith.constant 2560 : i32
        %dma_start3A_460 = tpu.memref_slice %arg19[%dma_start3A_459] : memref<3840xf32, #tpu.memory_space<vmem>> -> memref<1280xf32, #tpu.memory_space<vmem>>
        %dma_start3A_461 = tpu.memref_slice %arg2[%add3A_458] : memref<3145728xf32, #tpu.memory_space<hbm>> -> memref<1280xf32, #tpu.memory_space<hbm>>
        %dma_start3A_462 = arith.constant 2560 : i32
        %dma_start3A_463 = tpu.memref_slice %arg19[%dma_start3A_462] : memref<3840xf32, #tpu.memory_space<vmem>> -> memref<1280xf32, #tpu.memory_space<vmem>>
        %dma_start3A_464 = tpu.memref_slice %arg2[%add3A_458] : memref<3145728xf32, #tpu.memory_space<hbm>> -> memref<1280xf32, #tpu.memory_space<hbm>>
        tpu.enqueue_dma source(%dma_start3A_464 : memref<1280xf32, #tpu.memory_space<hbm>>) target(%dma_start3A_463 : memref<1280xf32, #tpu.memory_space<vmem>>) target_semaphore(%arg31 : memref<!tpu.dma_semaphore, #tpu.memory_space<semaphore_mem>>)
        %add3A_465 = arith.constant 2097152 : i32
        %add3A_466 = arith.addi %add3A_465, %multiple_of3A_384 : i32
        %dma_start3A_467 = arith.constant 2560 : i32
        %dma_start3A_468 = tpu.memref_slice %arg20[%dma_start3A_467] : memref<3840xf32, #tpu.memory_space<vmem>> -> memref<1280xf32, #tpu.memory_space<vmem>>
        %dma_start3A_469 = tpu.memref_slice %arg3[%add3A_466] : memref<3145728xf32, #tpu.memory_space<hbm>> -> memref<1280xf32, #tpu.memory_space<hbm>>
        %dma_start3A_470 = arith.constant 2560 : i32
        %dma_start3A_471 = tpu.memref_slice %arg20[%dma_start3A_470] : memref<3840xf32, #tpu.memory_space<vmem>> -> memref<1280xf32, #tpu.memory_space<vmem>>
        %dma_start3A_472 = tpu.memref_slice %arg3[%add3A_466] : memref<3145728xf32, #tpu.memory_space<hbm>> -> memref<1280xf32, #tpu.memory_space<hbm>>
        tpu.enqueue_dma source(%dma_start3A_472 : memref<1280xf32, #tpu.memory_space<hbm>>) target(%dma_start3A_471 : memref<1280xf32, #tpu.memory_space<vmem>>) target_semaphore(%arg31 : memref<!tpu.dma_semaphore, #tpu.memory_space<semaphore_mem>>)
        %mul3A_473 = arith.constant 4 : i32
        %mul3A_474 = arith.muli %multiple_of3A_384, %mul3A_473 : i32
        %add3A_475 = arith.constant 8388608 : i32
        %add3A_476 = arith.addi %add3A_475, %mul3A_474 : i32
        %dma_start3A_477 = arith.constant 10240 : i32
        %dma_start3A_478 = tpu.memref_slice %arg21[%dma_start3A_477] : memref<15360xf32, #tpu.memory_space<vmem>> -> memref<5120xf32, #tpu.memory_space<vmem>>
        %dma_start3A_479 = tpu.memref_slice %arg4[%add3A_476] : memref<12582912xf32, #tpu.memory_space<hbm>> -> memref<5120xf32, #tpu.memory_space<hbm>>
        %dma_start3A_480 = arith.constant 10240 : i32
        %dma_start3A_481 = tpu.memref_slice %arg21[%dma_start3A_480] : memref<15360xf32, #tpu.memory_space<vmem>> -> memref<5120xf32, #tpu.memory_space<vmem>>
        %dma_start3A_482 = tpu.memref_slice %arg4[%add3A_476] : memref<12582912xf32, #tpu.memory_space<hbm>> -> memref<5120xf32, #tpu.memory_space<hbm>>
        tpu.enqueue_dma source(%dma_start3A_482 : memref<5120xf32, #tpu.memory_space<hbm>>) target(%dma_start3A_481 : memref<5120xf32, #tpu.memory_space<vmem>>) target_semaphore(%arg31 : memref<!tpu.dma_semaphore, #tpu.memory_space<semaphore_mem>>)
        %mul3A_483 = arith.constant 4 : i32
        %mul3A_484 = arith.muli %multiple_of3A_384, %mul3A_483 : i32
        %add3A_485 = arith.constant 8388608 : i32
        %add3A_486 = arith.addi %add3A_485, %mul3A_484 : i32
        %dma_start3A_487 = arith.constant 10240 : i32
        %dma_start3A_488 = tpu.memref_slice %arg22[%dma_start3A_487] : memref<15360xf32, #tpu.memory_space<vmem>> -> memref<5120xf32, #tpu.memory_space<vmem>>
        %dma_start3A_489 = tpu.memref_slice %arg5[%add3A_486] : memref<12582912xf32, #tpu.memory_space<hbm>> -> memref<5120xf32, #tpu.memory_space<hbm>>
        %dma_start3A_490 = arith.constant 10240 : i32
        %dma_start3A_491 = tpu.memref_slice %arg22[%dma_start3A_490] : memref<15360xf32, #tpu.memory_space<vmem>> -> memref<5120xf32, #tpu.memory_space<vmem>>
        %dma_start3A_492 = tpu.memref_slice %arg5[%add3A_486] : memref<12582912xf32, #tpu.memory_space<hbm>> -> memref<5120xf32, #tpu.memory_space<hbm>>
        tpu.enqueue_dma source(%dma_start3A_492 : memref<5120xf32, #tpu.memory_space<hbm>>) target(%dma_start3A_491 : memref<5120xf32, #tpu.memory_space<vmem>>) target_semaphore(%arg31 : memref<!tpu.dma_semaphore, #tpu.memory_space<semaphore_mem>>)
        %add3A_493 = arith.constant 0 : i32
        %add3A_494 = arith.addi %add3A_493, %multiple_of3A_384 : i32
        %dma_start3A_495 = arith.constant 0 : i32
        %dma_start3A_496 = tpu.memref_slice %arg23[%dma_start3A_495] : memref<5120xf32, #tpu.memory_space<vmem>> -> memref<1280xf32, #tpu.memory_space<vmem>>
        %dma_start3A_497 = tpu.memref_slice %arg6[%add3A_494] : memref<4194304xf32, #tpu.memory_space<hbm>> -> memref<1280xf32, #tpu.memory_space<hbm>>
        %dma_start3A_498 = arith.constant 0 : i32
        %dma_start3A_499 = tpu.memref_slice %arg23[%dma_start3A_498] : memref<5120xf32, #tpu.memory_space<vmem>> -> memref<1280xf32, #tpu.memory_space<vmem>>
        %dma_start3A_500 = tpu.memref_slice %arg6[%add3A_494] : memref<4194304xf32, #tpu.memory_space<hbm>> -> memref<1280xf32, #tpu.memory_space<hbm>>
        tpu.enqueue_dma source(%dma_start3A_500 : memref<1280xf32, #tpu.memory_space<hbm>>) target(%dma_start3A_499 : memref<1280xf32, #tpu.memory_space<vmem>>) target_semaphore(%arg31 : memref<!tpu.dma_semaphore, #tpu.memory_space<semaphore_mem>>)
        %add3A_501 = arith.constant 1048576 : i32
        %add3A_502 = arith.addi %add3A_501, %multiple_of3A_384 : i32
        %dma_start3A_503 = arith.constant 1280 : i32
        %dma_start3A_504 = tpu.memref_slice %arg23[%dma_start3A_503] : memref<5120xf32, #tpu.memory_space<vmem>> -> memref<1280xf32, #tpu.memory_space<vmem>>
        %dma_start3A_505 = tpu.memref_slice %arg6[%add3A_502] : memref<4194304xf32, #tpu.memory_space<hbm>> -> memref<1280xf32, #tpu.memory_space<hbm>>
        %dma_start3A_506 = arith.constant 1280 : i32
        %dma_start3A_507 = tpu.memref_slice %arg23[%dma_start3A_506] : memref<5120xf32, #tpu.memory_space<vmem>> -> memref<1280xf32, #tpu.memory_space<vmem>>
        %dma_start3A_508 = tpu.memref_slice %arg6[%add3A_502] : memref<4194304xf32, #tpu.memory_space<hbm>> -> memref<1280xf32, #tpu.memory_space<hbm>>
        tpu.enqueue_dma source(%dma_start3A_508 : memref<1280xf32, #tpu.memory_space<hbm>>) target(%dma_start3A_507 : memref<1280xf32, #tpu.memory_space<vmem>>) target_semaphore(%arg31 : memref<!tpu.dma_semaphore, #tpu.memory_space<semaphore_mem>>)
        %add3A_509 = arith.constant 2097152 : i32
        %add3A_510 = arith.addi %add3A_509, %multiple_of3A_384 : i32
        %dma_start3A_511 = arith.constant 2560 : i32
        %dma_start3A_512 = tpu.memref_slice %arg23[%dma_start3A_511] : memref<5120xf32, #tpu.memory_space<vmem>> -> memref<1280xf32, #tpu.memory_space<vmem>>
        %dma_start3A_513 = tpu.memref_slice %arg6[%add3A_510] : memref<4194304xf32, #tpu.memory_space<hbm>> -> memref<1280xf32, #tpu.memory_space<hbm>>
        %dma_start3A_514 = arith.constant 2560 : i32
        %dma_start3A_515 = tpu.memref_slice %arg23[%dma_start3A_514] : memref<5120xf32, #tpu.memory_space<vmem>> -> memref<1280xf32, #tpu.memory_space<vmem>>
        %dma_start3A_516 = tpu.memref_slice %arg6[%add3A_510] : memref<4194304xf32, #tpu.memory_space<hbm>> -> memref<1280xf32, #tpu.memory_space<hbm>>
        tpu.enqueue_dma source(%dma_start3A_516 : memref<1280xf32, #tpu.memory_space<hbm>>) target(%dma_start3A_515 : memref<1280xf32, #tpu.memory_space<vmem>>) target_semaphore(%arg31 : memref<!tpu.dma_semaphore, #tpu.memory_space<semaphore_mem>>)
        %add3A_517 = arith.constant 3145728 : i32
        %add3A_518 = arith.addi %add3A_517, %multiple_of3A_384 : i32
        %dma_start3A_519 = arith.constant 3840 : i32
        %dma_start3A_520 = tpu.memref_slice %arg23[%dma_start3A_519] : memref<5120xf32, #tpu.memory_space<vmem>> -> memref<1280xf32, #tpu.memory_space<vmem>>
        %dma_start3A_521 = tpu.memref_slice %arg6[%add3A_518] : memref<4194304xf32, #tpu.memory_space<hbm>> -> memref<1280xf32, #tpu.memory_space<hbm>>
        %dma_start3A_522 = arith.constant 3840 : i32
        %dma_start3A_523 = tpu.memref_slice %arg23[%dma_start3A_522] : memref<5120xf32, #tpu.memory_space<vmem>> -> memref<1280xf32, #tpu.memory_space<vmem>>
        %dma_start3A_524 = tpu.memref_slice %arg6[%add3A_518] : memref<4194304xf32, #tpu.memory_space<hbm>> -> memref<1280xf32, #tpu.memory_space<hbm>>
        tpu.enqueue_dma source(%dma_start3A_524 : memref<1280xf32, #tpu.memory_space<hbm>>) target(%dma_start3A_523 : memref<1280xf32, #tpu.memory_space<vmem>>) target_semaphore(%arg31 : memref<!tpu.dma_semaphore, #tpu.memory_space<semaphore_mem>>)
        %dma_start3A_525 = tpu.memref_slice %arg7[%multiple_of3A_384] : memref<1048576xf32, #tpu.memory_space<hbm>> -> memref<1280xf32, #tpu.memory_space<hbm>>
        %dma_start3A_526 = tpu.memref_slice %arg7[%multiple_of3A_384] : memref<1048576xf32, #tpu.memory_space<hbm>> -> memref<1280xf32, #tpu.memory_space<hbm>>
        tpu.enqueue_dma source(%dma_start3A_526 : memref<1280xf32, #tpu.memory_space<hbm>>) target(%arg24 : memref<1280xf32, #tpu.memory_space<vmem>>) target_semaphore(%arg31 : memref<!tpu.dma_semaphore, #tpu.memory_space<semaphore_mem>>)
        %dma_start3A_527 = tpu.memref_slice %arg8[%multiple_of3A_384] : memref<1048576xi32, #tpu.memory_space<hbm>> -> memref<1280xi32, #tpu.memory_space<hbm>>
        %dma_start3A_528 = tpu.memref_slice %arg8[%multiple_of3A_384] : memref<1048576xi32, #tpu.memory_space<hbm>> -> memref<1280xi32, #tpu.memory_space<hbm>>
        tpu.enqueue_dma source(%dma_start3A_528 : memref<1280xi32, #tpu.memory_space<hbm>>) target(%arg25 : memref<1280xi32, #tpu.memory_space<vmem>>) target_semaphore(%arg31 : memref<!tpu.dma_semaphore, #tpu.memory_space<semaphore_mem>>)
      } else {
      }
      %dma_wait3A_224 = arith.constant 0 : i32
      %dma_wait3A_225 = tpu.memref_slice %arg12[%dma_wait3A_224] : memref<3840xf32, #tpu.memory_space<vmem>> -> memref<1280xf32, #tpu.memory_space<vmem>>
      %dma_wait3A_226 = arith.constant 0 : i32
      %dma_wait3A_227 = tpu.memref_slice %arg2[%dma_wait3A_226] : memref<3145728xf32, #tpu.memory_space<hbm>> -> memref<1280xf32, #tpu.memory_space<hbm>>
      %dma_wait3A_228 = arith.constant 0 : i32
      %dma_wait3A_229 = tpu.memref_slice %arg12[%dma_wait3A_228] : memref<3840xf32, #tpu.memory_space<vmem>> -> memref<1280xf32, #tpu.memory_space<vmem>>
      %dma_wait3A_230 = arith.constant 0 : i32
      %dma_wait3A_231 = tpu.memref_slice %arg2[%dma_wait3A_230] : memref<3145728xf32, #tpu.memory_space<hbm>> -> memref<1280xf32, #tpu.memory_space<hbm>>
      tpu.wait_dma2 semaphore(%arg30 : memref<!tpu.dma_semaphore, #tpu.memory_space<semaphore_mem>>) src(%dma_wait3A_231 : memref<1280xf32, #tpu.memory_space<hbm>>) dst(%dma_wait3A_229 : memref<1280xf32, #tpu.memory_space<vmem>>)
      %dma_wait3A_232 = arith.constant 0 : i32
      %dma_wait3A_233 = tpu.memref_slice %arg13[%dma_wait3A_232] : memref<3840xf32, #tpu.memory_space<vmem>> -> memref<1280xf32, #tpu.memory_space<vmem>>
      %dma_wait3A_234 = arith.constant 0 : i32
      %dma_wait3A_235 = tpu.memref_slice %arg3[%dma_wait3A_234] : memref<3145728xf32, #tpu.memory_space<hbm>> -> memref<1280xf32, #tpu.memory_space<hbm>>
      %dma_wait3A_236 = arith.constant 0 : i32
      %dma_wait3A_237 = tpu.memref_slice %arg13[%dma_wait3A_236] : memref<3840xf32, #tpu.memory_space<vmem>> -> memref<1280xf32, #tpu.memory_space<vmem>>
      %dma_wait3A_238 = arith.constant 0 : i32
      %dma_wait3A_239 = tpu.memref_slice %arg3[%dma_wait3A_238] : memref<3145728xf32, #tpu.memory_space<hbm>> -> memref<1280xf32, #tpu.memory_space<hbm>>
      tpu.wait_dma2 semaphore(%arg30 : memref<!tpu.dma_semaphore, #tpu.memory_space<semaphore_mem>>) src(%dma_wait3A_239 : memref<1280xf32, #tpu.memory_space<hbm>>) dst(%dma_wait3A_237 : memref<1280xf32, #tpu.memory_space<vmem>>)
      %dma_wait3A_240 = arith.constant 0 : i32
      %dma_wait3A_241 = tpu.memref_slice %arg14[%dma_wait3A_240] : memref<15360xf32, #tpu.memory_space<vmem>> -> memref<5120xf32, #tpu.memory_space<vmem>>
      %dma_wait3A_242 = arith.constant 0 : i32
      %dma_wait3A_243 = tpu.memref_slice %arg4[%dma_wait3A_242] : memref<12582912xf32, #tpu.memory_space<hbm>> -> memref<5120xf32, #tpu.memory_space<hbm>>
      %dma_wait3A_244 = arith.constant 0 : i32
      %dma_wait3A_245 = tpu.memref_slice %arg14[%dma_wait3A_244] : memref<15360xf32, #tpu.memory_space<vmem>> -> memref<5120xf32, #tpu.memory_space<vmem>>
      %dma_wait3A_246 = arith.constant 0 : i32
      %dma_wait3A_247 = tpu.memref_slice %arg4[%dma_wait3A_246] : memref<12582912xf32, #tpu.memory_space<hbm>> -> memref<5120xf32, #tpu.memory_space<hbm>>
      tpu.wait_dma2 semaphore(%arg30 : memref<!tpu.dma_semaphore, #tpu.memory_space<semaphore_mem>>) src(%dma_wait3A_247 : memref<5120xf32, #tpu.memory_space<hbm>>) dst(%dma_wait3A_245 : memref<5120xf32, #tpu.memory_space<vmem>>)
      %dma_wait3A_248 = arith.constant 0 : i32
      %dma_wait3A_249 = tpu.memref_slice %arg15[%dma_wait3A_248] : memref<15360xf32, #tpu.memory_space<vmem>> -> memref<5120xf32, #tpu.memory_space<vmem>>
      %dma_wait3A_250 = arith.constant 0 : i32
      %dma_wait3A_251 = tpu.memref_slice %arg5[%dma_wait3A_250] : memref<12582912xf32, #tpu.memory_space<hbm>> -> memref<5120xf32, #tpu.memory_space<hbm>>
      %dma_wait3A_252 = arith.constant 0 : i32
      %dma_wait3A_253 = tpu.memref_slice %arg15[%dma_wait3A_252] : memref<15360xf32, #tpu.memory_space<vmem>> -> memref<5120xf32, #tpu.memory_space<vmem>>
      %dma_wait3A_254 = arith.constant 0 : i32
      %dma_wait3A_255 = tpu.memref_slice %arg5[%dma_wait3A_254] : memref<12582912xf32, #tpu.memory_space<hbm>> -> memref<5120xf32, #tpu.memory_space<hbm>>
      tpu.wait_dma2 semaphore(%arg30 : memref<!tpu.dma_semaphore, #tpu.memory_space<semaphore_mem>>) src(%dma_wait3A_255 : memref<5120xf32, #tpu.memory_space<hbm>>) dst(%dma_wait3A_253 : memref<5120xf32, #tpu.memory_space<vmem>>)
      %dma_wait3A_256 = arith.constant 1280 : i32
      %dma_wait3A_257 = tpu.memref_slice %arg12[%dma_wait3A_256] : memref<3840xf32, #tpu.memory_space<vmem>> -> memref<1280xf32, #tpu.memory_space<vmem>>
      %dma_wait3A_258 = arith.constant 1048576 : i32
      %dma_wait3A_259 = tpu.memref_slice %arg2[%dma_wait3A_258] : memref<3145728xf32, #tpu.memory_space<hbm>> -> memref<1280xf32, #tpu.memory_space<hbm>>
      %dma_wait3A_260 = arith.constant 1280 : i32
      %dma_wait3A_261 = tpu.memref_slice %arg12[%dma_wait3A_260] : memref<3840xf32, #tpu.memory_space<vmem>> -> memref<1280xf32, #tpu.memory_space<vmem>>
      %dma_wait3A_262 = arith.constant 1048576 : i32
      %dma_wait3A_263 = tpu.memref_slice %arg2[%dma_wait3A_262] : memref<3145728xf32, #tpu.memory_space<hbm>> -> memref<1280xf32, #tpu.memory_space<hbm>>
      tpu.wait_dma2 semaphore(%arg30 : memref<!tpu.dma_semaphore, #tpu.memory_space<semaphore_mem>>) src(%dma_wait3A_263 : memref<1280xf32, #tpu.memory_space<hbm>>) dst(%dma_wait3A_261 : memref<1280xf32, #tpu.memory_space<vmem>>)
      %dma_wait3A_264 = arith.constant 1280 : i32
      %dma_wait3A_265 = tpu.memref_slice %arg13[%dma_wait3A_264] : memref<3840xf32, #tpu.memory_space<vmem>> -> memref<1280xf32, #tpu.memory_space<vmem>>
      %dma_wait3A_266 = arith.constant 1048576 : i32
      %dma_wait3A_267 = tpu.memref_slice %arg3[%dma_wait3A_266] : memref<3145728xf32, #tpu.memory_space<hbm>> -> memref<1280xf32, #tpu.memory_space<hbm>>
      %dma_wait3A_268 = arith.constant 1280 : i32
      %dma_wait3A_269 = tpu.memref_slice %arg13[%dma_wait3A_268] : memref<3840xf32, #tpu.memory_space<vmem>> -> memref<1280xf32, #tpu.memory_space<vmem>>
      %dma_wait3A_270 = arith.constant 1048576 : i32
      %dma_wait3A_271 = tpu.memref_slice %arg3[%dma_wait3A_270] : memref<3145728xf32, #tpu.memory_space<hbm>> -> memref<1280xf32, #tpu.memory_space<hbm>>
      tpu.wait_dma2 semaphore(%arg30 : memref<!tpu.dma_semaphore, #tpu.memory_space<semaphore_mem>>) src(%dma_wait3A_271 : memref<1280xf32, #tpu.memory_space<hbm>>) dst(%dma_wait3A_269 : memref<1280xf32, #tpu.memory_space<vmem>>)
      %dma_wait3A_272 = arith.constant 5120 : i32
      %dma_wait3A_273 = tpu.memref_slice %arg14[%dma_wait3A_272] : memref<15360xf32, #tpu.memory_space<vmem>> -> memref<5120xf32, #tpu.memory_space<vmem>>
      %dma_wait3A_274 = arith.constant 0 : i32
      %dma_wait3A_275 = tpu.memref_slice %arg4[%dma_wait3A_274] : memref<12582912xf32, #tpu.memory_space<hbm>> -> memref<5120xf32, #tpu.memory_space<hbm>>
      %dma_wait3A_276 = arith.constant 5120 : i32
      %dma_wait3A_277 = tpu.memref_slice %arg14[%dma_wait3A_276] : memref<15360xf32, #tpu.memory_space<vmem>> -> memref<5120xf32, #tpu.memory_space<vmem>>
      %dma_wait3A_278 = arith.constant 0 : i32
      %dma_wait3A_279 = tpu.memref_slice %arg4[%dma_wait3A_278] : memref<12582912xf32, #tpu.memory_space<hbm>> -> memref<5120xf32, #tpu.memory_space<hbm>>
      tpu.wait_dma2 semaphore(%arg30 : memref<!tpu.dma_semaphore, #tpu.memory_space<semaphore_mem>>) src(%dma_wait3A_279 : memref<5120xf32, #tpu.memory_space<hbm>>) dst(%dma_wait3A_277 : memref<5120xf32, #tpu.memory_space<vmem>>)
      %dma_wait3A_280 = arith.constant 5120 : i32
      %dma_wait3A_281 = tpu.memref_slice %arg15[%dma_wait3A_280] : memref<15360xf32, #tpu.memory_space<vmem>> -> memref<5120xf32, #tpu.memory_space<vmem>>
      %dma_wait3A_282 = arith.constant 0 : i32
      %dma_wait3A_283 = tpu.memref_slice %arg5[%dma_wait3A_282] : memref<12582912xf32, #tpu.memory_space<hbm>> -> memref<5120xf32, #tpu.memory_space<hbm>>
      %dma_wait3A_284 = arith.constant 5120 : i32
      %dma_wait3A_285 = tpu.memref_slice %arg15[%dma_wait3A_284] : memref<15360xf32, #tpu.memory_space<vmem>> -> memref<5120xf32, #tpu.memory_space<vmem>>
      %dma_wait3A_286 = arith.constant 0 : i32
      %dma_wait3A_287 = tpu.memref_slice %arg5[%dma_wait3A_286] : memref<12582912xf32, #tpu.memory_space<hbm>> -> memref<5120xf32, #tpu.memory_space<hbm>>
      tpu.wait_dma2 semaphore(%arg30 : memref<!tpu.dma_semaphore, #tpu.memory_space<semaphore_mem>>) src(%dma_wait3A_287 : memref<5120xf32, #tpu.memory_space<hbm>>) dst(%dma_wait3A_285 : memref<5120xf32, #tpu.memory_space<vmem>>)
      %dma_wait3A_288 = arith.constant 2560 : i32
      %dma_wait3A_289 = tpu.memref_slice %arg12[%dma_wait3A_288] : memref<3840xf32, #tpu.memory_space<vmem>> -> memref<1280xf32, #tpu.memory_space<vmem>>
      %dma_wait3A_290 = arith.constant 2097152 : i32
      %dma_wait3A_291 = tpu.memref_slice %arg2[%dma_wait3A_290] : memref<3145728xf32, #tpu.memory_space<hbm>> -> memref<1280xf32, #tpu.memory_space<hbm>>
      %dma_wait3A_292 = arith.constant 2560 : i32
      %dma_wait3A_293 = tpu.memref_slice %arg12[%dma_wait3A_292] : memref<3840xf32, #tpu.memory_space<vmem>> -> memref<1280xf32, #tpu.memory_space<vmem>>
      %dma_wait3A_294 = arith.constant 2097152 : i32
      %dma_wait3A_295 = tpu.memref_slice %arg2[%dma_wait3A_294] : memref<3145728xf32, #tpu.memory_space<hbm>> -> memref<1280xf32, #tpu.memory_space<hbm>>
      tpu.wait_dma2 semaphore(%arg30 : memref<!tpu.dma_semaphore, #tpu.memory_space<semaphore_mem>>) src(%dma_wait3A_295 : memref<1280xf32, #tpu.memory_space<hbm>>) dst(%dma_wait3A_293 : memref<1280xf32, #tpu.memory_space<vmem>>)
      %dma_wait3A_296 = arith.constant 2560 : i32
      %dma_wait3A_297 = tpu.memref_slice %arg13[%dma_wait3A_296] : memref<3840xf32, #tpu.memory_space<vmem>> -> memref<1280xf32, #tpu.memory_space<vmem>>
      %dma_wait3A_298 = arith.constant 2097152 : i32
      %dma_wait3A_299 = tpu.memref_slice %arg3[%dma_wait3A_298] : memref<3145728xf32, #tpu.memory_space<hbm>> -> memref<1280xf32, #tpu.memory_space<hbm>>
      %dma_wait3A_300 = arith.constant 2560 : i32
      %dma_wait3A_301 = tpu.memref_slice %arg13[%dma_wait3A_300] : memref<3840xf32, #tpu.memory_space<vmem>> -> memref<1280xf32, #tpu.memory_space<vmem>>
      %dma_wait3A_302 = arith.constant 2097152 : i32
      %dma_wait3A_303 = tpu.memref_slice %arg3[%dma_wait3A_302] : memref<3145728xf32, #tpu.memory_space<hbm>> -> memref<1280xf32, #tpu.memory_space<hbm>>
      tpu.wait_dma2 semaphore(%arg30 : memref<!tpu.dma_semaphore, #tpu.memory_space<semaphore_mem>>) src(%dma_wait3A_303 : memref<1280xf32, #tpu.memory_space<hbm>>) dst(%dma_wait3A_301 : memref<1280xf32, #tpu.memory_space<vmem>>)
      %dma_wait3A_304 = arith.constant 10240 : i32
      %dma_wait3A_305 = tpu.memref_slice %arg14[%dma_wait3A_304] : memref<15360xf32, #tpu.memory_space<vmem>> -> memref<5120xf32, #tpu.memory_space<vmem>>
      %dma_wait3A_306 = arith.constant 0 : i32
      %dma_wait3A_307 = tpu.memref_slice %arg4[%dma_wait3A_306] : memref<12582912xf32, #tpu.memory_space<hbm>> -> memref<5120xf32, #tpu.memory_space<hbm>>
      %dma_wait3A_308 = arith.constant 10240 : i32
      %dma_wait3A_309 = tpu.memref_slice %arg14[%dma_wait3A_308] : memref<15360xf32, #tpu.memory_space<vmem>> -> memref<5120xf32, #tpu.memory_space<vmem>>
      %dma_wait3A_310 = arith.constant 0 : i32
      %dma_wait3A_311 = tpu.memref_slice %arg4[%dma_wait3A_310] : memref<12582912xf32, #tpu.memory_space<hbm>> -> memref<5120xf32, #tpu.memory_space<hbm>>
      tpu.wait_dma2 semaphore(%arg30 : memref<!tpu.dma_semaphore, #tpu.memory_space<semaphore_mem>>) src(%dma_wait3A_311 : memref<5120xf32, #tpu.memory_space<hbm>>) dst(%dma_wait3A_309 : memref<5120xf32, #tpu.memory_space<vmem>>)
      %dma_wait3A_312 = arith.constant 10240 : i32
      %dma_wait3A_313 = tpu.memref_slice %arg15[%dma_wait3A_312] : memref<15360xf32, #tpu.memory_space<vmem>> -> memref<5120xf32, #tpu.memory_space<vmem>>
      %dma_wait3A_314 = arith.constant 0 : i32
      %dma_wait3A_315 = tpu.memref_slice %arg5[%dma_wait3A_314] : memref<12582912xf32, #tpu.memory_space<hbm>> -> memref<5120xf32, #tpu.memory_space<hbm>>
      %dma_wait3A_316 = arith.constant 10240 : i32
      %dma_wait3A_317 = tpu.memref_slice %arg15[%dma_wait3A_316] : memref<15360xf32, #tpu.memory_space<vmem>> -> memref<5120xf32, #tpu.memory_space<vmem>>
      %dma_wait3A_318 = arith.constant 0 : i32
      %dma_wait3A_319 = tpu.memref_slice %arg5[%dma_wait3A_318] : memref<12582912xf32, #tpu.memory_space<hbm>> -> memref<5120xf32, #tpu.memory_space<hbm>>
      tpu.wait_dma2 semaphore(%arg30 : memref<!tpu.dma_semaphore, #tpu.memory_space<semaphore_mem>>) src(%dma_wait3A_319 : memref<5120xf32, #tpu.memory_space<hbm>>) dst(%dma_wait3A_317 : memref<5120xf32, #tpu.memory_space<vmem>>)
      %dma_wait3A_320 = arith.constant 0 : i32
      %dma_wait3A_321 = tpu.memref_slice %arg16[%dma_wait3A_320] : memref<5120xf32, #tpu.memory_space<vmem>> -> memref<1280xf32, #tpu.memory_space<vmem>>
      %dma_wait3A_322 = arith.constant 0 : i32
      %dma_wait3A_323 = tpu.memref_slice %arg6[%dma_wait3A_322] : memref<4194304xf32, #tpu.memory_space<hbm>> -> memref<1280xf32, #tpu.memory_space<hbm>>
      %dma_wait3A_324 = arith.constant 0 : i32
      %dma_wait3A_325 = tpu.memref_slice %arg16[%dma_wait3A_324] : memref<5120xf32, #tpu.memory_space<vmem>> -> memref<1280xf32, #tpu.memory_space<vmem>>
      %dma_wait3A_326 = arith.constant 0 : i32
      %dma_wait3A_327 = tpu.memref_slice %arg6[%dma_wait3A_326] : memref<4194304xf32, #tpu.memory_space<hbm>> -> memref<1280xf32, #tpu.memory_space<hbm>>
      tpu.wait_dma2 semaphore(%arg30 : memref<!tpu.dma_semaphore, #tpu.memory_space<semaphore_mem>>) src(%dma_wait3A_327 : memref<1280xf32, #tpu.memory_space<hbm>>) dst(%dma_wait3A_325 : memref<1280xf32, #tpu.memory_space<vmem>>)
      %dma_wait3A_328 = arith.constant 1280 : i32
      %dma_wait3A_329 = tpu.memref_slice %arg16[%dma_wait3A_328] : memref<5120xf32, #tpu.memory_space<vmem>> -> memref<1280xf32, #tpu.memory_space<vmem>>
      %dma_wait3A_330 = arith.constant 1048576 : i32
      %dma_wait3A_331 = tpu.memref_slice %arg6[%dma_wait3A_330] : memref<4194304xf32, #tpu.memory_space<hbm>> -> memref<1280xf32, #tpu.memory_space<hbm>>
      %dma_wait3A_332 = arith.constant 1280 : i32
      %dma_wait3A_333 = tpu.memref_slice %arg16[%dma_wait3A_332] : memref<5120xf32, #tpu.memory_space<vmem>> -> memref<1280xf32, #tpu.memory_space<vmem>>
      %dma_wait3A_334 = arith.constant 1048576 : i32
      %dma_wait3A_335 = tpu.memref_slice %arg6[%dma_wait3A_334] : memref<4194304xf32, #tpu.memory_space<hbm>> -> memref<1280xf32, #tpu.memory_space<hbm>>
      tpu.wait_dma2 semaphore(%arg30 : memref<!tpu.dma_semaphore, #tpu.memory_space<semaphore_mem>>) src(%dma_wait3A_335 : memref<1280xf32, #tpu.memory_space<hbm>>) dst(%dma_wait3A_333 : memref<1280xf32, #tpu.memory_space<vmem>>)
      %dma_wait3A_336 = arith.constant 2560 : i32
      %dma_wait3A_337 = tpu.memref_slice %arg16[%dma_wait3A_336] : memref<5120xf32, #tpu.memory_space<vmem>> -> memref<1280xf32, #tpu.memory_space<vmem>>
      %dma_wait3A_338 = arith.constant 2097152 : i32
      %dma_wait3A_339 = tpu.memref_slice %arg6[%dma_wait3A_338] : memref<4194304xf32, #tpu.memory_space<hbm>> -> memref<1280xf32, #tpu.memory_space<hbm>>
      %dma_wait3A_340 = arith.constant 2560 : i32
      %dma_wait3A_341 = tpu.memref_slice %arg16[%dma_wait3A_340] : memref<5120xf32, #tpu.memory_space<vmem>> -> memref<1280xf32, #tpu.memory_space<vmem>>
      %dma_wait3A_342 = arith.constant 2097152 : i32
      %dma_wait3A_343 = tpu.memref_slice %arg6[%dma_wait3A_342] : memref<4194304xf32, #tpu.memory_space<hbm>> -> memref<1280xf32, #tpu.memory_space<hbm>>
      tpu.wait_dma2 semaphore(%arg30 : memref<!tpu.dma_semaphore, #tpu.memory_space<semaphore_mem>>) src(%dma_wait3A_343 : memref<1280xf32, #tpu.memory_space<hbm>>) dst(%dma_wait3A_341 : memref<1280xf32, #tpu.memory_space<vmem>>)
      %dma_wait3A_344 = arith.constant 3840 : i32
      %dma_wait3A_345 = tpu.memref_slice %arg16[%dma_wait3A_344] : memref<5120xf32, #tpu.memory_space<vmem>> -> memref<1280xf32, #tpu.memory_space<vmem>>
      %dma_wait3A_346 = arith.constant 3145728 : i32
      %dma_wait3A_347 = tpu.memref_slice %arg6[%dma_wait3A_346] : memref<4194304xf32, #tpu.memory_space<hbm>> -> memref<1280xf32, #tpu.memory_space<hbm>>
      %dma_wait3A_348 = arith.constant 3840 : i32
      %dma_wait3A_349 = tpu.memref_slice %arg16[%dma_wait3A_348] : memref<5120xf32, #tpu.memory_space<vmem>> -> memref<1280xf32, #tpu.memory_space<vmem>>
      %dma_wait3A_350 = arith.constant 3145728 : i32
      %dma_wait3A_351 = tpu.memref_slice %arg6[%dma_wait3A_350] : memref<4194304xf32, #tpu.memory_space<hbm>> -> memref<1280xf32, #tpu.memory_space<hbm>>
      tpu.wait_dma2 semaphore(%arg30 : memref<!tpu.dma_semaphore, #tpu.memory_space<semaphore_mem>>) src(%dma_wait3A_351 : memref<1280xf32, #tpu.memory_space<hbm>>) dst(%dma_wait3A_349 : memref<1280xf32, #tpu.memory_space<vmem>>)
      %dma_wait3A_352 = arith.constant 0 : i32
      %dma_wait3A_353 = tpu.memref_slice %arg7[%dma_wait3A_352] : memref<1048576xf32, #tpu.memory_space<hbm>> -> memref<1280xf32, #tpu.memory_space<hbm>>
      %dma_wait3A_354 = arith.constant 0 : i32
      %dma_wait3A_355 = tpu.memref_slice %arg7[%dma_wait3A_354] : memref<1048576xf32, #tpu.memory_space<hbm>> -> memref<1280xf32, #tpu.memory_space<hbm>>
      tpu.wait_dma2 semaphore(%arg30 : memref<!tpu.dma_semaphore, #tpu.memory_space<semaphore_mem>>) src(%dma_wait3A_355 : memref<1280xf32, #tpu.memory_space<hbm>>) dst(%arg17 : memref<1280xf32, #tpu.memory_space<vmem>>)
      %dma_wait3A_356 = arith.constant 0 : i32
      %dma_wait3A_357 = tpu.memref_slice %arg8[%dma_wait3A_356] : memref<1048576xi32, #tpu.memory_space<hbm>> -> memref<1280xi32, #tpu.memory_space<hbm>>
      %dma_wait3A_358 = arith.constant 0 : i32
      %dma_wait3A_359 = tpu.memref_slice %arg8[%dma_wait3A_358] : memref<1048576xi32, #tpu.memory_space<hbm>> -> memref<1280xi32, #tpu.memory_space<hbm>>
      tpu.wait_dma2 semaphore(%arg30 : memref<!tpu.dma_semaphore, #tpu.memory_space<semaphore_mem>>) src(%dma_wait3A_359 : memref<1280xi32, #tpu.memory_space<hbm>>) dst(%arg18 : memref<1280xi32, #tpu.memory_space<vmem>>)
      %mul3A_360 = arith.constant 1280 : i32
      %mul3A_361 = arith.muli %mul3A_217, %mul3A_360 : i32
      %add3A_362 = arith.addi %multiple_of3A, %mul3A_361 : i32
      %min3A = arith.constant 1047296 : i32
      %min3A_363 = arith.minsi %add3A_362, %min3A : i32
      %multiple_of3A_364 = tpu.assume_multiple %min3A_363, 128 : i32
      %sub3A_365 = arith.subi %add3A_362, %multiple_of3A_364 : i32
      %parallel_loop3A_366 = arith.constant 0 : i32
      %parallel_loop3A_367 = arith.constant 80 : i32
      %parallel_loop3A_368 = arith.constant 1 : i32
      scf.for %parallel_loop3A_379 = %parallel_loop3A_366 to %parallel_loop3A_367 step %parallel_loop3A_368  : i32 {
        %parallel_loop3A_380 = arith.constant 16 : i32
        %parallel_loop3A_381 = arith.muli %parallel_loop3A_379, %parallel_loop3A_380 : i32
        %parallel_loop3A_382 = arith.constant 3 : i32
        %parallel_loop3A_383 = arith.shrsi %parallel_loop3A_379, %parallel_loop3A_382 : i32
        %parallel_loop3A_384 = arith.constant 4 : i32
        %parallel_loop3A_385 = arith.muli %parallel_loop3A_383, %parallel_loop3A_384 : i32
        %parallel_loop3A_386 = arith.constant 128 : i32
        %parallel_loop3A_387 = arith.muli %parallel_loop3A_385, %parallel_loop3A_386 : i32
        %parallel_loop3A_388 = arith.constant 7 : i32
        %parallel_loop3A_389 = arith.andi %parallel_loop3A_379, %parallel_loop3A_388 : i32
        %parallel_loop3A_390 = arith.constant 16 : i32
        %parallel_loop3A_391 = arith.muli %parallel_loop3A_389, %parallel_loop3A_390 : i32
        %parallel_loop3A_392 = arith.addi %parallel_loop3A_387, %parallel_loop3A_391 : i32
        %parallel_loop3A_393 = arith.index_cast %parallel_loop3A_381 : i32 to index
        %parallel_loop3A_394 = tpu.vector_load %arg13[%parallel_loop3A_393] {strides = array<i32>} : memref<3840xf32, #tpu.memory_space<vmem>>, vector<16xf32>,
        %parallel_loop3A_395 = arith.constant 1280 : i32
        %parallel_loop3A_396 = arith.addi %parallel_loop3A_395, %parallel_loop3A_381 : i32
        %parallel_loop3A_397 = arith.index_cast %parallel_loop3A_396 : i32 to index
        %parallel_loop3A_398 = tpu.vector_load %arg13[%parallel_loop3A_397] {strides = array<i32>} : memref<3840xf32, #tpu.memory_space<vmem>>, vector<16xf32>,
        %parallel_loop3A_399 = arith.constant 2560 : i32
        %parallel_loop3A_400 = arith.addi %parallel_loop3A_399, %parallel_loop3A_381 : i32
        %parallel_loop3A_401 = arith.index_cast %parallel_loop3A_400 : i32 to index
        %parallel_loop3A_402 = tpu.vector_load %arg13[%parallel_loop3A_401] {strides = array<i32>} : memref<3840xf32, #tpu.memory_space<vmem>>, vector<16xf32>,
        %parallel_loop3A_403 = arith.constant 0 : i32
        %parallel_loop3A_404 = arith.addi %parallel_loop3A_392, %parallel_loop3A_403 : i32
        %parallel_loop3A_405 = arith.index_cast %parallel_loop3A_404 : i32 to index
        %parallel_loop3A_406 = tpu.vector_load %arg14[%parallel_loop3A_405] {strides = array<i32>} : memref<15360xf32, #tpu.memory_space<vmem>>, vector<16xf32>,
        %parallel_loop3A_407 = arith.constant 5120 : i32
        %parallel_loop3A_408 = arith.addi %parallel_loop3A_407, %parallel_loop3A_404 : i32
        %parallel_loop3A_409 = arith.index_cast %parallel_loop3A_408 : i32 to index
        %parallel_loop3A_410 = tpu.vector_load %arg14[%parallel_loop3A_409] {strides = array<i32>} : memref<15360xf32, #tpu.memory_space<vmem>>, vector<16xf32>,
        %parallel_loop3A_411 = arith.constant 10240 : i32
        %parallel_loop3A_412 = arith.addi %parallel_loop3A_411, %parallel_loop3A_404 : i32
        %parallel_loop3A_413 = arith.index_cast %parallel_loop3A_412 : i32 to index
        %parallel_loop3A_414 = tpu.vector_load %arg14[%parallel_loop3A_413] {strides = array<i32>} : memref<15360xf32, #tpu.memory_space<vmem>>, vector<16xf32>,
        %parallel_loop3A_415 = arith.mulf %parallel_loop3A_394, %parallel_loop3A_406 : vector<16xf32>
        %parallel_loop3A_416 = arith.mulf %parallel_loop3A_398, %parallel_loop3A_410 : vector<16xf32>
        %parallel_loop3A_417 = arith.addf %parallel_loop3A_415, %parallel_loop3A_416 : vector<16xf32>
        %parallel_loop3A_418 = arith.mulf %parallel_loop3A_402, %parallel_loop3A_414 : vector<16xf32>
        %parallel_loop3A_419 = arith.addf %parallel_loop3A_417, %parallel_loop3A_418 : vector<16xf32>
        %parallel_loop3A_420 = arith.constant 0.000000e+00 : f32
        %parallel_loop3A_421 = vector.broadcast %parallel_loop3A_420 : f32 to vector<16xf32>
        %parallel_loop3A_422 = arith.maximumf %parallel_loop3A_419, %parallel_loop3A_421 : vector<16xf32>
        %parallel_loop3A_423 = arith.constant 1.000000e+00 : f32
        %parallel_loop3A_424 = vector.broadcast %parallel_loop3A_423 : f32 to vector<16xf32>
        %parallel_loop3A_425 = arith.minimumf %parallel_loop3A_422, %parallel_loop3A_424 : vector<16xf32>
        %parallel_loop3A_426 = arith.constant 0.000000e+00 : f32
        %parallel_loop3A_427 = vector.broadcast %parallel_loop3A_426 : f32 to vector<16xf32>
        %parallel_loop3A_428 = arith.cmpf ogt, %parallel_loop3A_425, %parallel_loop3A_427 : vector<16xf32>
        %parallel_loop3A_429 = arith.extui %parallel_loop3A_428 : vector<16xi1> to vector<16xi32>
        %parallel_loop3A_430 = arith.sitofp %parallel_loop3A_429 : vector<16xi32> to vector<16xf32>
        %parallel_loop3A_431 = arith.addf %broadcast_in_dim3A_1, %parallel_loop3A_430 : vector<16xf32>
        %parallel_loop3A_432 = arith.constant 128 : i32
        %parallel_loop3A_433 = arith.addi %parallel_loop3A_392, %parallel_loop3A_432 : i32
        %parallel_loop3A_434 = arith.index_cast %parallel_loop3A_433 : i32 to index
        %parallel_loop3A_435 = tpu.vector_load %arg14[%parallel_loop3A_434] {strides = array<i32>} : memref<15360xf32, #tpu.memory_space<vmem>>, vector<16xf32>,
        %parallel_loop3A_436 = arith.constant 5120 : i32
        %parallel_loop3A_437 = arith.addi %parallel_loop3A_436, %parallel_loop3A_433 : i32
        %parallel_loop3A_438 = arith.index_cast %parallel_loop3A_437 : i32 to index
        %parallel_loop3A_439 = tpu.vector_load %arg14[%parallel_loop3A_438] {strides = array<i32>} : memref<15360xf32, #tpu.memory_space<vmem>>, vector<16xf32>,
        %parallel_loop3A_440 = arith.constant 10240 : i32
        %parallel_loop3A_441 = arith.addi %parallel_loop3A_440, %parallel_loop3A_433 : i32
        %parallel_loop3A_442 = arith.index_cast %parallel_loop3A_441 : i32 to index
        %parallel_loop3A_443 = tpu.vector_load %arg14[%parallel_loop3A_442] {strides = array<i32>} : memref<15360xf32, #tpu.memory_space<vmem>>, vector<16xf32>,
        %parallel_loop3A_444 = arith.mulf %parallel_loop3A_394, %parallel_loop3A_435 : vector<16xf32>
        %parallel_loop3A_445 = arith.mulf %parallel_loop3A_398, %parallel_loop3A_439 : vector<16xf32>
        %parallel_loop3A_446 = arith.addf %parallel_loop3A_444, %parallel_loop3A_445 : vector<16xf32>
        %parallel_loop3A_447 = arith.mulf %parallel_loop3A_402, %parallel_loop3A_443 : vector<16xf32>
        %parallel_loop3A_448 = arith.addf %parallel_loop3A_446, %parallel_loop3A_447 : vector<16xf32>
        %parallel_loop3A_449 = arith.constant 0.000000e+00 : f32
        %parallel_loop3A_450 = vector.broadcast %parallel_loop3A_449 : f32 to vector<16xf32>
        %parallel_loop3A_451 = arith.maximumf %parallel_loop3A_448, %parallel_loop3A_450 : vector<16xf32>
        %parallel_loop3A_452 = arith.constant 1.000000e+00 : f32
        %parallel_loop3A_453 = vector.broadcast %parallel_loop3A_452 : f32 to vector<16xf32>
        %parallel_loop3A_454 = arith.minimumf %parallel_loop3A_451, %parallel_loop3A_453 : vector<16xf32>
        %parallel_loop3A_455 = arith.constant 0.000000e+00 : f32
        %parallel_loop3A_456 = vector.broadcast %parallel_loop3A_455 : f32 to vector<16xf32>
        %parallel_loop3A_457 = arith.cmpf ogt, %parallel_loop3A_454, %parallel_loop3A_456 : vector<16xf32>
        %parallel_loop3A_458 = arith.extui %parallel_loop3A_457 : vector<16xi1> to vector<16xi32>
        %parallel_loop3A_459 = arith.sitofp %parallel_loop3A_458 : vector<16xi32> to vector<16xf32>
        %parallel_loop3A_460 = arith.addf %parallel_loop3A_431, %parallel_loop3A_459 : vector<16xf32>
        %parallel_loop3A_461 = arith.constant 256 : i32
        %parallel_loop3A_462 = arith.addi %parallel_loop3A_392, %parallel_loop3A_461 : i32
        %parallel_loop3A_463 = arith.index_cast %parallel_loop3A_462 : i32 to index
        %parallel_loop3A_464 = tpu.vector_load %arg14[%parallel_loop3A_463] {strides = array<i32>} : memref<15360xf32, #tpu.memory_space<vmem>>, vector<16xf32>,
        %parallel_loop3A_465 = arith.constant 5120 : i32
        %parallel_loop3A_466 = arith.addi %parallel_loop3A_465, %parallel_loop3A_462 : i32
        %parallel_loop3A_467 = arith.index_cast %parallel_loop3A_466 : i32 to index
        %parallel_loop3A_468 = tpu.vector_load %arg14[%parallel_loop3A_467] {strides = array<i32>} : memref<15360xf32, #tpu.memory_space<vmem>>, vector<16xf32>,
        %parallel_loop3A_469 = arith.constant 10240 : i32
        %parallel_loop3A_470 = arith.addi %parallel_loop3A_469, %parallel_loop3A_462 : i32
        %parallel_loop3A_471 = arith.index_cast %parallel_loop3A_470 : i32 to index
        %parallel_loop3A_472 = tpu.vector_load %arg14[%parallel_loop3A_471] {strides = array<i32>} : memref<15360xf32, #tpu.memory_space<vmem>>, vector<16xf32>,
        %parallel_loop3A_473 = arith.mulf %parallel_loop3A_394, %parallel_loop3A_464 : vector<16xf32>
        %parallel_loop3A_474 = arith.mulf %parallel_loop3A_398, %parallel_loop3A_468 : vector<16xf32>
        %parallel_loop3A_475 = arith.addf %parallel_loop3A_473, %parallel_loop3A_474 : vector<16xf32>
        %parallel_loop3A_476 = arith.mulf %parallel_loop3A_402, %parallel_loop3A_472 : vector<16xf32>
        %parallel_loop3A_477 = arith.addf %parallel_loop3A_475, %parallel_loop3A_476 : vector<16xf32>
        %parallel_loop3A_478 = arith.constant 0.000000e+00 : f32
        %parallel_loop3A_479 = vector.broadcast %parallel_loop3A_478 : f32 to vector<16xf32>
        %parallel_loop3A_480 = arith.maximumf %parallel_loop3A_477, %parallel_loop3A_479 : vector<16xf32>
        %parallel_loop3A_481 = arith.constant 1.000000e+00 : f32
        %parallel_loop3A_482 = vector.broadcast %parallel_loop3A_481 : f32 to vector<16xf32>
        %parallel_loop3A_483 = arith.minimumf %parallel_loop3A_480, %parallel_loop3A_482 : vector<16xf32>
        %parallel_loop3A_484 = arith.constant 0.000000e+00 : f32
        %parallel_loop3A_485 = vector.broadcast %parallel_loop3A_484 : f32 to vector<16xf32>
        %parallel_loop3A_486 = arith.cmpf ogt, %parallel_loop3A_483, %parallel_loop3A_485 : vector<16xf32>
        %parallel_loop3A_487 = arith.extui %parallel_loop3A_486 : vector<16xi1> to vector<16xi32>
        %parallel_loop3A_488 = arith.sitofp %parallel_loop3A_487 : vector<16xi32> to vector<16xf32>
        %parallel_loop3A_489 = arith.addf %parallel_loop3A_460, %parallel_loop3A_488 : vector<16xf32>
        %parallel_loop3A_490 = arith.constant 384 : i32
        %parallel_loop3A_491 = arith.addi %parallel_loop3A_392, %parallel_loop3A_490 : i32
        %parallel_loop3A_492 = arith.index_cast %parallel_loop3A_491 : i32 to index
        %parallel_loop3A_493 = tpu.vector_load %arg14[%parallel_loop3A_492] {strides = array<i32>} : memref<15360xf32, #tpu.memory_space<vmem>>, vector<16xf32>,
        %parallel_loop3A_494 = arith.constant 5120 : i32
        %parallel_loop3A_495 = arith.addi %parallel_loop3A_494, %parallel_loop3A_491 : i32
        %parallel_loop3A_496 = arith.index_cast %parallel_loop3A_495 : i32 to index
        %parallel_loop3A_497 = tpu.vector_load %arg14[%parallel_loop3A_496] {strides = array<i32>} : memref<15360xf32, #tpu.memory_space<vmem>>, vector<16xf32>,
        %parallel_loop3A_498 = arith.constant 10240 : i32
        %parallel_loop3A_499 = arith.addi %parallel_loop3A_498, %parallel_loop3A_491 : i32
        %parallel_loop3A_500 = arith.index_cast %parallel_loop3A_499 : i32 to index
        %parallel_loop3A_501 = tpu.vector_load %arg14[%parallel_loop3A_500] {strides = array<i32>} : memref<15360xf32, #tpu.memory_space<vmem>>, vector<16xf32>,
        %parallel_loop3A_502 = arith.mulf %parallel_loop3A_394, %parallel_loop3A_493 : vector<16xf32>
        %parallel_loop3A_503 = arith.mulf %parallel_loop3A_398, %parallel_loop3A_497 : vector<16xf32>
        %parallel_loop3A_504 = arith.addf %parallel_loop3A_502, %parallel_loop3A_503 : vector<16xf32>
        %parallel_loop3A_505 = arith.mulf %parallel_loop3A_402, %parallel_loop3A_501 : vector<16xf32>
        %parallel_loop3A_506 = arith.addf %parallel_loop3A_504, %parallel_loop3A_505 : vector<16xf32>
        %parallel_loop3A_507 = arith.constant 0.000000e+00 : f32
        %parallel_loop3A_508 = vector.broadcast %parallel_loop3A_507 : f32 to vector<16xf32>
        %parallel_loop3A_509 = arith.maximumf %parallel_loop3A_506, %parallel_loop3A_508 : vector<16xf32>
        %parallel_loop3A_510 = arith.constant 1.000000e+00 : f32
        %parallel_loop3A_511 = vector.broadcast %parallel_loop3A_510 : f32 to vector<16xf32>
        %parallel_loop3A_512 = arith.minimumf %parallel_loop3A_509, %parallel_loop3A_511 : vector<16xf32>
        %parallel_loop3A_513 = arith.constant 0.000000e+00 : f32
        %parallel_loop3A_514 = vector.broadcast %parallel_loop3A_513 : f32 to vector<16xf32>
        %parallel_loop3A_515 = arith.cmpf ogt, %parallel_loop3A_512, %parallel_loop3A_514 : vector<16xf32>
        %parallel_loop3A_516 = arith.extui %parallel_loop3A_515 : vector<16xi1> to vector<16xi32>
        %parallel_loop3A_517 = arith.sitofp %parallel_loop3A_516 : vector<16xi32> to vector<16xf32>
        %parallel_loop3A_518 = arith.addf %parallel_loop3A_489, %parallel_loop3A_517 : vector<16xf32>
        %parallel_loop3A_519 = arith.constant 1.000000e+00 : f32
        %parallel_loop3A_520 = vector.broadcast %parallel_loop3A_519 : f32 to vector<16xf32>
        %parallel_loop3A_521 = arith.maximumf %parallel_loop3A_518, %parallel_loop3A_520 : vector<16xf32>
        %parallel_loop3A_522 = arith.constant 1.000000e+00 : f32
        %parallel_loop3A_523 = vector.broadcast %parallel_loop3A_522 : f32 to vector<16xf32>
        %parallel_loop3A_524 = arith.divf %parallel_loop3A_523, %parallel_loop3A_521 : vector<16xf32>
        %parallel_loop3A_525 = arith.constant 0 : i32
        %parallel_loop3A_526 = arith.addi %parallel_loop3A_392, %parallel_loop3A_525 : i32
        %parallel_loop3A_527 = arith.mulf %parallel_loop3A_425, %parallel_loop3A_524 : vector<16xf32>
        %parallel_loop3A_528 = arith.constant 0 : i32
        %parallel_loop3A_529 = arith.addi %parallel_loop3A_528, %parallel_loop3A_381 : i32
        %parallel_loop3A_530 = arith.index_cast %parallel_loop3A_529 : i32 to index
        %parallel_loop3A_531 = tpu.vector_load %arg16[%parallel_loop3A_530] {strides = array<i32>} : memref<5120xf32, #tpu.memory_space<vmem>>, vector<16xf32>,
        %parallel_loop3A_532 = arith.mulf %parallel_loop3A_527, %parallel_loop3A_531 : vector<16xf32>
        %parallel_loop3A_533 = arith.index_cast %parallel_loop3A_526 : i32 to index
        %parallel_loop3A_534 = tpu.vector_load %arg15[%parallel_loop3A_533] {strides = array<i32>} : memref<15360xf32, #tpu.memory_space<vmem>>, vector<16xf32>,
        %parallel_loop3A_535 = arith.mulf %parallel_loop3A_532, %parallel_loop3A_534 : vector<16xf32>
        %parallel_loop3A_536 = arith.addf %broadcast_in_dim3A_1, %parallel_loop3A_535 : vector<16xf32>
        %parallel_loop3A_537 = arith.constant 5120 : i32
        %parallel_loop3A_538 = arith.addi %parallel_loop3A_537, %parallel_loop3A_526 : i32
        %parallel_loop3A_539 = arith.index_cast %parallel_loop3A_538 : i32 to index
        %parallel_loop3A_540 = tpu.vector_load %arg15[%parallel_loop3A_539] {strides = array<i32>} : memref<15360xf32, #tpu.memory_space<vmem>>, vector<16xf32>,
        %parallel_loop3A_541 = arith.mulf %parallel_loop3A_532, %parallel_loop3A_540 : vector<16xf32>
        %parallel_loop3A_542 = arith.addf %broadcast_in_dim3A_1, %parallel_loop3A_541 : vector<16xf32>
        %parallel_loop3A_543 = arith.constant 10240 : i32
        %parallel_loop3A_544 = arith.addi %parallel_loop3A_543, %parallel_loop3A_526 : i32
        %parallel_loop3A_545 = arith.index_cast %parallel_loop3A_544 : i32 to index
        %parallel_loop3A_546 = tpu.vector_load %arg15[%parallel_loop3A_545] {strides = array<i32>} : memref<15360xf32, #tpu.memory_space<vmem>>, vector<16xf32>,
        %parallel_loop3A_547 = arith.mulf %parallel_loop3A_532, %parallel_loop3A_546 : vector<16xf32>
        %parallel_loop3A_548 = arith.addf %broadcast_in_dim3A_1, %parallel_loop3A_547 : vector<16xf32>
        %parallel_loop3A_549 = arith.constant 128 : i32
        %parallel_loop3A_550 = arith.addi %parallel_loop3A_392, %parallel_loop3A_549 : i32
        %parallel_loop3A_551 = arith.mulf %parallel_loop3A_454, %parallel_loop3A_524 : vector<16xf32>
        %parallel_loop3A_552 = arith.constant 1280 : i32
        %parallel_loop3A_553 = arith.addi %parallel_loop3A_552, %parallel_loop3A_381 : i32
        %parallel_loop3A_554 = arith.index_cast %parallel_loop3A_553 : i32 to index
        %parallel_loop3A_555 = tpu.vector_load %arg16[%parallel_loop3A_554] {strides = array<i32>} : memref<5120xf32, #tpu.memory_space<vmem>>, vector<16xf32>,
        %parallel_loop3A_556 = arith.mulf %parallel_loop3A_551, %parallel_loop3A_555 : vector<16xf32>
        %parallel_loop3A_557 = arith.index_cast %parallel_loop3A_550 : i32 to index
        %parallel_loop3A_558 = tpu.vector_load %arg15[%parallel_loop3A_557] {strides = array<i32>} : memref<15360xf32, #tpu.memory_space<vmem>>, vector<16xf32>,
        %parallel_loop3A_559 = arith.mulf %parallel_loop3A_556, %parallel_loop3A_558 : vector<16xf32>
        %parallel_loop3A_560 = arith.addf %parallel_loop3A_536, %parallel_loop3A_559 : vector<16xf32>
        %parallel_loop3A_561 = arith.constant 5120 : i32
        %parallel_loop3A_562 = arith.addi %parallel_loop3A_561, %parallel_loop3A_550 : i32
        %parallel_loop3A_563 = arith.index_cast %parallel_loop3A_562 : i32 to index
        %parallel_loop3A_564 = tpu.vector_load %arg15[%parallel_loop3A_563] {strides = array<i32>} : memref<15360xf32, #tpu.memory_space<vmem>>, vector<16xf32>,
        %parallel_loop3A_565 = arith.mulf %parallel_loop3A_556, %parallel_loop3A_564 : vector<16xf32>
        %parallel_loop3A_566 = arith.addf %parallel_loop3A_542, %parallel_loop3A_565 : vector<16xf32>
        %parallel_loop3A_567 = arith.constant 10240 : i32
        %parallel_loop3A_568 = arith.addi %parallel_loop3A_567, %parallel_loop3A_550 : i32
        %parallel_loop3A_569 = arith.index_cast %parallel_loop3A_568 : i32 to index
        %parallel_loop3A_570 = tpu.vector_load %arg15[%parallel_loop3A_569] {strides = array<i32>} : memref<15360xf32, #tpu.memory_space<vmem>>, vector<16xf32>,
        %parallel_loop3A_571 = arith.mulf %parallel_loop3A_556, %parallel_loop3A_570 : vector<16xf32>
        %parallel_loop3A_572 = arith.addf %parallel_loop3A_548, %parallel_loop3A_571 : vector<16xf32>
        %parallel_loop3A_573 = arith.constant 256 : i32
        %parallel_loop3A_574 = arith.addi %parallel_loop3A_392, %parallel_loop3A_573 : i32
        %parallel_loop3A_575 = arith.mulf %parallel_loop3A_483, %parallel_loop3A_524 : vector<16xf32>
        %parallel_loop3A_576 = arith.constant 2560 : i32
        %parallel_loop3A_577 = arith.addi %parallel_loop3A_576, %parallel_loop3A_381 : i32
        %parallel_loop3A_578 = arith.index_cast %parallel_loop3A_577 : i32 to index
        %parallel_loop3A_579 = tpu.vector_load %arg16[%parallel_loop3A_578] {strides = array<i32>} : memref<5120xf32, #tpu.memory_space<vmem>>, vector<16xf32>,
        %parallel_loop3A_580 = arith.mulf %parallel_loop3A_575, %parallel_loop3A_579 : vector<16xf32>
        %parallel_loop3A_581 = arith.index_cast %parallel_loop3A_574 : i32 to index
        %parallel_loop3A_582 = tpu.vector_load %arg15[%parallel_loop3A_581] {strides = array<i32>} : memref<15360xf32, #tpu.memory_space<vmem>>, vector<16xf32>,
        %parallel_loop3A_583 = arith.mulf %parallel_loop3A_580, %parallel_loop3A_582 : vector<16xf32>
        %parallel_loop3A_584 = arith.addf %parallel_loop3A_560, %parallel_loop3A_583 : vector<16xf32>
        %parallel_loop3A_585 = arith.constant 5120 : i32
        %parallel_loop3A_586 = arith.addi %parallel_loop3A_585, %parallel_loop3A_574 : i32
        %parallel_loop3A_587 = arith.index_cast %parallel_loop3A_586 : i32 to index
        %parallel_loop3A_588 = tpu.vector_load %arg15[%parallel_loop3A_587] {strides = array<i32>} : memref<15360xf32, #tpu.memory_space<vmem>>, vector<16xf32>,
        %parallel_loop3A_589 = arith.mulf %parallel_loop3A_580, %parallel_loop3A_588 : vector<16xf32>
        %parallel_loop3A_590 = arith.addf %parallel_loop3A_566, %parallel_loop3A_589 : vector<16xf32>
        %parallel_loop3A_591 = arith.constant 10240 : i32
        %parallel_loop3A_592 = arith.addi %parallel_loop3A_591, %parallel_loop3A_574 : i32
        %parallel_loop3A_593 = arith.index_cast %parallel_loop3A_592 : i32 to index
        %parallel_loop3A_594 = tpu.vector_load %arg15[%parallel_loop3A_593] {strides = array<i32>} : memref<15360xf32, #tpu.memory_space<vmem>>, vector<16xf32>,
        %parallel_loop3A_595 = arith.mulf %parallel_loop3A_580, %parallel_loop3A_594 : vector<16xf32>
        %parallel_loop3A_596 = arith.addf %parallel_loop3A_572, %parallel_loop3A_595 : vector<16xf32>
        %parallel_loop3A_597 = arith.constant 384 : i32
        %parallel_loop3A_598 = arith.addi %parallel_loop3A_392, %parallel_loop3A_597 : i32
        %parallel_loop3A_599 = arith.mulf %parallel_loop3A_512, %parallel_loop3A_524 : vector<16xf32>
        %parallel_loop3A_600 = arith.constant 3840 : i32
        %parallel_loop3A_601 = arith.addi %parallel_loop3A_600, %parallel_loop3A_381 : i32
        %parallel_loop3A_602 = arith.index_cast %parallel_loop3A_601 : i32 to index
        %parallel_loop3A_603 = tpu.vector_load %arg16[%parallel_loop3A_602] {strides = array<i32>} : memref<5120xf32, #tpu.memory_space<vmem>>, vector<16xf32>,
        %parallel_loop3A_604 = arith.mulf %parallel_loop3A_599, %parallel_loop3A_603 : vector<16xf32>
        %parallel_loop3A_605 = arith.index_cast %parallel_loop3A_598 : i32 to index
        %parallel_loop3A_606 = tpu.vector_load %arg15[%parallel_loop3A_605] {strides = array<i32>} : memref<15360xf32, #tpu.memory_space<vmem>>, vector<16xf32>,
        %parallel_loop3A_607 = arith.mulf %parallel_loop3A_604, %parallel_loop3A_606 : vector<16xf32>
        %parallel_loop3A_608 = arith.addf %parallel_loop3A_584, %parallel_loop3A_607 : vector<16xf32>
        %parallel_loop3A_609 = arith.constant 5120 : i32
        %parallel_loop3A_610 = arith.addi %parallel_loop3A_609, %parallel_loop3A_598 : i32
        %parallel_loop3A_611 = arith.index_cast %parallel_loop3A_610 : i32 to index
        %parallel_loop3A_612 = tpu.vector_load %arg15[%parallel_loop3A_611] {strides = array<i32>} : memref<15360xf32, #tpu.memory_space<vmem>>, vector<16xf32>,
        %parallel_loop3A_613 = arith.mulf %parallel_loop3A_604, %parallel_loop3A_612 : vector<16xf32>
        %parallel_loop3A_614 = arith.addf %parallel_loop3A_590, %parallel_loop3A_613 : vector<16xf32>
        %parallel_loop3A_615 = arith.constant 10240 : i32
        %parallel_loop3A_616 = arith.addi %parallel_loop3A_615, %parallel_loop3A_598 : i32
        %parallel_loop3A_617 = arith.index_cast %parallel_loop3A_616 : i32 to index
        %parallel_loop3A_618 = tpu.vector_load %arg15[%parallel_loop3A_617] {strides = array<i32>} : memref<15360xf32, #tpu.memory_space<vmem>>, vector<16xf32>,
        %parallel_loop3A_619 = arith.mulf %parallel_loop3A_604, %parallel_loop3A_618 : vector<16xf32>
        %parallel_loop3A_620 = arith.addf %parallel_loop3A_596, %parallel_loop3A_619 : vector<16xf32>
        %parallel_loop3A_621 = arith.index_cast %parallel_loop3A_381 : i32 to index
        %parallel_loop3A_622 = tpu.vector_load %arg17[%parallel_loop3A_621] {strides = array<i32>} : memref<1280xf32, #tpu.memory_space<vmem>>, vector<16xf32>,
        %parallel_loop3A_623 = vector.broadcast %parallel_loop3A_381 : i32 to vector<16xi32>
        %parallel_loop3A_624 = arith.addi %parallel_loop3A_623, %iota3A : vector<16xi32>
        %parallel_loop3A_625 = arith.index_cast %parallel_loop3A_381 : i32 to index
        %parallel_loop3A_626 = tpu.vector_load %arg18[%parallel_loop3A_625] {strides = array<i32>} : memref<1280xi32, #tpu.memory_space<vmem>>, vector<16xi32>,
        %parallel_loop3A_627 = vector.broadcast %mul3A_163 : i32 to vector<16xi32>
        %parallel_loop3A_628 = arith.subi %parallel_loop3A_626, %parallel_loop3A_627 : vector<16xi32>
        %parallel_loop3A_629 = arith.constant 0 : i32
        %parallel_loop3A_630 = vector.broadcast %parallel_loop3A_629 : i32 to vector<16xi32>
        %parallel_loop3A_631 = arith.cmpi sge, %parallel_loop3A_628, %parallel_loop3A_630 : vector<16xi32>
        %parallel_loop3A_632 = arith.constant 2048 : i32
        %parallel_loop3A_633 = vector.broadcast %parallel_loop3A_632 : i32 to vector<16xi32>
        %parallel_loop3A_634 = arith.cmpi slt, %parallel_loop3A_628, %parallel_loop3A_633 : vector<16xi32>
        %parallel_loop3A_635 = arith.andi %parallel_loop3A_631, %parallel_loop3A_634 : vector<16xi1>
        %parallel_loop3A_636 = vector.broadcast %sub3A_365 : i32 to vector<16xi32>
        %parallel_loop3A_637 = arith.cmpi sge, %parallel_loop3A_624, %parallel_loop3A_636 : vector<16xi32>
        %parallel_loop3A_638 = arith.andi %parallel_loop3A_635, %parallel_loop3A_637 : vector<16xi1>
        %parallel_loop3A_639 = arith.constant 0 : i32
        %parallel_loop3A_640 = vector.broadcast %parallel_loop3A_639 : i32 to vector<16xi32>
        %parallel_loop3A_641 = arith.maxsi %parallel_loop3A_628, %parallel_loop3A_640 : vector<16xi32>
        %parallel_loop3A_642 = arith.constant 2048 : i32
        %parallel_loop3A_643 = vector.broadcast %parallel_loop3A_642 : i32 to vector<16xi32>
        %parallel_loop3A_644 = arith.minsi %parallel_loop3A_641, %parallel_loop3A_643 : vector<16xi32>
        %parallel_loop3A_645 = arith.index_cast %parallel_loop3A_381 : i32 to index
        %parallel_loop3A_646 = tpu.vector_load %arg12[%parallel_loop3A_645] {strides = array<i32>} : memref<3840xf32, #tpu.memory_space<vmem>>, vector<16xf32>,
        %parallel_loop3A_647 = arith.mulf %parallel_loop3A_622, %parallel_loop3A_646 : vector<16xf32>
        %parallel_loop3A_648 = arith.mulf %parallel_loop3A_647, %parallel_loop3A_608 : vector<16xf32>
        tpu.vector_store_idx %arg27[%parallel_loop3A_644], %parallel_loop3A_648 masked %parallel_loop3A_638 {add = true} : memref<8256xf32, #tpu.memory_space<vmem>>[vector<16xi32>], vector<16xf32>, vector<16xi1>
        %parallel_loop3A_649 = arith.constant 2064 : i32
        %parallel_loop3A_650 = vector.broadcast %parallel_loop3A_649 : i32 to vector<16xi32>
        %parallel_loop3A_651 = arith.addi %parallel_loop3A_644, %parallel_loop3A_650 : vector<16xi32>
        %parallel_loop3A_652 = arith.constant 1280 : i32
        %parallel_loop3A_653 = arith.addi %parallel_loop3A_652, %parallel_loop3A_381 : i32
        %parallel_loop3A_654 = arith.index_cast %parallel_loop3A_653 : i32 to index
        %parallel_loop3A_655 = tpu.vector_load %arg12[%parallel_loop3A_654] {strides = array<i32>} : memref<3840xf32, #tpu.memory_space<vmem>>, vector<16xf32>,
        %parallel_loop3A_656 = arith.mulf %parallel_loop3A_622, %parallel_loop3A_655 : vector<16xf32>
        %parallel_loop3A_657 = arith.mulf %parallel_loop3A_656, %parallel_loop3A_614 : vector<16xf32>
        tpu.vector_store_idx %arg27[%parallel_loop3A_651], %parallel_loop3A_657 masked %parallel_loop3A_638 {add = true} : memref<8256xf32, #tpu.memory_space<vmem>>[vector<16xi32>], vector<16xf32>, vector<16xi1>
        %parallel_loop3A_658 = arith.constant 4128 : i32
        %parallel_loop3A_659 = vector.broadcast %parallel_loop3A_658 : i32 to vector<16xi32>
        %parallel_loop3A_660 = arith.addi %parallel_loop3A_644, %parallel_loop3A_659 : vector<16xi32>
        %parallel_loop3A_661 = arith.constant 2560 : i32
        %parallel_loop3A_662 = arith.addi %parallel_loop3A_661, %parallel_loop3A_381 : i32
        %parallel_loop3A_663 = arith.index_cast %parallel_loop3A_662 : i32 to index
        %parallel_loop3A_664 = tpu.vector_load %arg12[%parallel_loop3A_663] {strides = array<i32>} : memref<3840xf32, #tpu.memory_space<vmem>>, vector<16xf32>,
        %parallel_loop3A_665 = arith.mulf %parallel_loop3A_622, %parallel_loop3A_664 : vector<16xf32>
        %parallel_loop3A_666 = arith.mulf %parallel_loop3A_665, %parallel_loop3A_620 : vector<16xf32>
        tpu.vector_store_idx %arg27[%parallel_loop3A_660], %parallel_loop3A_666 masked %parallel_loop3A_638 {add = true} : memref<8256xf32, #tpu.memory_space<vmem>>[vector<16xi32>], vector<16xf32>, vector<16xi1>
        %parallel_loop3A_667 = arith.constant 6192 : i32
        %parallel_loop3A_668 = vector.broadcast %parallel_loop3A_667 : i32 to vector<16xi32>
        %parallel_loop3A_669 = arith.addi %parallel_loop3A_644, %parallel_loop3A_668 : vector<16xi32>
        tpu.vector_store_idx %arg27[%parallel_loop3A_669], %parallel_loop3A_622 masked %parallel_loop3A_638 {add = true} : memref<8256xf32, #tpu.memory_space<vmem>>[vector<16xi32>], vector<16xf32>, vector<16xi1>
      } {sc.loop_unroll_factor = 8 : i64, sc.parallel_access}
      %add3A_369 = arith.constant 2 : i32
      %add3A_370 = arith.addi %mul3A_217, %add3A_369 : i32
      %lt3A_371 = arith.cmpi slt, %add3A_370, %div3A_161 : i32
      %convert_element_type3A_372 = arith.extui %lt3A_371 : i1 to i32
      %cond3A_373 = arith.constant 0 : i32
      %cond3A_374 = arith.cmpi ne, %convert_element_type3A_372, %cond3A_373 : i32
      scf.if %cond3A_374 {
        %add3A_379 = arith.constant 2 : i32
        %add3A_380 = arith.addi %mul3A_217, %add3A_379 : i32
        %mul3A_381 = arith.constant 1280 : i32
        %mul3A_382 = arith.muli %add3A_380, %mul3A_381 : i32
        %add3A_383 = arith.addi %multiple_of3A, %mul3A_382 : i32
        %min3A_384 = arith.constant 1047296 : i32
        %min3A_385 = arith.minsi %add3A_383, %min3A_384 : i32
        %multiple_of3A_386 = tpu.assume_multiple %min3A_385, 128 : i32
        %add3A_387 = arith.constant 0 : i32
        %add3A_388 = arith.addi %add3A_387, %multiple_of3A_386 : i32
        %dma_start3A_389 = arith.constant 0 : i32
        %dma_start3A_390 = tpu.memref_slice %arg12[%dma_start3A_389] : memref<3840xf32, #tpu.memory_space<vmem>> -> memref<1280xf32, #tpu.memory_space<vmem>>
        %dma_start3A_391 = tpu.memref_slice %arg2[%add3A_388] : memref<3145728xf32, #tpu.memory_space<hbm>> -> memref<1280xf32, #tpu.memory_space<hbm>>
        %dma_start3A_392 = arith.constant 0 : i32
        %dma_start3A_393 = tpu.memref_slice %arg12[%dma_start3A_392] : memref<3840xf32, #tpu.memory_space<vmem>> -> memref<1280xf32, #tpu.memory_space<vmem>>
        %dma_start3A_394 = tpu.memref_slice %arg2[%add3A_388] : memref<3145728xf32, #tpu.memory_space<hbm>> -> memref<1280xf32, #tpu.memory_space<hbm>>
        tpu.enqueue_dma source(%dma_start3A_394 : memref<1280xf32, #tpu.memory_space<hbm>>) target(%dma_start3A_393 : memref<1280xf32, #tpu.memory_space<vmem>>) target_semaphore(%arg30 : memref<!tpu.dma_semaphore, #tpu.memory_space<semaphore_mem>>)
        %add3A_395 = arith.constant 0 : i32
        %add3A_396 = arith.addi %add3A_395, %multiple_of3A_386 : i32
        %dma_start3A_397 = arith.constant 0 : i32
        %dma_start3A_398 = tpu.memref_slice %arg13[%dma_start3A_397] : memref<3840xf32, #tpu.memory_space<vmem>> -> memref<1280xf32, #tpu.memory_space<vmem>>
        %dma_start3A_399 = tpu.memref_slice %arg3[%add3A_396] : memref<3145728xf32, #tpu.memory_space<hbm>> -> memref<1280xf32, #tpu.memory_space<hbm>>
        %dma_start3A_400 = arith.constant 0 : i32
        %dma_start3A_401 = tpu.memref_slice %arg13[%dma_start3A_400] : memref<3840xf32, #tpu.memory_space<vmem>> -> memref<1280xf32, #tpu.memory_space<vmem>>
        %dma_start3A_402 = tpu.memref_slice %arg3[%add3A_396] : memref<3145728xf32, #tpu.memory_space<hbm>> -> memref<1280xf32, #tpu.memory_space<hbm>>
        tpu.enqueue_dma source(%dma_start3A_402 : memref<1280xf32, #tpu.memory_space<hbm>>) target(%dma_start3A_401 : memref<1280xf32, #tpu.memory_space<vmem>>) target_semaphore(%arg30 : memref<!tpu.dma_semaphore, #tpu.memory_space<semaphore_mem>>)
        %mul3A_403 = arith.constant 4 : i32
        %mul3A_404 = arith.muli %multiple_of3A_386, %mul3A_403 : i32
        %add3A_405 = arith.constant 0 : i32
        %add3A_406 = arith.addi %add3A_405, %mul3A_404 : i32
        %dma_start3A_407 = arith.constant 0 : i32
        %dma_start3A_408 = tpu.memref_slice %arg14[%dma_start3A_407] : memref<15360xf32, #tpu.memory_space<vmem>> -> memref<5120xf32, #tpu.memory_space<vmem>>
        %dma_start3A_409 = tpu.memref_slice %arg4[%add3A_406] : memref<12582912xf32, #tpu.memory_space<hbm>> -> memref<5120xf32, #tpu.memory_space<hbm>>
        %dma_start3A_410 = arith.constant 0 : i32
        %dma_start3A_411 = tpu.memref_slice %arg14[%dma_start3A_410] : memref<15360xf32, #tpu.memory_space<vmem>> -> memref<5120xf32, #tpu.memory_space<vmem>>
        %dma_start3A_412 = tpu.memref_slice %arg4[%add3A_406] : memref<12582912xf32, #tpu.memory_space<hbm>> -> memref<5120xf32, #tpu.memory_space<hbm>>
        tpu.enqueue_dma source(%dma_start3A_412 : memref<5120xf32, #tpu.memory_space<hbm>>) target(%dma_start3A_411 : memref<5120xf32, #tpu.memory_space<vmem>>) target_semaphore(%arg30 : memref<!tpu.dma_semaphore, #tpu.memory_space<semaphore_mem>>)
        %mul3A_413 = arith.constant 4 : i32
        %mul3A_414 = arith.muli %multiple_of3A_386, %mul3A_413 : i32
        %add3A_415 = arith.constant 0 : i32
        %add3A_416 = arith.addi %add3A_415, %mul3A_414 : i32
        %dma_start3A_417 = arith.constant 0 : i32
        %dma_start3A_418 = tpu.memref_slice %arg15[%dma_start3A_417] : memref<15360xf32, #tpu.memory_space<vmem>> -> memref<5120xf32, #tpu.memory_space<vmem>>
        %dma_start3A_419 = tpu.memref_slice %arg5[%add3A_416] : memref<12582912xf32, #tpu.memory_space<hbm>> -> memref<5120xf32, #tpu.memory_space<hbm>>
        %dma_start3A_420 = arith.constant 0 : i32
        %dma_start3A_421 = tpu.memref_slice %arg15[%dma_start3A_420] : memref<15360xf32, #tpu.memory_space<vmem>> -> memref<5120xf32, #tpu.memory_space<vmem>>
        %dma_start3A_422 = tpu.memref_slice %arg5[%add3A_416] : memref<12582912xf32, #tpu.memory_space<hbm>> -> memref<5120xf32, #tpu.memory_space<hbm>>
        tpu.enqueue_dma source(%dma_start3A_422 : memref<5120xf32, #tpu.memory_space<hbm>>) target(%dma_start3A_421 : memref<5120xf32, #tpu.memory_space<vmem>>) target_semaphore(%arg30 : memref<!tpu.dma_semaphore, #tpu.memory_space<semaphore_mem>>)
        %add3A_423 = arith.constant 1048576 : i32
        %add3A_424 = arith.addi %add3A_423, %multiple_of3A_386 : i32
        %dma_start3A_425 = arith.constant 1280 : i32
        %dma_start3A_426 = tpu.memref_slice %arg12[%dma_start3A_425] : memref<3840xf32, #tpu.memory_space<vmem>> -> memref<1280xf32, #tpu.memory_space<vmem>>
        %dma_start3A_427 = tpu.memref_slice %arg2[%add3A_424] : memref<3145728xf32, #tpu.memory_space<hbm>> -> memref<1280xf32, #tpu.memory_space<hbm>>
        %dma_start3A_428 = arith.constant 1280 : i32
        %dma_start3A_429 = tpu.memref_slice %arg12[%dma_start3A_428] : memref<3840xf32, #tpu.memory_space<vmem>> -> memref<1280xf32, #tpu.memory_space<vmem>>
        %dma_start3A_430 = tpu.memref_slice %arg2[%add3A_424] : memref<3145728xf32, #tpu.memory_space<hbm>> -> memref<1280xf32, #tpu.memory_space<hbm>>
        tpu.enqueue_dma source(%dma_start3A_430 : memref<1280xf32, #tpu.memory_space<hbm>>) target(%dma_start3A_429 : memref<1280xf32, #tpu.memory_space<vmem>>) target_semaphore(%arg30 : memref<!tpu.dma_semaphore, #tpu.memory_space<semaphore_mem>>)
        %add3A_431 = arith.constant 1048576 : i32
        %add3A_432 = arith.addi %add3A_431, %multiple_of3A_386 : i32
        %dma_start3A_433 = arith.constant 1280 : i32
        %dma_start3A_434 = tpu.memref_slice %arg13[%dma_start3A_433] : memref<3840xf32, #tpu.memory_space<vmem>> -> memref<1280xf32, #tpu.memory_space<vmem>>
        %dma_start3A_435 = tpu.memref_slice %arg3[%add3A_432] : memref<3145728xf32, #tpu.memory_space<hbm>> -> memref<1280xf32, #tpu.memory_space<hbm>>
        %dma_start3A_436 = arith.constant 1280 : i32
        %dma_start3A_437 = tpu.memref_slice %arg13[%dma_start3A_436] : memref<3840xf32, #tpu.memory_space<vmem>> -> memref<1280xf32, #tpu.memory_space<vmem>>
        %dma_start3A_438 = tpu.memref_slice %arg3[%add3A_432] : memref<3145728xf32, #tpu.memory_space<hbm>> -> memref<1280xf32, #tpu.memory_space<hbm>>
        tpu.enqueue_dma source(%dma_start3A_438 : memref<1280xf32, #tpu.memory_space<hbm>>) target(%dma_start3A_437 : memref<1280xf32, #tpu.memory_space<vmem>>) target_semaphore(%arg30 : memref<!tpu.dma_semaphore, #tpu.memory_space<semaphore_mem>>)
        %mul3A_439 = arith.constant 4 : i32
        %mul3A_440 = arith.muli %multiple_of3A_386, %mul3A_439 : i32
        %add3A_441 = arith.constant 4194304 : i32
        %add3A_442 = arith.addi %add3A_441, %mul3A_440 : i32
        %dma_start3A_443 = arith.constant 5120 : i32
        %dma_start3A_444 = tpu.memref_slice %arg14[%dma_start3A_443] : memref<15360xf32, #tpu.memory_space<vmem>> -> memref<5120xf32, #tpu.memory_space<vmem>>
        %dma_start3A_445 = tpu.memref_slice %arg4[%add3A_442] : memref<12582912xf32, #tpu.memory_space<hbm>> -> memref<5120xf32, #tpu.memory_space<hbm>>
        %dma_start3A_446 = arith.constant 5120 : i32
        %dma_start3A_447 = tpu.memref_slice %arg14[%dma_start3A_446] : memref<15360xf32, #tpu.memory_space<vmem>> -> memref<5120xf32, #tpu.memory_space<vmem>>
        %dma_start3A_448 = tpu.memref_slice %arg4[%add3A_442] : memref<12582912xf32, #tpu.memory_space<hbm>> -> memref<5120xf32, #tpu.memory_space<hbm>>
        tpu.enqueue_dma source(%dma_start3A_448 : memref<5120xf32, #tpu.memory_space<hbm>>) target(%dma_start3A_447 : memref<5120xf32, #tpu.memory_space<vmem>>) target_semaphore(%arg30 : memref<!tpu.dma_semaphore, #tpu.memory_space<semaphore_mem>>)
        %mul3A_449 = arith.constant 4 : i32
        %mul3A_450 = arith.muli %multiple_of3A_386, %mul3A_449 : i32
        %add3A_451 = arith.constant 4194304 : i32
        %add3A_452 = arith.addi %add3A_451, %mul3A_450 : i32
        %dma_start3A_453 = arith.constant 5120 : i32
        %dma_start3A_454 = tpu.memref_slice %arg15[%dma_start3A_453] : memref<15360xf32, #tpu.memory_space<vmem>> -> memref<5120xf32, #tpu.memory_space<vmem>>
        %dma_start3A_455 = tpu.memref_slice %arg5[%add3A_452] : memref<12582912xf32, #tpu.memory_space<hbm>> -> memref<5120xf32, #tpu.memory_space<hbm>>
        %dma_start3A_456 = arith.constant 5120 : i32
        %dma_start3A_457 = tpu.memref_slice %arg15[%dma_start3A_456] : memref<15360xf32, #tpu.memory_space<vmem>> -> memref<5120xf32, #tpu.memory_space<vmem>>
        %dma_start3A_458 = tpu.memref_slice %arg5[%add3A_452] : memref<12582912xf32, #tpu.memory_space<hbm>> -> memref<5120xf32, #tpu.memory_space<hbm>>
        tpu.enqueue_dma source(%dma_start3A_458 : memref<5120xf32, #tpu.memory_space<hbm>>) target(%dma_start3A_457 : memref<5120xf32, #tpu.memory_space<vmem>>) target_semaphore(%arg30 : memref<!tpu.dma_semaphore, #tpu.memory_space<semaphore_mem>>)
        %add3A_459 = arith.constant 2097152 : i32
        %add3A_460 = arith.addi %add3A_459, %multiple_of3A_386 : i32
        %dma_start3A_461 = arith.constant 2560 : i32
        %dma_start3A_462 = tpu.memref_slice %arg12[%dma_start3A_461] : memref<3840xf32, #tpu.memory_space<vmem>> -> memref<1280xf32, #tpu.memory_space<vmem>>
        %dma_start3A_463 = tpu.memref_slice %arg2[%add3A_460] : memref<3145728xf32, #tpu.memory_space<hbm>> -> memref<1280xf32, #tpu.memory_space<hbm>>
        %dma_start3A_464 = arith.constant 2560 : i32
        %dma_start3A_465 = tpu.memref_slice %arg12[%dma_start3A_464] : memref<3840xf32, #tpu.memory_space<vmem>> -> memref<1280xf32, #tpu.memory_space<vmem>>
        %dma_start3A_466 = tpu.memref_slice %arg2[%add3A_460] : memref<3145728xf32, #tpu.memory_space<hbm>> -> memref<1280xf32, #tpu.memory_space<hbm>>
        tpu.enqueue_dma source(%dma_start3A_466 : memref<1280xf32, #tpu.memory_space<hbm>>) target(%dma_start3A_465 : memref<1280xf32, #tpu.memory_space<vmem>>) target_semaphore(%arg30 : memref<!tpu.dma_semaphore, #tpu.memory_space<semaphore_mem>>)
        %add3A_467 = arith.constant 2097152 : i32
        %add3A_468 = arith.addi %add3A_467, %multiple_of3A_386 : i32
        %dma_start3A_469 = arith.constant 2560 : i32
        %dma_start3A_470 = tpu.memref_slice %arg13[%dma_start3A_469] : memref<3840xf32, #tpu.memory_space<vmem>> -> memref<1280xf32, #tpu.memory_space<vmem>>
        %dma_start3A_471 = tpu.memref_slice %arg3[%add3A_468] : memref<3145728xf32, #tpu.memory_space<hbm>> -> memref<1280xf32, #tpu.memory_space<hbm>>
        %dma_start3A_472 = arith.constant 2560 : i32
        %dma_start3A_473 = tpu.memref_slice %arg13[%dma_start3A_472] : memref<3840xf32, #tpu.memory_space<vmem>> -> memref<1280xf32, #tpu.memory_space<vmem>>
        %dma_start3A_474 = tpu.memref_slice %arg3[%add3A_468] : memref<3145728xf32, #tpu.memory_space<hbm>> -> memref<1280xf32, #tpu.memory_space<hbm>>
        tpu.enqueue_dma source(%dma_start3A_474 : memref<1280xf32, #tpu.memory_space<hbm>>) target(%dma_start3A_473 : memref<1280xf32, #tpu.memory_space<vmem>>) target_semaphore(%arg30 : memref<!tpu.dma_semaphore, #tpu.memory_space<semaphore_mem>>)
        %mul3A_475 = arith.constant 4 : i32
        %mul3A_476 = arith.muli %multiple_of3A_386, %mul3A_475 : i32
        %add3A_477 = arith.constant 8388608 : i32
        %add3A_478 = arith.addi %add3A_477, %mul3A_476 : i32
        %dma_start3A_479 = arith.constant 10240 : i32
        %dma_start3A_480 = tpu.memref_slice %arg14[%dma_start3A_479] : memref<15360xf32, #tpu.memory_space<vmem>> -> memref<5120xf32, #tpu.memory_space<vmem>>
        %dma_start3A_481 = tpu.memref_slice %arg4[%add3A_478] : memref<12582912xf32, #tpu.memory_space<hbm>> -> memref<5120xf32, #tpu.memory_space<hbm>>
        %dma_start3A_482 = arith.constant 10240 : i32
        %dma_start3A_483 = tpu.memref_slice %arg14[%dma_start3A_482] : memref<15360xf32, #tpu.memory_space<vmem>> -> memref<5120xf32, #tpu.memory_space<vmem>>
        %dma_start3A_484 = tpu.memref_slice %arg4[%add3A_478] : memref<12582912xf32, #tpu.memory_space<hbm>> -> memref<5120xf32, #tpu.memory_space<hbm>>
        tpu.enqueue_dma source(%dma_start3A_484 : memref<5120xf32, #tpu.memory_space<hbm>>) target(%dma_start3A_483 : memref<5120xf32, #tpu.memory_space<vmem>>) target_semaphore(%arg30 : memref<!tpu.dma_semaphore, #tpu.memory_space<semaphore_mem>>)
        %mul3A_485 = arith.constant 4 : i32
        %mul3A_486 = arith.muli %multiple_of3A_386, %mul3A_485 : i32
        %add3A_487 = arith.constant 8388608 : i32
        %add3A_488 = arith.addi %add3A_487, %mul3A_486 : i32
        %dma_start3A_489 = arith.constant 10240 : i32
        %dma_start3A_490 = tpu.memref_slice %arg15[%dma_start3A_489] : memref<15360xf32, #tpu.memory_space<vmem>> -> memref<5120xf32, #tpu.memory_space<vmem>>
        %dma_start3A_491 = tpu.memref_slice %arg5[%add3A_488] : memref<12582912xf32, #tpu.memory_space<hbm>> -> memref<5120xf32, #tpu.memory_space<hbm>>
        %dma_start3A_492 = arith.constant 10240 : i32
        %dma_start3A_493 = tpu.memref_slice %arg15[%dma_start3A_492] : memref<15360xf32, #tpu.memory_space<vmem>> -> memref<5120xf32, #tpu.memory_space<vmem>>
        %dma_start3A_494 = tpu.memref_slice %arg5[%add3A_488] : memref<12582912xf32, #tpu.memory_space<hbm>> -> memref<5120xf32, #tpu.memory_space<hbm>>
        tpu.enqueue_dma source(%dma_start3A_494 : memref<5120xf32, #tpu.memory_space<hbm>>) target(%dma_start3A_493 : memref<5120xf32, #tpu.memory_space<vmem>>) target_semaphore(%arg30 : memref<!tpu.dma_semaphore, #tpu.memory_space<semaphore_mem>>)
        %add3A_495 = arith.constant 0 : i32
        %add3A_496 = arith.addi %add3A_495, %multiple_of3A_386 : i32
        %dma_start3A_497 = arith.constant 0 : i32
        %dma_start3A_498 = tpu.memref_slice %arg16[%dma_start3A_497] : memref<5120xf32, #tpu.memory_space<vmem>> -> memref<1280xf32, #tpu.memory_space<vmem>>
        %dma_start3A_499 = tpu.memref_slice %arg6[%add3A_496] : memref<4194304xf32, #tpu.memory_space<hbm>> -> memref<1280xf32, #tpu.memory_space<hbm>>
        %dma_start3A_500 = arith.constant 0 : i32
        %dma_start3A_501 = tpu.memref_slice %arg16[%dma_start3A_500] : memref<5120xf32, #tpu.memory_space<vmem>> -> memref<1280xf32, #tpu.memory_space<vmem>>
        %dma_start3A_502 = tpu.memref_slice %arg6[%add3A_496] : memref<4194304xf32, #tpu.memory_space<hbm>> -> memref<1280xf32, #tpu.memory_space<hbm>>
        tpu.enqueue_dma source(%dma_start3A_502 : memref<1280xf32, #tpu.memory_space<hbm>>) target(%dma_start3A_501 : memref<1280xf32, #tpu.memory_space<vmem>>) target_semaphore(%arg30 : memref<!tpu.dma_semaphore, #tpu.memory_space<semaphore_mem>>)
        %add3A_503 = arith.constant 1048576 : i32
        %add3A_504 = arith.addi %add3A_503, %multiple_of3A_386 : i32
        %dma_start3A_505 = arith.constant 1280 : i32
        %dma_start3A_506 = tpu.memref_slice %arg16[%dma_start3A_505] : memref<5120xf32, #tpu.memory_space<vmem>> -> memref<1280xf32, #tpu.memory_space<vmem>>
        %dma_start3A_507 = tpu.memref_slice %arg6[%add3A_504] : memref<4194304xf32, #tpu.memory_space<hbm>> -> memref<1280xf32, #tpu.memory_space<hbm>>
        %dma_start3A_508 = arith.constant 1280 : i32
        %dma_start3A_509 = tpu.memref_slice %arg16[%dma_start3A_508] : memref<5120xf32, #tpu.memory_space<vmem>> -> memref<1280xf32, #tpu.memory_space<vmem>>
        %dma_start3A_510 = tpu.memref_slice %arg6[%add3A_504] : memref<4194304xf32, #tpu.memory_space<hbm>> -> memref<1280xf32, #tpu.memory_space<hbm>>
        tpu.enqueue_dma source(%dma_start3A_510 : memref<1280xf32, #tpu.memory_space<hbm>>) target(%dma_start3A_509 : memref<1280xf32, #tpu.memory_space<vmem>>) target_semaphore(%arg30 : memref<!tpu.dma_semaphore, #tpu.memory_space<semaphore_mem>>)
        %add3A_511 = arith.constant 2097152 : i32
        %add3A_512 = arith.addi %add3A_511, %multiple_of3A_386 : i32
        %dma_start3A_513 = arith.constant 2560 : i32
        %dma_start3A_514 = tpu.memref_slice %arg16[%dma_start3A_513] : memref<5120xf32, #tpu.memory_space<vmem>> -> memref<1280xf32, #tpu.memory_space<vmem>>
        %dma_start3A_515 = tpu.memref_slice %arg6[%add3A_512] : memref<4194304xf32, #tpu.memory_space<hbm>> -> memref<1280xf32, #tpu.memory_space<hbm>>
        %dma_start3A_516 = arith.constant 2560 : i32
        %dma_start3A_517 = tpu.memref_slice %arg16[%dma_start3A_516] : memref<5120xf32, #tpu.memory_space<vmem>> -> memref<1280xf32, #tpu.memory_space<vmem>>
        %dma_start3A_518 = tpu.memref_slice %arg6[%add3A_512] : memref<4194304xf32, #tpu.memory_space<hbm>> -> memref<1280xf32, #tpu.memory_space<hbm>>
        tpu.enqueue_dma source(%dma_start3A_518 : memref<1280xf32, #tpu.memory_space<hbm>>) target(%dma_start3A_517 : memref<1280xf32, #tpu.memory_space<vmem>>) target_semaphore(%arg30 : memref<!tpu.dma_semaphore, #tpu.memory_space<semaphore_mem>>)
        %add3A_519 = arith.constant 3145728 : i32
        %add3A_520 = arith.addi %add3A_519, %multiple_of3A_386 : i32
        %dma_start3A_521 = arith.constant 3840 : i32
        %dma_start3A_522 = tpu.memref_slice %arg16[%dma_start3A_521] : memref<5120xf32, #tpu.memory_space<vmem>> -> memref<1280xf32, #tpu.memory_space<vmem>>
        %dma_start3A_523 = tpu.memref_slice %arg6[%add3A_520] : memref<4194304xf32, #tpu.memory_space<hbm>> -> memref<1280xf32, #tpu.memory_space<hbm>>
        %dma_start3A_524 = arith.constant 3840 : i32
        %dma_start3A_525 = tpu.memref_slice %arg16[%dma_start3A_524] : memref<5120xf32, #tpu.memory_space<vmem>> -> memref<1280xf32, #tpu.memory_space<vmem>>
        %dma_start3A_526 = tpu.memref_slice %arg6[%add3A_520] : memref<4194304xf32, #tpu.memory_space<hbm>> -> memref<1280xf32, #tpu.memory_space<hbm>>
        tpu.enqueue_dma source(%dma_start3A_526 : memref<1280xf32, #tpu.memory_space<hbm>>) target(%dma_start3A_525 : memref<1280xf32, #tpu.memory_space<vmem>>) target_semaphore(%arg30 : memref<!tpu.dma_semaphore, #tpu.memory_space<semaphore_mem>>)
        %dma_start3A_527 = tpu.memref_slice %arg7[%multiple_of3A_386] : memref<1048576xf32, #tpu.memory_space<hbm>> -> memref<1280xf32, #tpu.memory_space<hbm>>
        %dma_start3A_528 = tpu.memref_slice %arg7[%multiple_of3A_386] : memref<1048576xf32, #tpu.memory_space<hbm>> -> memref<1280xf32, #tpu.memory_space<hbm>>
        tpu.enqueue_dma source(%dma_start3A_528 : memref<1280xf32, #tpu.memory_space<hbm>>) target(%arg17 : memref<1280xf32, #tpu.memory_space<vmem>>) target_semaphore(%arg30 : memref<!tpu.dma_semaphore, #tpu.memory_space<semaphore_mem>>)
        %dma_start3A_529 = tpu.memref_slice %arg8[%multiple_of3A_386] : memref<1048576xi32, #tpu.memory_space<hbm>> -> memref<1280xi32, #tpu.memory_space<hbm>>
        %dma_start3A_530 = tpu.memref_slice %arg8[%multiple_of3A_386] : memref<1048576xi32, #tpu.memory_space<hbm>> -> memref<1280xi32, #tpu.memory_space<hbm>>
        tpu.enqueue_dma source(%dma_start3A_530 : memref<1280xi32, #tpu.memory_space<hbm>>) target(%arg18 : memref<1280xi32, #tpu.memory_space<vmem>>) target_semaphore(%arg30 : memref<!tpu.dma_semaphore, #tpu.memory_space<semaphore_mem>>)
      } else {
      }
      %lt3A_375 = arith.cmpi slt, %add3A_219, %div3A_161 : i32
      %convert_element_type3A_376 = arith.extui %lt3A_375 : i1 to i32
      %cond3A_377 = arith.constant 0 : i32
      %cond3A_378 = arith.cmpi ne, %convert_element_type3A_376, %cond3A_377 : i32
      scf.if %cond3A_378 {
        %dma_wait3A_379 = arith.constant 0 : i32
        %dma_wait3A_380 = tpu.memref_slice %arg19[%dma_wait3A_379] : memref<3840xf32, #tpu.memory_space<vmem>> -> memref<1280xf32, #tpu.memory_space<vmem>>
        %dma_wait3A_381 = arith.constant 0 : i32
        %dma_wait3A_382 = tpu.memref_slice %arg2[%dma_wait3A_381] : memref<3145728xf32, #tpu.memory_space<hbm>> -> memref<1280xf32, #tpu.memory_space<hbm>>
        %dma_wait3A_383 = arith.constant 0 : i32
        %dma_wait3A_384 = tpu.memref_slice %arg19[%dma_wait3A_383] : memref<3840xf32, #tpu.memory_space<vmem>> -> memref<1280xf32, #tpu.memory_space<vmem>>
        %dma_wait3A_385 = arith.constant 0 : i32
        %dma_wait3A_386 = tpu.memref_slice %arg2[%dma_wait3A_385] : memref<3145728xf32, #tpu.memory_space<hbm>> -> memref<1280xf32, #tpu.memory_space<hbm>>
        tpu.wait_dma2 semaphore(%arg31 : memref<!tpu.dma_semaphore, #tpu.memory_space<semaphore_mem>>) src(%dma_wait3A_386 : memref<1280xf32, #tpu.memory_space<hbm>>) dst(%dma_wait3A_384 : memref<1280xf32, #tpu.memory_space<vmem>>)
        %dma_wait3A_387 = arith.constant 0 : i32
        %dma_wait3A_388 = tpu.memref_slice %arg20[%dma_wait3A_387] : memref<3840xf32, #tpu.memory_space<vmem>> -> memref<1280xf32, #tpu.memory_space<vmem>>
        %dma_wait3A_389 = arith.constant 0 : i32
        %dma_wait3A_390 = tpu.memref_slice %arg3[%dma_wait3A_389] : memref<3145728xf32, #tpu.memory_space<hbm>> -> memref<1280xf32, #tpu.memory_space<hbm>>
        %dma_wait3A_391 = arith.constant 0 : i32
        %dma_wait3A_392 = tpu.memref_slice %arg20[%dma_wait3A_391] : memref<3840xf32, #tpu.memory_space<vmem>> -> memref<1280xf32, #tpu.memory_space<vmem>>
        %dma_wait3A_393 = arith.constant 0 : i32
        %dma_wait3A_394 = tpu.memref_slice %arg3[%dma_wait3A_393] : memref<3145728xf32, #tpu.memory_space<hbm>> -> memref<1280xf32, #tpu.memory_space<hbm>>
        tpu.wait_dma2 semaphore(%arg31 : memref<!tpu.dma_semaphore, #tpu.memory_space<semaphore_mem>>) src(%dma_wait3A_394 : memref<1280xf32, #tpu.memory_space<hbm>>) dst(%dma_wait3A_392 : memref<1280xf32, #tpu.memory_space<vmem>>)
        %dma_wait3A_395 = arith.constant 0 : i32
        %dma_wait3A_396 = tpu.memref_slice %arg21[%dma_wait3A_395] : memref<15360xf32, #tpu.memory_space<vmem>> -> memref<5120xf32, #tpu.memory_space<vmem>>
        %dma_wait3A_397 = arith.constant 0 : i32
        %dma_wait3A_398 = tpu.memref_slice %arg4[%dma_wait3A_397] : memref<12582912xf32, #tpu.memory_space<hbm>> -> memref<5120xf32, #tpu.memory_space<hbm>>
        %dma_wait3A_399 = arith.constant 0 : i32
        %dma_wait3A_400 = tpu.memref_slice %arg21[%dma_wait3A_399] : memref<15360xf32, #tpu.memory_space<vmem>> -> memref<5120xf32, #tpu.memory_space<vmem>>
        %dma_wait3A_401 = arith.constant 0 : i32
        %dma_wait3A_402 = tpu.memref_slice %arg4[%dma_wait3A_401] : memref<12582912xf32, #tpu.memory_space<hbm>> -> memref<5120xf32, #tpu.memory_space<hbm>>
        tpu.wait_dma2 semaphore(%arg31 : memref<!tpu.dma_semaphore, #tpu.memory_space<semaphore_mem>>) src(%dma_wait3A_402 : memref<5120xf32, #tpu.memory_space<hbm>>) dst(%dma_wait3A_400 : memref<5120xf32, #tpu.memory_space<vmem>>)
        %dma_wait3A_403 = arith.constant 0 : i32
        %dma_wait3A_404 = tpu.memref_slice %arg22[%dma_wait3A_403] : memref<15360xf32, #tpu.memory_space<vmem>> -> memref<5120xf32, #tpu.memory_space<vmem>>
        %dma_wait3A_405 = arith.constant 0 : i32
        %dma_wait3A_406 = tpu.memref_slice %arg5[%dma_wait3A_405] : memref<12582912xf32, #tpu.memory_space<hbm>> -> memref<5120xf32, #tpu.memory_space<hbm>>
        %dma_wait3A_407 = arith.constant 0 : i32
        %dma_wait3A_408 = tpu.memref_slice %arg22[%dma_wait3A_407] : memref<15360xf32, #tpu.memory_space<vmem>> -> memref<5120xf32, #tpu.memory_space<vmem>>
        %dma_wait3A_409 = arith.constant 0 : i32
        %dma_wait3A_410 = tpu.memref_slice %arg5[%dma_wait3A_409] : memref<12582912xf32, #tpu.memory_space<hbm>> -> memref<5120xf32, #tpu.memory_space<hbm>>
        tpu.wait_dma2 semaphore(%arg31 : memref<!tpu.dma_semaphore, #tpu.memory_space<semaphore_mem>>) src(%dma_wait3A_410 : memref<5120xf32, #tpu.memory_space<hbm>>) dst(%dma_wait3A_408 : memref<5120xf32, #tpu.memory_space<vmem>>)
        %dma_wait3A_411 = arith.constant 1280 : i32
        %dma_wait3A_412 = tpu.memref_slice %arg19[%dma_wait3A_411] : memref<3840xf32, #tpu.memory_space<vmem>> -> memref<1280xf32, #tpu.memory_space<vmem>>
        %dma_wait3A_413 = arith.constant 1048576 : i32
        %dma_wait3A_414 = tpu.memref_slice %arg2[%dma_wait3A_413] : memref<3145728xf32, #tpu.memory_space<hbm>> -> memref<1280xf32, #tpu.memory_space<hbm>>
        %dma_wait3A_415 = arith.constant 1280 : i32
        %dma_wait3A_416 = tpu.memref_slice %arg19[%dma_wait3A_415] : memref<3840xf32, #tpu.memory_space<vmem>> -> memref<1280xf32, #tpu.memory_space<vmem>>
        %dma_wait3A_417 = arith.constant 1048576 : i32
        %dma_wait3A_418 = tpu.memref_slice %arg2[%dma_wait3A_417] : memref<3145728xf32, #tpu.memory_space<hbm>> -> memref<1280xf32, #tpu.memory_space<hbm>>
        tpu.wait_dma2 semaphore(%arg31 : memref<!tpu.dma_semaphore, #tpu.memory_space<semaphore_mem>>) src(%dma_wait3A_418 : memref<1280xf32, #tpu.memory_space<hbm>>) dst(%dma_wait3A_416 : memref<1280xf32, #tpu.memory_space<vmem>>)
        %dma_wait3A_419 = arith.constant 1280 : i32
        %dma_wait3A_420 = tpu.memref_slice %arg20[%dma_wait3A_419] : memref<3840xf32, #tpu.memory_space<vmem>> -> memref<1280xf32, #tpu.memory_space<vmem>>
        %dma_wait3A_421 = arith.constant 1048576 : i32
        %dma_wait3A_422 = tpu.memref_slice %arg3[%dma_wait3A_421] : memref<3145728xf32, #tpu.memory_space<hbm>> -> memref<1280xf32, #tpu.memory_space<hbm>>
        %dma_wait3A_423 = arith.constant 1280 : i32
        %dma_wait3A_424 = tpu.memref_slice %arg20[%dma_wait3A_423] : memref<3840xf32, #tpu.memory_space<vmem>> -> memref<1280xf32, #tpu.memory_space<vmem>>
        %dma_wait3A_425 = arith.constant 1048576 : i32
        %dma_wait3A_426 = tpu.memref_slice %arg3[%dma_wait3A_425] : memref<3145728xf32, #tpu.memory_space<hbm>> -> memref<1280xf32, #tpu.memory_space<hbm>>
        tpu.wait_dma2 semaphore(%arg31 : memref<!tpu.dma_semaphore, #tpu.memory_space<semaphore_mem>>) src(%dma_wait3A_426 : memref<1280xf32, #tpu.memory_space<hbm>>) dst(%dma_wait3A_424 : memref<1280xf32, #tpu.memory_space<vmem>>)
        %dma_wait3A_427 = arith.constant 5120 : i32
        %dma_wait3A_428 = tpu.memref_slice %arg21[%dma_wait3A_427] : memref<15360xf32, #tpu.memory_space<vmem>> -> memref<5120xf32, #tpu.memory_space<vmem>>
        %dma_wait3A_429 = arith.constant 0 : i32
        %dma_wait3A_430 = tpu.memref_slice %arg4[%dma_wait3A_429] : memref<12582912xf32, #tpu.memory_space<hbm>> -> memref<5120xf32, #tpu.memory_space<hbm>>
        %dma_wait3A_431 = arith.constant 5120 : i32
        %dma_wait3A_432 = tpu.memref_slice %arg21[%dma_wait3A_431] : memref<15360xf32, #tpu.memory_space<vmem>> -> memref<5120xf32, #tpu.memory_space<vmem>>
        %dma_wait3A_433 = arith.constant 0 : i32
        %dma_wait3A_434 = tpu.memref_slice %arg4[%dma_wait3A_433] : memref<12582912xf32, #tpu.memory_space<hbm>> -> memref<5120xf32, #tpu.memory_space<hbm>>
        tpu.wait_dma2 semaphore(%arg31 : memref<!tpu.dma_semaphore, #tpu.memory_space<semaphore_mem>>) src(%dma_wait3A_434 : memref<5120xf32, #tpu.memory_space<hbm>>) dst(%dma_wait3A_432 : memref<5120xf32, #tpu.memory_space<vmem>>)
        %dma_wait3A_435 = arith.constant 5120 : i32
        %dma_wait3A_436 = tpu.memref_slice %arg22[%dma_wait3A_435] : memref<15360xf32, #tpu.memory_space<vmem>> -> memref<5120xf32, #tpu.memory_space<vmem>>
        %dma_wait3A_437 = arith.constant 0 : i32
        %dma_wait3A_438 = tpu.memref_slice %arg5[%dma_wait3A_437] : memref<12582912xf32, #tpu.memory_space<hbm>> -> memref<5120xf32, #tpu.memory_space<hbm>>
        %dma_wait3A_439 = arith.constant 5120 : i32
        %dma_wait3A_440 = tpu.memref_slice %arg22[%dma_wait3A_439] : memref<15360xf32, #tpu.memory_space<vmem>> -> memref<5120xf32, #tpu.memory_space<vmem>>
        %dma_wait3A_441 = arith.constant 0 : i32
        %dma_wait3A_442 = tpu.memref_slice %arg5[%dma_wait3A_441] : memref<12582912xf32, #tpu.memory_space<hbm>> -> memref<5120xf32, #tpu.memory_space<hbm>>
        tpu.wait_dma2 semaphore(%arg31 : memref<!tpu.dma_semaphore, #tpu.memory_space<semaphore_mem>>) src(%dma_wait3A_442 : memref<5120xf32, #tpu.memory_space<hbm>>) dst(%dma_wait3A_440 : memref<5120xf32, #tpu.memory_space<vmem>>)
        %dma_wait3A_443 = arith.constant 2560 : i32
        %dma_wait3A_444 = tpu.memref_slice %arg19[%dma_wait3A_443] : memref<3840xf32, #tpu.memory_space<vmem>> -> memref<1280xf32, #tpu.memory_space<vmem>>
        %dma_wait3A_445 = arith.constant 2097152 : i32
        %dma_wait3A_446 = tpu.memref_slice %arg2[%dma_wait3A_445] : memref<3145728xf32, #tpu.memory_space<hbm>> -> memref<1280xf32, #tpu.memory_space<hbm>>
        %dma_wait3A_447 = arith.constant 2560 : i32
        %dma_wait3A_448 = tpu.memref_slice %arg19[%dma_wait3A_447] : memref<3840xf32, #tpu.memory_space<vmem>> -> memref<1280xf32, #tpu.memory_space<vmem>>
        %dma_wait3A_449 = arith.constant 2097152 : i32
        %dma_wait3A_450 = tpu.memref_slice %arg2[%dma_wait3A_449] : memref<3145728xf32, #tpu.memory_space<hbm>> -> memref<1280xf32, #tpu.memory_space<hbm>>
        tpu.wait_dma2 semaphore(%arg31 : memref<!tpu.dma_semaphore, #tpu.memory_space<semaphore_mem>>) src(%dma_wait3A_450 : memref<1280xf32, #tpu.memory_space<hbm>>) dst(%dma_wait3A_448 : memref<1280xf32, #tpu.memory_space<vmem>>)
        %dma_wait3A_451 = arith.constant 2560 : i32
        %dma_wait3A_452 = tpu.memref_slice %arg20[%dma_wait3A_451] : memref<3840xf32, #tpu.memory_space<vmem>> -> memref<1280xf32, #tpu.memory_space<vmem>>
        %dma_wait3A_453 = arith.constant 2097152 : i32
        %dma_wait3A_454 = tpu.memref_slice %arg3[%dma_wait3A_453] : memref<3145728xf32, #tpu.memory_space<hbm>> -> memref<1280xf32, #tpu.memory_space<hbm>>
        %dma_wait3A_455 = arith.constant 2560 : i32
        %dma_wait3A_456 = tpu.memref_slice %arg20[%dma_wait3A_455] : memref<3840xf32, #tpu.memory_space<vmem>> -> memref<1280xf32, #tpu.memory_space<vmem>>
        %dma_wait3A_457 = arith.constant 2097152 : i32
        %dma_wait3A_458 = tpu.memref_slice %arg3[%dma_wait3A_457] : memref<3145728xf32, #tpu.memory_space<hbm>> -> memref<1280xf32, #tpu.memory_space<hbm>>
        tpu.wait_dma2 semaphore(%arg31 : memref<!tpu.dma_semaphore, #tpu.memory_space<semaphore_mem>>) src(%dma_wait3A_458 : memref<1280xf32, #tpu.memory_space<hbm>>) dst(%dma_wait3A_456 : memref<1280xf32, #tpu.memory_space<vmem>>)
        %dma_wait3A_459 = arith.constant 10240 : i32
        %dma_wait3A_460 = tpu.memref_slice %arg21[%dma_wait3A_459] : memref<15360xf32, #tpu.memory_space<vmem>> -> memref<5120xf32, #tpu.memory_space<vmem>>
        %dma_wait3A_461 = arith.constant 0 : i32
        %dma_wait3A_462 = tpu.memref_slice %arg4[%dma_wait3A_461] : memref<12582912xf32, #tpu.memory_space<hbm>> -> memref<5120xf32, #tpu.memory_space<hbm>>
        %dma_wait3A_463 = arith.constant 10240 : i32
        %dma_wait3A_464 = tpu.memref_slice %arg21[%dma_wait3A_463] : memref<15360xf32, #tpu.memory_space<vmem>> -> memref<5120xf32, #tpu.memory_space<vmem>>
        %dma_wait3A_465 = arith.constant 0 : i32
        %dma_wait3A_466 = tpu.memref_slice %arg4[%dma_wait3A_465] : memref<12582912xf32, #tpu.memory_space<hbm>> -> memref<5120xf32, #tpu.memory_space<hbm>>
        tpu.wait_dma2 semaphore(%arg31 : memref<!tpu.dma_semaphore, #tpu.memory_space<semaphore_mem>>) src(%dma_wait3A_466 : memref<5120xf32, #tpu.memory_space<hbm>>) dst(%dma_wait3A_464 : memref<5120xf32, #tpu.memory_space<vmem>>)
        %dma_wait3A_467 = arith.constant 10240 : i32
        %dma_wait3A_468 = tpu.memref_slice %arg22[%dma_wait3A_467] : memref<15360xf32, #tpu.memory_space<vmem>> -> memref<5120xf32, #tpu.memory_space<vmem>>
        %dma_wait3A_469 = arith.constant 0 : i32
        %dma_wait3A_470 = tpu.memref_slice %arg5[%dma_wait3A_469] : memref<12582912xf32, #tpu.memory_space<hbm>> -> memref<5120xf32, #tpu.memory_space<hbm>>
        %dma_wait3A_471 = arith.constant 10240 : i32
        %dma_wait3A_472 = tpu.memref_slice %arg22[%dma_wait3A_471] : memref<15360xf32, #tpu.memory_space<vmem>> -> memref<5120xf32, #tpu.memory_space<vmem>>
        %dma_wait3A_473 = arith.constant 0 : i32
        %dma_wait3A_474 = tpu.memref_slice %arg5[%dma_wait3A_473] : memref<12582912xf32, #tpu.memory_space<hbm>> -> memref<5120xf32, #tpu.memory_space<hbm>>
        tpu.wait_dma2 semaphore(%arg31 : memref<!tpu.dma_semaphore, #tpu.memory_space<semaphore_mem>>) src(%dma_wait3A_474 : memref<5120xf32, #tpu.memory_space<hbm>>) dst(%dma_wait3A_472 : memref<5120xf32, #tpu.memory_space<vmem>>)
        %dma_wait3A_475 = arith.constant 0 : i32
        %dma_wait3A_476 = tpu.memref_slice %arg23[%dma_wait3A_475] : memref<5120xf32, #tpu.memory_space<vmem>> -> memref<1280xf32, #tpu.memory_space<vmem>>
        %dma_wait3A_477 = arith.constant 0 : i32
        %dma_wait3A_478 = tpu.memref_slice %arg6[%dma_wait3A_477] : memref<4194304xf32, #tpu.memory_space<hbm>> -> memref<1280xf32, #tpu.memory_space<hbm>>
        %dma_wait3A_479 = arith.constant 0 : i32
        %dma_wait3A_480 = tpu.memref_slice %arg23[%dma_wait3A_479] : memref<5120xf32, #tpu.memory_space<vmem>> -> memref<1280xf32, #tpu.memory_space<vmem>>
        %dma_wait3A_481 = arith.constant 0 : i32
        %dma_wait3A_482 = tpu.memref_slice %arg6[%dma_wait3A_481] : memref<4194304xf32, #tpu.memory_space<hbm>> -> memref<1280xf32, #tpu.memory_space<hbm>>
        tpu.wait_dma2 semaphore(%arg31 : memref<!tpu.dma_semaphore, #tpu.memory_space<semaphore_mem>>) src(%dma_wait3A_482 : memref<1280xf32, #tpu.memory_space<hbm>>) dst(%dma_wait3A_480 : memref<1280xf32, #tpu.memory_space<vmem>>)
        %dma_wait3A_483 = arith.constant 1280 : i32
        %dma_wait3A_484 = tpu.memref_slice %arg23[%dma_wait3A_483] : memref<5120xf32, #tpu.memory_space<vmem>> -> memref<1280xf32, #tpu.memory_space<vmem>>
        %dma_wait3A_485 = arith.constant 1048576 : i32
        %dma_wait3A_486 = tpu.memref_slice %arg6[%dma_wait3A_485] : memref<4194304xf32, #tpu.memory_space<hbm>> -> memref<1280xf32, #tpu.memory_space<hbm>>
        %dma_wait3A_487 = arith.constant 1280 : i32
        %dma_wait3A_488 = tpu.memref_slice %arg23[%dma_wait3A_487] : memref<5120xf32, #tpu.memory_space<vmem>> -> memref<1280xf32, #tpu.memory_space<vmem>>
        %dma_wait3A_489 = arith.constant 1048576 : i32
        %dma_wait3A_490 = tpu.memref_slice %arg6[%dma_wait3A_489] : memref<4194304xf32, #tpu.memory_space<hbm>> -> memref<1280xf32, #tpu.memory_space<hbm>>
        tpu.wait_dma2 semaphore(%arg31 : memref<!tpu.dma_semaphore, #tpu.memory_space<semaphore_mem>>) src(%dma_wait3A_490 : memref<1280xf32, #tpu.memory_space<hbm>>) dst(%dma_wait3A_488 : memref<1280xf32, #tpu.memory_space<vmem>>)
        %dma_wait3A_491 = arith.constant 2560 : i32
        %dma_wait3A_492 = tpu.memref_slice %arg23[%dma_wait3A_491] : memref<5120xf32, #tpu.memory_space<vmem>> -> memref<1280xf32, #tpu.memory_space<vmem>>
        %dma_wait3A_493 = arith.constant 2097152 : i32
        %dma_wait3A_494 = tpu.memref_slice %arg6[%dma_wait3A_493] : memref<4194304xf32, #tpu.memory_space<hbm>> -> memref<1280xf32, #tpu.memory_space<hbm>>
        %dma_wait3A_495 = arith.constant 2560 : i32
        %dma_wait3A_496 = tpu.memref_slice %arg23[%dma_wait3A_495] : memref<5120xf32, #tpu.memory_space<vmem>> -> memref<1280xf32, #tpu.memory_space<vmem>>
        %dma_wait3A_497 = arith.constant 2097152 : i32
        %dma_wait3A_498 = tpu.memref_slice %arg6[%dma_wait3A_497] : memref<4194304xf32, #tpu.memory_space<hbm>> -> memref<1280xf32, #tpu.memory_space<hbm>>
        tpu.wait_dma2 semaphore(%arg31 : memref<!tpu.dma_semaphore, #tpu.memory_space<semaphore_mem>>) src(%dma_wait3A_498 : memref<1280xf32, #tpu.memory_space<hbm>>) dst(%dma_wait3A_496 : memref<1280xf32, #tpu.memory_space<vmem>>)
        %dma_wait3A_499 = arith.constant 3840 : i32
        %dma_wait3A_500 = tpu.memref_slice %arg23[%dma_wait3A_499] : memref<5120xf32, #tpu.memory_space<vmem>> -> memref<1280xf32, #tpu.memory_space<vmem>>
        %dma_wait3A_501 = arith.constant 3145728 : i32
        %dma_wait3A_502 = tpu.memref_slice %arg6[%dma_wait3A_501] : memref<4194304xf32, #tpu.memory_space<hbm>> -> memref<1280xf32, #tpu.memory_space<hbm>>
        %dma_wait3A_503 = arith.constant 3840 : i32
        %dma_wait3A_504 = tpu.memref_slice %arg23[%dma_wait3A_503] : memref<5120xf32, #tpu.memory_space<vmem>> -> memref<1280xf32, #tpu.memory_space<vmem>>
        %dma_wait3A_505 = arith.constant 3145728 : i32
        %dma_wait3A_506 = tpu.memref_slice %arg6[%dma_wait3A_505] : memref<4194304xf32, #tpu.memory_space<hbm>> -> memref<1280xf32, #tpu.memory_space<hbm>>
        tpu.wait_dma2 semaphore(%arg31 : memref<!tpu.dma_semaphore, #tpu.memory_space<semaphore_mem>>) src(%dma_wait3A_506 : memref<1280xf32, #tpu.memory_space<hbm>>) dst(%dma_wait3A_504 : memref<1280xf32, #tpu.memory_space<vmem>>)
        %dma_wait3A_507 = arith.constant 0 : i32
        %dma_wait3A_508 = tpu.memref_slice %arg7[%dma_wait3A_507] : memref<1048576xf32, #tpu.memory_space<hbm>> -> memref<1280xf32, #tpu.memory_space<hbm>>
        %dma_wait3A_509 = arith.constant 0 : i32
        %dma_wait3A_510 = tpu.memref_slice %arg7[%dma_wait3A_509] : memref<1048576xf32, #tpu.memory_space<hbm>> -> memref<1280xf32, #tpu.memory_space<hbm>>
        tpu.wait_dma2 semaphore(%arg31 : memref<!tpu.dma_semaphore, #tpu.memory_space<semaphore_mem>>) src(%dma_wait3A_510 : memref<1280xf32, #tpu.memory_space<hbm>>) dst(%arg24 : memref<1280xf32, #tpu.memory_space<vmem>>)
        %dma_wait3A_511 = arith.constant 0 : i32
        %dma_wait3A_512 = tpu.memref_slice %arg8[%dma_wait3A_511] : memref<1048576xi32, #tpu.memory_space<hbm>> -> memref<1280xi32, #tpu.memory_space<hbm>>
        %dma_wait3A_513 = arith.constant 0 : i32
        %dma_wait3A_514 = tpu.memref_slice %arg8[%dma_wait3A_513] : memref<1048576xi32, #tpu.memory_space<hbm>> -> memref<1280xi32, #tpu.memory_space<hbm>>
        tpu.wait_dma2 semaphore(%arg31 : memref<!tpu.dma_semaphore, #tpu.memory_space<semaphore_mem>>) src(%dma_wait3A_514 : memref<1280xi32, #tpu.memory_space<hbm>>) dst(%arg25 : memref<1280xi32, #tpu.memory_space<vmem>>)
        %mul3A_515 = arith.constant 1280 : i32
        %mul3A_516 = arith.muli %add3A_219, %mul3A_515 : i32
        %add3A_517 = arith.addi %multiple_of3A, %mul3A_516 : i32
        %min3A_518 = arith.constant 1047296 : i32
        %min3A_519 = arith.minsi %add3A_517, %min3A_518 : i32
        %multiple_of3A_520 = tpu.assume_multiple %min3A_519, 128 : i32
        %sub3A_521 = arith.subi %add3A_517, %multiple_of3A_520 : i32
        %parallel_loop3A_522 = arith.constant 0 : i32
        %parallel_loop3A_523 = arith.constant 80 : i32
        %parallel_loop3A_524 = arith.constant 1 : i32
        scf.for %parallel_loop3A_525 = %parallel_loop3A_522 to %parallel_loop3A_523 step %parallel_loop3A_524  : i32 {
          %parallel_loop3A_526 = arith.constant 16 : i32
          %parallel_loop3A_527 = arith.muli %parallel_loop3A_525, %parallel_loop3A_526 : i32
          %parallel_loop3A_528 = arith.constant 3 : i32
          %parallel_loop3A_529 = arith.shrsi %parallel_loop3A_525, %parallel_loop3A_528 : i32
          %parallel_loop3A_530 = arith.constant 4 : i32
          %parallel_loop3A_531 = arith.muli %parallel_loop3A_529, %parallel_loop3A_530 : i32
          %parallel_loop3A_532 = arith.constant 128 : i32
          %parallel_loop3A_533 = arith.muli %parallel_loop3A_531, %parallel_loop3A_532 : i32
          %parallel_loop3A_534 = arith.constant 7 : i32
          %parallel_loop3A_535 = arith.andi %parallel_loop3A_525, %parallel_loop3A_534 : i32
          %parallel_loop3A_536 = arith.constant 16 : i32
          %parallel_loop3A_537 = arith.muli %parallel_loop3A_535, %parallel_loop3A_536 : i32
          %parallel_loop3A_538 = arith.addi %parallel_loop3A_533, %parallel_loop3A_537 : i32
          %parallel_loop3A_539 = arith.index_cast %parallel_loop3A_527 : i32 to index
          %parallel_loop3A_540 = tpu.vector_load %arg20[%parallel_loop3A_539] {strides = array<i32>} : memref<3840xf32, #tpu.memory_space<vmem>>, vector<16xf32>,
          %parallel_loop3A_541 = arith.constant 1280 : i32
          %parallel_loop3A_542 = arith.addi %parallel_loop3A_541, %parallel_loop3A_527 : i32
          %parallel_loop3A_543 = arith.index_cast %parallel_loop3A_542 : i32 to index
          %parallel_loop3A_544 = tpu.vector_load %arg20[%parallel_loop3A_543] {strides = array<i32>} : memref<3840xf32, #tpu.memory_space<vmem>>, vector<16xf32>,
          %parallel_loop3A_545 = arith.constant 2560 : i32
          %parallel_loop3A_546 = arith.addi %parallel_loop3A_545, %parallel_loop3A_527 : i32
          %parallel_loop3A_547 = arith.index_cast %parallel_loop3A_546 : i32 to index
          %parallel_loop3A_548 = tpu.vector_load %arg20[%parallel_loop3A_547] {strides = array<i32>} : memref<3840xf32, #tpu.memory_space<vmem>>, vector<16xf32>,
          %parallel_loop3A_549 = arith.constant 0 : i32
          %parallel_loop3A_550 = arith.addi %parallel_loop3A_538, %parallel_loop3A_549 : i32
          %parallel_loop3A_551 = arith.index_cast %parallel_loop3A_550 : i32 to index
          %parallel_loop3A_552 = tpu.vector_load %arg21[%parallel_loop3A_551] {strides = array<i32>} : memref<15360xf32, #tpu.memory_space<vmem>>, vector<16xf32>,
          %parallel_loop3A_553 = arith.constant 5120 : i32
          %parallel_loop3A_554 = arith.addi %parallel_loop3A_553, %parallel_loop3A_550 : i32
          %parallel_loop3A_555 = arith.index_cast %parallel_loop3A_554 : i32 to index
          %parallel_loop3A_556 = tpu.vector_load %arg21[%parallel_loop3A_555] {strides = array<i32>} : memref<15360xf32, #tpu.memory_space<vmem>>, vector<16xf32>,
          %parallel_loop3A_557 = arith.constant 10240 : i32
          %parallel_loop3A_558 = arith.addi %parallel_loop3A_557, %parallel_loop3A_550 : i32
          %parallel_loop3A_559 = arith.index_cast %parallel_loop3A_558 : i32 to index
          %parallel_loop3A_560 = tpu.vector_load %arg21[%parallel_loop3A_559] {strides = array<i32>} : memref<15360xf32, #tpu.memory_space<vmem>>, vector<16xf32>,
          %parallel_loop3A_561 = arith.mulf %parallel_loop3A_540, %parallel_loop3A_552 : vector<16xf32>
          %parallel_loop3A_562 = arith.mulf %parallel_loop3A_544, %parallel_loop3A_556 : vector<16xf32>
          %parallel_loop3A_563 = arith.addf %parallel_loop3A_561, %parallel_loop3A_562 : vector<16xf32>
          %parallel_loop3A_564 = arith.mulf %parallel_loop3A_548, %parallel_loop3A_560 : vector<16xf32>
          %parallel_loop3A_565 = arith.addf %parallel_loop3A_563, %parallel_loop3A_564 : vector<16xf32>
          %parallel_loop3A_566 = arith.constant 0.000000e+00 : f32
          %parallel_loop3A_567 = vector.broadcast %parallel_loop3A_566 : f32 to vector<16xf32>
          %parallel_loop3A_568 = arith.maximumf %parallel_loop3A_565, %parallel_loop3A_567 : vector<16xf32>
          %parallel_loop3A_569 = arith.constant 1.000000e+00 : f32
          %parallel_loop3A_570 = vector.broadcast %parallel_loop3A_569 : f32 to vector<16xf32>
          %parallel_loop3A_571 = arith.minimumf %parallel_loop3A_568, %parallel_loop3A_570 : vector<16xf32>
          %parallel_loop3A_572 = arith.constant 0.000000e+00 : f32
          %parallel_loop3A_573 = vector.broadcast %parallel_loop3A_572 : f32 to vector<16xf32>
          %parallel_loop3A_574 = arith.cmpf ogt, %parallel_loop3A_571, %parallel_loop3A_573 : vector<16xf32>
          %parallel_loop3A_575 = arith.extui %parallel_loop3A_574 : vector<16xi1> to vector<16xi32>
          %parallel_loop3A_576 = arith.sitofp %parallel_loop3A_575 : vector<16xi32> to vector<16xf32>
          %parallel_loop3A_577 = arith.addf %broadcast_in_dim3A_1, %parallel_loop3A_576 : vector<16xf32>
          %parallel_loop3A_578 = arith.constant 128 : i32
          %parallel_loop3A_579 = arith.addi %parallel_loop3A_538, %parallel_loop3A_578 : i32
          %parallel_loop3A_580 = arith.index_cast %parallel_loop3A_579 : i32 to index
          %parallel_loop3A_581 = tpu.vector_load %arg21[%parallel_loop3A_580] {strides = array<i32>} : memref<15360xf32, #tpu.memory_space<vmem>>, vector<16xf32>,
          %parallel_loop3A_582 = arith.constant 5120 : i32
          %parallel_loop3A_583 = arith.addi %parallel_loop3A_582, %parallel_loop3A_579 : i32
          %parallel_loop3A_584 = arith.index_cast %parallel_loop3A_583 : i32 to index
          %parallel_loop3A_585 = tpu.vector_load %arg21[%parallel_loop3A_584] {strides = array<i32>} : memref<15360xf32, #tpu.memory_space<vmem>>, vector<16xf32>,
          %parallel_loop3A_586 = arith.constant 10240 : i32
          %parallel_loop3A_587 = arith.addi %parallel_loop3A_586, %parallel_loop3A_579 : i32
          %parallel_loop3A_588 = arith.index_cast %parallel_loop3A_587 : i32 to index
          %parallel_loop3A_589 = tpu.vector_load %arg21[%parallel_loop3A_588] {strides = array<i32>} : memref<15360xf32, #tpu.memory_space<vmem>>, vector<16xf32>,
          %parallel_loop3A_590 = arith.mulf %parallel_loop3A_540, %parallel_loop3A_581 : vector<16xf32>
          %parallel_loop3A_591 = arith.mulf %parallel_loop3A_544, %parallel_loop3A_585 : vector<16xf32>
          %parallel_loop3A_592 = arith.addf %parallel_loop3A_590, %parallel_loop3A_591 : vector<16xf32>
          %parallel_loop3A_593 = arith.mulf %parallel_loop3A_548, %parallel_loop3A_589 : vector<16xf32>
          %parallel_loop3A_594 = arith.addf %parallel_loop3A_592, %parallel_loop3A_593 : vector<16xf32>
          %parallel_loop3A_595 = arith.constant 0.000000e+00 : f32
          %parallel_loop3A_596 = vector.broadcast %parallel_loop3A_595 : f32 to vector<16xf32>
          %parallel_loop3A_597 = arith.maximumf %parallel_loop3A_594, %parallel_loop3A_596 : vector<16xf32>
          %parallel_loop3A_598 = arith.constant 1.000000e+00 : f32
          %parallel_loop3A_599 = vector.broadcast %parallel_loop3A_598 : f32 to vector<16xf32>
          %parallel_loop3A_600 = arith.minimumf %parallel_loop3A_597, %parallel_loop3A_599 : vector<16xf32>
          %parallel_loop3A_601 = arith.constant 0.000000e+00 : f32
          %parallel_loop3A_602 = vector.broadcast %parallel_loop3A_601 : f32 to vector<16xf32>
          %parallel_loop3A_603 = arith.cmpf ogt, %parallel_loop3A_600, %parallel_loop3A_602 : vector<16xf32>
          %parallel_loop3A_604 = arith.extui %parallel_loop3A_603 : vector<16xi1> to vector<16xi32>
          %parallel_loop3A_605 = arith.sitofp %parallel_loop3A_604 : vector<16xi32> to vector<16xf32>
          %parallel_loop3A_606 = arith.addf %parallel_loop3A_577, %parallel_loop3A_605 : vector<16xf32>
          %parallel_loop3A_607 = arith.constant 256 : i32
          %parallel_loop3A_608 = arith.addi %parallel_loop3A_538, %parallel_loop3A_607 : i32
          %parallel_loop3A_609 = arith.index_cast %parallel_loop3A_608 : i32 to index
          %parallel_loop3A_610 = tpu.vector_load %arg21[%parallel_loop3A_609] {strides = array<i32>} : memref<15360xf32, #tpu.memory_space<vmem>>, vector<16xf32>,
          %parallel_loop3A_611 = arith.constant 5120 : i32
          %parallel_loop3A_612 = arith.addi %parallel_loop3A_611, %parallel_loop3A_608 : i32
          %parallel_loop3A_613 = arith.index_cast %parallel_loop3A_612 : i32 to index
          %parallel_loop3A_614 = tpu.vector_load %arg21[%parallel_loop3A_613] {strides = array<i32>} : memref<15360xf32, #tpu.memory_space<vmem>>, vector<16xf32>,
          %parallel_loop3A_615 = arith.constant 10240 : i32
          %parallel_loop3A_616 = arith.addi %parallel_loop3A_615, %parallel_loop3A_608 : i32
          %parallel_loop3A_617 = arith.index_cast %parallel_loop3A_616 : i32 to index
          %parallel_loop3A_618 = tpu.vector_load %arg21[%parallel_loop3A_617] {strides = array<i32>} : memref<15360xf32, #tpu.memory_space<vmem>>, vector<16xf32>,
          %parallel_loop3A_619 = arith.mulf %parallel_loop3A_540, %parallel_loop3A_610 : vector<16xf32>
          %parallel_loop3A_620 = arith.mulf %parallel_loop3A_544, %parallel_loop3A_614 : vector<16xf32>
          %parallel_loop3A_621 = arith.addf %parallel_loop3A_619, %parallel_loop3A_620 : vector<16xf32>
          %parallel_loop3A_622 = arith.mulf %parallel_loop3A_548, %parallel_loop3A_618 : vector<16xf32>
          %parallel_loop3A_623 = arith.addf %parallel_loop3A_621, %parallel_loop3A_622 : vector<16xf32>
          %parallel_loop3A_624 = arith.constant 0.000000e+00 : f32
          %parallel_loop3A_625 = vector.broadcast %parallel_loop3A_624 : f32 to vector<16xf32>
          %parallel_loop3A_626 = arith.maximumf %parallel_loop3A_623, %parallel_loop3A_625 : vector<16xf32>
          %parallel_loop3A_627 = arith.constant 1.000000e+00 : f32
          %parallel_loop3A_628 = vector.broadcast %parallel_loop3A_627 : f32 to vector<16xf32>
          %parallel_loop3A_629 = arith.minimumf %parallel_loop3A_626, %parallel_loop3A_628 : vector<16xf32>
          %parallel_loop3A_630 = arith.constant 0.000000e+00 : f32
          %parallel_loop3A_631 = vector.broadcast %parallel_loop3A_630 : f32 to vector<16xf32>
          %parallel_loop3A_632 = arith.cmpf ogt, %parallel_loop3A_629, %parallel_loop3A_631 : vector<16xf32>
          %parallel_loop3A_633 = arith.extui %parallel_loop3A_632 : vector<16xi1> to vector<16xi32>
          %parallel_loop3A_634 = arith.sitofp %parallel_loop3A_633 : vector<16xi32> to vector<16xf32>
          %parallel_loop3A_635 = arith.addf %parallel_loop3A_606, %parallel_loop3A_634 : vector<16xf32>
          %parallel_loop3A_636 = arith.constant 384 : i32
          %parallel_loop3A_637 = arith.addi %parallel_loop3A_538, %parallel_loop3A_636 : i32
          %parallel_loop3A_638 = arith.index_cast %parallel_loop3A_637 : i32 to index
          %parallel_loop3A_639 = tpu.vector_load %arg21[%parallel_loop3A_638] {strides = array<i32>} : memref<15360xf32, #tpu.memory_space<vmem>>, vector<16xf32>,
          %parallel_loop3A_640 = arith.constant 5120 : i32
          %parallel_loop3A_641 = arith.addi %parallel_loop3A_640, %parallel_loop3A_637 : i32
          %parallel_loop3A_642 = arith.index_cast %parallel_loop3A_641 : i32 to index
          %parallel_loop3A_643 = tpu.vector_load %arg21[%parallel_loop3A_642] {strides = array<i32>} : memref<15360xf32, #tpu.memory_space<vmem>>, vector<16xf32>,
          %parallel_loop3A_644 = arith.constant 10240 : i32
          %parallel_loop3A_645 = arith.addi %parallel_loop3A_644, %parallel_loop3A_637 : i32
          %parallel_loop3A_646 = arith.index_cast %parallel_loop3A_645 : i32 to index
          %parallel_loop3A_647 = tpu.vector_load %arg21[%parallel_loop3A_646] {strides = array<i32>} : memref<15360xf32, #tpu.memory_space<vmem>>, vector<16xf32>,
          %parallel_loop3A_648 = arith.mulf %parallel_loop3A_540, %parallel_loop3A_639 : vector<16xf32>
          %parallel_loop3A_649 = arith.mulf %parallel_loop3A_544, %parallel_loop3A_643 : vector<16xf32>
          %parallel_loop3A_650 = arith.addf %parallel_loop3A_648, %parallel_loop3A_649 : vector<16xf32>
          %parallel_loop3A_651 = arith.mulf %parallel_loop3A_548, %parallel_loop3A_647 : vector<16xf32>
          %parallel_loop3A_652 = arith.addf %parallel_loop3A_650, %parallel_loop3A_651 : vector<16xf32>
          %parallel_loop3A_653 = arith.constant 0.000000e+00 : f32
          %parallel_loop3A_654 = vector.broadcast %parallel_loop3A_653 : f32 to vector<16xf32>
          %parallel_loop3A_655 = arith.maximumf %parallel_loop3A_652, %parallel_loop3A_654 : vector<16xf32>
          %parallel_loop3A_656 = arith.constant 1.000000e+00 : f32
          %parallel_loop3A_657 = vector.broadcast %parallel_loop3A_656 : f32 to vector<16xf32>
          %parallel_loop3A_658 = arith.minimumf %parallel_loop3A_655, %parallel_loop3A_657 : vector<16xf32>
          %parallel_loop3A_659 = arith.constant 0.000000e+00 : f32
          %parallel_loop3A_660 = vector.broadcast %parallel_loop3A_659 : f32 to vector<16xf32>
          %parallel_loop3A_661 = arith.cmpf ogt, %parallel_loop3A_658, %parallel_loop3A_660 : vector<16xf32>
          %parallel_loop3A_662 = arith.extui %parallel_loop3A_661 : vector<16xi1> to vector<16xi32>
          %parallel_loop3A_663 = arith.sitofp %parallel_loop3A_662 : vector<16xi32> to vector<16xf32>
          %parallel_loop3A_664 = arith.addf %parallel_loop3A_635, %parallel_loop3A_663 : vector<16xf32>
          %parallel_loop3A_665 = arith.constant 1.000000e+00 : f32
          %parallel_loop3A_666 = vector.broadcast %parallel_loop3A_665 : f32 to vector<16xf32>
          %parallel_loop3A_667 = arith.maximumf %parallel_loop3A_664, %parallel_loop3A_666 : vector<16xf32>
          %parallel_loop3A_668 = arith.constant 1.000000e+00 : f32
          %parallel_loop3A_669 = vector.broadcast %parallel_loop3A_668 : f32 to vector<16xf32>
          %parallel_loop3A_670 = arith.divf %parallel_loop3A_669, %parallel_loop3A_667 : vector<16xf32>
          %parallel_loop3A_671 = arith.constant 0 : i32
          %parallel_loop3A_672 = arith.addi %parallel_loop3A_538, %parallel_loop3A_671 : i32
          %parallel_loop3A_673 = arith.mulf %parallel_loop3A_571, %parallel_loop3A_670 : vector<16xf32>
          %parallel_loop3A_674 = arith.constant 0 : i32
          %parallel_loop3A_675 = arith.addi %parallel_loop3A_674, %parallel_loop3A_527 : i32
          %parallel_loop3A_676 = arith.index_cast %parallel_loop3A_675 : i32 to index
          %parallel_loop3A_677 = tpu.vector_load %arg23[%parallel_loop3A_676] {strides = array<i32>} : memref<5120xf32, #tpu.memory_space<vmem>>, vector<16xf32>,
          %parallel_loop3A_678 = arith.mulf %parallel_loop3A_673, %parallel_loop3A_677 : vector<16xf32>
          %parallel_loop3A_679 = arith.index_cast %parallel_loop3A_672 : i32 to index
          %parallel_loop3A_680 = tpu.vector_load %arg22[%parallel_loop3A_679] {strides = array<i32>} : memref<15360xf32, #tpu.memory_space<vmem>>, vector<16xf32>,
          %parallel_loop3A_681 = arith.mulf %parallel_loop3A_678, %parallel_loop3A_680 : vector<16xf32>
          %parallel_loop3A_682 = arith.addf %broadcast_in_dim3A_1, %parallel_loop3A_681 : vector<16xf32>
          %parallel_loop3A_683 = arith.constant 5120 : i32
          %parallel_loop3A_684 = arith.addi %parallel_loop3A_683, %parallel_loop3A_672 : i32
          %parallel_loop3A_685 = arith.index_cast %parallel_loop3A_684 : i32 to index
          %parallel_loop3A_686 = tpu.vector_load %arg22[%parallel_loop3A_685] {strides = array<i32>} : memref<15360xf32, #tpu.memory_space<vmem>>, vector<16xf32>,
          %parallel_loop3A_687 = arith.mulf %parallel_loop3A_678, %parallel_loop3A_686 : vector<16xf32>
          %parallel_loop3A_688 = arith.addf %broadcast_in_dim3A_1, %parallel_loop3A_687 : vector<16xf32>
          %parallel_loop3A_689 = arith.constant 10240 : i32
          %parallel_loop3A_690 = arith.addi %parallel_loop3A_689, %parallel_loop3A_672 : i32
          %parallel_loop3A_691 = arith.index_cast %parallel_loop3A_690 : i32 to index
          %parallel_loop3A_692 = tpu.vector_load %arg22[%parallel_loop3A_691] {strides = array<i32>} : memref<15360xf32, #tpu.memory_space<vmem>>, vector<16xf32>,
          %parallel_loop3A_693 = arith.mulf %parallel_loop3A_678, %parallel_loop3A_692 : vector<16xf32>
          %parallel_loop3A_694 = arith.addf %broadcast_in_dim3A_1, %parallel_loop3A_693 : vector<16xf32>
          %parallel_loop3A_695 = arith.constant 128 : i32
          %parallel_loop3A_696 = arith.addi %parallel_loop3A_538, %parallel_loop3A_695 : i32
          %parallel_loop3A_697 = arith.mulf %parallel_loop3A_600, %parallel_loop3A_670 : vector<16xf32>
          %parallel_loop3A_698 = arith.constant 1280 : i32
          %parallel_loop3A_699 = arith.addi %parallel_loop3A_698, %parallel_loop3A_527 : i32
          %parallel_loop3A_700 = arith.index_cast %parallel_loop3A_699 : i32 to index
          %parallel_loop3A_701 = tpu.vector_load %arg23[%parallel_loop3A_700] {strides = array<i32>} : memref<5120xf32, #tpu.memory_space<vmem>>, vector<16xf32>,
          %parallel_loop3A_702 = arith.mulf %parallel_loop3A_697, %parallel_loop3A_701 : vector<16xf32>
          %parallel_loop3A_703 = arith.index_cast %parallel_loop3A_696 : i32 to index
          %parallel_loop3A_704 = tpu.vector_load %arg22[%parallel_loop3A_703] {strides = array<i32>} : memref<15360xf32, #tpu.memory_space<vmem>>, vector<16xf32>,
          %parallel_loop3A_705 = arith.mulf %parallel_loop3A_702, %parallel_loop3A_704 : vector<16xf32>
          %parallel_loop3A_706 = arith.addf %parallel_loop3A_682, %parallel_loop3A_705 : vector<16xf32>
          %parallel_loop3A_707 = arith.constant 5120 : i32
          %parallel_loop3A_708 = arith.addi %parallel_loop3A_707, %parallel_loop3A_696 : i32
          %parallel_loop3A_709 = arith.index_cast %parallel_loop3A_708 : i32 to index
          %parallel_loop3A_710 = tpu.vector_load %arg22[%parallel_loop3A_709] {strides = array<i32>} : memref<15360xf32, #tpu.memory_space<vmem>>, vector<16xf32>,
          %parallel_loop3A_711 = arith.mulf %parallel_loop3A_702, %parallel_loop3A_710 : vector<16xf32>
          %parallel_loop3A_712 = arith.addf %parallel_loop3A_688, %parallel_loop3A_711 : vector<16xf32>
          %parallel_loop3A_713 = arith.constant 10240 : i32
          %parallel_loop3A_714 = arith.addi %parallel_loop3A_713, %parallel_loop3A_696 : i32
          %parallel_loop3A_715 = arith.index_cast %parallel_loop3A_714 : i32 to index
          %parallel_loop3A_716 = tpu.vector_load %arg22[%parallel_loop3A_715] {strides = array<i32>} : memref<15360xf32, #tpu.memory_space<vmem>>, vector<16xf32>,
          %parallel_loop3A_717 = arith.mulf %parallel_loop3A_702, %parallel_loop3A_716 : vector<16xf32>
          %parallel_loop3A_718 = arith.addf %parallel_loop3A_694, %parallel_loop3A_717 : vector<16xf32>
          %parallel_loop3A_719 = arith.constant 256 : i32
          %parallel_loop3A_720 = arith.addi %parallel_loop3A_538, %parallel_loop3A_719 : i32
          %parallel_loop3A_721 = arith.mulf %parallel_loop3A_629, %parallel_loop3A_670 : vector<16xf32>
          %parallel_loop3A_722 = arith.constant 2560 : i32
          %parallel_loop3A_723 = arith.addi %parallel_loop3A_722, %parallel_loop3A_527 : i32
          %parallel_loop3A_724 = arith.index_cast %parallel_loop3A_723 : i32 to index
          %parallel_loop3A_725 = tpu.vector_load %arg23[%parallel_loop3A_724] {strides = array<i32>} : memref<5120xf32, #tpu.memory_space<vmem>>, vector<16xf32>,
          %parallel_loop3A_726 = arith.mulf %parallel_loop3A_721, %parallel_loop3A_725 : vector<16xf32>
          %parallel_loop3A_727 = arith.index_cast %parallel_loop3A_720 : i32 to index
          %parallel_loop3A_728 = tpu.vector_load %arg22[%parallel_loop3A_727] {strides = array<i32>} : memref<15360xf32, #tpu.memory_space<vmem>>, vector<16xf32>,
          %parallel_loop3A_729 = arith.mulf %parallel_loop3A_726, %parallel_loop3A_728 : vector<16xf32>
          %parallel_loop3A_730 = arith.addf %parallel_loop3A_706, %parallel_loop3A_729 : vector<16xf32>
          %parallel_loop3A_731 = arith.constant 5120 : i32
          %parallel_loop3A_732 = arith.addi %parallel_loop3A_731, %parallel_loop3A_720 : i32
          %parallel_loop3A_733 = arith.index_cast %parallel_loop3A_732 : i32 to index
          %parallel_loop3A_734 = tpu.vector_load %arg22[%parallel_loop3A_733] {strides = array<i32>} : memref<15360xf32, #tpu.memory_space<vmem>>, vector<16xf32>,
          %parallel_loop3A_735 = arith.mulf %parallel_loop3A_726, %parallel_loop3A_734 : vector<16xf32>
          %parallel_loop3A_736 = arith.addf %parallel_loop3A_712, %parallel_loop3A_735 : vector<16xf32>
          %parallel_loop3A_737 = arith.constant 10240 : i32
          %parallel_loop3A_738 = arith.addi %parallel_loop3A_737, %parallel_loop3A_720 : i32
          %parallel_loop3A_739 = arith.index_cast %parallel_loop3A_738 : i32 to index
          %parallel_loop3A_740 = tpu.vector_load %arg22[%parallel_loop3A_739] {strides = array<i32>} : memref<15360xf32, #tpu.memory_space<vmem>>, vector<16xf32>,
          %parallel_loop3A_741 = arith.mulf %parallel_loop3A_726, %parallel_loop3A_740 : vector<16xf32>
          %parallel_loop3A_742 = arith.addf %parallel_loop3A_718, %parallel_loop3A_741 : vector<16xf32>
          %parallel_loop3A_743 = arith.constant 384 : i32
          %parallel_loop3A_744 = arith.addi %parallel_loop3A_538, %parallel_loop3A_743 : i32
          %parallel_loop3A_745 = arith.mulf %parallel_loop3A_658, %parallel_loop3A_670 : vector<16xf32>
          %parallel_loop3A_746 = arith.constant 3840 : i32
          %parallel_loop3A_747 = arith.addi %parallel_loop3A_746, %parallel_loop3A_527 : i32
          %parallel_loop3A_748 = arith.index_cast %parallel_loop3A_747 : i32 to index
          %parallel_loop3A_749 = tpu.vector_load %arg23[%parallel_loop3A_748] {strides = array<i32>} : memref<5120xf32, #tpu.memory_space<vmem>>, vector<16xf32>,
          %parallel_loop3A_750 = arith.mulf %parallel_loop3A_745, %parallel_loop3A_749 : vector<16xf32>
          %parallel_loop3A_751 = arith.index_cast %parallel_loop3A_744 : i32 to index
          %parallel_loop3A_752 = tpu.vector_load %arg22[%parallel_loop3A_751] {strides = array<i32>} : memref<15360xf32, #tpu.memory_space<vmem>>, vector<16xf32>,
          %parallel_loop3A_753 = arith.mulf %parallel_loop3A_750, %parallel_loop3A_752 : vector<16xf32>
          %parallel_loop3A_754 = arith.addf %parallel_loop3A_730, %parallel_loop3A_753 : vector<16xf32>
          %parallel_loop3A_755 = arith.constant 5120 : i32
          %parallel_loop3A_756 = arith.addi %parallel_loop3A_755, %parallel_loop3A_744 : i32
          %parallel_loop3A_757 = arith.index_cast %parallel_loop3A_756 : i32 to index
          %parallel_loop3A_758 = tpu.vector_load %arg22[%parallel_loop3A_757] {strides = array<i32>} : memref<15360xf32, #tpu.memory_space<vmem>>, vector<16xf32>,
          %parallel_loop3A_759 = arith.mulf %parallel_loop3A_750, %parallel_loop3A_758 : vector<16xf32>
          %parallel_loop3A_760 = arith.addf %parallel_loop3A_736, %parallel_loop3A_759 : vector<16xf32>
          %parallel_loop3A_761 = arith.constant 10240 : i32
          %parallel_loop3A_762 = arith.addi %parallel_loop3A_761, %parallel_loop3A_744 : i32
          %parallel_loop3A_763 = arith.index_cast %parallel_loop3A_762 : i32 to index
          %parallel_loop3A_764 = tpu.vector_load %arg22[%parallel_loop3A_763] {strides = array<i32>} : memref<15360xf32, #tpu.memory_space<vmem>>, vector<16xf32>,
          %parallel_loop3A_765 = arith.mulf %parallel_loop3A_750, %parallel_loop3A_764 : vector<16xf32>
          %parallel_loop3A_766 = arith.addf %parallel_loop3A_742, %parallel_loop3A_765 : vector<16xf32>
          %parallel_loop3A_767 = arith.index_cast %parallel_loop3A_527 : i32 to index
          %parallel_loop3A_768 = tpu.vector_load %arg24[%parallel_loop3A_767] {strides = array<i32>} : memref<1280xf32, #tpu.memory_space<vmem>>, vector<16xf32>,
          %parallel_loop3A_769 = vector.broadcast %parallel_loop3A_527 : i32 to vector<16xi32>
          %parallel_loop3A_770 = arith.addi %parallel_loop3A_769, %iota3A : vector<16xi32>
          %parallel_loop3A_771 = arith.index_cast %parallel_loop3A_527 : i32 to index
          %parallel_loop3A_772 = tpu.vector_load %arg25[%parallel_loop3A_771] {strides = array<i32>} : memref<1280xi32, #tpu.memory_space<vmem>>, vector<16xi32>,
          %parallel_loop3A_773 = vector.broadcast %mul3A_163 : i32 to vector<16xi32>
          %parallel_loop3A_774 = arith.subi %parallel_loop3A_772, %parallel_loop3A_773 : vector<16xi32>
          %parallel_loop3A_775 = arith.constant 0 : i32
          %parallel_loop3A_776 = vector.broadcast %parallel_loop3A_775 : i32 to vector<16xi32>
          %parallel_loop3A_777 = arith.cmpi sge, %parallel_loop3A_774, %parallel_loop3A_776 : vector<16xi32>
          %parallel_loop3A_778 = arith.constant 2048 : i32
          %parallel_loop3A_779 = vector.broadcast %parallel_loop3A_778 : i32 to vector<16xi32>
          %parallel_loop3A_780 = arith.cmpi slt, %parallel_loop3A_774, %parallel_loop3A_779 : vector<16xi32>
          %parallel_loop3A_781 = arith.andi %parallel_loop3A_777, %parallel_loop3A_780 : vector<16xi1>
          %parallel_loop3A_782 = vector.broadcast %sub3A_521 : i32 to vector<16xi32>
          %parallel_loop3A_783 = arith.cmpi sge, %parallel_loop3A_770, %parallel_loop3A_782 : vector<16xi32>
          %parallel_loop3A_784 = arith.andi %parallel_loop3A_781, %parallel_loop3A_783 : vector<16xi1>
          %parallel_loop3A_785 = arith.constant 0 : i32
          %parallel_loop3A_786 = vector.broadcast %parallel_loop3A_785 : i32 to vector<16xi32>
          %parallel_loop3A_787 = arith.maxsi %parallel_loop3A_774, %parallel_loop3A_786 : vector<16xi32>
          %parallel_loop3A_788 = arith.constant 2048 : i32
          %parallel_loop3A_789 = vector.broadcast %parallel_loop3A_788 : i32 to vector<16xi32>
          %parallel_loop3A_790 = arith.minsi %parallel_loop3A_787, %parallel_loop3A_789 : vector<16xi32>
          %parallel_loop3A_791 = arith.index_cast %parallel_loop3A_527 : i32 to index
          %parallel_loop3A_792 = tpu.vector_load %arg19[%parallel_loop3A_791] {strides = array<i32>} : memref<3840xf32, #tpu.memory_space<vmem>>, vector<16xf32>,
          %parallel_loop3A_793 = arith.mulf %parallel_loop3A_768, %parallel_loop3A_792 : vector<16xf32>
          %parallel_loop3A_794 = arith.mulf %parallel_loop3A_793, %parallel_loop3A_754 : vector<16xf32>
          tpu.vector_store_idx %arg27[%parallel_loop3A_790], %parallel_loop3A_794 masked %parallel_loop3A_784 {add = true} : memref<8256xf32, #tpu.memory_space<vmem>>[vector<16xi32>], vector<16xf32>, vector<16xi1>
          %parallel_loop3A_795 = arith.constant 2064 : i32
          %parallel_loop3A_796 = vector.broadcast %parallel_loop3A_795 : i32 to vector<16xi32>
          %parallel_loop3A_797 = arith.addi %parallel_loop3A_790, %parallel_loop3A_796 : vector<16xi32>
          %parallel_loop3A_798 = arith.constant 1280 : i32
          %parallel_loop3A_799 = arith.addi %parallel_loop3A_798, %parallel_loop3A_527 : i32
          %parallel_loop3A_800 = arith.index_cast %parallel_loop3A_799 : i32 to index
          %parallel_loop3A_801 = tpu.vector_load %arg19[%parallel_loop3A_800] {strides = array<i32>} : memref<3840xf32, #tpu.memory_space<vmem>>, vector<16xf32>,
          %parallel_loop3A_802 = arith.mulf %parallel_loop3A_768, %parallel_loop3A_801 : vector<16xf32>
          %parallel_loop3A_803 = arith.mulf %parallel_loop3A_802, %parallel_loop3A_760 : vector<16xf32>
          tpu.vector_store_idx %arg27[%parallel_loop3A_797], %parallel_loop3A_803 masked %parallel_loop3A_784 {add = true} : memref<8256xf32, #tpu.memory_space<vmem>>[vector<16xi32>], vector<16xf32>, vector<16xi1>
          %parallel_loop3A_804 = arith.constant 4128 : i32
          %parallel_loop3A_805 = vector.broadcast %parallel_loop3A_804 : i32 to vector<16xi32>
          %parallel_loop3A_806 = arith.addi %parallel_loop3A_790, %parallel_loop3A_805 : vector<16xi32>
          %parallel_loop3A_807 = arith.constant 2560 : i32
          %parallel_loop3A_808 = arith.addi %parallel_loop3A_807, %parallel_loop3A_527 : i32
          %parallel_loop3A_809 = arith.index_cast %parallel_loop3A_808 : i32 to index
          %parallel_loop3A_810 = tpu.vector_load %arg19[%parallel_loop3A_809] {strides = array<i32>} : memref<3840xf32, #tpu.memory_space<vmem>>, vector<16xf32>,
          %parallel_loop3A_811 = arith.mulf %parallel_loop3A_768, %parallel_loop3A_810 : vector<16xf32>
          %parallel_loop3A_812 = arith.mulf %parallel_loop3A_811, %parallel_loop3A_766 : vector<16xf32>
          tpu.vector_store_idx %arg27[%parallel_loop3A_806], %parallel_loop3A_812 masked %parallel_loop3A_784 {add = true} : memref<8256xf32, #tpu.memory_space<vmem>>[vector<16xi32>], vector<16xf32>, vector<16xi1>
          %parallel_loop3A_813 = arith.constant 6192 : i32
          %parallel_loop3A_814 = vector.broadcast %parallel_loop3A_813 : i32 to vector<16xi32>
          %parallel_loop3A_815 = arith.addi %parallel_loop3A_790, %parallel_loop3A_814 : vector<16xi32>
          tpu.vector_store_idx %arg27[%parallel_loop3A_815], %parallel_loop3A_768 masked %parallel_loop3A_784 {add = true} : memref<8256xf32, #tpu.memory_space<vmem>>[vector<16xi32>], vector<16xf32>, vector<16xi1>
        } {sc.loop_unroll_factor = 8 : i64, sc.parallel_access}
      } else {
      }
    }
    %while3A_187 = arith.constant 1 : i32
    scf.for %while3A_213 = %while3A_185 to %while3A_181 step %while3A_187  : i32 {
      %mul3A_214 = arith.muli %while3A_213, %while3A : i32
      %add3A_215 = arith.addi %while3A_178, %mul3A_214 : i32
      %mul3A_216 = arith.constant 2 : i32
      %mul3A_217 = arith.muli %mul3A_216, %add3A_215 : i32
      %add3A_218 = arith.constant 1 : i32
      %add3A_219 = arith.addi %mul3A_217, %add3A_218 : i32
      %lt3A_220 = arith.cmpi slt, %add3A_219, %div3A_161 : i32
      %convert_element_type3A_221 = arith.extui %lt3A_220 : i1 to i32
      %cond3A_222 = arith.constant 0 : i32
      %cond3A_223 = arith.cmpi ne, %convert_element_type3A_221, %cond3A_222 : i32
      scf.if %cond3A_223 {
        %mul3A_379 = arith.constant 1280 : i32
        %mul3A_380 = arith.muli %add3A_219, %mul3A_379 : i32
        %add3A_381 = arith.addi %multiple_of3A, %mul3A_380 : i32
        %min3A_382 = arith.constant 1047296 : i32
        %min3A_383 = arith.minsi %add3A_381, %min3A_382 : i32
        %multiple_of3A_384 = tpu.assume_multiple %min3A_383, 128 : i32
        %add3A_385 = arith.constant 0 : i32
        %add3A_386 = arith.addi %add3A_385, %multiple_of3A_384 : i32
        %dma_start3A_387 = arith.constant 0 : i32
        %dma_start3A_388 = tpu.memref_slice %arg19[%dma_start3A_387] : memref<3840xf32, #tpu.memory_space<vmem>> -> memref<1280xf32, #tpu.memory_space<vmem>>
        %dma_start3A_389 = tpu.memref_slice %arg2[%add3A_386] : memref<3145728xf32, #tpu.memory_space<hbm>> -> memref<1280xf32, #tpu.memory_space<hbm>>
        %dma_start3A_390 = arith.constant 0 : i32
        %dma_start3A_391 = tpu.memref_slice %arg19[%dma_start3A_390] : memref<3840xf32, #tpu.memory_space<vmem>> -> memref<1280xf32, #tpu.memory_space<vmem>>
        %dma_start3A_392 = tpu.memref_slice %arg2[%add3A_386] : memref<3145728xf32, #tpu.memory_space<hbm>> -> memref<1280xf32, #tpu.memory_space<hbm>>
        tpu.enqueue_dma source(%dma_start3A_392 : memref<1280xf32, #tpu.memory_space<hbm>>) target(%dma_start3A_391 : memref<1280xf32, #tpu.memory_space<vmem>>) target_semaphore(%arg31 : memref<!tpu.dma_semaphore, #tpu.memory_space<semaphore_mem>>)
        %add3A_393 = arith.constant 0 : i32
        %add3A_394 = arith.addi %add3A_393, %multiple_of3A_384 : i32
        %dma_start3A_395 = arith.constant 0 : i32
        %dma_start3A_396 = tpu.memref_slice %arg20[%dma_start3A_395] : memref<3840xf32, #tpu.memory_space<vmem>> -> memref<1280xf32, #tpu.memory_space<vmem>>
        %dma_start3A_397 = tpu.memref_slice %arg3[%add3A_394] : memref<3145728xf32, #tpu.memory_space<hbm>> -> memref<1280xf32, #tpu.memory_space<hbm>>
        %dma_start3A_398 = arith.constant 0 : i32
        %dma_start3A_399 = tpu.memref_slice %arg20[%dma_start3A_398] : memref<3840xf32, #tpu.memory_space<vmem>> -> memref<1280xf32, #tpu.memory_space<vmem>>
        %dma_start3A_400 = tpu.memref_slice %arg3[%add3A_394] : memref<3145728xf32, #tpu.memory_space<hbm>> -> memref<1280xf32, #tpu.memory_space<hbm>>
        tpu.enqueue_dma source(%dma_start3A_400 : memref<1280xf32, #tpu.memory_space<hbm>>) target(%dma_start3A_399 : memref<1280xf32, #tpu.memory_space<vmem>>) target_semaphore(%arg31 : memref<!tpu.dma_semaphore, #tpu.memory_space<semaphore_mem>>)
        %mul3A_401 = arith.constant 4 : i32
        %mul3A_402 = arith.muli %multiple_of3A_384, %mul3A_401 : i32
        %add3A_403 = arith.constant 0 : i32
        %add3A_404 = arith.addi %add3A_403, %mul3A_402 : i32
        %dma_start3A_405 = arith.constant 0 : i32
        %dma_start3A_406 = tpu.memref_slice %arg21[%dma_start3A_405] : memref<15360xf32, #tpu.memory_space<vmem>> -> memref<5120xf32, #tpu.memory_space<vmem>>
        %dma_start3A_407 = tpu.memref_slice %arg4[%add3A_404] : memref<12582912xf32, #tpu.memory_space<hbm>> -> memref<5120xf32, #tpu.memory_space<hbm>>
        %dma_start3A_408 = arith.constant 0 : i32
        %dma_start3A_409 = tpu.memref_slice %arg21[%dma_start3A_408] : memref<15360xf32, #tpu.memory_space<vmem>> -> memref<5120xf32, #tpu.memory_space<vmem>>
        %dma_start3A_410 = tpu.memref_slice %arg4[%add3A_404] : memref<12582912xf32, #tpu.memory_space<hbm>> -> memref<5120xf32, #tpu.memory_space<hbm>>
        tpu.enqueue_dma source(%dma_start3A_410 : memref<5120xf32, #tpu.memory_space<hbm>>) target(%dma_start3A_409 : memref<5120xf32, #tpu.memory_space<vmem>>) target_semaphore(%arg31 : memref<!tpu.dma_semaphore, #tpu.memory_space<semaphore_mem>>)
        %mul3A_411 = arith.constant 4 : i32
        %mul3A_412 = arith.muli %multiple_of3A_384, %mul3A_411 : i32
        %add3A_413 = arith.constant 0 : i32
        %add3A_414 = arith.addi %add3A_413, %mul3A_412 : i32
        %dma_start3A_415 = arith.constant 0 : i32
        %dma_start3A_416 = tpu.memref_slice %arg22[%dma_start3A_415] : memref<15360xf32, #tpu.memory_space<vmem>> -> memref<5120xf32, #tpu.memory_space<vmem>>
        %dma_start3A_417 = tpu.memref_slice %arg5[%add3A_414] : memref<12582912xf32, #tpu.memory_space<hbm>> -> memref<5120xf32, #tpu.memory_space<hbm>>
        %dma_start3A_418 = arith.constant 0 : i32
        %dma_start3A_419 = tpu.memref_slice %arg22[%dma_start3A_418] : memref<15360xf32, #tpu.memory_space<vmem>> -> memref<5120xf32, #tpu.memory_space<vmem>>
        %dma_start3A_420 = tpu.memref_slice %arg5[%add3A_414] : memref<12582912xf32, #tpu.memory_space<hbm>> -> memref<5120xf32, #tpu.memory_space<hbm>>
        tpu.enqueue_dma source(%dma_start3A_420 : memref<5120xf32, #tpu.memory_space<hbm>>) target(%dma_start3A_419 : memref<5120xf32, #tpu.memory_space<vmem>>) target_semaphore(%arg31 : memref<!tpu.dma_semaphore, #tpu.memory_space<semaphore_mem>>)
        %add3A_421 = arith.constant 1048576 : i32
        %add3A_422 = arith.addi %add3A_421, %multiple_of3A_384 : i32
        %dma_start3A_423 = arith.constant 1280 : i32
        %dma_start3A_424 = tpu.memref_slice %arg19[%dma_start3A_423] : memref<3840xf32, #tpu.memory_space<vmem>> -> memref<1280xf32, #tpu.memory_space<vmem>>
        %dma_start3A_425 = tpu.memref_slice %arg2[%add3A_422] : memref<3145728xf32, #tpu.memory_space<hbm>> -> memref<1280xf32, #tpu.memory_space<hbm>>
        %dma_start3A_426 = arith.constant 1280 : i32
        %dma_start3A_427 = tpu.memref_slice %arg19[%dma_start3A_426] : memref<3840xf32, #tpu.memory_space<vmem>> -> memref<1280xf32, #tpu.memory_space<vmem>>
        %dma_start3A_428 = tpu.memref_slice %arg2[%add3A_422] : memref<3145728xf32, #tpu.memory_space<hbm>> -> memref<1280xf32, #tpu.memory_space<hbm>>
        tpu.enqueue_dma source(%dma_start3A_428 : memref<1280xf32, #tpu.memory_space<hbm>>) target(%dma_start3A_427 : memref<1280xf32, #tpu.memory_space<vmem>>) target_semaphore(%arg31 : memref<!tpu.dma_semaphore, #tpu.memory_space<semaphore_mem>>)
        %add3A_429 = arith.constant 1048576 : i32
        %add3A_430 = arith.addi %add3A_429, %multiple_of3A_384 : i32
        %dma_start3A_431 = arith.constant 1280 : i32
        %dma_start3A_432 = tpu.memref_slice %arg20[%dma_start3A_431] : memref<3840xf32, #tpu.memory_space<vmem>> -> memref<1280xf32, #tpu.memory_space<vmem>>
        %dma_start3A_433 = tpu.memref_slice %arg3[%add3A_430] : memref<3145728xf32, #tpu.memory_space<hbm>> -> memref<1280xf32, #tpu.memory_space<hbm>>
        %dma_start3A_434 = arith.constant 1280 : i32
        %dma_start3A_435 = tpu.memref_slice %arg20[%dma_start3A_434] : memref<3840xf32, #tpu.memory_space<vmem>> -> memref<1280xf32, #tpu.memory_space<vmem>>
        %dma_start3A_436 = tpu.memref_slice %arg3[%add3A_430] : memref<3145728xf32, #tpu.memory_space<hbm>> -> memref<1280xf32, #tpu.memory_space<hbm>>
        tpu.enqueue_dma source(%dma_start3A_436 : memref<1280xf32, #tpu.memory_space<hbm>>) target(%dma_start3A_435 : memref<1280xf32, #tpu.memory_space<vmem>>) target_semaphore(%arg31 : memref<!tpu.dma_semaphore, #tpu.memory_space<semaphore_mem>>)
        %mul3A_437 = arith.constant 4 : i32
        %mul3A_438 = arith.muli %multiple_of3A_384, %mul3A_437 : i32
        %add3A_439 = arith.constant 4194304 : i32
        %add3A_440 = arith.addi %add3A_439, %mul3A_438 : i32
        %dma_start3A_441 = arith.constant 5120 : i32
        %dma_start3A_442 = tpu.memref_slice %arg21[%dma_start3A_441] : memref<15360xf32, #tpu.memory_space<vmem>> -> memref<5120xf32, #tpu.memory_space<vmem>>
        %dma_start3A_443 = tpu.memref_slice %arg4[%add3A_440] : memref<12582912xf32, #tpu.memory_space<hbm>> -> memref<5120xf32, #tpu.memory_space<hbm>>
        %dma_start3A_444 = arith.constant 5120 : i32
        %dma_start3A_445 = tpu.memref_slice %arg21[%dma_start3A_444] : memref<15360xf32, #tpu.memory_space<vmem>> -> memref<5120xf32, #tpu.memory_space<vmem>>
        %dma_start3A_446 = tpu.memref_slice %arg4[%add3A_440] : memref<12582912xf32, #tpu.memory_space<hbm>> -> memref<5120xf32, #tpu.memory_space<hbm>>
        tpu.enqueue_dma source(%dma_start3A_446 : memref<5120xf32, #tpu.memory_space<hbm>>) target(%dma_start3A_445 : memref<5120xf32, #tpu.memory_space<vmem>>) target_semaphore(%arg31 : memref<!tpu.dma_semaphore, #tpu.memory_space<semaphore_mem>>)
        %mul3A_447 = arith.constant 4 : i32
        %mul3A_448 = arith.muli %multiple_of3A_384, %mul3A_447 : i32
        %add3A_449 = arith.constant 4194304 : i32
        %add3A_450 = arith.addi %add3A_449, %mul3A_448 : i32
        %dma_start3A_451 = arith.constant 5120 : i32
        %dma_start3A_452 = tpu.memref_slice %arg22[%dma_start3A_451] : memref<15360xf32, #tpu.memory_space<vmem>> -> memref<5120xf32, #tpu.memory_space<vmem>>
        %dma_start3A_453 = tpu.memref_slice %arg5[%add3A_450] : memref<12582912xf32, #tpu.memory_space<hbm>> -> memref<5120xf32, #tpu.memory_space<hbm>>
        %dma_start3A_454 = arith.constant 5120 : i32
        %dma_start3A_455 = tpu.memref_slice %arg22[%dma_start3A_454] : memref<15360xf32, #tpu.memory_space<vmem>> -> memref<5120xf32, #tpu.memory_space<vmem>>
        %dma_start3A_456 = tpu.memref_slice %arg5[%add3A_450] : memref<12582912xf32, #tpu.memory_space<hbm>> -> memref<5120xf32, #tpu.memory_space<hbm>>
        tpu.enqueue_dma source(%dma_start3A_456 : memref<5120xf32, #tpu.memory_space<hbm>>) target(%dma_start3A_455 : memref<5120xf32, #tpu.memory_space<vmem>>) target_semaphore(%arg31 : memref<!tpu.dma_semaphore, #tpu.memory_space<semaphore_mem>>)
        %add3A_457 = arith.constant 2097152 : i32
        %add3A_458 = arith.addi %add3A_457, %multiple_of3A_384 : i32
        %dma_start3A_459 = arith.constant 2560 : i32
        %dma_start3A_460 = tpu.memref_slice %arg19[%dma_start3A_459] : memref<3840xf32, #tpu.memory_space<vmem>> -> memref<1280xf32, #tpu.memory_space<vmem>>
        %dma_start3A_461 = tpu.memref_slice %arg2[%add3A_458] : memref<3145728xf32, #tpu.memory_space<hbm>> -> memref<1280xf32, #tpu.memory_space<hbm>>
        %dma_start3A_462 = arith.constant 2560 : i32
        %dma_start3A_463 = tpu.memref_slice %arg19[%dma_start3A_462] : memref<3840xf32, #tpu.memory_space<vmem>> -> memref<1280xf32, #tpu.memory_space<vmem>>
        %dma_start3A_464 = tpu.memref_slice %arg2[%add3A_458] : memref<3145728xf32, #tpu.memory_space<hbm>> -> memref<1280xf32, #tpu.memory_space<hbm>>
        tpu.enqueue_dma source(%dma_start3A_464 : memref<1280xf32, #tpu.memory_space<hbm>>) target(%dma_start3A_463 : memref<1280xf32, #tpu.memory_space<vmem>>) target_semaphore(%arg31 : memref<!tpu.dma_semaphore, #tpu.memory_space<semaphore_mem>>)
        %add3A_465 = arith.constant 2097152 : i32
        %add3A_466 = arith.addi %add3A_465, %multiple_of3A_384 : i32
        %dma_start3A_467 = arith.constant 2560 : i32
        %dma_start3A_468 = tpu.memref_slice %arg20[%dma_start3A_467] : memref<3840xf32, #tpu.memory_space<vmem>> -> memref<1280xf32, #tpu.memory_space<vmem>>
        %dma_start3A_469 = tpu.memref_slice %arg3[%add3A_466] : memref<3145728xf32, #tpu.memory_space<hbm>> -> memref<1280xf32, #tpu.memory_space<hbm>>
        %dma_start3A_470 = arith.constant 2560 : i32
        %dma_start3A_471 = tpu.memref_slice %arg20[%dma_start3A_470] : memref<3840xf32, #tpu.memory_space<vmem>> -> memref<1280xf32, #tpu.memory_space<vmem>>
        %dma_start3A_472 = tpu.memref_slice %arg3[%add3A_466] : memref<3145728xf32, #tpu.memory_space<hbm>> -> memref<1280xf32, #tpu.memory_space<hbm>>
        tpu.enqueue_dma source(%dma_start3A_472 : memref<1280xf32, #tpu.memory_space<hbm>>) target(%dma_start3A_471 : memref<1280xf32, #tpu.memory_space<vmem>>) target_semaphore(%arg31 : memref<!tpu.dma_semaphore, #tpu.memory_space<semaphore_mem>>)
        %mul3A_473 = arith.constant 4 : i32
        %mul3A_474 = arith.muli %multiple_of3A_384, %mul3A_473 : i32
        %add3A_475 = arith.constant 8388608 : i32
        %add3A_476 = arith.addi %add3A_475, %mul3A_474 : i32
        %dma_start3A_477 = arith.constant 10240 : i32
        %dma_start3A_478 = tpu.memref_slice %arg21[%dma_start3A_477] : memref<15360xf32, #tpu.memory_space<vmem>> -> memref<5120xf32, #tpu.memory_space<vmem>>
        %dma_start3A_479 = tpu.memref_slice %arg4[%add3A_476] : memref<12582912xf32, #tpu.memory_space<hbm>> -> memref<5120xf32, #tpu.memory_space<hbm>>
        %dma_start3A_480 = arith.constant 10240 : i32
        %dma_start3A_481 = tpu.memref_slice %arg21[%dma_start3A_480] : memref<15360xf32, #tpu.memory_space<vmem>> -> memref<5120xf32, #tpu.memory_space<vmem>>
        %dma_start3A_482 = tpu.memref_slice %arg4[%add3A_476] : memref<12582912xf32, #tpu.memory_space<hbm>> -> memref<5120xf32, #tpu.memory_space<hbm>>
        tpu.enqueue_dma source(%dma_start3A_482 : memref<5120xf32, #tpu.memory_space<hbm>>) target(%dma_start3A_481 : memref<5120xf32, #tpu.memory_space<vmem>>) target_semaphore(%arg31 : memref<!tpu.dma_semaphore, #tpu.memory_space<semaphore_mem>>)
        %mul3A_483 = arith.constant 4 : i32
        %mul3A_484 = arith.muli %multiple_of3A_384, %mul3A_483 : i32
        %add3A_485 = arith.constant 8388608 : i32
        %add3A_486 = arith.addi %add3A_485, %mul3A_484 : i32
        %dma_start3A_487 = arith.constant 10240 : i32
        %dma_start3A_488 = tpu.memref_slice %arg22[%dma_start3A_487] : memref<15360xf32, #tpu.memory_space<vmem>> -> memref<5120xf32, #tpu.memory_space<vmem>>
        %dma_start3A_489 = tpu.memref_slice %arg5[%add3A_486] : memref<12582912xf32, #tpu.memory_space<hbm>> -> memref<5120xf32, #tpu.memory_space<hbm>>
        %dma_start3A_490 = arith.constant 10240 : i32
        %dma_start3A_491 = tpu.memref_slice %arg22[%dma_start3A_490] : memref<15360xf32, #tpu.memory_space<vmem>> -> memref<5120xf32, #tpu.memory_space<vmem>>
        %dma_start3A_492 = tpu.memref_slice %arg5[%add3A_486] : memref<12582912xf32, #tpu.memory_space<hbm>> -> memref<5120xf32, #tpu.memory_space<hbm>>
        tpu.enqueue_dma source(%dma_start3A_492 : memref<5120xf32, #tpu.memory_space<hbm>>) target(%dma_start3A_491 : memref<5120xf32, #tpu.memory_space<vmem>>) target_semaphore(%arg31 : memref<!tpu.dma_semaphore, #tpu.memory_space<semaphore_mem>>)
        %add3A_493 = arith.constant 0 : i32
        %add3A_494 = arith.addi %add3A_493, %multiple_of3A_384 : i32
        %dma_start3A_495 = arith.constant 0 : i32
        %dma_start3A_496 = tpu.memref_slice %arg23[%dma_start3A_495] : memref<5120xf32, #tpu.memory_space<vmem>> -> memref<1280xf32, #tpu.memory_space<vmem>>
        %dma_start3A_497 = tpu.memref_slice %arg6[%add3A_494] : memref<4194304xf32, #tpu.memory_space<hbm>> -> memref<1280xf32, #tpu.memory_space<hbm>>
        %dma_start3A_498 = arith.constant 0 : i32
        %dma_start3A_499 = tpu.memref_slice %arg23[%dma_start3A_498] : memref<5120xf32, #tpu.memory_space<vmem>> -> memref<1280xf32, #tpu.memory_space<vmem>>
        %dma_start3A_500 = tpu.memref_slice %arg6[%add3A_494] : memref<4194304xf32, #tpu.memory_space<hbm>> -> memref<1280xf32, #tpu.memory_space<hbm>>
        tpu.enqueue_dma source(%dma_start3A_500 : memref<1280xf32, #tpu.memory_space<hbm>>) target(%dma_start3A_499 : memref<1280xf32, #tpu.memory_space<vmem>>) target_semaphore(%arg31 : memref<!tpu.dma_semaphore, #tpu.memory_space<semaphore_mem>>)
        %add3A_501 = arith.constant 1048576 : i32
        %add3A_502 = arith.addi %add3A_501, %multiple_of3A_384 : i32
        %dma_start3A_503 = arith.constant 1280 : i32
        %dma_start3A_504 = tpu.memref_slice %arg23[%dma_start3A_503] : memref<5120xf32, #tpu.memory_space<vmem>> -> memref<1280xf32, #tpu.memory_space<vmem>>
        %dma_start3A_505 = tpu.memref_slice %arg6[%add3A_502] : memref<4194304xf32, #tpu.memory_space<hbm>> -> memref<1280xf32, #tpu.memory_space<hbm>>
        %dma_start3A_506 = arith.constant 1280 : i32
        %dma_start3A_507 = tpu.memref_slice %arg23[%dma_start3A_506] : memref<5120xf32, #tpu.memory_space<vmem>> -> memref<1280xf32, #tpu.memory_space<vmem>>
        %dma_start3A_508 = tpu.memref_slice %arg6[%add3A_502] : memref<4194304xf32, #tpu.memory_space<hbm>> -> memref<1280xf32, #tpu.memory_space<hbm>>
        tpu.enqueue_dma source(%dma_start3A_508 : memref<1280xf32, #tpu.memory_space<hbm>>) target(%dma_start3A_507 : memref<1280xf32, #tpu.memory_space<vmem>>) target_semaphore(%arg31 : memref<!tpu.dma_semaphore, #tpu.memory_space<semaphore_mem>>)
        %add3A_509 = arith.constant 2097152 : i32
        %add3A_510 = arith.addi %add3A_509, %multiple_of3A_384 : i32
        %dma_start3A_511 = arith.constant 2560 : i32
        %dma_start3A_512 = tpu.memref_slice %arg23[%dma_start3A_511] : memref<5120xf32, #tpu.memory_space<vmem>> -> memref<1280xf32, #tpu.memory_space<vmem>>
        %dma_start3A_513 = tpu.memref_slice %arg6[%add3A_510] : memref<4194304xf32, #tpu.memory_space<hbm>> -> memref<1280xf32, #tpu.memory_space<hbm>>
        %dma_start3A_514 = arith.constant 2560 : i32
        %dma_start3A_515 = tpu.memref_slice %arg23[%dma_start3A_514] : memref<5120xf32, #tpu.memory_space<vmem>> -> memref<1280xf32, #tpu.memory_space<vmem>>
        %dma_start3A_516 = tpu.memref_slice %arg6[%add3A_510] : memref<4194304xf32, #tpu.memory_space<hbm>> -> memref<1280xf32, #tpu.memory_space<hbm>>
        tpu.enqueue_dma source(%dma_start3A_516 : memref<1280xf32, #tpu.memory_space<hbm>>) target(%dma_start3A_515 : memref<1280xf32, #tpu.memory_space<vmem>>) target_semaphore(%arg31 : memref<!tpu.dma_semaphore, #tpu.memory_space<semaphore_mem>>)
        %add3A_517 = arith.constant 3145728 : i32
        %add3A_518 = arith.addi %add3A_517, %multiple_of3A_384 : i32
        %dma_start3A_519 = arith.constant 3840 : i32
        %dma_start3A_520 = tpu.memref_slice %arg23[%dma_start3A_519] : memref<5120xf32, #tpu.memory_space<vmem>> -> memref<1280xf32, #tpu.memory_space<vmem>>
        %dma_start3A_521 = tpu.memref_slice %arg6[%add3A_518] : memref<4194304xf32, #tpu.memory_space<hbm>> -> memref<1280xf32, #tpu.memory_space<hbm>>
        %dma_start3A_522 = arith.constant 3840 : i32
        %dma_start3A_523 = tpu.memref_slice %arg23[%dma_start3A_522] : memref<5120xf32, #tpu.memory_space<vmem>> -> memref<1280xf32, #tpu.memory_space<vmem>>
        %dma_start3A_524 = tpu.memref_slice %arg6[%add3A_518] : memref<4194304xf32, #tpu.memory_space<hbm>> -> memref<1280xf32, #tpu.memory_space<hbm>>
        tpu.enqueue_dma source(%dma_start3A_524 : memref<1280xf32, #tpu.memory_space<hbm>>) target(%dma_start3A_523 : memref<1280xf32, #tpu.memory_space<vmem>>) target_semaphore(%arg31 : memref<!tpu.dma_semaphore, #tpu.memory_space<semaphore_mem>>)
        %dma_start3A_525 = tpu.memref_slice %arg7[%multiple_of3A_384] : memref<1048576xf32, #tpu.memory_space<hbm>> -> memref<1280xf32, #tpu.memory_space<hbm>>
        %dma_start3A_526 = tpu.memref_slice %arg7[%multiple_of3A_384] : memref<1048576xf32, #tpu.memory_space<hbm>> -> memref<1280xf32, #tpu.memory_space<hbm>>
        tpu.enqueue_dma source(%dma_start3A_526 : memref<1280xf32, #tpu.memory_space<hbm>>) target(%arg24 : memref<1280xf32, #tpu.memory_space<vmem>>) target_semaphore(%arg31 : memref<!tpu.dma_semaphore, #tpu.memory_space<semaphore_mem>>)
        %dma_start3A_527 = tpu.memref_slice %arg8[%multiple_of3A_384] : memref<1048576xi32, #tpu.memory_space<hbm>> -> memref<1280xi32, #tpu.memory_space<hbm>>
        %dma_start3A_528 = tpu.memref_slice %arg8[%multiple_of3A_384] : memref<1048576xi32, #tpu.memory_space<hbm>> -> memref<1280xi32, #tpu.memory_space<hbm>>
        tpu.enqueue_dma source(%dma_start3A_528 : memref<1280xi32, #tpu.memory_space<hbm>>) target(%arg25 : memref<1280xi32, #tpu.memory_space<vmem>>) target_semaphore(%arg31 : memref<!tpu.dma_semaphore, #tpu.memory_space<semaphore_mem>>)
      } else {
      }
      %dma_wait3A_224 = arith.constant 0 : i32
      %dma_wait3A_225 = tpu.memref_slice %arg12[%dma_wait3A_224] : memref<3840xf32, #tpu.memory_space<vmem>> -> memref<1280xf32, #tpu.memory_space<vmem>>
      %dma_wait3A_226 = arith.constant 0 : i32
      %dma_wait3A_227 = tpu.memref_slice %arg2[%dma_wait3A_226] : memref<3145728xf32, #tpu.memory_space<hbm>> -> memref<1280xf32, #tpu.memory_space<hbm>>
      %dma_wait3A_228 = arith.constant 0 : i32
      %dma_wait3A_229 = tpu.memref_slice %arg12[%dma_wait3A_228] : memref<3840xf32, #tpu.memory_space<vmem>> -> memref<1280xf32, #tpu.memory_space<vmem>>
      %dma_wait3A_230 = arith.constant 0 : i32
      %dma_wait3A_231 = tpu.memref_slice %arg2[%dma_wait3A_230] : memref<3145728xf32, #tpu.memory_space<hbm>> -> memref<1280xf32, #tpu.memory_space<hbm>>
      tpu.wait_dma2 semaphore(%arg30 : memref<!tpu.dma_semaphore, #tpu.memory_space<semaphore_mem>>) src(%dma_wait3A_231 : memref<1280xf32, #tpu.memory_space<hbm>>) dst(%dma_wait3A_229 : memref<1280xf32, #tpu.memory_space<vmem>>)
      %dma_wait3A_232 = arith.constant 0 : i32
      %dma_wait3A_233 = tpu.memref_slice %arg13[%dma_wait3A_232] : memref<3840xf32, #tpu.memory_space<vmem>> -> memref<1280xf32, #tpu.memory_space<vmem>>
      %dma_wait3A_234 = arith.constant 0 : i32
      %dma_wait3A_235 = tpu.memref_slice %arg3[%dma_wait3A_234] : memref<3145728xf32, #tpu.memory_space<hbm>> -> memref<1280xf32, #tpu.memory_space<hbm>>
      %dma_wait3A_236 = arith.constant 0 : i32
      %dma_wait3A_237 = tpu.memref_slice %arg13[%dma_wait3A_236] : memref<3840xf32, #tpu.memory_space<vmem>> -> memref<1280xf32, #tpu.memory_space<vmem>>
      %dma_wait3A_238 = arith.constant 0 : i32
      %dma_wait3A_239 = tpu.memref_slice %arg3[%dma_wait3A_238] : memref<3145728xf32, #tpu.memory_space<hbm>> -> memref<1280xf32, #tpu.memory_space<hbm>>
      tpu.wait_dma2 semaphore(%arg30 : memref<!tpu.dma_semaphore, #tpu.memory_space<semaphore_mem>>) src(%dma_wait3A_239 : memref<1280xf32, #tpu.memory_space<hbm>>) dst(%dma_wait3A_237 : memref<1280xf32, #tpu.memory_space<vmem>>)
      %dma_wait3A_240 = arith.constant 0 : i32
      %dma_wait3A_241 = tpu.memref_slice %arg14[%dma_wait3A_240] : memref<15360xf32, #tpu.memory_space<vmem>> -> memref<5120xf32, #tpu.memory_space<vmem>>
      %dma_wait3A_242 = arith.constant 0 : i32
      %dma_wait3A_243 = tpu.memref_slice %arg4[%dma_wait3A_242] : memref<12582912xf32, #tpu.memory_space<hbm>> -> memref<5120xf32, #tpu.memory_space<hbm>>
      %dma_wait3A_244 = arith.constant 0 : i32
      %dma_wait3A_245 = tpu.memref_slice %arg14[%dma_wait3A_244] : memref<15360xf32, #tpu.memory_space<vmem>> -> memref<5120xf32, #tpu.memory_space<vmem>>
      %dma_wait3A_246 = arith.constant 0 : i32
      %dma_wait3A_247 = tpu.memref_slice %arg4[%dma_wait3A_246] : memref<12582912xf32, #tpu.memory_space<hbm>> -> memref<5120xf32, #tpu.memory_space<hbm>>
      tpu.wait_dma2 semaphore(%arg30 : memref<!tpu.dma_semaphore, #tpu.memory_space<semaphore_mem>>) src(%dma_wait3A_247 : memref<5120xf32, #tpu.memory_space<hbm>>) dst(%dma_wait3A_245 : memref<5120xf32, #tpu.memory_space<vmem>>)
      %dma_wait3A_248 = arith.constant 0 : i32
      %dma_wait3A_249 = tpu.memref_slice %arg15[%dma_wait3A_248] : memref<15360xf32, #tpu.memory_space<vmem>> -> memref<5120xf32, #tpu.memory_space<vmem>>
      %dma_wait3A_250 = arith.constant 0 : i32
      %dma_wait3A_251 = tpu.memref_slice %arg5[%dma_wait3A_250] : memref<12582912xf32, #tpu.memory_space<hbm>> -> memref<5120xf32, #tpu.memory_space<hbm>>
      %dma_wait3A_252 = arith.constant 0 : i32
      %dma_wait3A_253 = tpu.memref_slice %arg15[%dma_wait3A_252] : memref<15360xf32, #tpu.memory_space<vmem>> -> memref<5120xf32, #tpu.memory_space<vmem>>
      %dma_wait3A_254 = arith.constant 0 : i32
      %dma_wait3A_255 = tpu.memref_slice %arg5[%dma_wait3A_254] : memref<12582912xf32, #tpu.memory_space<hbm>> -> memref<5120xf32, #tpu.memory_space<hbm>>
      tpu.wait_dma2 semaphore(%arg30 : memref<!tpu.dma_semaphore, #tpu.memory_space<semaphore_mem>>) src(%dma_wait3A_255 : memref<5120xf32, #tpu.memory_space<hbm>>) dst(%dma_wait3A_253 : memref<5120xf32, #tpu.memory_space<vmem>>)
      %dma_wait3A_256 = arith.constant 1280 : i32
      %dma_wait3A_257 = tpu.memref_slice %arg12[%dma_wait3A_256] : memref<3840xf32, #tpu.memory_space<vmem>> -> memref<1280xf32, #tpu.memory_space<vmem>>
      %dma_wait3A_258 = arith.constant 1048576 : i32
      %dma_wait3A_259 = tpu.memref_slice %arg2[%dma_wait3A_258] : memref<3145728xf32, #tpu.memory_space<hbm>> -> memref<1280xf32, #tpu.memory_space<hbm>>
      %dma_wait3A_260 = arith.constant 1280 : i32
      %dma_wait3A_261 = tpu.memref_slice %arg12[%dma_wait3A_260] : memref<3840xf32, #tpu.memory_space<vmem>> -> memref<1280xf32, #tpu.memory_space<vmem>>
      %dma_wait3A_262 = arith.constant 1048576 : i32
      %dma_wait3A_263 = tpu.memref_slice %arg2[%dma_wait3A_262] : memref<3145728xf32, #tpu.memory_space<hbm>> -> memref<1280xf32, #tpu.memory_space<hbm>>
      tpu.wait_dma2 semaphore(%arg30 : memref<!tpu.dma_semaphore, #tpu.memory_space<semaphore_mem>>) src(%dma_wait3A_263 : memref<1280xf32, #tpu.memory_space<hbm>>) dst(%dma_wait3A_261 : memref<1280xf32, #tpu.memory_space<vmem>>)
      %dma_wait3A_264 = arith.constant 1280 : i32
      %dma_wait3A_265 = tpu.memref_slice %arg13[%dma_wait3A_264] : memref<3840xf32, #tpu.memory_space<vmem>> -> memref<1280xf32, #tpu.memory_space<vmem>>
      %dma_wait3A_266 = arith.constant 1048576 : i32
      %dma_wait3A_267 = tpu.memref_slice %arg3[%dma_wait3A_266] : memref<3145728xf32, #tpu.memory_space<hbm>> -> memref<1280xf32, #tpu.memory_space<hbm>>
      %dma_wait3A_268 = arith.constant 1280 : i32
      %dma_wait3A_269 = tpu.memref_slice %arg13[%dma_wait3A_268] : memref<3840xf32, #tpu.memory_space<vmem>> -> memref<1280xf32, #tpu.memory_space<vmem>>
      %dma_wait3A_270 = arith.constant 1048576 : i32
      %dma_wait3A_271 = tpu.memref_slice %arg3[%dma_wait3A_270] : memref<3145728xf32, #tpu.memory_space<hbm>> -> memref<1280xf32, #tpu.memory_space<hbm>>
      tpu.wait_dma2 semaphore(%arg30 : memref<!tpu.dma_semaphore, #tpu.memory_space<semaphore_mem>>) src(%dma_wait3A_271 : memref<1280xf32, #tpu.memory_space<hbm>>) dst(%dma_wait3A_269 : memref<1280xf32, #tpu.memory_space<vmem>>)
      %dma_wait3A_272 = arith.constant 5120 : i32
      %dma_wait3A_273 = tpu.memref_slice %arg14[%dma_wait3A_272] : memref<15360xf32, #tpu.memory_space<vmem>> -> memref<5120xf32, #tpu.memory_space<vmem>>
      %dma_wait3A_274 = arith.constant 0 : i32
      %dma_wait3A_275 = tpu.memref_slice %arg4[%dma_wait3A_274] : memref<12582912xf32, #tpu.memory_space<hbm>> -> memref<5120xf32, #tpu.memory_space<hbm>>
      %dma_wait3A_276 = arith.constant 5120 : i32
      %dma_wait3A_277 = tpu.memref_slice %arg14[%dma_wait3A_276] : memref<15360xf32, #tpu.memory_space<vmem>> -> memref<5120xf32, #tpu.memory_space<vmem>>
      %dma_wait3A_278 = arith.constant 0 : i32
      %dma_wait3A_279 = tpu.memref_slice %arg4[%dma_wait3A_278] : memref<12582912xf32, #tpu.memory_space<hbm>> -> memref<5120xf32, #tpu.memory_space<hbm>>
      tpu.wait_dma2 semaphore(%arg30 : memref<!tpu.dma_semaphore, #tpu.memory_space<semaphore_mem>>) src(%dma_wait3A_279 : memref<5120xf32, #tpu.memory_space<hbm>>) dst(%dma_wait3A_277 : memref<5120xf32, #tpu.memory_space<vmem>>)
      %dma_wait3A_280 = arith.constant 5120 : i32
      %dma_wait3A_281 = tpu.memref_slice %arg15[%dma_wait3A_280] : memref<15360xf32, #tpu.memory_space<vmem>> -> memref<5120xf32, #tpu.memory_space<vmem>>
      %dma_wait3A_282 = arith.constant 0 : i32
      %dma_wait3A_283 = tpu.memref_slice %arg5[%dma_wait3A_282] : memref<12582912xf32, #tpu.memory_space<hbm>> -> memref<5120xf32, #tpu.memory_space<hbm>>
      %dma_wait3A_284 = arith.constant 5120 : i32
      %dma_wait3A_285 = tpu.memref_slice %arg15[%dma_wait3A_284] : memref<15360xf32, #tpu.memory_space<vmem>> -> memref<5120xf32, #tpu.memory_space<vmem>>
      %dma_wait3A_286 = arith.constant 0 : i32
      %dma_wait3A_287 = tpu.memref_slice %arg5[%dma_wait3A_286] : memref<12582912xf32, #tpu.memory_space<hbm>> -> memref<5120xf32, #tpu.memory_space<hbm>>
      tpu.wait_dma2 semaphore(%arg30 : memref<!tpu.dma_semaphore, #tpu.memory_space<semaphore_mem>>) src(%dma_wait3A_287 : memref<5120xf32, #tpu.memory_space<hbm>>) dst(%dma_wait3A_285 : memref<5120xf32, #tpu.memory_space<vmem>>)
      %dma_wait3A_288 = arith.constant 2560 : i32
      %dma_wait3A_289 = tpu.memref_slice %arg12[%dma_wait3A_288] : memref<3840xf32, #tpu.memory_space<vmem>> -> memref<1280xf32, #tpu.memory_space<vmem>>
      %dma_wait3A_290 = arith.constant 2097152 : i32
      %dma_wait3A_291 = tpu.memref_slice %arg2[%dma_wait3A_290] : memref<3145728xf32, #tpu.memory_space<hbm>> -> memref<1280xf32, #tpu.memory_space<hbm>>
      %dma_wait3A_292 = arith.constant 2560 : i32
      %dma_wait3A_293 = tpu.memref_slice %arg12[%dma_wait3A_292] : memref<3840xf32, #tpu.memory_space<vmem>> -> memref<1280xf32, #tpu.memory_space<vmem>>
      %dma_wait3A_294 = arith.constant 2097152 : i32
      %dma_wait3A_295 = tpu.memref_slice %arg2[%dma_wait3A_294] : memref<3145728xf32, #tpu.memory_space<hbm>> -> memref<1280xf32, #tpu.memory_space<hbm>>
      tpu.wait_dma2 semaphore(%arg30 : memref<!tpu.dma_semaphore, #tpu.memory_space<semaphore_mem>>) src(%dma_wait3A_295 : memref<1280xf32, #tpu.memory_space<hbm>>) dst(%dma_wait3A_293 : memref<1280xf32, #tpu.memory_space<vmem>>)
      %dma_wait3A_296 = arith.constant 2560 : i32
      %dma_wait3A_297 = tpu.memref_slice %arg13[%dma_wait3A_296] : memref<3840xf32, #tpu.memory_space<vmem>> -> memref<1280xf32, #tpu.memory_space<vmem>>
      %dma_wait3A_298 = arith.constant 2097152 : i32
      %dma_wait3A_299 = tpu.memref_slice %arg3[%dma_wait3A_298] : memref<3145728xf32, #tpu.memory_space<hbm>> -> memref<1280xf32, #tpu.memory_space<hbm>>
      %dma_wait3A_300 = arith.constant 2560 : i32
      %dma_wait3A_301 = tpu.memref_slice %arg13[%dma_wait3A_300] : memref<3840xf32, #tpu.memory_space<vmem>> -> memref<1280xf32, #tpu.memory_space<vmem>>
      %dma_wait3A_302 = arith.constant 2097152 : i32
      %dma_wait3A_303 = tpu.memref_slice %arg3[%dma_wait3A_302] : memref<3145728xf32, #tpu.memory_space<hbm>> -> memref<1280xf32, #tpu.memory_space<hbm>>
      tpu.wait_dma2 semaphore(%arg30 : memref<!tpu.dma_semaphore, #tpu.memory_space<semaphore_mem>>) src(%dma_wait3A_303 : memref<1280xf32, #tpu.memory_space<hbm>>) dst(%dma_wait3A_301 : memref<1280xf32, #tpu.memory_space<vmem>>)
      %dma_wait3A_304 = arith.constant 10240 : i32
      %dma_wait3A_305 = tpu.memref_slice %arg14[%dma_wait3A_304] : memref<15360xf32, #tpu.memory_space<vmem>> -> memref<5120xf32, #tpu.memory_space<vmem>>
      %dma_wait3A_306 = arith.constant 0 : i32
      %dma_wait3A_307 = tpu.memref_slice %arg4[%dma_wait3A_306] : memref<12582912xf32, #tpu.memory_space<hbm>> -> memref<5120xf32, #tpu.memory_space<hbm>>
      %dma_wait3A_308 = arith.constant 10240 : i32
      %dma_wait3A_309 = tpu.memref_slice %arg14[%dma_wait3A_308] : memref<15360xf32, #tpu.memory_space<vmem>> -> memref<5120xf32, #tpu.memory_space<vmem>>
      %dma_wait3A_310 = arith.constant 0 : i32
      %dma_wait3A_311 = tpu.memref_slice %arg4[%dma_wait3A_310] : memref<12582912xf32, #tpu.memory_space<hbm>> -> memref<5120xf32, #tpu.memory_space<hbm>>
      tpu.wait_dma2 semaphore(%arg30 : memref<!tpu.dma_semaphore, #tpu.memory_space<semaphore_mem>>) src(%dma_wait3A_311 : memref<5120xf32, #tpu.memory_space<hbm>>) dst(%dma_wait3A_309 : memref<5120xf32, #tpu.memory_space<vmem>>)
      %dma_wait3A_312 = arith.constant 10240 : i32
      %dma_wait3A_313 = tpu.memref_slice %arg15[%dma_wait3A_312] : memref<15360xf32, #tpu.memory_space<vmem>> -> memref<5120xf32, #tpu.memory_space<vmem>>
      %dma_wait3A_314 = arith.constant 0 : i32
      %dma_wait3A_315 = tpu.memref_slice %arg5[%dma_wait3A_314] : memref<12582912xf32, #tpu.memory_space<hbm>> -> memref<5120xf32, #tpu.memory_space<hbm>>
      %dma_wait3A_316 = arith.constant 10240 : i32
      %dma_wait3A_317 = tpu.memref_slice %arg15[%dma_wait3A_316] : memref<15360xf32, #tpu.memory_space<vmem>> -> memref<5120xf32, #tpu.memory_space<vmem>>
      %dma_wait3A_318 = arith.constant 0 : i32
      %dma_wait3A_319 = tpu.memref_slice %arg5[%dma_wait3A_318] : memref<12582912xf32, #tpu.memory_space<hbm>> -> memref<5120xf32, #tpu.memory_space<hbm>>
      tpu.wait_dma2 semaphore(%arg30 : memref<!tpu.dma_semaphore, #tpu.memory_space<semaphore_mem>>) src(%dma_wait3A_319 : memref<5120xf32, #tpu.memory_space<hbm>>) dst(%dma_wait3A_317 : memref<5120xf32, #tpu.memory_space<vmem>>)
      %dma_wait3A_320 = arith.constant 0 : i32
      %dma_wait3A_321 = tpu.memref_slice %arg16[%dma_wait3A_320] : memref<5120xf32, #tpu.memory_space<vmem>> -> memref<1280xf32, #tpu.memory_space<vmem>>
      %dma_wait3A_322 = arith.constant 0 : i32
      %dma_wait3A_323 = tpu.memref_slice %arg6[%dma_wait3A_322] : memref<4194304xf32, #tpu.memory_space<hbm>> -> memref<1280xf32, #tpu.memory_space<hbm>>
      %dma_wait3A_324 = arith.constant 0 : i32
      %dma_wait3A_325 = tpu.memref_slice %arg16[%dma_wait3A_324] : memref<5120xf32, #tpu.memory_space<vmem>> -> memref<1280xf32, #tpu.memory_space<vmem>>
      %dma_wait3A_326 = arith.constant 0 : i32
      %dma_wait3A_327 = tpu.memref_slice %arg6[%dma_wait3A_326] : memref<4194304xf32, #tpu.memory_space<hbm>> -> memref<1280xf32, #tpu.memory_space<hbm>>
      tpu.wait_dma2 semaphore(%arg30 : memref<!tpu.dma_semaphore, #tpu.memory_space<semaphore_mem>>) src(%dma_wait3A_327 : memref<1280xf32, #tpu.memory_space<hbm>>) dst(%dma_wait3A_325 : memref<1280xf32, #tpu.memory_space<vmem>>)
      %dma_wait3A_328 = arith.constant 1280 : i32
      %dma_wait3A_329 = tpu.memref_slice %arg16[%dma_wait3A_328] : memref<5120xf32, #tpu.memory_space<vmem>> -> memref<1280xf32, #tpu.memory_space<vmem>>
      %dma_wait3A_330 = arith.constant 1048576 : i32
      %dma_wait3A_331 = tpu.memref_slice %arg6[%dma_wait3A_330] : memref<4194304xf32, #tpu.memory_space<hbm>> -> memref<1280xf32, #tpu.memory_space<hbm>>
      %dma_wait3A_332 = arith.constant 1280 : i32
      %dma_wait3A_333 = tpu.memref_slice %arg16[%dma_wait3A_332] : memref<5120xf32, #tpu.memory_space<vmem>> -> memref<1280xf32, #tpu.memory_space<vmem>>
      %dma_wait3A_334 = arith.constant 1048576 : i32
      %dma_wait3A_335 = tpu.memref_slice %arg6[%dma_wait3A_334] : memref<4194304xf32, #tpu.memory_space<hbm>> -> memref<1280xf32, #tpu.memory_space<hbm>>
      tpu.wait_dma2 semaphore(%arg30 : memref<!tpu.dma_semaphore, #tpu.memory_space<semaphore_mem>>) src(%dma_wait3A_335 : memref<1280xf32, #tpu.memory_space<hbm>>) dst(%dma_wait3A_333 : memref<1280xf32, #tpu.memory_space<vmem>>)
      %dma_wait3A_336 = arith.constant 2560 : i32
      %dma_wait3A_337 = tpu.memref_slice %arg16[%dma_wait3A_336] : memref<5120xf32, #tpu.memory_space<vmem>> -> memref<1280xf32, #tpu.memory_space<vmem>>
      %dma_wait3A_338 = arith.constant 2097152 : i32
      %dma_wait3A_339 = tpu.memref_slice %arg6[%dma_wait3A_338] : memref<4194304xf32, #tpu.memory_space<hbm>> -> memref<1280xf32, #tpu.memory_space<hbm>>
      %dma_wait3A_340 = arith.constant 2560 : i32
      %dma_wait3A_341 = tpu.memref_slice %arg16[%dma_wait3A_340] : memref<5120xf32, #tpu.memory_space<vmem>> -> memref<1280xf32, #tpu.memory_space<vmem>>
      %dma_wait3A_342 = arith.constant 2097152 : i32
      %dma_wait3A_343 = tpu.memref_slice %arg6[%dma_wait3A_342] : memref<4194304xf32, #tpu.memory_space<hbm>> -> memref<1280xf32, #tpu.memory_space<hbm>>
      tpu.wait_dma2 semaphore(%arg30 : memref<!tpu.dma_semaphore, #tpu.memory_space<semaphore_mem>>) src(%dma_wait3A_343 : memref<1280xf32, #tpu.memory_space<hbm>>) dst(%dma_wait3A_341 : memref<1280xf32, #tpu.memory_space<vmem>>)
      %dma_wait3A_344 = arith.constant 3840 : i32
      %dma_wait3A_345 = tpu.memref_slice %arg16[%dma_wait3A_344] : memref<5120xf32, #tpu.memory_space<vmem>> -> memref<1280xf32, #tpu.memory_space<vmem>>
      %dma_wait3A_346 = arith.constant 3145728 : i32
      %dma_wait3A_347 = tpu.memref_slice %arg6[%dma_wait3A_346] : memref<4194304xf32, #tpu.memory_space<hbm>> -> memref<1280xf32, #tpu.memory_space<hbm>>
      %dma_wait3A_348 = arith.constant 3840 : i32
      %dma_wait3A_349 = tpu.memref_slice %arg16[%dma_wait3A_348] : memref<5120xf32, #tpu.memory_space<vmem>> -> memref<1280xf32, #tpu.memory_space<vmem>>
      %dma_wait3A_350 = arith.constant 3145728 : i32
      %dma_wait3A_351 = tpu.memref_slice %arg6[%dma_wait3A_350] : memref<4194304xf32, #tpu.memory_space<hbm>> -> memref<1280xf32, #tpu.memory_space<hbm>>
      tpu.wait_dma2 semaphore(%arg30 : memref<!tpu.dma_semaphore, #tpu.memory_space<semaphore_mem>>) src(%dma_wait3A_351 : memref<1280xf32, #tpu.memory_space<hbm>>) dst(%dma_wait3A_349 : memref<1280xf32, #tpu.memory_space<vmem>>)
      %dma_wait3A_352 = arith.constant 0 : i32
      %dma_wait3A_353 = tpu.memref_slice %arg7[%dma_wait3A_352] : memref<1048576xf32, #tpu.memory_space<hbm>> -> memref<1280xf32, #tpu.memory_space<hbm>>
      %dma_wait3A_354 = arith.constant 0 : i32
      %dma_wait3A_355 = tpu.memref_slice %arg7[%dma_wait3A_354] : memref<1048576xf32, #tpu.memory_space<hbm>> -> memref<1280xf32, #tpu.memory_space<hbm>>
      tpu.wait_dma2 semaphore(%arg30 : memref<!tpu.dma_semaphore, #tpu.memory_space<semaphore_mem>>) src(%dma_wait3A_355 : memref<1280xf32, #tpu.memory_space<hbm>>) dst(%arg17 : memref<1280xf32, #tpu.memory_space<vmem>>)
      %dma_wait3A_356 = arith.constant 0 : i32
      %dma_wait3A_357 = tpu.memref_slice %arg8[%dma_wait3A_356] : memref<1048576xi32, #tpu.memory_space<hbm>> -> memref<1280xi32, #tpu.memory_space<hbm>>
      %dma_wait3A_358 = arith.constant 0 : i32
      %dma_wait3A_359 = tpu.memref_slice %arg8[%dma_wait3A_358] : memref<1048576xi32, #tpu.memory_space<hbm>> -> memref<1280xi32, #tpu.memory_space<hbm>>
      tpu.wait_dma2 semaphore(%arg30 : memref<!tpu.dma_semaphore, #tpu.memory_space<semaphore_mem>>) src(%dma_wait3A_359 : memref<1280xi32, #tpu.memory_space<hbm>>) dst(%arg18 : memref<1280xi32, #tpu.memory_space<vmem>>)
      %mul3A_360 = arith.constant 1280 : i32
      %mul3A_361 = arith.muli %mul3A_217, %mul3A_360 : i32
      %add3A_362 = arith.addi %multiple_of3A, %mul3A_361 : i32
      %min3A = arith.constant 1047296 : i32
      %min3A_363 = arith.minsi %add3A_362, %min3A : i32
      %multiple_of3A_364 = tpu.assume_multiple %min3A_363, 128 : i32
      %sub3A_365 = arith.subi %add3A_362, %multiple_of3A_364 : i32
      %parallel_loop3A_366 = arith.constant 0 : i32
      %parallel_loop3A_367 = arith.constant 80 : i32
      %parallel_loop3A_368 = arith.constant 1 : i32
      scf.for %parallel_loop3A_379 = %parallel_loop3A_366 to %parallel_loop3A_367 step %parallel_loop3A_368  : i32 {
        %parallel_loop3A_380 = arith.constant 16 : i32
        %parallel_loop3A_381 = arith.muli %parallel_loop3A_379, %parallel_loop3A_380 : i32
        %parallel_loop3A_382 = arith.constant 3 : i32
        %parallel_loop3A_383 = arith.shrsi %parallel_loop3A_379, %parallel_loop3A_382 : i32
        %parallel_loop3A_384 = arith.constant 4 : i32
        %parallel_loop3A_385 = arith.muli %parallel_loop3A_383, %parallel_loop3A_384 : i32
        %parallel_loop3A_386 = arith.constant 128 : i32
        %parallel_loop3A_387 = arith.muli %parallel_loop3A_385, %parallel_loop3A_386 : i32
        %parallel_loop3A_388 = arith.constant 7 : i32
        %parallel_loop3A_389 = arith.andi %parallel_loop3A_379, %parallel_loop3A_388 : i32
        %parallel_loop3A_390 = arith.constant 16 : i32
        %parallel_loop3A_391 = arith.muli %parallel_loop3A_389, %parallel_loop3A_390 : i32
        %parallel_loop3A_392 = arith.addi %parallel_loop3A_387, %parallel_loop3A_391 : i32
        %parallel_loop3A_393 = arith.index_cast %parallel_loop3A_381 : i32 to index
        %parallel_loop3A_394 = tpu.vector_load %arg13[%parallel_loop3A_393] {strides = array<i32>} : memref<3840xf32, #tpu.memory_space<vmem>>, vector<16xf32>,
        %parallel_loop3A_395 = arith.constant 1280 : i32
        %parallel_loop3A_396 = arith.addi %parallel_loop3A_395, %parallel_loop3A_381 : i32
        %parallel_loop3A_397 = arith.index_cast %parallel_loop3A_396 : i32 to index
        %parallel_loop3A_398 = tpu.vector_load %arg13[%parallel_loop3A_397] {strides = array<i32>} : memref<3840xf32, #tpu.memory_space<vmem>>, vector<16xf32>,
        %parallel_loop3A_399 = arith.constant 2560 : i32
        %parallel_loop3A_400 = arith.addi %parallel_loop3A_399, %parallel_loop3A_381 : i32
        %parallel_loop3A_401 = arith.index_cast %parallel_loop3A_400 : i32 to index
        %parallel_loop3A_402 = tpu.vector_load %arg13[%parallel_loop3A_401] {strides = array<i32>} : memref<3840xf32, #tpu.memory_space<vmem>>, vector<16xf32>,
        %parallel_loop3A_403 = arith.constant 0 : i32
        %parallel_loop3A_404 = arith.addi %parallel_loop3A_392, %parallel_loop3A_403 : i32
        %parallel_loop3A_405 = arith.index_cast %parallel_loop3A_404 : i32 to index
        %parallel_loop3A_406 = tpu.vector_load %arg14[%parallel_loop3A_405] {strides = array<i32>} : memref<15360xf32, #tpu.memory_space<vmem>>, vector<16xf32>,
        %parallel_loop3A_407 = arith.constant 5120 : i32
        %parallel_loop3A_408 = arith.addi %parallel_loop3A_407, %parallel_loop3A_404 : i32
        %parallel_loop3A_409 = arith.index_cast %parallel_loop3A_408 : i32 to index
        %parallel_loop3A_410 = tpu.vector_load %arg14[%parallel_loop3A_409] {strides = array<i32>} : memref<15360xf32, #tpu.memory_space<vmem>>, vector<16xf32>,
        %parallel_loop3A_411 = arith.constant 10240 : i32
        %parallel_loop3A_412 = arith.addi %parallel_loop3A_411, %parallel_loop3A_404 : i32
        %parallel_loop3A_413 = arith.index_cast %parallel_loop3A_412 : i32 to index
        %parallel_loop3A_414 = tpu.vector_load %arg14[%parallel_loop3A_413] {strides = array<i32>} : memref<15360xf32, #tpu.memory_space<vmem>>, vector<16xf32>,
        %parallel_loop3A_415 = arith.mulf %parallel_loop3A_394, %parallel_loop3A_406 : vector<16xf32>
        %parallel_loop3A_416 = arith.mulf %parallel_loop3A_398, %parallel_loop3A_410 : vector<16xf32>
        %parallel_loop3A_417 = arith.addf %parallel_loop3A_415, %parallel_loop3A_416 : vector<16xf32>
        %parallel_loop3A_418 = arith.mulf %parallel_loop3A_402, %parallel_loop3A_414 : vector<16xf32>
        %parallel_loop3A_419 = arith.addf %parallel_loop3A_417, %parallel_loop3A_418 : vector<16xf32>
        %parallel_loop3A_420 = arith.constant 0.000000e+00 : f32
        %parallel_loop3A_421 = vector.broadcast %parallel_loop3A_420 : f32 to vector<16xf32>
        %parallel_loop3A_422 = arith.maximumf %parallel_loop3A_419, %parallel_loop3A_421 : vector<16xf32>
        %parallel_loop3A_423 = arith.constant 1.000000e+00 : f32
        %parallel_loop3A_424 = vector.broadcast %parallel_loop3A_423 : f32 to vector<16xf32>
        %parallel_loop3A_425 = arith.minimumf %parallel_loop3A_422, %parallel_loop3A_424 : vector<16xf32>
        %parallel_loop3A_426 = arith.constant 0.000000e+00 : f32
        %parallel_loop3A_427 = vector.broadcast %parallel_loop3A_426 : f32 to vector<16xf32>
        %parallel_loop3A_428 = arith.cmpf ogt, %parallel_loop3A_425, %parallel_loop3A_427 : vector<16xf32>
        %parallel_loop3A_429 = arith.extui %parallel_loop3A_428 : vector<16xi1> to vector<16xi32>
        %parallel_loop3A_430 = arith.sitofp %parallel_loop3A_429 : vector<16xi32> to vector<16xf32>
        %parallel_loop3A_431 = arith.addf %broadcast_in_dim3A_1, %parallel_loop3A_430 : vector<16xf32>
        %parallel_loop3A_432 = arith.constant 128 : i32
        %parallel_loop3A_433 = arith.addi %parallel_loop3A_392, %parallel_loop3A_432 : i32
        %parallel_loop3A_434 = arith.index_cast %parallel_loop3A_433 : i32 to index
        %parallel_loop3A_435 = tpu.vector_load %arg14[%parallel_loop3A_434] {strides = array<i32>} : memref<15360xf32, #tpu.memory_space<vmem>>, vector<16xf32>,
        %parallel_loop3A_436 = arith.constant 5120 : i32
        %parallel_loop3A_437 = arith.addi %parallel_loop3A_436, %parallel_loop3A_433 : i32
        %parallel_loop3A_438 = arith.index_cast %parallel_loop3A_437 : i32 to index
        %parallel_loop3A_439 = tpu.vector_load %arg14[%parallel_loop3A_438] {strides = array<i32>} : memref<15360xf32, #tpu.memory_space<vmem>>, vector<16xf32>,
        %parallel_loop3A_440 = arith.constant 10240 : i32
        %parallel_loop3A_441 = arith.addi %parallel_loop3A_440, %parallel_loop3A_433 : i32
        %parallel_loop3A_442 = arith.index_cast %parallel_loop3A_441 : i32 to index
        %parallel_loop3A_443 = tpu.vector_load %arg14[%parallel_loop3A_442] {strides = array<i32>} : memref<15360xf32, #tpu.memory_space<vmem>>, vector<16xf32>,
        %parallel_loop3A_444 = arith.mulf %parallel_loop3A_394, %parallel_loop3A_435 : vector<16xf32>
        %parallel_loop3A_445 = arith.mulf %parallel_loop3A_398, %parallel_loop3A_439 : vector<16xf32>
        %parallel_loop3A_446 = arith.addf %parallel_loop3A_444, %parallel_loop3A_445 : vector<16xf32>
        %parallel_loop3A_447 = arith.mulf %parallel_loop3A_402, %parallel_loop3A_443 : vector<16xf32>
        %parallel_loop3A_448 = arith.addf %parallel_loop3A_446, %parallel_loop3A_447 : vector<16xf32>
        %parallel_loop3A_449 = arith.constant 0.000000e+00 : f32
        %parallel_loop3A_450 = vector.broadcast %parallel_loop3A_449 : f32 to vector<16xf32>
        %parallel_loop3A_451 = arith.maximumf %parallel_loop3A_448, %parallel_loop3A_450 : vector<16xf32>
        %parallel_loop3A_452 = arith.constant 1.000000e+00 : f32
        %parallel_loop3A_453 = vector.broadcast %parallel_loop3A_452 : f32 to vector<16xf32>
        %parallel_loop3A_454 = arith.minimumf %parallel_loop3A_451, %parallel_loop3A_453 : vector<16xf32>
        %parallel_loop3A_455 = arith.constant 0.000000e+00 : f32
        %parallel_loop3A_456 = vector.broadcast %parallel_loop3A_455 : f32 to vector<16xf32>
        %parallel_loop3A_457 = arith.cmpf ogt, %parallel_loop3A_454, %parallel_loop3A_456 : vector<16xf32>
        %parallel_loop3A_458 = arith.extui %parallel_loop3A_457 : vector<16xi1> to vector<16xi32>
        %parallel_loop3A_459 = arith.sitofp %parallel_loop3A_458 : vector<16xi32> to vector<16xf32>
        %parallel_loop3A_460 = arith.addf %parallel_loop3A_431, %parallel_loop3A_459 : vector<16xf32>
        %parallel_loop3A_461 = arith.constant 256 : i32
        %parallel_loop3A_462 = arith.addi %parallel_loop3A_392, %parallel_loop3A_461 : i32
        %parallel_loop3A_463 = arith.index_cast %parallel_loop3A_462 : i32 to index
        %parallel_loop3A_464 = tpu.vector_load %arg14[%parallel_loop3A_463] {strides = array<i32>} : memref<15360xf32, #tpu.memory_space<vmem>>, vector<16xf32>,
        %parallel_loop3A_465 = arith.constant 5120 : i32
        %parallel_loop3A_466 = arith.addi %parallel_loop3A_465, %parallel_loop3A_462 : i32
        %parallel_loop3A_467 = arith.index_cast %parallel_loop3A_466 : i32 to index
        %parallel_loop3A_468 = tpu.vector_load %arg14[%parallel_loop3A_467] {strides = array<i32>} : memref<15360xf32, #tpu.memory_space<vmem>>, vector<16xf32>,
        %parallel_loop3A_469 = arith.constant 10240 : i32
        %parallel_loop3A_470 = arith.addi %parallel_loop3A_469, %parallel_loop3A_462 : i32
        %parallel_loop3A_471 = arith.index_cast %parallel_loop3A_470 : i32 to index
        %parallel_loop3A_472 = tpu.vector_load %arg14[%parallel_loop3A_471] {strides = array<i32>} : memref<15360xf32, #tpu.memory_space<vmem>>, vector<16xf32>,
        %parallel_loop3A_473 = arith.mulf %parallel_loop3A_394, %parallel_loop3A_464 : vector<16xf32>
        %parallel_loop3A_474 = arith.mulf %parallel_loop3A_398, %parallel_loop3A_468 : vector<16xf32>
        %parallel_loop3A_475 = arith.addf %parallel_loop3A_473, %parallel_loop3A_474 : vector<16xf32>
        %parallel_loop3A_476 = arith.mulf %parallel_loop3A_402, %parallel_loop3A_472 : vector<16xf32>
        %parallel_loop3A_477 = arith.addf %parallel_loop3A_475, %parallel_loop3A_476 : vector<16xf32>
        %parallel_loop3A_478 = arith.constant 0.000000e+00 : f32
        %parallel_loop3A_479 = vector.broadcast %parallel_loop3A_478 : f32 to vector<16xf32>
        %parallel_loop3A_480 = arith.maximumf %parallel_loop3A_477, %parallel_loop3A_479 : vector<16xf32>
        %parallel_loop3A_481 = arith.constant 1.000000e+00 : f32
        %parallel_loop3A_482 = vector.broadcast %parallel_loop3A_481 : f32 to vector<16xf32>
        %parallel_loop3A_483 = arith.minimumf %parallel_loop3A_480, %parallel_loop3A_482 : vector<16xf32>
        %parallel_loop3A_484 = arith.constant 0.000000e+00 : f32
        %parallel_loop3A_485 = vector.broadcast %parallel_loop3A_484 : f32 to vector<16xf32>
        %parallel_loop3A_486 = arith.cmpf ogt, %parallel_loop3A_483, %parallel_loop3A_485 : vector<16xf32>
        %parallel_loop3A_487 = arith.extui %parallel_loop3A_486 : vector<16xi1> to vector<16xi32>
        %parallel_loop3A_488 = arith.sitofp %parallel_loop3A_487 : vector<16xi32> to vector<16xf32>
        %parallel_loop3A_489 = arith.addf %parallel_loop3A_460, %parallel_loop3A_488 : vector<16xf32>
        %parallel_loop3A_490 = arith.constant 384 : i32
        %parallel_loop3A_491 = arith.addi %parallel_loop3A_392, %parallel_loop3A_490 : i32
        %parallel_loop3A_492 = arith.index_cast %parallel_loop3A_491 : i32 to index
        %parallel_loop3A_493 = tpu.vector_load %arg14[%parallel_loop3A_492] {strides = array<i32>} : memref<15360xf32, #tpu.memory_space<vmem>>, vector<16xf32>,
        %parallel_loop3A_494 = arith.constant 5120 : i32
        %parallel_loop3A_495 = arith.addi %parallel_loop3A_494, %parallel_loop3A_491 : i32
        %parallel_loop3A_496 = arith.index_cast %parallel_loop3A_495 : i32 to index
        %parallel_loop3A_497 = tpu.vector_load %arg14[%parallel_loop3A_496] {strides = array<i32>} : memref<15360xf32, #tpu.memory_space<vmem>>, vector<16xf32>,
        %parallel_loop3A_498 = arith.constant 10240 : i32
        %parallel_loop3A_499 = arith.addi %parallel_loop3A_498, %parallel_loop3A_491 : i32
        %parallel_loop3A_500 = arith.index_cast %parallel_loop3A_499 : i32 to index
        %parallel_loop3A_501 = tpu.vector_load %arg14[%parallel_loop3A_500] {strides = array<i32>} : memref<15360xf32, #tpu.memory_space<vmem>>, vector<16xf32>,
        %parallel_loop3A_502 = arith.mulf %parallel_loop3A_394, %parallel_loop3A_493 : vector<16xf32>
        %parallel_loop3A_503 = arith.mulf %parallel_loop3A_398, %parallel_loop3A_497 : vector<16xf32>
        %parallel_loop3A_504 = arith.addf %parallel_loop3A_502, %parallel_loop3A_503 : vector<16xf32>
        %parallel_loop3A_505 = arith.mulf %parallel_loop3A_402, %parallel_loop3A_501 : vector<16xf32>
        %parallel_loop3A_506 = arith.addf %parallel_loop3A_504, %parallel_loop3A_505 : vector<16xf32>
        %parallel_loop3A_507 = arith.constant 0.000000e+00 : f32
        %parallel_loop3A_508 = vector.broadcast %parallel_loop3A_507 : f32 to vector<16xf32>
        %parallel_loop3A_509 = arith.maximumf %parallel_loop3A_506, %parallel_loop3A_508 : vector<16xf32>
        %parallel_loop3A_510 = arith.constant 1.000000e+00 : f32
        %parallel_loop3A_511 = vector.broadcast %parallel_loop3A_510 : f32 to vector<16xf32>
        %parallel_loop3A_512 = arith.minimumf %parallel_loop3A_509, %parallel_loop3A_511 : vector<16xf32>
        %parallel_loop3A_513 = arith.constant 0.000000e+00 : f32
        %parallel_loop3A_514 = vector.broadcast %parallel_loop3A_513 : f32 to vector<16xf32>
        %parallel_loop3A_515 = arith.cmpf ogt, %parallel_loop3A_512, %parallel_loop3A_514 : vector<16xf32>
        %parallel_loop3A_516 = arith.extui %parallel_loop3A_515 : vector<16xi1> to vector<16xi32>
        %parallel_loop3A_517 = arith.sitofp %parallel_loop3A_516 : vector<16xi32> to vector<16xf32>
        %parallel_loop3A_518 = arith.addf %parallel_loop3A_489, %parallel_loop3A_517 : vector<16xf32>
        %parallel_loop3A_519 = arith.constant 1.000000e+00 : f32
        %parallel_loop3A_520 = vector.broadcast %parallel_loop3A_519 : f32 to vector<16xf32>
        %parallel_loop3A_521 = arith.maximumf %parallel_loop3A_518, %parallel_loop3A_520 : vector<16xf32>
        %parallel_loop3A_522 = arith.constant 1.000000e+00 : f32
        %parallel_loop3A_523 = vector.broadcast %parallel_loop3A_522 : f32 to vector<16xf32>
        %parallel_loop3A_524 = arith.divf %parallel_loop3A_523, %parallel_loop3A_521 : vector<16xf32>
        %parallel_loop3A_525 = arith.constant 0 : i32
        %parallel_loop3A_526 = arith.addi %parallel_loop3A_392, %parallel_loop3A_525 : i32
        %parallel_loop3A_527 = arith.mulf %parallel_loop3A_425, %parallel_loop3A_524 : vector<16xf32>
        %parallel_loop3A_528 = arith.constant 0 : i32
        %parallel_loop3A_529 = arith.addi %parallel_loop3A_528, %parallel_loop3A_381 : i32
        %parallel_loop3A_530 = arith.index_cast %parallel_loop3A_529 : i32 to index
        %parallel_loop3A_531 = tpu.vector_load %arg16[%parallel_loop3A_530] {strides = array<i32>} : memref<5120xf32, #tpu.memory_space<vmem>>, vector<16xf32>,
        %parallel_loop3A_532 = arith.mulf %parallel_loop3A_527, %parallel_loop3A_531 : vector<16xf32>
        %parallel_loop3A_533 = arith.index_cast %parallel_loop3A_526 : i32 to index
        %parallel_loop3A_534 = tpu.vector_load %arg15[%parallel_loop3A_533] {strides = array<i32>} : memref<15360xf32, #tpu.memory_space<vmem>>, vector<16xf32>,
        %parallel_loop3A_535 = arith.mulf %parallel_loop3A_532, %parallel_loop3A_534 : vector<16xf32>
        %parallel_loop3A_536 = arith.addf %broadcast_in_dim3A_1, %parallel_loop3A_535 : vector<16xf32>
        %parallel_loop3A_537 = arith.constant 5120 : i32
        %parallel_loop3A_538 = arith.addi %parallel_loop3A_537, %parallel_loop3A_526 : i32
        %parallel_loop3A_539 = arith.index_cast %parallel_loop3A_538 : i32 to index
        %parallel_loop3A_540 = tpu.vector_load %arg15[%parallel_loop3A_539] {strides = array<i32>} : memref<15360xf32, #tpu.memory_space<vmem>>, vector<16xf32>,
        %parallel_loop3A_541 = arith.mulf %parallel_loop3A_532, %parallel_loop3A_540 : vector<16xf32>
        %parallel_loop3A_542 = arith.addf %broadcast_in_dim3A_1, %parallel_loop3A_541 : vector<16xf32>
        %parallel_loop3A_543 = arith.constant 10240 : i32
        %parallel_loop3A_544 = arith.addi %parallel_loop3A_543, %parallel_loop3A_526 : i32
        %parallel_loop3A_545 = arith.index_cast %parallel_loop3A_544 : i32 to index
        %parallel_loop3A_546 = tpu.vector_load %arg15[%parallel_loop3A_545] {strides = array<i32>} : memref<15360xf32, #tpu.memory_space<vmem>>, vector<16xf32>,
        %parallel_loop3A_547 = arith.mulf %parallel_loop3A_532, %parallel_loop3A_546 : vector<16xf32>
        %parallel_loop3A_548 = arith.addf %broadcast_in_dim3A_1, %parallel_loop3A_547 : vector<16xf32>
        %parallel_loop3A_549 = arith.constant 128 : i32
        %parallel_loop3A_550 = arith.addi %parallel_loop3A_392, %parallel_loop3A_549 : i32
        %parallel_loop3A_551 = arith.mulf %parallel_loop3A_454, %parallel_loop3A_524 : vector<16xf32>
        %parallel_loop3A_552 = arith.constant 1280 : i32
        %parallel_loop3A_553 = arith.addi %parallel_loop3A_552, %parallel_loop3A_381 : i32
        %parallel_loop3A_554 = arith.index_cast %parallel_loop3A_553 : i32 to index
        %parallel_loop3A_555 = tpu.vector_load %arg16[%parallel_loop3A_554] {strides = array<i32>} : memref<5120xf32, #tpu.memory_space<vmem>>, vector<16xf32>,
        %parallel_loop3A_556 = arith.mulf %parallel_loop3A_551, %parallel_loop3A_555 : vector<16xf32>
        %parallel_loop3A_557 = arith.index_cast %parallel_loop3A_550 : i32 to index
        %parallel_loop3A_558 = tpu.vector_load %arg15[%parallel_loop3A_557] {strides = array<i32>} : memref<15360xf32, #tpu.memory_space<vmem>>, vector<16xf32>,
        %parallel_loop3A_559 = arith.mulf %parallel_loop3A_556, %parallel_loop3A_558 : vector<16xf32>
        %parallel_loop3A_560 = arith.addf %parallel_loop3A_536, %parallel_loop3A_559 : vector<16xf32>
        %parallel_loop3A_561 = arith.constant 5120 : i32
        %parallel_loop3A_562 = arith.addi %parallel_loop3A_561, %parallel_loop3A_550 : i32
        %parallel_loop3A_563 = arith.index_cast %parallel_loop3A_562 : i32 to index
        %parallel_loop3A_564 = tpu.vector_load %arg15[%parallel_loop3A_563] {strides = array<i32>} : memref<15360xf32, #tpu.memory_space<vmem>>, vector<16xf32>,
        %parallel_loop3A_565 = arith.mulf %parallel_loop3A_556, %parallel_loop3A_564 : vector<16xf32>
        %parallel_loop3A_566 = arith.addf %parallel_loop3A_542, %parallel_loop3A_565 : vector<16xf32>
        %parallel_loop3A_567 = arith.constant 10240 : i32
        %parallel_loop3A_568 = arith.addi %parallel_loop3A_567, %parallel_loop3A_550 : i32
        %parallel_loop3A_569 = arith.index_cast %parallel_loop3A_568 : i32 to index
        %parallel_loop3A_570 = tpu.vector_load %arg15[%parallel_loop3A_569] {strides = array<i32>} : memref<15360xf32, #tpu.memory_space<vmem>>, vector<16xf32>,
        %parallel_loop3A_571 = arith.mulf %parallel_loop3A_556, %parallel_loop3A_570 : vector<16xf32>
        %parallel_loop3A_572 = arith.addf %parallel_loop3A_548, %parallel_loop3A_571 : vector<16xf32>
        %parallel_loop3A_573 = arith.constant 256 : i32
        %parallel_loop3A_574 = arith.addi %parallel_loop3A_392, %parallel_loop3A_573 : i32
        %parallel_loop3A_575 = arith.mulf %parallel_loop3A_483, %parallel_loop3A_524 : vector<16xf32>
        %parallel_loop3A_576 = arith.constant 2560 : i32
        %parallel_loop3A_577 = arith.addi %parallel_loop3A_576, %parallel_loop3A_381 : i32
        %parallel_loop3A_578 = arith.index_cast %parallel_loop3A_577 : i32 to index
        %parallel_loop3A_579 = tpu.vector_load %arg16[%parallel_loop3A_578] {strides = array<i32>} : memref<5120xf32, #tpu.memory_space<vmem>>, vector<16xf32>,
        %parallel_loop3A_580 = arith.mulf %parallel_loop3A_575, %parallel_loop3A_579 : vector<16xf32>
        %parallel_loop3A_581 = arith.index_cast %parallel_loop3A_574 : i32 to index
        %parallel_loop3A_582 = tpu.vector_load %arg15[%parallel_loop3A_581] {strides = array<i32>} : memref<15360xf32, #tpu.memory_space<vmem>>, vector<16xf32>,
        %parallel_loop3A_583 = arith.mulf %parallel_loop3A_580, %parallel_loop3A_582 : vector<16xf32>
        %parallel_loop3A_584 = arith.addf %parallel_loop3A_560, %parallel_loop3A_583 : vector<16xf32>
        %parallel_loop3A_585 = arith.constant 5120 : i32
        %parallel_loop3A_586 = arith.addi %parallel_loop3A_585, %parallel_loop3A_574 : i32
        %parallel_loop3A_587 = arith.index_cast %parallel_loop3A_586 : i32 to index
        %parallel_loop3A_588 = tpu.vector_load %arg15[%parallel_loop3A_587] {strides = array<i32>} : memref<15360xf32, #tpu.memory_space<vmem>>, vector<16xf32>,
        %parallel_loop3A_589 = arith.mulf %parallel_loop3A_580, %parallel_loop3A_588 : vector<16xf32>
        %parallel_loop3A_590 = arith.addf %parallel_loop3A_566, %parallel_loop3A_589 : vector<16xf32>
        %parallel_loop3A_591 = arith.constant 10240 : i32
        %parallel_loop3A_592 = arith.addi %parallel_loop3A_591, %parallel_loop3A_574 : i32
        %parallel_loop3A_593 = arith.index_cast %parallel_loop3A_592 : i32 to index
        %parallel_loop3A_594 = tpu.vector_load %arg15[%parallel_loop3A_593] {strides = array<i32>} : memref<15360xf32, #tpu.memory_space<vmem>>, vector<16xf32>,
        %parallel_loop3A_595 = arith.mulf %parallel_loop3A_580, %parallel_loop3A_594 : vector<16xf32>
        %parallel_loop3A_596 = arith.addf %parallel_loop3A_572, %parallel_loop3A_595 : vector<16xf32>
        %parallel_loop3A_597 = arith.constant 384 : i32
        %parallel_loop3A_598 = arith.addi %parallel_loop3A_392, %parallel_loop3A_597 : i32
        %parallel_loop3A_599 = arith.mulf %parallel_loop3A_512, %parallel_loop3A_524 : vector<16xf32>
        %parallel_loop3A_600 = arith.constant 3840 : i32
        %parallel_loop3A_601 = arith.addi %parallel_loop3A_600, %parallel_loop3A_381 : i32
        %parallel_loop3A_602 = arith.index_cast %parallel_loop3A_601 : i32 to index
        %parallel_loop3A_603 = tpu.vector_load %arg16[%parallel_loop3A_602] {strides = array<i32>} : memref<5120xf32, #tpu.memory_space<vmem>>, vector<16xf32>,
        %parallel_loop3A_604 = arith.mulf %parallel_loop3A_599, %parallel_loop3A_603 : vector<16xf32>
        %parallel_loop3A_605 = arith.index_cast %parallel_loop3A_598 : i32 to index
        %parallel_loop3A_606 = tpu.vector_load %arg15[%parallel_loop3A_605] {strides = array<i32>} : memref<15360xf32, #tpu.memory_space<vmem>>, vector<16xf32>,
        %parallel_loop3A_607 = arith.mulf %parallel_loop3A_604, %parallel_loop3A_606 : vector<16xf32>
        %parallel_loop3A_608 = arith.addf %parallel_loop3A_584, %parallel_loop3A_607 : vector<16xf32>
        %parallel_loop3A_609 = arith.constant 5120 : i32
        %parallel_loop3A_610 = arith.addi %parallel_loop3A_609, %parallel_loop3A_598 : i32
        %parallel_loop3A_611 = arith.index_cast %parallel_loop3A_610 : i32 to index
        %parallel_loop3A_612 = tpu.vector_load %arg15[%parallel_loop3A_611] {strides = array<i32>} : memref<15360xf32, #tpu.memory_space<vmem>>, vector<16xf32>,
        %parallel_loop3A_613 = arith.mulf %parallel_loop3A_604, %parallel_loop3A_612 : vector<16xf32>
        %parallel_loop3A_614 = arith.addf %parallel_loop3A_590, %parallel_loop3A_613 : vector<16xf32>
        %parallel_loop3A_615 = arith.constant 10240 : i32
        %parallel_loop3A_616 = arith.addi %parallel_loop3A_615, %parallel_loop3A_598 : i32
        %parallel_loop3A_617 = arith.index_cast %parallel_loop3A_616 : i32 to index
        %parallel_loop3A_618 = tpu.vector_load %arg15[%parallel_loop3A_617] {strides = array<i32>} : memref<15360xf32, #tpu.memory_space<vmem>>, vector<16xf32>,
        %parallel_loop3A_619 = arith.mulf %parallel_loop3A_604, %parallel_loop3A_618 : vector<16xf32>
        %parallel_loop3A_620 = arith.addf %parallel_loop3A_596, %parallel_loop3A_619 : vector<16xf32>
        %parallel_loop3A_621 = arith.index_cast %parallel_loop3A_381 : i32 to index
        %parallel_loop3A_622 = tpu.vector_load %arg17[%parallel_loop3A_621] {strides = array<i32>} : memref<1280xf32, #tpu.memory_space<vmem>>, vector<16xf32>,
        %parallel_loop3A_623 = vector.broadcast %parallel_loop3A_381 : i32 to vector<16xi32>
        %parallel_loop3A_624 = arith.addi %parallel_loop3A_623, %iota3A : vector<16xi32>
        %parallel_loop3A_625 = arith.index_cast %parallel_loop3A_381 : i32 to index
        %parallel_loop3A_626 = tpu.vector_load %arg18[%parallel_loop3A_625] {strides = array<i32>} : memref<1280xi32, #tpu.memory_space<vmem>>, vector<16xi32>,
        %parallel_loop3A_627 = vector.broadcast %mul3A_163 : i32 to vector<16xi32>
        %parallel_loop3A_628 = arith.subi %parallel_loop3A_626, %parallel_loop3A_627 : vector<16xi32>
        %parallel_loop3A_629 = arith.constant 0 : i32
        %parallel_loop3A_630 = vector.broadcast %parallel_loop3A_629 : i32 to vector<16xi32>
        %parallel_loop3A_631 = arith.cmpi sge, %parallel_loop3A_628, %parallel_loop3A_630 : vector<16xi32>
        %parallel_loop3A_632 = arith.constant 2048 : i32
        %parallel_loop3A_633 = vector.broadcast %parallel_loop3A_632 : i32 to vector<16xi32>
        %parallel_loop3A_634 = arith.cmpi slt, %parallel_loop3A_628, %parallel_loop3A_633 : vector<16xi32>
        %parallel_loop3A_635 = arith.andi %parallel_loop3A_631, %parallel_loop3A_634 : vector<16xi1>
        %parallel_loop3A_636 = vector.broadcast %sub3A_365 : i32 to vector<16xi32>
        %parallel_loop3A_637 = arith.cmpi sge, %parallel_loop3A_624, %parallel_loop3A_636 : vector<16xi32>
        %parallel_loop3A_638 = arith.andi %parallel_loop3A_635, %parallel_loop3A_637 : vector<16xi1>
        %parallel_loop3A_639 = arith.constant 0 : i32
        %parallel_loop3A_640 = vector.broadcast %parallel_loop3A_639 : i32 to vector<16xi32>
        %parallel_loop3A_641 = arith.maxsi %parallel_loop3A_628, %parallel_loop3A_640 : vector<16xi32>
        %parallel_loop3A_642 = arith.constant 2048 : i32
        %parallel_loop3A_643 = vector.broadcast %parallel_loop3A_642 : i32 to vector<16xi32>
        %parallel_loop3A_644 = arith.minsi %parallel_loop3A_641, %parallel_loop3A_643 : vector<16xi32>
        %parallel_loop3A_645 = arith.index_cast %parallel_loop3A_381 : i32 to index
        %parallel_loop3A_646 = tpu.vector_load %arg12[%parallel_loop3A_645] {strides = array<i32>} : memref<3840xf32, #tpu.memory_space<vmem>>, vector<16xf32>,
        %parallel_loop3A_647 = arith.mulf %parallel_loop3A_622, %parallel_loop3A_646 : vector<16xf32>
        %parallel_loop3A_648 = arith.mulf %parallel_loop3A_647, %parallel_loop3A_608 : vector<16xf32>
        tpu.vector_store_idx %arg27[%parallel_loop3A_644], %parallel_loop3A_648 masked %parallel_loop3A_638 {add = true} : memref<8256xf32, #tpu.memory_space<vmem>>[vector<16xi32>], vector<16xf32>, vector<16xi1>
        %parallel_loop3A_649 = arith.constant 2064 : i32
        %parallel_loop3A_650 = vector.broadcast %parallel_loop3A_649 : i32 to vector<16xi32>
        %parallel_loop3A_651 = arith.addi %parallel_loop3A_644, %parallel_loop3A_650 : vector<16xi32>
        %parallel_loop3A_652 = arith.constant 1280 : i32
        %parallel_loop3A_653 = arith.addi %parallel_loop3A_652, %parallel_loop3A_381 : i32
        %parallel_loop3A_654 = arith.index_cast %parallel_loop3A_653 : i32 to index
        %parallel_loop3A_655 = tpu.vector_load %arg12[%parallel_loop3A_654] {strides = array<i32>} : memref<3840xf32, #tpu.memory_space<vmem>>, vector<16xf32>,
        %parallel_loop3A_656 = arith.mulf %parallel_loop3A_622, %parallel_loop3A_655 : vector<16xf32>
        %parallel_loop3A_657 = arith.mulf %parallel_loop3A_656, %parallel_loop3A_614 : vector<16xf32>
        tpu.vector_store_idx %arg27[%parallel_loop3A_651], %parallel_loop3A_657 masked %parallel_loop3A_638 {add = true} : memref<8256xf32, #tpu.memory_space<vmem>>[vector<16xi32>], vector<16xf32>, vector<16xi1>
        %parallel_loop3A_658 = arith.constant 4128 : i32
        %parallel_loop3A_659 = vector.broadcast %parallel_loop3A_658 : i32 to vector<16xi32>
        %parallel_loop3A_660 = arith.addi %parallel_loop3A_644, %parallel_loop3A_659 : vector<16xi32>
        %parallel_loop3A_661 = arith.constant 2560 : i32
        %parallel_loop3A_662 = arith.addi %parallel_loop3A_661, %parallel_loop3A_381 : i32
        %parallel_loop3A_663 = arith.index_cast %parallel_loop3A_662 : i32 to index
        %parallel_loop3A_664 = tpu.vector_load %arg12[%parallel_loop3A_663] {strides = array<i32>} : memref<3840xf32, #tpu.memory_space<vmem>>, vector<16xf32>,
        %parallel_loop3A_665 = arith.mulf %parallel_loop3A_622, %parallel_loop3A_664 : vector<16xf32>
        %parallel_loop3A_666 = arith.mulf %parallel_loop3A_665, %parallel_loop3A_620 : vector<16xf32>
        tpu.vector_store_idx %arg27[%parallel_loop3A_660], %parallel_loop3A_666 masked %parallel_loop3A_638 {add = true} : memref<8256xf32, #tpu.memory_space<vmem>>[vector<16xi32>], vector<16xf32>, vector<16xi1>
        %parallel_loop3A_667 = arith.constant 6192 : i32
        %parallel_loop3A_668 = vector.broadcast %parallel_loop3A_667 : i32 to vector<16xi32>
        %parallel_loop3A_669 = arith.addi %parallel_loop3A_644, %parallel_loop3A_668 : vector<16xi32>
        tpu.vector_store_idx %arg27[%parallel_loop3A_669], %parallel_loop3A_622 masked %parallel_loop3A_638 {add = true} : memref<8256xf32, #tpu.memory_space<vmem>>[vector<16xi32>], vector<16xf32>, vector<16xi1>
      } {sc.loop_unroll_factor = 8 : i64, sc.parallel_access}
      %add3A_369 = arith.constant 2 : i32
      %add3A_370 = arith.addi %mul3A_217, %add3A_369 : i32
      %lt3A_371 = arith.cmpi slt, %add3A_370, %div3A_161 : i32
      %convert_element_type3A_372 = arith.extui %lt3A_371 : i1 to i32
      %cond3A_373 = arith.constant 0 : i32
      %cond3A_374 = arith.cmpi ne, %convert_element_type3A_372, %cond3A_373 : i32
      scf.if %cond3A_374 {
        %add3A_379 = arith.constant 2 : i32
        %add3A_380 = arith.addi %mul3A_217, %add3A_379 : i32
        %mul3A_381 = arith.constant 1280 : i32
        %mul3A_382 = arith.muli %add3A_380, %mul3A_381 : i32
        %add3A_383 = arith.addi %multiple_of3A, %mul3A_382 : i32
        %min3A_384 = arith.constant 1047296 : i32
        %min3A_385 = arith.minsi %add3A_383, %min3A_384 : i32
        %multiple_of3A_386 = tpu.assume_multiple %min3A_385, 128 : i32
        %add3A_387 = arith.constant 0 : i32
        %add3A_388 = arith.addi %add3A_387, %multiple_of3A_386 : i32
        %dma_start3A_389 = arith.constant 0 : i32
        %dma_start3A_390 = tpu.memref_slice %arg12[%dma_start3A_389] : memref<3840xf32, #tpu.memory_space<vmem>> -> memref<1280xf32, #tpu.memory_space<vmem>>
        %dma_start3A_391 = tpu.memref_slice %arg2[%add3A_388] : memref<3145728xf32, #tpu.memory_space<hbm>> -> memref<1280xf32, #tpu.memory_space<hbm>>
        %dma_start3A_392 = arith.constant 0 : i32
        %dma_start3A_393 = tpu.memref_slice %arg12[%dma_start3A_392] : memref<3840xf32, #tpu.memory_space<vmem>> -> memref<1280xf32, #tpu.memory_space<vmem>>
        %dma_start3A_394 = tpu.memref_slice %arg2[%add3A_388] : memref<3145728xf32, #tpu.memory_space<hbm>> -> memref<1280xf32, #tpu.memory_space<hbm>>
        tpu.enqueue_dma source(%dma_start3A_394 : memref<1280xf32, #tpu.memory_space<hbm>>) target(%dma_start3A_393 : memref<1280xf32, #tpu.memory_space<vmem>>) target_semaphore(%arg30 : memref<!tpu.dma_semaphore, #tpu.memory_space<semaphore_mem>>)
        %add3A_395 = arith.constant 0 : i32
        %add3A_396 = arith.addi %add3A_395, %multiple_of3A_386 : i32
        %dma_start3A_397 = arith.constant 0 : i32
        %dma_start3A_398 = tpu.memref_slice %arg13[%dma_start3A_397] : memref<3840xf32, #tpu.memory_space<vmem>> -> memref<1280xf32, #tpu.memory_space<vmem>>
        %dma_start3A_399 = tpu.memref_slice %arg3[%add3A_396] : memref<3145728xf32, #tpu.memory_space<hbm>> -> memref<1280xf32, #tpu.memory_space<hbm>>
        %dma_start3A_400 = arith.constant 0 : i32
        %dma_start3A_401 = tpu.memref_slice %arg13[%dma_start3A_400] : memref<3840xf32, #tpu.memory_space<vmem>> -> memref<1280xf32, #tpu.memory_space<vmem>>
        %dma_start3A_402 = tpu.memref_slice %arg3[%add3A_396] : memref<3145728xf32, #tpu.memory_space<hbm>> -> memref<1280xf32, #tpu.memory_space<hbm>>
        tpu.enqueue_dma source(%dma_start3A_402 : memref<1280xf32, #tpu.memory_space<hbm>>) target(%dma_start3A_401 : memref<1280xf32, #tpu.memory_space<vmem>>) target_semaphore(%arg30 : memref<!tpu.dma_semaphore, #tpu.memory_space<semaphore_mem>>)
        %mul3A_403 = arith.constant 4 : i32
        %mul3A_404 = arith.muli %multiple_of3A_386, %mul3A_403 : i32
        %add3A_405 = arith.constant 0 : i32
        %add3A_406 = arith.addi %add3A_405, %mul3A_404 : i32
        %dma_start3A_407 = arith.constant 0 : i32
        %dma_start3A_408 = tpu.memref_slice %arg14[%dma_start3A_407] : memref<15360xf32, #tpu.memory_space<vmem>> -> memref<5120xf32, #tpu.memory_space<vmem>>
        %dma_start3A_409 = tpu.memref_slice %arg4[%add3A_406] : memref<12582912xf32, #tpu.memory_space<hbm>> -> memref<5120xf32, #tpu.memory_space<hbm>>
        %dma_start3A_410 = arith.constant 0 : i32
        %dma_start3A_411 = tpu.memref_slice %arg14[%dma_start3A_410] : memref<15360xf32, #tpu.memory_space<vmem>> -> memref<5120xf32, #tpu.memory_space<vmem>>
        %dma_start3A_412 = tpu.memref_slice %arg4[%add3A_406] : memref<12582912xf32, #tpu.memory_space<hbm>> -> memref<5120xf32, #tpu.memory_space<hbm>>
        tpu.enqueue_dma source(%dma_start3A_412 : memref<5120xf32, #tpu.memory_space<hbm>>) target(%dma_start3A_411 : memref<5120xf32, #tpu.memory_space<vmem>>) target_semaphore(%arg30 : memref<!tpu.dma_semaphore, #tpu.memory_space<semaphore_mem>>)
        %mul3A_413 = arith.constant 4 : i32
        %mul3A_414 = arith.muli %multiple_of3A_386, %mul3A_413 : i32
        %add3A_415 = arith.constant 0 : i32
        %add3A_416 = arith.addi %add3A_415, %mul3A_414 : i32
        %dma_start3A_417 = arith.constant 0 : i32
        %dma_start3A_418 = tpu.memref_slice %arg15[%dma_start3A_417] : memref<15360xf32, #tpu.memory_space<vmem>> -> memref<5120xf32, #tpu.memory_space<vmem>>
        %dma_start3A_419 = tpu.memref_slice %arg5[%add3A_416] : memref<12582912xf32, #tpu.memory_space<hbm>> -> memref<5120xf32, #tpu.memory_space<hbm>>
        %dma_start3A_420 = arith.constant 0 : i32
        %dma_start3A_421 = tpu.memref_slice %arg15[%dma_start3A_420] : memref<15360xf32, #tpu.memory_space<vmem>> -> memref<5120xf32, #tpu.memory_space<vmem>>
        %dma_start3A_422 = tpu.memref_slice %arg5[%add3A_416] : memref<12582912xf32, #tpu.memory_space<hbm>> -> memref<5120xf32, #tpu.memory_space<hbm>>
        tpu.enqueue_dma source(%dma_start3A_422 : memref<5120xf32, #tpu.memory_space<hbm>>) target(%dma_start3A_421 : memref<5120xf32, #tpu.memory_space<vmem>>) target_semaphore(%arg30 : memref<!tpu.dma_semaphore, #tpu.memory_space<semaphore_mem>>)
        %add3A_423 = arith.constant 1048576 : i32
        %add3A_424 = arith.addi %add3A_423, %multiple_of3A_386 : i32
        %dma_start3A_425 = arith.constant 1280 : i32
        %dma_start3A_426 = tpu.memref_slice %arg12[%dma_start3A_425] : memref<3840xf32, #tpu.memory_space<vmem>> -> memref<1280xf32, #tpu.memory_space<vmem>>
        %dma_start3A_427 = tpu.memref_slice %arg2[%add3A_424] : memref<3145728xf32, #tpu.memory_space<hbm>> -> memref<1280xf32, #tpu.memory_space<hbm>>
        %dma_start3A_428 = arith.constant 1280 : i32
        %dma_start3A_429 = tpu.memref_slice %arg12[%dma_start3A_428] : memref<3840xf32, #tpu.memory_space<vmem>> -> memref<1280xf32, #tpu.memory_space<vmem>>
        %dma_start3A_430 = tpu.memref_slice %arg2[%add3A_424] : memref<3145728xf32, #tpu.memory_space<hbm>> -> memref<1280xf32, #tpu.memory_space<hbm>>
        tpu.enqueue_dma source(%dma_start3A_430 : memref<1280xf32, #tpu.memory_space<hbm>>) target(%dma_start3A_429 : memref<1280xf32, #tpu.memory_space<vmem>>) target_semaphore(%arg30 : memref<!tpu.dma_semaphore, #tpu.memory_space<semaphore_mem>>)
        %add3A_431 = arith.constant 1048576 : i32
        %add3A_432 = arith.addi %add3A_431, %multiple_of3A_386 : i32
        %dma_start3A_433 = arith.constant 1280 : i32
        %dma_start3A_434 = tpu.memref_slice %arg13[%dma_start3A_433] : memref<3840xf32, #tpu.memory_space<vmem>> -> memref<1280xf32, #tpu.memory_space<vmem>>
        %dma_start3A_435 = tpu.memref_slice %arg3[%add3A_432] : memref<3145728xf32, #tpu.memory_space<hbm>> -> memref<1280xf32, #tpu.memory_space<hbm>>
        %dma_start3A_436 = arith.constant 1280 : i32
        %dma_start3A_437 = tpu.memref_slice %arg13[%dma_start3A_436] : memref<3840xf32, #tpu.memory_space<vmem>> -> memref<1280xf32, #tpu.memory_space<vmem>>
        %dma_start3A_438 = tpu.memref_slice %arg3[%add3A_432] : memref<3145728xf32, #tpu.memory_space<hbm>> -> memref<1280xf32, #tpu.memory_space<hbm>>
        tpu.enqueue_dma source(%dma_start3A_438 : memref<1280xf32, #tpu.memory_space<hbm>>) target(%dma_start3A_437 : memref<1280xf32, #tpu.memory_space<vmem>>) target_semaphore(%arg30 : memref<!tpu.dma_semaphore, #tpu.memory_space<semaphore_mem>>)
        %mul3A_439 = arith.constant 4 : i32
        %mul3A_440 = arith.muli %multiple_of3A_386, %mul3A_439 : i32
        %add3A_441 = arith.constant 4194304 : i32
        %add3A_442 = arith.addi %add3A_441, %mul3A_440 : i32
        %dma_start3A_443 = arith.constant 5120 : i32
        %dma_start3A_444 = tpu.memref_slice %arg14[%dma_start3A_443] : memref<15360xf32, #tpu.memory_space<vmem>> -> memref<5120xf32, #tpu.memory_space<vmem>>
        %dma_start3A_445 = tpu.memref_slice %arg4[%add3A_442] : memref<12582912xf32, #tpu.memory_space<hbm>> -> memref<5120xf32, #tpu.memory_space<hbm>>
        %dma_start3A_446 = arith.constant 5120 : i32
        %dma_start3A_447 = tpu.memref_slice %arg14[%dma_start3A_446] : memref<15360xf32, #tpu.memory_space<vmem>> -> memref<5120xf32, #tpu.memory_space<vmem>>
        %dma_start3A_448 = tpu.memref_slice %arg4[%add3A_442] : memref<12582912xf32, #tpu.memory_space<hbm>> -> memref<5120xf32, #tpu.memory_space<hbm>>
        tpu.enqueue_dma source(%dma_start3A_448 : memref<5120xf32, #tpu.memory_space<hbm>>) target(%dma_start3A_447 : memref<5120xf32, #tpu.memory_space<vmem>>) target_semaphore(%arg30 : memref<!tpu.dma_semaphore, #tpu.memory_space<semaphore_mem>>)
        %mul3A_449 = arith.constant 4 : i32
        %mul3A_450 = arith.muli %multiple_of3A_386, %mul3A_449 : i32
        %add3A_451 = arith.constant 4194304 : i32
        %add3A_452 = arith.addi %add3A_451, %mul3A_450 : i32
        %dma_start3A_453 = arith.constant 5120 : i32
        %dma_start3A_454 = tpu.memref_slice %arg15[%dma_start3A_453] : memref<15360xf32, #tpu.memory_space<vmem>> -> memref<5120xf32, #tpu.memory_space<vmem>>
        %dma_start3A_455 = tpu.memref_slice %arg5[%add3A_452] : memref<12582912xf32, #tpu.memory_space<hbm>> -> memref<5120xf32, #tpu.memory_space<hbm>>
        %dma_start3A_456 = arith.constant 5120 : i32
        %dma_start3A_457 = tpu.memref_slice %arg15[%dma_start3A_456] : memref<15360xf32, #tpu.memory_space<vmem>> -> memref<5120xf32, #tpu.memory_space<vmem>>
        %dma_start3A_458 = tpu.memref_slice %arg5[%add3A_452] : memref<12582912xf32, #tpu.memory_space<hbm>> -> memref<5120xf32, #tpu.memory_space<hbm>>
        tpu.enqueue_dma source(%dma_start3A_458 : memref<5120xf32, #tpu.memory_space<hbm>>) target(%dma_start3A_457 : memref<5120xf32, #tpu.memory_space<vmem>>) target_semaphore(%arg30 : memref<!tpu.dma_semaphore, #tpu.memory_space<semaphore_mem>>)
        %add3A_459 = arith.constant 2097152 : i32
        %add3A_460 = arith.addi %add3A_459, %multiple_of3A_386 : i32
        %dma_start3A_461 = arith.constant 2560 : i32
        %dma_start3A_462 = tpu.memref_slice %arg12[%dma_start3A_461] : memref<3840xf32, #tpu.memory_space<vmem>> -> memref<1280xf32, #tpu.memory_space<vmem>>
        %dma_start3A_463 = tpu.memref_slice %arg2[%add3A_460] : memref<3145728xf32, #tpu.memory_space<hbm>> -> memref<1280xf32, #tpu.memory_space<hbm>>
        %dma_start3A_464 = arith.constant 2560 : i32
        %dma_start3A_465 = tpu.memref_slice %arg12[%dma_start3A_464] : memref<3840xf32, #tpu.memory_space<vmem>> -> memref<1280xf32, #tpu.memory_space<vmem>>
        %dma_start3A_466 = tpu.memref_slice %arg2[%add3A_460] : memref<3145728xf32, #tpu.memory_space<hbm>> -> memref<1280xf32, #tpu.memory_space<hbm>>
        tpu.enqueue_dma source(%dma_start3A_466 : memref<1280xf32, #tpu.memory_space<hbm>>) target(%dma_start3A_465 : memref<1280xf32, #tpu.memory_space<vmem>>) target_semaphore(%arg30 : memref<!tpu.dma_semaphore, #tpu.memory_space<semaphore_mem>>)
        %add3A_467 = arith.constant 2097152 : i32
        %add3A_468 = arith.addi %add3A_467, %multiple_of3A_386 : i32
        %dma_start3A_469 = arith.constant 2560 : i32
        %dma_start3A_470 = tpu.memref_slice %arg13[%dma_start3A_469] : memref<3840xf32, #tpu.memory_space<vmem>> -> memref<1280xf32, #tpu.memory_space<vmem>>
        %dma_start3A_471 = tpu.memref_slice %arg3[%add3A_468] : memref<3145728xf32, #tpu.memory_space<hbm>> -> memref<1280xf32, #tpu.memory_space<hbm>>
        %dma_start3A_472 = arith.constant 2560 : i32
        %dma_start3A_473 = tpu.memref_slice %arg13[%dma_start3A_472] : memref<3840xf32, #tpu.memory_space<vmem>> -> memref<1280xf32, #tpu.memory_space<vmem>>
        %dma_start3A_474 = tpu.memref_slice %arg3[%add3A_468] : memref<3145728xf32, #tpu.memory_space<hbm>> -> memref<1280xf32, #tpu.memory_space<hbm>>
        tpu.enqueue_dma source(%dma_start3A_474 : memref<1280xf32, #tpu.memory_space<hbm>>) target(%dma_start3A_473 : memref<1280xf32, #tpu.memory_space<vmem>>) target_semaphore(%arg30 : memref<!tpu.dma_semaphore, #tpu.memory_space<semaphore_mem>>)
        %mul3A_475 = arith.constant 4 : i32
        %mul3A_476 = arith.muli %multiple_of3A_386, %mul3A_475 : i32
        %add3A_477 = arith.constant 8388608 : i32
        %add3A_478 = arith.addi %add3A_477, %mul3A_476 : i32
        %dma_start3A_479 = arith.constant 10240 : i32
        %dma_start3A_480 = tpu.memref_slice %arg14[%dma_start3A_479] : memref<15360xf32, #tpu.memory_space<vmem>> -> memref<5120xf32, #tpu.memory_space<vmem>>
        %dma_start3A_481 = tpu.memref_slice %arg4[%add3A_478] : memref<12582912xf32, #tpu.memory_space<hbm>> -> memref<5120xf32, #tpu.memory_space<hbm>>
        %dma_start3A_482 = arith.constant 10240 : i32
        %dma_start3A_483 = tpu.memref_slice %arg14[%dma_start3A_482] : memref<15360xf32, #tpu.memory_space<vmem>> -> memref<5120xf32, #tpu.memory_space<vmem>>
        %dma_start3A_484 = tpu.memref_slice %arg4[%add3A_478] : memref<12582912xf32, #tpu.memory_space<hbm>> -> memref<5120xf32, #tpu.memory_space<hbm>>
        tpu.enqueue_dma source(%dma_start3A_484 : memref<5120xf32, #tpu.memory_space<hbm>>) target(%dma_start3A_483 : memref<5120xf32, #tpu.memory_space<vmem>>) target_semaphore(%arg30 : memref<!tpu.dma_semaphore, #tpu.memory_space<semaphore_mem>>)
        %mul3A_485 = arith.constant 4 : i32
        %mul3A_486 = arith.muli %multiple_of3A_386, %mul3A_485 : i32
        %add3A_487 = arith.constant 8388608 : i32
        %add3A_488 = arith.addi %add3A_487, %mul3A_486 : i32
        %dma_start3A_489 = arith.constant 10240 : i32
        %dma_start3A_490 = tpu.memref_slice %arg15[%dma_start3A_489] : memref<15360xf32, #tpu.memory_space<vmem>> -> memref<5120xf32, #tpu.memory_space<vmem>>
        %dma_start3A_491 = tpu.memref_slice %arg5[%add3A_488] : memref<12582912xf32, #tpu.memory_space<hbm>> -> memref<5120xf32, #tpu.memory_space<hbm>>
        %dma_start3A_492 = arith.constant 10240 : i32
        %dma_start3A_493 = tpu.memref_slice %arg15[%dma_start3A_492] : memref<15360xf32, #tpu.memory_space<vmem>> -> memref<5120xf32, #tpu.memory_space<vmem>>
        %dma_start3A_494 = tpu.memref_slice %arg5[%add3A_488] : memref<12582912xf32, #tpu.memory_space<hbm>> -> memref<5120xf32, #tpu.memory_space<hbm>>
        tpu.enqueue_dma source(%dma_start3A_494 : memref<5120xf32, #tpu.memory_space<hbm>>) target(%dma_start3A_493 : memref<5120xf32, #tpu.memory_space<vmem>>) target_semaphore(%arg30 : memref<!tpu.dma_semaphore, #tpu.memory_space<semaphore_mem>>)
        %add3A_495 = arith.constant 0 : i32
        %add3A_496 = arith.addi %add3A_495, %multiple_of3A_386 : i32
        %dma_start3A_497 = arith.constant 0 : i32
        %dma_start3A_498 = tpu.memref_slice %arg16[%dma_start3A_497] : memref<5120xf32, #tpu.memory_space<vmem>> -> memref<1280xf32, #tpu.memory_space<vmem>>
        %dma_start3A_499 = tpu.memref_slice %arg6[%add3A_496] : memref<4194304xf32, #tpu.memory_space<hbm>> -> memref<1280xf32, #tpu.memory_space<hbm>>
        %dma_start3A_500 = arith.constant 0 : i32
        %dma_start3A_501 = tpu.memref_slice %arg16[%dma_start3A_500] : memref<5120xf32, #tpu.memory_space<vmem>> -> memref<1280xf32, #tpu.memory_space<vmem>>
        %dma_start3A_502 = tpu.memref_slice %arg6[%add3A_496] : memref<4194304xf32, #tpu.memory_space<hbm>> -> memref<1280xf32, #tpu.memory_space<hbm>>
        tpu.enqueue_dma source(%dma_start3A_502 : memref<1280xf32, #tpu.memory_space<hbm>>) target(%dma_start3A_501 : memref<1280xf32, #tpu.memory_space<vmem>>) target_semaphore(%arg30 : memref<!tpu.dma_semaphore, #tpu.memory_space<semaphore_mem>>)
        %add3A_503 = arith.constant 1048576 : i32
        %add3A_504 = arith.addi %add3A_503, %multiple_of3A_386 : i32
        %dma_start3A_505 = arith.constant 1280 : i32
        %dma_start3A_506 = tpu.memref_slice %arg16[%dma_start3A_505] : memref<5120xf32, #tpu.memory_space<vmem>> -> memref<1280xf32, #tpu.memory_space<vmem>>
        %dma_start3A_507 = tpu.memref_slice %arg6[%add3A_504] : memref<4194304xf32, #tpu.memory_space<hbm>> -> memref<1280xf32, #tpu.memory_space<hbm>>
        %dma_start3A_508 = arith.constant 1280 : i32
        %dma_start3A_509 = tpu.memref_slice %arg16[%dma_start3A_508] : memref<5120xf32, #tpu.memory_space<vmem>> -> memref<1280xf32, #tpu.memory_space<vmem>>
        %dma_start3A_510 = tpu.memref_slice %arg6[%add3A_504] : memref<4194304xf32, #tpu.memory_space<hbm>> -> memref<1280xf32, #tpu.memory_space<hbm>>
        tpu.enqueue_dma source(%dma_start3A_510 : memref<1280xf32, #tpu.memory_space<hbm>>) target(%dma_start3A_509 : memref<1280xf32, #tpu.memory_space<vmem>>) target_semaphore(%arg30 : memref<!tpu.dma_semaphore, #tpu.memory_space<semaphore_mem>>)
        %add3A_511 = arith.constant 2097152 : i32
        %add3A_512 = arith.addi %add3A_511, %multiple_of3A_386 : i32
        %dma_start3A_513 = arith.constant 2560 : i32
        %dma_start3A_514 = tpu.memref_slice %arg16[%dma_start3A_513] : memref<5120xf32, #tpu.memory_space<vmem>> -> memref<1280xf32, #tpu.memory_space<vmem>>
        %dma_start3A_515 = tpu.memref_slice %arg6[%add3A_512] : memref<4194304xf32, #tpu.memory_space<hbm>> -> memref<1280xf32, #tpu.memory_space<hbm>>
        %dma_start3A_516 = arith.constant 2560 : i32
        %dma_start3A_517 = tpu.memref_slice %arg16[%dma_start3A_516] : memref<5120xf32, #tpu.memory_space<vmem>> -> memref<1280xf32, #tpu.memory_space<vmem>>
        %dma_start3A_518 = tpu.memref_slice %arg6[%add3A_512] : memref<4194304xf32, #tpu.memory_space<hbm>> -> memref<1280xf32, #tpu.memory_space<hbm>>
        tpu.enqueue_dma source(%dma_start3A_518 : memref<1280xf32, #tpu.memory_space<hbm>>) target(%dma_start3A_517 : memref<1280xf32, #tpu.memory_space<vmem>>) target_semaphore(%arg30 : memref<!tpu.dma_semaphore, #tpu.memory_space<semaphore_mem>>)
        %add3A_519 = arith.constant 3145728 : i32
        %add3A_520 = arith.addi %add3A_519, %multiple_of3A_386 : i32
        %dma_start3A_521 = arith.constant 3840 : i32
        %dma_start3A_522 = tpu.memref_slice %arg16[%dma_start3A_521] : memref<5120xf32, #tpu.memory_space<vmem>> -> memref<1280xf32, #tpu.memory_space<vmem>>
        %dma_start3A_523 = tpu.memref_slice %arg6[%add3A_520] : memref<4194304xf32, #tpu.memory_space<hbm>> -> memref<1280xf32, #tpu.memory_space<hbm>>
        %dma_start3A_524 = arith.constant 3840 : i32
        %dma_start3A_525 = tpu.memref_slice %arg16[%dma_start3A_524] : memref<5120xf32, #tpu.memory_space<vmem>> -> memref<1280xf32, #tpu.memory_space<vmem>>
        %dma_start3A_526 = tpu.memref_slice %arg6[%add3A_520] : memref<4194304xf32, #tpu.memory_space<hbm>> -> memref<1280xf32, #tpu.memory_space<hbm>>
        tpu.enqueue_dma source(%dma_start3A_526 : memref<1280xf32, #tpu.memory_space<hbm>>) target(%dma_start3A_525 : memref<1280xf32, #tpu.memory_space<vmem>>) target_semaphore(%arg30 : memref<!tpu.dma_semaphore, #tpu.memory_space<semaphore_mem>>)
        %dma_start3A_527 = tpu.memref_slice %arg7[%multiple_of3A_386] : memref<1048576xf32, #tpu.memory_space<hbm>> -> memref<1280xf32, #tpu.memory_space<hbm>>
        %dma_start3A_528 = tpu.memref_slice %arg7[%multiple_of3A_386] : memref<1048576xf32, #tpu.memory_space<hbm>> -> memref<1280xf32, #tpu.memory_space<hbm>>
        tpu.enqueue_dma source(%dma_start3A_528 : memref<1280xf32, #tpu.memory_space<hbm>>) target(%arg17 : memref<1280xf32, #tpu.memory_space<vmem>>) target_semaphore(%arg30 : memref<!tpu.dma_semaphore, #tpu.memory_space<semaphore_mem>>)
        %dma_start3A_529 = tpu.memref_slice %arg8[%multiple_of3A_386] : memref<1048576xi32, #tpu.memory_space<hbm>> -> memref<1280xi32, #tpu.memory_space<hbm>>
        %dma_start3A_530 = tpu.memref_slice %arg8[%multiple_of3A_386] : memref<1048576xi32, #tpu.memory_space<hbm>> -> memref<1280xi32, #tpu.memory_space<hbm>>
        tpu.enqueue_dma source(%dma_start3A_530 : memref<1280xi32, #tpu.memory_space<hbm>>) target(%arg18 : memref<1280xi32, #tpu.memory_space<vmem>>) target_semaphore(%arg30 : memref<!tpu.dma_semaphore, #tpu.memory_space<semaphore_mem>>)
      } else {
      }
      %lt3A_375 = arith.cmpi slt, %add3A_219, %div3A_161 : i32
      %convert_element_type3A_376 = arith.extui %lt3A_375 : i1 to i32
      %cond3A_377 = arith.constant 0 : i32
      %cond3A_378 = arith.cmpi ne, %convert_element_type3A_376, %cond3A_377 : i32
      scf.if %cond3A_378 {
        %dma_wait3A_379 = arith.constant 0 : i32
        %dma_wait3A_380 = tpu.memref_slice %arg19[%dma_wait3A_379] : memref<3840xf32, #tpu.memory_space<vmem>> -> memref<1280xf32, #tpu.memory_space<vmem>>
        %dma_wait3A_381 = arith.constant 0 : i32
        %dma_wait3A_382 = tpu.memref_slice %arg2[%dma_wait3A_381] : memref<3145728xf32, #tpu.memory_space<hbm>> -> memref<1280xf32, #tpu.memory_space<hbm>>
        %dma_wait3A_383 = arith.constant 0 : i32
        %dma_wait3A_384 = tpu.memref_slice %arg19[%dma_wait3A_383] : memref<3840xf32, #tpu.memory_space<vmem>> -> memref<1280xf32, #tpu.memory_space<vmem>>
        %dma_wait3A_385 = arith.constant 0 : i32
        %dma_wait3A_386 = tpu.memref_slice %arg2[%dma_wait3A_385] : memref<3145728xf32, #tpu.memory_space<hbm>> -> memref<1280xf32, #tpu.memory_space<hbm>>
        tpu.wait_dma2 semaphore(%arg31 : memref<!tpu.dma_semaphore, #tpu.memory_space<semaphore_mem>>) src(%dma_wait3A_386 : memref<1280xf32, #tpu.memory_space<hbm>>) dst(%dma_wait3A_384 : memref<1280xf32, #tpu.memory_space<vmem>>)
        %dma_wait3A_387 = arith.constant 0 : i32
        %dma_wait3A_388 = tpu.memref_slice %arg20[%dma_wait3A_387] : memref<3840xf32, #tpu.memory_space<vmem>> -> memref<1280xf32, #tpu.memory_space<vmem>>
        %dma_wait3A_389 = arith.constant 0 : i32
        %dma_wait3A_390 = tpu.memref_slice %arg3[%dma_wait3A_389] : memref<3145728xf32, #tpu.memory_space<hbm>> -> memref<1280xf32, #tpu.memory_space<hbm>>
        %dma_wait3A_391 = arith.constant 0 : i32
        %dma_wait3A_392 = tpu.memref_slice %arg20[%dma_wait3A_391] : memref<3840xf32, #tpu.memory_space<vmem>> -> memref<1280xf32, #tpu.memory_space<vmem>>
        %dma_wait3A_393 = arith.constant 0 : i32
        %dma_wait3A_394 = tpu.memref_slice %arg3[%dma_wait3A_393] : memref<3145728xf32, #tpu.memory_space<hbm>> -> memref<1280xf32, #tpu.memory_space<hbm>>
        tpu.wait_dma2 semaphore(%arg31 : memref<!tpu.dma_semaphore, #tpu.memory_space<semaphore_mem>>) src(%dma_wait3A_394 : memref<1280xf32, #tpu.memory_space<hbm>>) dst(%dma_wait3A_392 : memref<1280xf32, #tpu.memory_space<vmem>>)
        %dma_wait3A_395 = arith.constant 0 : i32
        %dma_wait3A_396 = tpu.memref_slice %arg21[%dma_wait3A_395] : memref<15360xf32, #tpu.memory_space<vmem>> -> memref<5120xf32, #tpu.memory_space<vmem>>
        %dma_wait3A_397 = arith.constant 0 : i32
        %dma_wait3A_398 = tpu.memref_slice %arg4[%dma_wait3A_397] : memref<12582912xf32, #tpu.memory_space<hbm>> -> memref<5120xf32, #tpu.memory_space<hbm>>
        %dma_wait3A_399 = arith.constant 0 : i32
        %dma_wait3A_400 = tpu.memref_slice %arg21[%dma_wait3A_399] : memref<15360xf32, #tpu.memory_space<vmem>> -> memref<5120xf32, #tpu.memory_space<vmem>>
        %dma_wait3A_401 = arith.constant 0 : i32
        %dma_wait3A_402 = tpu.memref_slice %arg4[%dma_wait3A_401] : memref<12582912xf32, #tpu.memory_space<hbm>> -> memref<5120xf32, #tpu.memory_space<hbm>>
        tpu.wait_dma2 semaphore(%arg31 : memref<!tpu.dma_semaphore, #tpu.memory_space<semaphore_mem>>) src(%dma_wait3A_402 : memref<5120xf32, #tpu.memory_space<hbm>>) dst(%dma_wait3A_400 : memref<5120xf32, #tpu.memory_space<vmem>>)
        %dma_wait3A_403 = arith.constant 0 : i32
        %dma_wait3A_404 = tpu.memref_slice %arg22[%dma_wait3A_403] : memref<15360xf32, #tpu.memory_space<vmem>> -> memref<5120xf32, #tpu.memory_space<vmem>>
        %dma_wait3A_405 = arith.constant 0 : i32
        %dma_wait3A_406 = tpu.memref_slice %arg5[%dma_wait3A_405] : memref<12582912xf32, #tpu.memory_space<hbm>> -> memref<5120xf32, #tpu.memory_space<hbm>>
        %dma_wait3A_407 = arith.constant 0 : i32
        %dma_wait3A_408 = tpu.memref_slice %arg22[%dma_wait3A_407] : memref<15360xf32, #tpu.memory_space<vmem>> -> memref<5120xf32, #tpu.memory_space<vmem>>
        %dma_wait3A_409 = arith.constant 0 : i32
        %dma_wait3A_410 = tpu.memref_slice %arg5[%dma_wait3A_409] : memref<12582912xf32, #tpu.memory_space<hbm>> -> memref<5120xf32, #tpu.memory_space<hbm>>
        tpu.wait_dma2 semaphore(%arg31 : memref<!tpu.dma_semaphore, #tpu.memory_space<semaphore_mem>>) src(%dma_wait3A_410 : memref<5120xf32, #tpu.memory_space<hbm>>) dst(%dma_wait3A_408 : memref<5120xf32, #tpu.memory_space<vmem>>)
        %dma_wait3A_411 = arith.constant 1280 : i32
        %dma_wait3A_412 = tpu.memref_slice %arg19[%dma_wait3A_411] : memref<3840xf32, #tpu.memory_space<vmem>> -> memref<1280xf32, #tpu.memory_space<vmem>>
        %dma_wait3A_413 = arith.constant 1048576 : i32
        %dma_wait3A_414 = tpu.memref_slice %arg2[%dma_wait3A_413] : memref<3145728xf32, #tpu.memory_space<hbm>> -> memref<1280xf32, #tpu.memory_space<hbm>>
        %dma_wait3A_415 = arith.constant 1280 : i32
        %dma_wait3A_416 = tpu.memref_slice %arg19[%dma_wait3A_415] : memref<3840xf32, #tpu.memory_space<vmem>> -> memref<1280xf32, #tpu.memory_space<vmem>>
        %dma_wait3A_417 = arith.constant 1048576 : i32
        %dma_wait3A_418 = tpu.memref_slice %arg2[%dma_wait3A_417] : memref<3145728xf32, #tpu.memory_space<hbm>> -> memref<1280xf32, #tpu.memory_space<hbm>>
        tpu.wait_dma2 semaphore(%arg31 : memref<!tpu.dma_semaphore, #tpu.memory_space<semaphore_mem>>) src(%dma_wait3A_418 : memref<1280xf32, #tpu.memory_space<hbm>>) dst(%dma_wait3A_416 : memref<1280xf32, #tpu.memory_space<vmem>>)
        %dma_wait3A_419 = arith.constant 1280 : i32
        %dma_wait3A_420 = tpu.memref_slice %arg20[%dma_wait3A_419] : memref<3840xf32, #tpu.memory_space<vmem>> -> memref<1280xf32, #tpu.memory_space<vmem>>
        %dma_wait3A_421 = arith.constant 1048576 : i32
        %dma_wait3A_422 = tpu.memref_slice %arg3[%dma_wait3A_421] : memref<3145728xf32, #tpu.memory_space<hbm>> -> memref<1280xf32, #tpu.memory_space<hbm>>
        %dma_wait3A_423 = arith.constant 1280 : i32
        %dma_wait3A_424 = tpu.memref_slice %arg20[%dma_wait3A_423] : memref<3840xf32, #tpu.memory_space<vmem>> -> memref<1280xf32, #tpu.memory_space<vmem>>
        %dma_wait3A_425 = arith.constant 1048576 : i32
        %dma_wait3A_426 = tpu.memref_slice %arg3[%dma_wait3A_425] : memref<3145728xf32, #tpu.memory_space<hbm>> -> memref<1280xf32, #tpu.memory_space<hbm>>
        tpu.wait_dma2 semaphore(%arg31 : memref<!tpu.dma_semaphore, #tpu.memory_space<semaphore_mem>>) src(%dma_wait3A_426 : memref<1280xf32, #tpu.memory_space<hbm>>) dst(%dma_wait3A_424 : memref<1280xf32, #tpu.memory_space<vmem>>)
        %dma_wait3A_427 = arith.constant 5120 : i32
        %dma_wait3A_428 = tpu.memref_slice %arg21[%dma_wait3A_427] : memref<15360xf32, #tpu.memory_space<vmem>> -> memref<5120xf32, #tpu.memory_space<vmem>>
        %dma_wait3A_429 = arith.constant 0 : i32
        %dma_wait3A_430 = tpu.memref_slice %arg4[%dma_wait3A_429] : memref<12582912xf32, #tpu.memory_space<hbm>> -> memref<5120xf32, #tpu.memory_space<hbm>>
        %dma_wait3A_431 = arith.constant 5120 : i32
        %dma_wait3A_432 = tpu.memref_slice %arg21[%dma_wait3A_431] : memref<15360xf32, #tpu.memory_space<vmem>> -> memref<5120xf32, #tpu.memory_space<vmem>>
        %dma_wait3A_433 = arith.constant 0 : i32
        %dma_wait3A_434 = tpu.memref_slice %arg4[%dma_wait3A_433] : memref<12582912xf32, #tpu.memory_space<hbm>> -> memref<5120xf32, #tpu.memory_space<hbm>>
        tpu.wait_dma2 semaphore(%arg31 : memref<!tpu.dma_semaphore, #tpu.memory_space<semaphore_mem>>) src(%dma_wait3A_434 : memref<5120xf32, #tpu.memory_space<hbm>>) dst(%dma_wait3A_432 : memref<5120xf32, #tpu.memory_space<vmem>>)
        %dma_wait3A_435 = arith.constant 5120 : i32
        %dma_wait3A_436 = tpu.memref_slice %arg22[%dma_wait3A_435] : memref<15360xf32, #tpu.memory_space<vmem>> -> memref<5120xf32, #tpu.memory_space<vmem>>
        %dma_wait3A_437 = arith.constant 0 : i32
        %dma_wait3A_438 = tpu.memref_slice %arg5[%dma_wait3A_437] : memref<12582912xf32, #tpu.memory_space<hbm>> -> memref<5120xf32, #tpu.memory_space<hbm>>
        %dma_wait3A_439 = arith.constant 5120 : i32
        %dma_wait3A_440 = tpu.memref_slice %arg22[%dma_wait3A_439] : memref<15360xf32, #tpu.memory_space<vmem>> -> memref<5120xf32, #tpu.memory_space<vmem>>
        %dma_wait3A_441 = arith.constant 0 : i32
        %dma_wait3A_442 = tpu.memref_slice %arg5[%dma_wait3A_441] : memref<12582912xf32, #tpu.memory_space<hbm>> -> memref<5120xf32, #tpu.memory_space<hbm>>
        tpu.wait_dma2 semaphore(%arg31 : memref<!tpu.dma_semaphore, #tpu.memory_space<semaphore_mem>>) src(%dma_wait3A_442 : memref<5120xf32, #tpu.memory_space<hbm>>) dst(%dma_wait3A_440 : memref<5120xf32, #tpu.memory_space<vmem>>)
        %dma_wait3A_443 = arith.constant 2560 : i32
        %dma_wait3A_444 = tpu.memref_slice %arg19[%dma_wait3A_443] : memref<3840xf32, #tpu.memory_space<vmem>> -> memref<1280xf32, #tpu.memory_space<vmem>>
        %dma_wait3A_445 = arith.constant 2097152 : i32
        %dma_wait3A_446 = tpu.memref_slice %arg2[%dma_wait3A_445] : memref<3145728xf32, #tpu.memory_space<hbm>> -> memref<1280xf32, #tpu.memory_space<hbm>>
        %dma_wait3A_447 = arith.constant 2560 : i32
        %dma_wait3A_448 = tpu.memref_slice %arg19[%dma_wait3A_447] : memref<3840xf32, #tpu.memory_space<vmem>> -> memref<1280xf32, #tpu.memory_space<vmem>>
        %dma_wait3A_449 = arith.constant 2097152 : i32
        %dma_wait3A_450 = tpu.memref_slice %arg2[%dma_wait3A_449] : memref<3145728xf32, #tpu.memory_space<hbm>> -> memref<1280xf32, #tpu.memory_space<hbm>>
        tpu.wait_dma2 semaphore(%arg31 : memref<!tpu.dma_semaphore, #tpu.memory_space<semaphore_mem>>) src(%dma_wait3A_450 : memref<1280xf32, #tpu.memory_space<hbm>>) dst(%dma_wait3A_448 : memref<1280xf32, #tpu.memory_space<vmem>>)
        %dma_wait3A_451 = arith.constant 2560 : i32
        %dma_wait3A_452 = tpu.memref_slice %arg20[%dma_wait3A_451] : memref<3840xf32, #tpu.memory_space<vmem>> -> memref<1280xf32, #tpu.memory_space<vmem>>
        %dma_wait3A_453 = arith.constant 2097152 : i32
        %dma_wait3A_454 = tpu.memref_slice %arg3[%dma_wait3A_453] : memref<3145728xf32, #tpu.memory_space<hbm>> -> memref<1280xf32, #tpu.memory_space<hbm>>
        %dma_wait3A_455 = arith.constant 2560 : i32
        %dma_wait3A_456 = tpu.memref_slice %arg20[%dma_wait3A_455] : memref<3840xf32, #tpu.memory_space<vmem>> -> memref<1280xf32, #tpu.memory_space<vmem>>
        %dma_wait3A_457 = arith.constant 2097152 : i32
        %dma_wait3A_458 = tpu.memref_slice %arg3[%dma_wait3A_457] : memref<3145728xf32, #tpu.memory_space<hbm>> -> memref<1280xf32, #tpu.memory_space<hbm>>
        tpu.wait_dma2 semaphore(%arg31 : memref<!tpu.dma_semaphore, #tpu.memory_space<semaphore_mem>>) src(%dma_wait3A_458 : memref<1280xf32, #tpu.memory_space<hbm>>) dst(%dma_wait3A_456 : memref<1280xf32, #tpu.memory_space<vmem>>)
        %dma_wait3A_459 = arith.constant 10240 : i32
        %dma_wait3A_460 = tpu.memref_slice %arg21[%dma_wait3A_459] : memref<15360xf32, #tpu.memory_space<vmem>> -> memref<5120xf32, #tpu.memory_space<vmem>>
        %dma_wait3A_461 = arith.constant 0 : i32
        %dma_wait3A_462 = tpu.memref_slice %arg4[%dma_wait3A_461] : memref<12582912xf32, #tpu.memory_space<hbm>> -> memref<5120xf32, #tpu.memory_space<hbm>>
        %dma_wait3A_463 = arith.constant 10240 : i32
        %dma_wait3A_464 = tpu.memref_slice %arg21[%dma_wait3A_463] : memref<15360xf32, #tpu.memory_space<vmem>> -> memref<5120xf32, #tpu.memory_space<vmem>>
        %dma_wait3A_465 = arith.constant 0 : i32
        %dma_wait3A_466 = tpu.memref_slice %arg4[%dma_wait3A_465] : memref<12582912xf32, #tpu.memory_space<hbm>> -> memref<5120xf32, #tpu.memory_space<hbm>>
        tpu.wait_dma2 semaphore(%arg31 : memref<!tpu.dma_semaphore, #tpu.memory_space<semaphore_mem>>) src(%dma_wait3A_466 : memref<5120xf32, #tpu.memory_space<hbm>>) dst(%dma_wait3A_464 : memref<5120xf32, #tpu.memory_space<vmem>>)
        %dma_wait3A_467 = arith.constant 10240 : i32
        %dma_wait3A_468 = tpu.memref_slice %arg22[%dma_wait3A_467] : memref<15360xf32, #tpu.memory_space<vmem>> -> memref<5120xf32, #tpu.memory_space<vmem>>
        %dma_wait3A_469 = arith.constant 0 : i32
        %dma_wait3A_470 = tpu.memref_slice %arg5[%dma_wait3A_469] : memref<12582912xf32, #tpu.memory_space<hbm>> -> memref<5120xf32, #tpu.memory_space<hbm>>
        %dma_wait3A_471 = arith.constant 10240 : i32
        %dma_wait3A_472 = tpu.memref_slice %arg22[%dma_wait3A_471] : memref<15360xf32, #tpu.memory_space<vmem>> -> memref<5120xf32, #tpu.memory_space<vmem>>
        %dma_wait3A_473 = arith.constant 0 : i32
        %dma_wait3A_474 = tpu.memref_slice %arg5[%dma_wait3A_473] : memref<12582912xf32, #tpu.memory_space<hbm>> -> memref<5120xf32, #tpu.memory_space<hbm>>
        tpu.wait_dma2 semaphore(%arg31 : memref<!tpu.dma_semaphore, #tpu.memory_space<semaphore_mem>>) src(%dma_wait3A_474 : memref<5120xf32, #tpu.memory_space<hbm>>) dst(%dma_wait3A_472 : memref<5120xf32, #tpu.memory_space<vmem>>)
        %dma_wait3A_475 = arith.constant 0 : i32
        %dma_wait3A_476 = tpu.memref_slice %arg23[%dma_wait3A_475] : memref<5120xf32, #tpu.memory_space<vmem>> -> memref<1280xf32, #tpu.memory_space<vmem>>
        %dma_wait3A_477 = arith.constant 0 : i32
        %dma_wait3A_478 = tpu.memref_slice %arg6[%dma_wait3A_477] : memref<4194304xf32, #tpu.memory_space<hbm>> -> memref<1280xf32, #tpu.memory_space<hbm>>
        %dma_wait3A_479 = arith.constant 0 : i32
        %dma_wait3A_480 = tpu.memref_slice %arg23[%dma_wait3A_479] : memref<5120xf32, #tpu.memory_space<vmem>> -> memref<1280xf32, #tpu.memory_space<vmem>>
        %dma_wait3A_481 = arith.constant 0 : i32
        %dma_wait3A_482 = tpu.memref_slice %arg6[%dma_wait3A_481] : memref<4194304xf32, #tpu.memory_space<hbm>> -> memref<1280xf32, #tpu.memory_space<hbm>>
        tpu.wait_dma2 semaphore(%arg31 : memref<!tpu.dma_semaphore, #tpu.memory_space<semaphore_mem>>) src(%dma_wait3A_482 : memref<1280xf32, #tpu.memory_space<hbm>>) dst(%dma_wait3A_480 : memref<1280xf32, #tpu.memory_space<vmem>>)
        %dma_wait3A_483 = arith.constant 1280 : i32
        %dma_wait3A_484 = tpu.memref_slice %arg23[%dma_wait3A_483] : memref<5120xf32, #tpu.memory_space<vmem>> -> memref<1280xf32, #tpu.memory_space<vmem>>
        %dma_wait3A_485 = arith.constant 1048576 : i32
        %dma_wait3A_486 = tpu.memref_slice %arg6[%dma_wait3A_485] : memref<4194304xf32, #tpu.memory_space<hbm>> -> memref<1280xf32, #tpu.memory_space<hbm>>
        %dma_wait3A_487 = arith.constant 1280 : i32
        %dma_wait3A_488 = tpu.memref_slice %arg23[%dma_wait3A_487] : memref<5120xf32, #tpu.memory_space<vmem>> -> memref<1280xf32, #tpu.memory_space<vmem>>
        %dma_wait3A_489 = arith.constant 1048576 : i32
        %dma_wait3A_490 = tpu.memref_slice %arg6[%dma_wait3A_489] : memref<4194304xf32, #tpu.memory_space<hbm>> -> memref<1280xf32, #tpu.memory_space<hbm>>
        tpu.wait_dma2 semaphore(%arg31 : memref<!tpu.dma_semaphore, #tpu.memory_space<semaphore_mem>>) src(%dma_wait3A_490 : memref<1280xf32, #tpu.memory_space<hbm>>) dst(%dma_wait3A_488 : memref<1280xf32, #tpu.memory_space<vmem>>)
        %dma_wait3A_491 = arith.constant 2560 : i32
        %dma_wait3A_492 = tpu.memref_slice %arg23[%dma_wait3A_491] : memref<5120xf32, #tpu.memory_space<vmem>> -> memref<1280xf32, #tpu.memory_space<vmem>>
        %dma_wait3A_493 = arith.constant 2097152 : i32
        %dma_wait3A_494 = tpu.memref_slice %arg6[%dma_wait3A_493] : memref<4194304xf32, #tpu.memory_space<hbm>> -> memref<1280xf32, #tpu.memory_space<hbm>>
        %dma_wait3A_495 = arith.constant 2560 : i32
        %dma_wait3A_496 = tpu.memref_slice %arg23[%dma_wait3A_495] : memref<5120xf32, #tpu.memory_space<vmem>> -> memref<1280xf32, #tpu.memory_space<vmem>>
        %dma_wait3A_497 = arith.constant 2097152 : i32
        %dma_wait3A_498 = tpu.memref_slice %arg6[%dma_wait3A_497] : memref<4194304xf32, #tpu.memory_space<hbm>> -> memref<1280xf32, #tpu.memory_space<hbm>>
        tpu.wait_dma2 semaphore(%arg31 : memref<!tpu.dma_semaphore, #tpu.memory_space<semaphore_mem>>) src(%dma_wait3A_498 : memref<1280xf32, #tpu.memory_space<hbm>>) dst(%dma_wait3A_496 : memref<1280xf32, #tpu.memory_space<vmem>>)
        %dma_wait3A_499 = arith.constant 3840 : i32
        %dma_wait3A_500 = tpu.memref_slice %arg23[%dma_wait3A_499] : memref<5120xf32, #tpu.memory_space<vmem>> -> memref<1280xf32, #tpu.memory_space<vmem>>
        %dma_wait3A_501 = arith.constant 3145728 : i32
        %dma_wait3A_502 = tpu.memref_slice %arg6[%dma_wait3A_501] : memref<4194304xf32, #tpu.memory_space<hbm>> -> memref<1280xf32, #tpu.memory_space<hbm>>
        %dma_wait3A_503 = arith.constant 3840 : i32
        %dma_wait3A_504 = tpu.memref_slice %arg23[%dma_wait3A_503] : memref<5120xf32, #tpu.memory_space<vmem>> -> memref<1280xf32, #tpu.memory_space<vmem>>
        %dma_wait3A_505 = arith.constant 3145728 : i32
        %dma_wait3A_506 = tpu.memref_slice %arg6[%dma_wait3A_505] : memref<4194304xf32, #tpu.memory_space<hbm>> -> memref<1280xf32, #tpu.memory_space<hbm>>
        tpu.wait_dma2 semaphore(%arg31 : memref<!tpu.dma_semaphore, #tpu.memory_space<semaphore_mem>>) src(%dma_wait3A_506 : memref<1280xf32, #tpu.memory_space<hbm>>) dst(%dma_wait3A_504 : memref<1280xf32, #tpu.memory_space<vmem>>)
        %dma_wait3A_507 = arith.constant 0 : i32
        %dma_wait3A_508 = tpu.memref_slice %arg7[%dma_wait3A_507] : memref<1048576xf32, #tpu.memory_space<hbm>> -> memref<1280xf32, #tpu.memory_space<hbm>>
        %dma_wait3A_509 = arith.constant 0 : i32
        %dma_wait3A_510 = tpu.memref_slice %arg7[%dma_wait3A_509] : memref<1048576xf32, #tpu.memory_space<hbm>> -> memref<1280xf32, #tpu.memory_space<hbm>>
        tpu.wait_dma2 semaphore(%arg31 : memref<!tpu.dma_semaphore, #tpu.memory_space<semaphore_mem>>) src(%dma_wait3A_510 : memref<1280xf32, #tpu.memory_space<hbm>>) dst(%arg24 : memref<1280xf32, #tpu.memory_space<vmem>>)
        %dma_wait3A_511 = arith.constant 0 : i32
        %dma_wait3A_512 = tpu.memref_slice %arg8[%dma_wait3A_511] : memref<1048576xi32, #tpu.memory_space<hbm>> -> memref<1280xi32, #tpu.memory_space<hbm>>
        %dma_wait3A_513 = arith.constant 0 : i32
        %dma_wait3A_514 = tpu.memref_slice %arg8[%dma_wait3A_513] : memref<1048576xi32, #tpu.memory_space<hbm>> -> memref<1280xi32, #tpu.memory_space<hbm>>
        tpu.wait_dma2 semaphore(%arg31 : memref<!tpu.dma_semaphore, #tpu.memory_space<semaphore_mem>>) src(%dma_wait3A_514 : memref<1280xi32, #tpu.memory_space<hbm>>) dst(%arg25 : memref<1280xi32, #tpu.memory_space<vmem>>)
        %mul3A_515 = arith.constant 1280 : i32
        %mul3A_516 = arith.muli %add3A_219, %mul3A_515 : i32
        %add3A_517 = arith.addi %multiple_of3A, %mul3A_516 : i32
        %min3A_518 = arith.constant 1047296 : i32
        %min3A_519 = arith.minsi %add3A_517, %min3A_518 : i32
        %multiple_of3A_520 = tpu.assume_multiple %min3A_519, 128 : i32
        %sub3A_521 = arith.subi %add3A_517, %multiple_of3A_520 : i32
        %parallel_loop3A_522 = arith.constant 0 : i32
        %parallel_loop3A_523 = arith.constant 80 : i32
        %parallel_loop3A_524 = arith.constant 1 : i32
        scf.for %parallel_loop3A_525 = %parallel_loop3A_522 to %parallel_loop3A_523 step %parallel_loop3A_524  : i32 {
          %parallel_loop3A_526 = arith.constant 16 : i32
          %parallel_loop3A_527 = arith.muli %parallel_loop3A_525, %parallel_loop3A_526 : i32
          %parallel_loop3A_528 = arith.constant 3 : i32
          %parallel_loop3A_529 = arith.shrsi %parallel_loop3A_525, %parallel_loop3A_528 : i32
          %parallel_loop3A_530 = arith.constant 4 : i32
          %parallel_loop3A_531 = arith.muli %parallel_loop3A_529, %parallel_loop3A_530 : i32
          %parallel_loop3A_532 = arith.constant 128 : i32
          %parallel_loop3A_533 = arith.muli %parallel_loop3A_531, %parallel_loop3A_532 : i32
          %parallel_loop3A_534 = arith.constant 7 : i32
          %parallel_loop3A_535 = arith.andi %parallel_loop3A_525, %parallel_loop3A_534 : i32
          %parallel_loop3A_536 = arith.constant 16 : i32
          %parallel_loop3A_537 = arith.muli %parallel_loop3A_535, %parallel_loop3A_536 : i32
          %parallel_loop3A_538 = arith.addi %parallel_loop3A_533, %parallel_loop3A_537 : i32
          %parallel_loop3A_539 = arith.index_cast %parallel_loop3A_527 : i32 to index
          %parallel_loop3A_540 = tpu.vector_load %arg20[%parallel_loop3A_539] {strides = array<i32>} : memref<3840xf32, #tpu.memory_space<vmem>>, vector<16xf32>,
          %parallel_loop3A_541 = arith.constant 1280 : i32
          %parallel_loop3A_542 = arith.addi %parallel_loop3A_541, %parallel_loop3A_527 : i32
          %parallel_loop3A_543 = arith.index_cast %parallel_loop3A_542 : i32 to index
          %parallel_loop3A_544 = tpu.vector_load %arg20[%parallel_loop3A_543] {strides = array<i32>} : memref<3840xf32, #tpu.memory_space<vmem>>, vector<16xf32>,
          %parallel_loop3A_545 = arith.constant 2560 : i32
          %parallel_loop3A_546 = arith.addi %parallel_loop3A_545, %parallel_loop3A_527 : i32
          %parallel_loop3A_547 = arith.index_cast %parallel_loop3A_546 : i32 to index
          %parallel_loop3A_548 = tpu.vector_load %arg20[%parallel_loop3A_547] {strides = array<i32>} : memref<3840xf32, #tpu.memory_space<vmem>>, vector<16xf32>,
          %parallel_loop3A_549 = arith.constant 0 : i32
          %parallel_loop3A_550 = arith.addi %parallel_loop3A_538, %parallel_loop3A_549 : i32
          %parallel_loop3A_551 = arith.index_cast %parallel_loop3A_550 : i32 to index
          %parallel_loop3A_552 = tpu.vector_load %arg21[%parallel_loop3A_551] {strides = array<i32>} : memref<15360xf32, #tpu.memory_space<vmem>>, vector<16xf32>,
          %parallel_loop3A_553 = arith.constant 5120 : i32
          %parallel_loop3A_554 = arith.addi %parallel_loop3A_553, %parallel_loop3A_550 : i32
          %parallel_loop3A_555 = arith.index_cast %parallel_loop3A_554 : i32 to index
          %parallel_loop3A_556 = tpu.vector_load %arg21[%parallel_loop3A_555] {strides = array<i32>} : memref<15360xf32, #tpu.memory_space<vmem>>, vector<16xf32>,
          %parallel_loop3A_557 = arith.constant 10240 : i32
          %parallel_loop3A_558 = arith.addi %parallel_loop3A_557, %parallel_loop3A_550 : i32
          %parallel_loop3A_559 = arith.index_cast %parallel_loop3A_558 : i32 to index
          %parallel_loop3A_560 = tpu.vector_load %arg21[%parallel_loop3A_559] {strides = array<i32>} : memref<15360xf32, #tpu.memory_space<vmem>>, vector<16xf32>,
          %parallel_loop3A_561 = arith.mulf %parallel_loop3A_540, %parallel_loop3A_552 : vector<16xf32>
          %parallel_loop3A_562 = arith.mulf %parallel_loop3A_544, %parallel_loop3A_556 : vector<16xf32>
          %parallel_loop3A_563 = arith.addf %parallel_loop3A_561, %parallel_loop3A_562 : vector<16xf32>
          %parallel_loop3A_564 = arith.mulf %parallel_loop3A_548, %parallel_loop3A_560 : vector<16xf32>
          %parallel_loop3A_565 = arith.addf %parallel_loop3A_563, %parallel_loop3A_564 : vector<16xf32>
          %parallel_loop3A_566 = arith.constant 0.000000e+00 : f32
          %parallel_loop3A_567 = vector.broadcast %parallel_loop3A_566 : f32 to vector<16xf32>
          %parallel_loop3A_568 = arith.maximumf %parallel_loop3A_565, %parallel_loop3A_567 : vector<16xf32>
          %parallel_loop3A_569 = arith.constant 1.000000e+00 : f32
          %parallel_loop3A_570 = vector.broadcast %parallel_loop3A_569 : f32 to vector<16xf32>
          %parallel_loop3A_571 = arith.minimumf %parallel_loop3A_568, %parallel_loop3A_570 : vector<16xf32>
          %parallel_loop3A_572 = arith.constant 0.000000e+00 : f32
          %parallel_loop3A_573 = vector.broadcast %parallel_loop3A_572 : f32 to vector<16xf32>
          %parallel_loop3A_574 = arith.cmpf ogt, %parallel_loop3A_571, %parallel_loop3A_573 : vector<16xf32>
          %parallel_loop3A_575 = arith.extui %parallel_loop3A_574 : vector<16xi1> to vector<16xi32>
          %parallel_loop3A_576 = arith.sitofp %parallel_loop3A_575 : vector<16xi32> to vector<16xf32>
          %parallel_loop3A_577 = arith.addf %broadcast_in_dim3A_1, %parallel_loop3A_576 : vector<16xf32>
          %parallel_loop3A_578 = arith.constant 128 : i32
          %parallel_loop3A_579 = arith.addi %parallel_loop3A_538, %parallel_loop3A_578 : i32
          %parallel_loop3A_580 = arith.index_cast %parallel_loop3A_579 : i32 to index
          %parallel_loop3A_581 = tpu.vector_load %arg21[%parallel_loop3A_580] {strides = array<i32>} : memref<15360xf32, #tpu.memory_space<vmem>>, vector<16xf32>,
          %parallel_loop3A_582 = arith.constant 5120 : i32
          %parallel_loop3A_583 = arith.addi %parallel_loop3A_582, %parallel_loop3A_579 : i32
          %parallel_loop3A_584 = arith.index_cast %parallel_loop3A_583 : i32 to index
          %parallel_loop3A_585 = tpu.vector_load %arg21[%parallel_loop3A_584] {strides = array<i32>} : memref<15360xf32, #tpu.memory_space<vmem>>, vector<16xf32>,
          %parallel_loop3A_586 = arith.constant 10240 : i32
          %parallel_loop3A_587 = arith.addi %parallel_loop3A_586, %parallel_loop3A_579 : i32
          %parallel_loop3A_588 = arith.index_cast %parallel_loop3A_587 : i32 to index
          %parallel_loop3A_589 = tpu.vector_load %arg21[%parallel_loop3A_588] {strides = array<i32>} : memref<15360xf32, #tpu.memory_space<vmem>>, vector<16xf32>,
          %parallel_loop3A_590 = arith.mulf %parallel_loop3A_540, %parallel_loop3A_581 : vector<16xf32>
          %parallel_loop3A_591 = arith.mulf %parallel_loop3A_544, %parallel_loop3A_585 : vector<16xf32>
          %parallel_loop3A_592 = arith.addf %parallel_loop3A_590, %parallel_loop3A_591 : vector<16xf32>
          %parallel_loop3A_593 = arith.mulf %parallel_loop3A_548, %parallel_loop3A_589 : vector<16xf32>
          %parallel_loop3A_594 = arith.addf %parallel_loop3A_592, %parallel_loop3A_593 : vector<16xf32>
          %parallel_loop3A_595 = arith.constant 0.000000e+00 : f32
          %parallel_loop3A_596 = vector.broadcast %parallel_loop3A_595 : f32 to vector<16xf32>
          %parallel_loop3A_597 = arith.maximumf %parallel_loop3A_594, %parallel_loop3A_596 : vector<16xf32>
          %parallel_loop3A_598 = arith.constant 1.000000e+00 : f32
          %parallel_loop3A_599 = vector.broadcast %parallel_loop3A_598 : f32 to vector<16xf32>
          %parallel_loop3A_600 = arith.minimumf %parallel_loop3A_597, %parallel_loop3A_599 : vector<16xf32>
          %parallel_loop3A_601 = arith.constant 0.000000e+00 : f32
          %parallel_loop3A_602 = vector.broadcast %parallel_loop3A_601 : f32 to vector<16xf32>
          %parallel_loop3A_603 = arith.cmpf ogt, %parallel_loop3A_600, %parallel_loop3A_602 : vector<16xf32>
          %parallel_loop3A_604 = arith.extui %parallel_loop3A_603 : vector<16xi1> to vector<16xi32>
          %parallel_loop3A_605 = arith.sitofp %parallel_loop3A_604 : vector<16xi32> to vector<16xf32>
          %parallel_loop3A_606 = arith.addf %parallel_loop3A_577, %parallel_loop3A_605 : vector<16xf32>
          %parallel_loop3A_607 = arith.constant 256 : i32
          %parallel_loop3A_608 = arith.addi %parallel_loop3A_538, %parallel_loop3A_607 : i32
          %parallel_loop3A_609 = arith.index_cast %parallel_loop3A_608 : i32 to index
          %parallel_loop3A_610 = tpu.vector_load %arg21[%parallel_loop3A_609] {strides = array<i32>} : memref<15360xf32, #tpu.memory_space<vmem>>, vector<16xf32>,
          %parallel_loop3A_611 = arith.constant 5120 : i32
          %parallel_loop3A_612 = arith.addi %parallel_loop3A_611, %parallel_loop3A_608 : i32
          %parallel_loop3A_613 = arith.index_cast %parallel_loop3A_612 : i32 to index
          %parallel_loop3A_614 = tpu.vector_load %arg21[%parallel_loop3A_613] {strides = array<i32>} : memref<15360xf32, #tpu.memory_space<vmem>>, vector<16xf32>,
          %parallel_loop3A_615 = arith.constant 10240 : i32
          %parallel_loop3A_616 = arith.addi %parallel_loop3A_615, %parallel_loop3A_608 : i32
          %parallel_loop3A_617 = arith.index_cast %parallel_loop3A_616 : i32 to index
          %parallel_loop3A_618 = tpu.vector_load %arg21[%parallel_loop3A_617] {strides = array<i32>} : memref<15360xf32, #tpu.memory_space<vmem>>, vector<16xf32>,
          %parallel_loop3A_619 = arith.mulf %parallel_loop3A_540, %parallel_loop3A_610 : vector<16xf32>
          %parallel_loop3A_620 = arith.mulf %parallel_loop3A_544, %parallel_loop3A_614 : vector<16xf32>
          %parallel_loop3A_621 = arith.addf %parallel_loop3A_619, %parallel_loop3A_620 : vector<16xf32>
          %parallel_loop3A_622 = arith.mulf %parallel_loop3A_548, %parallel_loop3A_618 : vector<16xf32>
          %parallel_loop3A_623 = arith.addf %parallel_loop3A_621, %parallel_loop3A_622 : vector<16xf32>
          %parallel_loop3A_624 = arith.constant 0.000000e+00 : f32
          %parallel_loop3A_625 = vector.broadcast %parallel_loop3A_624 : f32 to vector<16xf32>
          %parallel_loop3A_626 = arith.maximumf %parallel_loop3A_623, %parallel_loop3A_625 : vector<16xf32>
          %parallel_loop3A_627 = arith.constant 1.000000e+00 : f32
          %parallel_loop3A_628 = vector.broadcast %parallel_loop3A_627 : f32 to vector<16xf32>
          %parallel_loop3A_629 = arith.minimumf %parallel_loop3A_626, %parallel_loop3A_628 : vector<16xf32>
          %parallel_loop3A_630 = arith.constant 0.000000e+00 : f32
          %parallel_loop3A_631 = vector.broadcast %parallel_loop3A_630 : f32 to vector<16xf32>
          %parallel_loop3A_632 = arith.cmpf ogt, %parallel_loop3A_629, %parallel_loop3A_631 : vector<16xf32>
          %parallel_loop3A_633 = arith.extui %parallel_loop3A_632 : vector<16xi1> to vector<16xi32>
          %parallel_loop3A_634 = arith.sitofp %parallel_loop3A_633 : vector<16xi32> to vector<16xf32>
          %parallel_loop3A_635 = arith.addf %parallel_loop3A_606, %parallel_loop3A_634 : vector<16xf32>
          %parallel_loop3A_636 = arith.constant 384 : i32
          %parallel_loop3A_637 = arith.addi %parallel_loop3A_538, %parallel_loop3A_636 : i32
          %parallel_loop3A_638 = arith.index_cast %parallel_loop3A_637 : i32 to index
          %parallel_loop3A_639 = tpu.vector_load %arg21[%parallel_loop3A_638] {strides = array<i32>} : memref<15360xf32, #tpu.memory_space<vmem>>, vector<16xf32>,
          %parallel_loop3A_640 = arith.constant 5120 : i32
          %parallel_loop3A_641 = arith.addi %parallel_loop3A_640, %parallel_loop3A_637 : i32
          %parallel_loop3A_642 = arith.index_cast %parallel_loop3A_641 : i32 to index
          %parallel_loop3A_643 = tpu.vector_load %arg21[%parallel_loop3A_642] {strides = array<i32>} : memref<15360xf32, #tpu.memory_space<vmem>>, vector<16xf32>,
          %parallel_loop3A_644 = arith.constant 10240 : i32
          %parallel_loop3A_645 = arith.addi %parallel_loop3A_644, %parallel_loop3A_637 : i32
          %parallel_loop3A_646 = arith.index_cast %parallel_loop3A_645 : i32 to index
          %parallel_loop3A_647 = tpu.vector_load %arg21[%parallel_loop3A_646] {strides = array<i32>} : memref<15360xf32, #tpu.memory_space<vmem>>, vector<16xf32>,
          %parallel_loop3A_648 = arith.mulf %parallel_loop3A_540, %parallel_loop3A_639 : vector<16xf32>
          %parallel_loop3A_649 = arith.mulf %parallel_loop3A_544, %parallel_loop3A_643 : vector<16xf32>
          %parallel_loop3A_650 = arith.addf %parallel_loop3A_648, %parallel_loop3A_649 : vector<16xf32>
          %parallel_loop3A_651 = arith.mulf %parallel_loop3A_548, %parallel_loop3A_647 : vector<16xf32>
          %parallel_loop3A_652 = arith.addf %parallel_loop3A_650, %parallel_loop3A_651 : vector<16xf32>
          %parallel_loop3A_653 = arith.constant 0.000000e+00 : f32
          %parallel_loop3A_654 = vector.broadcast %parallel_loop3A_653 : f32 to vector<16xf32>
          %parallel_loop3A_655 = arith.maximumf %parallel_loop3A_652, %parallel_loop3A_654 : vector<16xf32>
          %parallel_loop3A_656 = arith.constant 1.000000e+00 : f32
          %parallel_loop3A_657 = vector.broadcast %parallel_loop3A_656 : f32 to vector<16xf32>
          %parallel_loop3A_658 = arith.minimumf %parallel_loop3A_655, %parallel_loop3A_657 : vector<16xf32>
          %parallel_loop3A_659 = arith.constant 0.000000e+00 : f32
          %parallel_loop3A_660 = vector.broadcast %parallel_loop3A_659 : f32 to vector<16xf32>
          %parallel_loop3A_661 = arith.cmpf ogt, %parallel_loop3A_658, %parallel_loop3A_660 : vector<16xf32>
          %parallel_loop3A_662 = arith.extui %parallel_loop3A_661 : vector<16xi1> to vector<16xi32>
          %parallel_loop3A_663 = arith.sitofp %parallel_loop3A_662 : vector<16xi32> to vector<16xf32>
          %parallel_loop3A_664 = arith.addf %parallel_loop3A_635, %parallel_loop3A_663 : vector<16xf32>
          %parallel_loop3A_665 = arith.constant 1.000000e+00 : f32
          %parallel_loop3A_666 = vector.broadcast %parallel_loop3A_665 : f32 to vector<16xf32>
          %parallel_loop3A_667 = arith.maximumf %parallel_loop3A_664, %parallel_loop3A_666 : vector<16xf32>
          %parallel_loop3A_668 = arith.constant 1.000000e+00 : f32
          %parallel_loop3A_669 = vector.broadcast %parallel_loop3A_668 : f32 to vector<16xf32>
          %parallel_loop3A_670 = arith.divf %parallel_loop3A_669, %parallel_loop3A_667 : vector<16xf32>
          %parallel_loop3A_671 = arith.constant 0 : i32
          %parallel_loop3A_672 = arith.addi %parallel_loop3A_538, %parallel_loop3A_671 : i32
          %parallel_loop3A_673 = arith.mulf %parallel_loop3A_571, %parallel_loop3A_670 : vector<16xf32>
          %parallel_loop3A_674 = arith.constant 0 : i32
          %parallel_loop3A_675 = arith.addi %parallel_loop3A_674, %parallel_loop3A_527 : i32
          %parallel_loop3A_676 = arith.index_cast %parallel_loop3A_675 : i32 to index
          %parallel_loop3A_677 = tpu.vector_load %arg23[%parallel_loop3A_676] {strides = array<i32>} : memref<5120xf32, #tpu.memory_space<vmem>>, vector<16xf32>,
          %parallel_loop3A_678 = arith.mulf %parallel_loop3A_673, %parallel_loop3A_677 : vector<16xf32>
          %parallel_loop3A_679 = arith.index_cast %parallel_loop3A_672 : i32 to index
          %parallel_loop3A_680 = tpu.vector_load %arg22[%parallel_loop3A_679] {strides = array<i32>} : memref<15360xf32, #tpu.memory_space<vmem>>, vector<16xf32>,
          %parallel_loop3A_681 = arith.mulf %parallel_loop3A_678, %parallel_loop3A_680 : vector<16xf32>
          %parallel_loop3A_682 = arith.addf %broadcast_in_dim3A_1, %parallel_loop3A_681 : vector<16xf32>
          %parallel_loop3A_683 = arith.constant 5120 : i32
          %parallel_loop3A_684 = arith.addi %parallel_loop3A_683, %parallel_loop3A_672 : i32
          %parallel_loop3A_685 = arith.index_cast %parallel_loop3A_684 : i32 to index
          %parallel_loop3A_686 = tpu.vector_load %arg22[%parallel_loop3A_685] {strides = array<i32>} : memref<15360xf32, #tpu.memory_space<vmem>>, vector<16xf32>,
          %parallel_loop3A_687 = arith.mulf %parallel_loop3A_678, %parallel_loop3A_686 : vector<16xf32>
          %parallel_loop3A_688 = arith.addf %broadcast_in_dim3A_1, %parallel_loop3A_687 : vector<16xf32>
          %parallel_loop3A_689 = arith.constant 10240 : i32
          %parallel_loop3A_690 = arith.addi %parallel_loop3A_689, %parallel_loop3A_672 : i32
          %parallel_loop3A_691 = arith.index_cast %parallel_loop3A_690 : i32 to index
          %parallel_loop3A_692 = tpu.vector_load %arg22[%parallel_loop3A_691] {strides = array<i32>} : memref<15360xf32, #tpu.memory_space<vmem>>, vector<16xf32>,
          %parallel_loop3A_693 = arith.mulf %parallel_loop3A_678, %parallel_loop3A_692 : vector<16xf32>
          %parallel_loop3A_694 = arith.addf %broadcast_in_dim3A_1, %parallel_loop3A_693 : vector<16xf32>
          %parallel_loop3A_695 = arith.constant 128 : i32
          %parallel_loop3A_696 = arith.addi %parallel_loop3A_538, %parallel_loop3A_695 : i32
          %parallel_loop3A_697 = arith.mulf %parallel_loop3A_600, %parallel_loop3A_670 : vector<16xf32>
          %parallel_loop3A_698 = arith.constant 1280 : i32
          %parallel_loop3A_699 = arith.addi %parallel_loop3A_698, %parallel_loop3A_527 : i32
          %parallel_loop3A_700 = arith.index_cast %parallel_loop3A_699 : i32 to index
          %parallel_loop3A_701 = tpu.vector_load %arg23[%parallel_loop3A_700] {strides = array<i32>} : memref<5120xf32, #tpu.memory_space<vmem>>, vector<16xf32>,
          %parallel_loop3A_702 = arith.mulf %parallel_loop3A_697, %parallel_loop3A_701 : vector<16xf32>
          %parallel_loop3A_703 = arith.index_cast %parallel_loop3A_696 : i32 to index
          %parallel_loop3A_704 = tpu.vector_load %arg22[%parallel_loop3A_703] {strides = array<i32>} : memref<15360xf32, #tpu.memory_space<vmem>>, vector<16xf32>,
          %parallel_loop3A_705 = arith.mulf %parallel_loop3A_702, %parallel_loop3A_704 : vector<16xf32>
          %parallel_loop3A_706 = arith.addf %parallel_loop3A_682, %parallel_loop3A_705 : vector<16xf32>
          %parallel_loop3A_707 = arith.constant 5120 : i32
          %parallel_loop3A_708 = arith.addi %parallel_loop3A_707, %parallel_loop3A_696 : i32
          %parallel_loop3A_709 = arith.index_cast %parallel_loop3A_708 : i32 to index
          %parallel_loop3A_710 = tpu.vector_load %arg22[%parallel_loop3A_709] {strides = array<i32>} : memref<15360xf32, #tpu.memory_space<vmem>>, vector<16xf32>,
          %parallel_loop3A_711 = arith.mulf %parallel_loop3A_702, %parallel_loop3A_710 : vector<16xf32>
          %parallel_loop3A_712 = arith.addf %parallel_loop3A_688, %parallel_loop3A_711 : vector<16xf32>
          %parallel_loop3A_713 = arith.constant 10240 : i32
          %parallel_loop3A_714 = arith.addi %parallel_loop3A_713, %parallel_loop3A_696 : i32
          %parallel_loop3A_715 = arith.index_cast %parallel_loop3A_714 : i32 to index
          %parallel_loop3A_716 = tpu.vector_load %arg22[%parallel_loop3A_715] {strides = array<i32>} : memref<15360xf32, #tpu.memory_space<vmem>>, vector<16xf32>,
          %parallel_loop3A_717 = arith.mulf %parallel_loop3A_702, %parallel_loop3A_716 : vector<16xf32>
          %parallel_loop3A_718 = arith.addf %parallel_loop3A_694, %parallel_loop3A_717 : vector<16xf32>
          %parallel_loop3A_719 = arith.constant 256 : i32
          %parallel_loop3A_720 = arith.addi %parallel_loop3A_538, %parallel_loop3A_719 : i32
          %parallel_loop3A_721 = arith.mulf %parallel_loop3A_629, %parallel_loop3A_670 : vector<16xf32>
          %parallel_loop3A_722 = arith.constant 2560 : i32
          %parallel_loop3A_723 = arith.addi %parallel_loop3A_722, %parallel_loop3A_527 : i32
          %parallel_loop3A_724 = arith.index_cast %parallel_loop3A_723 : i32 to index
          %parallel_loop3A_725 = tpu.vector_load %arg23[%parallel_loop3A_724] {strides = array<i32>} : memref<5120xf32, #tpu.memory_space<vmem>>, vector<16xf32>,
          %parallel_loop3A_726 = arith.mulf %parallel_loop3A_721, %parallel_loop3A_725 : vector<16xf32>
          %parallel_loop3A_727 = arith.index_cast %parallel_loop3A_720 : i32 to index
          %parallel_loop3A_728 = tpu.vector_load %arg22[%parallel_loop3A_727] {strides = array<i32>} : memref<15360xf32, #tpu.memory_space<vmem>>, vector<16xf32>,
          %parallel_loop3A_729 = arith.mulf %parallel_loop3A_726, %parallel_loop3A_728 : vector<16xf32>
          %parallel_loop3A_730 = arith.addf %parallel_loop3A_706, %parallel_loop3A_729 : vector<16xf32>
          %parallel_loop3A_731 = arith.constant 5120 : i32
          %parallel_loop3A_732 = arith.addi %parallel_loop3A_731, %parallel_loop3A_720 : i32
          %parallel_loop3A_733 = arith.index_cast %parallel_loop3A_732 : i32 to index
          %parallel_loop3A_734 = tpu.vector_load %arg22[%parallel_loop3A_733] {strides = array<i32>} : memref<15360xf32, #tpu.memory_space<vmem>>, vector<16xf32>,
          %parallel_loop3A_735 = arith.mulf %parallel_loop3A_726, %parallel_loop3A_734 : vector<16xf32>
          %parallel_loop3A_736 = arith.addf %parallel_loop3A_712, %parallel_loop3A_735 : vector<16xf32>
          %parallel_loop3A_737 = arith.constant 10240 : i32
          %parallel_loop3A_738 = arith.addi %parallel_loop3A_737, %parallel_loop3A_720 : i32
          %parallel_loop3A_739 = arith.index_cast %parallel_loop3A_738 : i32 to index
          %parallel_loop3A_740 = tpu.vector_load %arg22[%parallel_loop3A_739] {strides = array<i32>} : memref<15360xf32, #tpu.memory_space<vmem>>, vector<16xf32>,
          %parallel_loop3A_741 = arith.mulf %parallel_loop3A_726, %parallel_loop3A_740 : vector<16xf32>
          %parallel_loop3A_742 = arith.addf %parallel_loop3A_718, %parallel_loop3A_741 : vector<16xf32>
          %parallel_loop3A_743 = arith.constant 384 : i32
          %parallel_loop3A_744 = arith.addi %parallel_loop3A_538, %parallel_loop3A_743 : i32
          %parallel_loop3A_745 = arith.mulf %parallel_loop3A_658, %parallel_loop3A_670 : vector<16xf32>
          %parallel_loop3A_746 = arith.constant 3840 : i32
          %parallel_loop3A_747 = arith.addi %parallel_loop3A_746, %parallel_loop3A_527 : i32
          %parallel_loop3A_748 = arith.index_cast %parallel_loop3A_747 : i32 to index
          %parallel_loop3A_749 = tpu.vector_load %arg23[%parallel_loop3A_748] {strides = array<i32>} : memref<5120xf32, #tpu.memory_space<vmem>>, vector<16xf32>,
          %parallel_loop3A_750 = arith.mulf %parallel_loop3A_745, %parallel_loop3A_749 : vector<16xf32>
          %parallel_loop3A_751 = arith.index_cast %parallel_loop3A_744 : i32 to index
          %parallel_loop3A_752 = tpu.vector_load %arg22[%parallel_loop3A_751] {strides = array<i32>} : memref<15360xf32, #tpu.memory_space<vmem>>, vector<16xf32>,
          %parallel_loop3A_753 = arith.mulf %parallel_loop3A_750, %parallel_loop3A_752 : vector<16xf32>
          %parallel_loop3A_754 = arith.addf %parallel_loop3A_730, %parallel_loop3A_753 : vector<16xf32>
          %parallel_loop3A_755 = arith.constant 5120 : i32
          %parallel_loop3A_756 = arith.addi %parallel_loop3A_755, %parallel_loop3A_744 : i32
          %parallel_loop3A_757 = arith.index_cast %parallel_loop3A_756 : i32 to index
          %parallel_loop3A_758 = tpu.vector_load %arg22[%parallel_loop3A_757] {strides = array<i32>} : memref<15360xf32, #tpu.memory_space<vmem>>, vector<16xf32>,
          %parallel_loop3A_759 = arith.mulf %parallel_loop3A_750, %parallel_loop3A_758 : vector<16xf32>
          %parallel_loop3A_760 = arith.addf %parallel_loop3A_736, %parallel_loop3A_759 : vector<16xf32>
          %parallel_loop3A_761 = arith.constant 10240 : i32
          %parallel_loop3A_762 = arith.addi %parallel_loop3A_761, %parallel_loop3A_744 : i32
          %parallel_loop3A_763 = arith.index_cast %parallel_loop3A_762 : i32 to index
          %parallel_loop3A_764 = tpu.vector_load %arg22[%parallel_loop3A_763] {strides = array<i32>} : memref<15360xf32, #tpu.memory_space<vmem>>, vector<16xf32>,
          %parallel_loop3A_765 = arith.mulf %parallel_loop3A_750, %parallel_loop3A_764 : vector<16xf32>
          %parallel_loop3A_766 = arith.addf %parallel_loop3A_742, %parallel_loop3A_765 : vector<16xf32>
          %parallel_loop3A_767 = arith.index_cast %parallel_loop3A_527 : i32 to index
          %parallel_loop3A_768 = tpu.vector_load %arg24[%parallel_loop3A_767] {strides = array<i32>} : memref<1280xf32, #tpu.memory_space<vmem>>, vector<16xf32>,
          %parallel_loop3A_769 = vector.broadcast %parallel_loop3A_527 : i32 to vector<16xi32>
          %parallel_loop3A_770 = arith.addi %parallel_loop3A_769, %iota3A : vector<16xi32>
          %parallel_loop3A_771 = arith.index_cast %parallel_loop3A_527 : i32 to index
          %parallel_loop3A_772 = tpu.vector_load %arg25[%parallel_loop3A_771] {strides = array<i32>} : memref<1280xi32, #tpu.memory_space<vmem>>, vector<16xi32>,
          %parallel_loop3A_773 = vector.broadcast %mul3A_163 : i32 to vector<16xi32>
          %parallel_loop3A_774 = arith.subi %parallel_loop3A_772, %parallel_loop3A_773 : vector<16xi32>
          %parallel_loop3A_775 = arith.constant 0 : i32
          %parallel_loop3A_776 = vector.broadcast %parallel_loop3A_775 : i32 to vector<16xi32>
          %parallel_loop3A_777 = arith.cmpi sge, %parallel_loop3A_774, %parallel_loop3A_776 : vector<16xi32>
          %parallel_loop3A_778 = arith.constant 2048 : i32
          %parallel_loop3A_779 = vector.broadcast %parallel_loop3A_778 : i32 to vector<16xi32>
          %parallel_loop3A_780 = arith.cmpi slt, %parallel_loop3A_774, %parallel_loop3A_779 : vector<16xi32>
          %parallel_loop3A_781 = arith.andi %parallel_loop3A_777, %parallel_loop3A_780 : vector<16xi1>
          %parallel_loop3A_782 = vector.broadcast %sub3A_521 : i32 to vector<16xi32>
          %parallel_loop3A_783 = arith.cmpi sge, %parallel_loop3A_770, %parallel_loop3A_782 : vector<16xi32>
          %parallel_loop3A_784 = arith.andi %parallel_loop3A_781, %parallel_loop3A_783 : vector<16xi1>
          %parallel_loop3A_785 = arith.constant 0 : i32
          %parallel_loop3A_786 = vector.broadcast %parallel_loop3A_785 : i32 to vector<16xi32>
          %parallel_loop3A_787 = arith.maxsi %parallel_loop3A_774, %parallel_loop3A_786 : vector<16xi32>
          %parallel_loop3A_788 = arith.constant 2048 : i32
          %parallel_loop3A_789 = vector.broadcast %parallel_loop3A_788 : i32 to vector<16xi32>
          %parallel_loop3A_790 = arith.minsi %parallel_loop3A_787, %parallel_loop3A_789 : vector<16xi32>
          %parallel_loop3A_791 = arith.index_cast %parallel_loop3A_527 : i32 to index
          %parallel_loop3A_792 = tpu.vector_load %arg19[%parallel_loop3A_791] {strides = array<i32>} : memref<3840xf32, #tpu.memory_space<vmem>>, vector<16xf32>,
          %parallel_loop3A_793 = arith.mulf %parallel_loop3A_768, %parallel_loop3A_792 : vector<16xf32>
          %parallel_loop3A_794 = arith.mulf %parallel_loop3A_793, %parallel_loop3A_754 : vector<16xf32>
          tpu.vector_store_idx %arg27[%parallel_loop3A_790], %parallel_loop3A_794 masked %parallel_loop3A_784 {add = true} : memref<8256xf32, #tpu.memory_space<vmem>>[vector<16xi32>], vector<16xf32>, vector<16xi1>
          %parallel_loop3A_795 = arith.constant 2064 : i32
          %parallel_loop3A_796 = vector.broadcast %parallel_loop3A_795 : i32 to vector<16xi32>
          %parallel_loop3A_797 = arith.addi %parallel_loop3A_790, %parallel_loop3A_796 : vector<16xi32>
          %parallel_loop3A_798 = arith.constant 1280 : i32
          %parallel_loop3A_799 = arith.addi %parallel_loop3A_798, %parallel_loop3A_527 : i32
          %parallel_loop3A_800 = arith.index_cast %parallel_loop3A_799 : i32 to index
          %parallel_loop3A_801 = tpu.vector_load %arg19[%parallel_loop3A_800] {strides = array<i32>} : memref<3840xf32, #tpu.memory_space<vmem>>, vector<16xf32>,
          %parallel_loop3A_802 = arith.mulf %parallel_loop3A_768, %parallel_loop3A_801 : vector<16xf32>
          %parallel_loop3A_803 = arith.mulf %parallel_loop3A_802, %parallel_loop3A_760 : vector<16xf32>
          tpu.vector_store_idx %arg27[%parallel_loop3A_797], %parallel_loop3A_803 masked %parallel_loop3A_784 {add = true} : memref<8256xf32, #tpu.memory_space<vmem>>[vector<16xi32>], vector<16xf32>, vector<16xi1>
          %parallel_loop3A_804 = arith.constant 4128 : i32
          %parallel_loop3A_805 = vector.broadcast %parallel_loop3A_804 : i32 to vector<16xi32>
          %parallel_loop3A_806 = arith.addi %parallel_loop3A_790, %parallel_loop3A_805 : vector<16xi32>
          %parallel_loop3A_807 = arith.constant 2560 : i32
          %parallel_loop3A_808 = arith.addi %parallel_loop3A_807, %parallel_loop3A_527 : i32
          %parallel_loop3A_809 = arith.index_cast %parallel_loop3A_808 : i32 to index
          %parallel_loop3A_810 = tpu.vector_load %arg19[%parallel_loop3A_809] {strides = array<i32>} : memref<3840xf32, #tpu.memory_space<vmem>>, vector<16xf32>,
          %parallel_loop3A_811 = arith.mulf %parallel_loop3A_768, %parallel_loop3A_810 : vector<16xf32>
          %parallel_loop3A_812 = arith.mulf %parallel_loop3A_811, %parallel_loop3A_766 : vector<16xf32>
          tpu.vector_store_idx %arg27[%parallel_loop3A_806], %parallel_loop3A_812 masked %parallel_loop3A_784 {add = true} : memref<8256xf32, #tpu.memory_space<vmem>>[vector<16xi32>], vector<16xf32>, vector<16xi1>
          %parallel_loop3A_813 = arith.constant 6192 : i32
          %parallel_loop3A_814 = vector.broadcast %parallel_loop3A_813 : i32 to vector<16xi32>
          %parallel_loop3A_815 = arith.addi %parallel_loop3A_790, %parallel_loop3A_814 : vector<16xi32>
          tpu.vector_store_idx %arg27[%parallel_loop3A_815], %parallel_loop3A_768 masked %parallel_loop3A_784 {add = true} : memref<8256xf32, #tpu.memory_space<vmem>>[vector<16xi32>], vector<16xf32>, vector<16xi1>
        } {sc.loop_unroll_factor = 8 : i64, sc.parallel_access}
      } else {
      }
    }
    %dma_wait3A = arith.constant 0 : i32
    %dma_wait3A_188 = tpu.memref_slice %arg28[%dma_wait3A] : memref<6144xf32, #tpu.memory_space<vmem>> -> memref<2048xf32, #tpu.memory_space<vmem>>
    %dma_wait3A_189 = tpu.memref_slice %arg10[%add3A_5] : memref<196608xf32, #tpu.memory_space<hbm>> -> memref<2048xf32, #tpu.memory_space<hbm>>
    %dma_wait3A_190 = arith.constant 0 : i32
    %dma_wait3A_191 = tpu.memref_slice %arg28[%dma_wait3A_190] : memref<6144xf32, #tpu.memory_space<vmem>> -> memref<2048xf32, #tpu.memory_space<vmem>>
    %dma_wait3A_192 = tpu.memref_slice %arg10[%add3A_5] : memref<196608xf32, #tpu.memory_space<hbm>> -> memref<2048xf32, #tpu.memory_space<hbm>>
    tpu.wait_dma2 semaphore(%arg32 : memref<!tpu.dma_semaphore, #tpu.memory_space<semaphore_mem>>) src(%dma_wait3A_192 : memref<2048xf32, #tpu.memory_space<hbm>>) dst(%dma_wait3A_191 : memref<2048xf32, #tpu.memory_space<vmem>>)
    %dma_wait3A_193 = arith.constant 2048 : i32
    %dma_wait3A_194 = tpu.memref_slice %arg28[%dma_wait3A_193] : memref<6144xf32, #tpu.memory_space<vmem>> -> memref<2048xf32, #tpu.memory_space<vmem>>
    %dma_wait3A_195 = tpu.memref_slice %arg10[%add3A_14] : memref<196608xf32, #tpu.memory_space<hbm>> -> memref<2048xf32, #tpu.memory_space<hbm>>
    %dma_wait3A_196 = arith.constant 2048 : i32
    %dma_wait3A_197 = tpu.memref_slice %arg28[%dma_wait3A_196] : memref<6144xf32, #tpu.memory_space<vmem>> -> memref<2048xf32, #tpu.memory_space<vmem>>
    %dma_wait3A_198 = tpu.memref_slice %arg10[%add3A_14] : memref<196608xf32, #tpu.memory_space<hbm>> -> memref<2048xf32, #tpu.memory_space<hbm>>
    tpu.wait_dma2 semaphore(%arg32 : memref<!tpu.dma_semaphore, #tpu.memory_space<semaphore_mem>>) src(%dma_wait3A_198 : memref<2048xf32, #tpu.memory_space<hbm>>) dst(%dma_wait3A_197 : memref<2048xf32, #tpu.memory_space<vmem>>)
    %dma_wait3A_199 = arith.constant 4096 : i32
    %dma_wait3A_200 = tpu.memref_slice %arg28[%dma_wait3A_199] : memref<6144xf32, #tpu.memory_space<vmem>> -> memref<2048xf32, #tpu.memory_space<vmem>>
    %dma_wait3A_201 = tpu.memref_slice %arg10[%add3A_24] : memref<196608xf32, #tpu.memory_space<hbm>> -> memref<2048xf32, #tpu.memory_space<hbm>>
    %dma_wait3A_202 = arith.constant 4096 : i32
    %dma_wait3A_203 = tpu.memref_slice %arg28[%dma_wait3A_202] : memref<6144xf32, #tpu.memory_space<vmem>> -> memref<2048xf32, #tpu.memory_space<vmem>>
    %dma_wait3A_204 = tpu.memref_slice %arg10[%add3A_24] : memref<196608xf32, #tpu.memory_space<hbm>> -> memref<2048xf32, #tpu.memory_space<hbm>>
    tpu.wait_dma2 semaphore(%arg32 : memref<!tpu.dma_semaphore, #tpu.memory_space<semaphore_mem>>) src(%dma_wait3A_204 : memref<2048xf32, #tpu.memory_space<hbm>>) dst(%dma_wait3A_203 : memref<2048xf32, #tpu.memory_space<vmem>>)
    %parallel_loop3A = arith.constant 0 : i32
    %parallel_loop3A_205 = arith.constant 128 : i32
    %parallel_loop3A_206 = arith.constant 1 : i32
    scf.for %parallel_loop3A_213 = %parallel_loop3A to %parallel_loop3A_205 step %parallel_loop3A_206  : i32 {
      %parallel_loop3A_214 = arith.constant 16 : i32
      %parallel_loop3A_215 = arith.muli %parallel_loop3A_213, %parallel_loop3A_214 : i32
      %parallel_loop3A_216 = arith.constant 6192 : i32
      %parallel_loop3A_217 = arith.addi %parallel_loop3A_216, %parallel_loop3A_215 : i32
      %parallel_loop3A_218 = arith.index_cast %parallel_loop3A_217 : i32 to index
      %parallel_loop3A_219 = tpu.vector_load %arg27[%parallel_loop3A_218] {strides = array<i32>} : memref<8256xf32, #tpu.memory_space<vmem>>, vector<16xf32>,
      %parallel_loop3A_220 = arith.constant 1.000000e+00 : f32
      %parallel_loop3A_221 = vector.broadcast %parallel_loop3A_220 : f32 to vector<16xf32>
      %parallel_loop3A_222 = arith.subf %parallel_loop3A_221, %parallel_loop3A_219 : vector<16xf32>
      %parallel_loop3A_223 = arith.constant 0 : i32
      %parallel_loop3A_224 = arith.addi %parallel_loop3A_223, %parallel_loop3A_215 : i32
      %parallel_loop3A_225 = arith.index_cast %parallel_loop3A_224 : i32 to index
      %parallel_loop3A_226 = tpu.vector_load %arg27[%parallel_loop3A_225] {strides = array<i32>} : memref<8256xf32, #tpu.memory_space<vmem>>, vector<16xf32>,
      %parallel_loop3A_227 = arith.constant 0 : i32
      %parallel_loop3A_228 = arith.addi %parallel_loop3A_227, %parallel_loop3A_215 : i32
      %parallel_loop3A_229 = arith.index_cast %parallel_loop3A_228 : i32 to index
      %parallel_loop3A_230 = tpu.vector_load %arg28[%parallel_loop3A_229] {strides = array<i32>} : memref<6144xf32, #tpu.memory_space<vmem>>, vector<16xf32>,
      %parallel_loop3A_231 = arith.mulf %parallel_loop3A_230, %parallel_loop3A_222 : vector<16xf32>
      %parallel_loop3A_232 = arith.addf %parallel_loop3A_226, %parallel_loop3A_231 : vector<16xf32>
      %parallel_loop3A_233 = arith.constant 3.130800e-03 : f32
      %parallel_loop3A_234 = vector.broadcast %parallel_loop3A_233 : f32 to vector<16xf32>
      %parallel_loop3A_235 = arith.cmpf ogt, %parallel_loop3A_232, %parallel_loop3A_234 : vector<16xf32>
      %parallel_loop3A_236 = arith.constant 5.000000e-01 : f32
      %parallel_loop3A_237 = vector.broadcast %parallel_loop3A_236 : f32 to vector<16xf32>
      %parallel_loop3A_238 = arith.select %parallel_loop3A_235, %parallel_loop3A_232, %parallel_loop3A_237 : vector<16xi1>, vector<16xf32>
      %parallel_loop3A_239 = vector.bitcast %parallel_loop3A_238 : vector<16xf32> to vector<16xi32>
      %parallel_loop3A_240 = arith.constant 23 : i32
      %parallel_loop3A_241 = vector.broadcast %parallel_loop3A_240 : i32 to vector<16xi32>
      %parallel_loop3A_242 = arith.shrsi %parallel_loop3A_239, %parallel_loop3A_241 : vector<16xi32>
      %parallel_loop3A_243 = arith.constant 255 : i32
      %parallel_loop3A_244 = vector.broadcast %parallel_loop3A_243 : i32 to vector<16xi32>
      %parallel_loop3A_245 = arith.andi %parallel_loop3A_242, %parallel_loop3A_244 : vector<16xi32>
      %parallel_loop3A_246 = arith.constant 127 : i32
      %parallel_loop3A_247 = vector.broadcast %parallel_loop3A_246 : i32 to vector<16xi32>
      %parallel_loop3A_248 = arith.subi %parallel_loop3A_245, %parallel_loop3A_247 : vector<16xi32>
      %parallel_loop3A_249 = arith.sitofp %parallel_loop3A_248 : vector<16xi32> to vector<16xf32>
      %parallel_loop3A_250 = arith.constant 8388607 : i32
      %parallel_loop3A_251 = vector.broadcast %parallel_loop3A_250 : i32 to vector<16xi32>
      %parallel_loop3A_252 = arith.andi %parallel_loop3A_239, %parallel_loop3A_251 : vector<16xi32>
      %parallel_loop3A_253 = arith.constant 1065353216 : i32
      %parallel_loop3A_254 = vector.broadcast %parallel_loop3A_253 : i32 to vector<16xi32>
      %parallel_loop3A_255 = arith.ori %parallel_loop3A_252, %parallel_loop3A_254 : vector<16xi32>
      %parallel_loop3A_256 = vector.bitcast %parallel_loop3A_255 : vector<16xi32> to vector<16xf32>
      %parallel_loop3A_257 = arith.constant 1.000000e+00 : f32
      %parallel_loop3A_258 = vector.broadcast %parallel_loop3A_257 : f32 to vector<16xf32>
      %parallel_loop3A_259 = arith.subf %parallel_loop3A_256, %parallel_loop3A_258 : vector<16xf32>
      %parallel_loop3A_260 = arith.constant 1.000000e+00 : f32
      %parallel_loop3A_261 = vector.broadcast %parallel_loop3A_260 : f32 to vector<16xf32>
      %parallel_loop3A_262 = arith.addf %parallel_loop3A_256, %parallel_loop3A_261 : vector<16xf32>
      %parallel_loop3A_263 = arith.divf %parallel_loop3A_259, %parallel_loop3A_262 : vector<16xf32>
      %parallel_loop3A_264 = arith.mulf %parallel_loop3A_263, %parallel_loop3A_263 : vector<16xf32>
      %parallel_loop3A_265 = arith.constant 0.111111112 : f32
      %parallel_loop3A_266 = vector.broadcast %parallel_loop3A_265 : f32 to vector<16xf32>
      %parallel_loop3A_267 = arith.mulf %parallel_loop3A_264, %parallel_loop3A_266 : vector<16xf32>
      %parallel_loop3A_268 = arith.constant 0.142857149 : f32
      %parallel_loop3A_269 = vector.broadcast %parallel_loop3A_268 : f32 to vector<16xf32>
      %parallel_loop3A_270 = arith.addf %parallel_loop3A_269, %parallel_loop3A_267 : vector<16xf32>
      %parallel_loop3A_271 = arith.mulf %parallel_loop3A_264, %parallel_loop3A_270 : vector<16xf32>
      %parallel_loop3A_272 = arith.constant 2.000000e-01 : f32
      %parallel_loop3A_273 = vector.broadcast %parallel_loop3A_272 : f32 to vector<16xf32>
      %parallel_loop3A_274 = arith.addf %parallel_loop3A_273, %parallel_loop3A_271 : vector<16xf32>
      %parallel_loop3A_275 = arith.mulf %parallel_loop3A_264, %parallel_loop3A_274 : vector<16xf32>
      %parallel_loop3A_276 = arith.constant 0.333333343 : f32
      %parallel_loop3A_277 = vector.broadcast %parallel_loop3A_276 : f32 to vector<16xf32>
      %parallel_loop3A_278 = arith.addf %parallel_loop3A_277, %parallel_loop3A_275 : vector<16xf32>
      %parallel_loop3A_279 = arith.mulf %parallel_loop3A_264, %parallel_loop3A_278 : vector<16xf32>
      %parallel_loop3A_280 = arith.constant 1.000000e+00 : f32
      %parallel_loop3A_281 = vector.broadcast %parallel_loop3A_280 : f32 to vector<16xf32>
      %parallel_loop3A_282 = arith.addf %parallel_loop3A_281, %parallel_loop3A_279 : vector<16xf32>
      %parallel_loop3A_283 = arith.constant 2.885390e+00 : f32
      %parallel_loop3A_284 = vector.broadcast %parallel_loop3A_283 : f32 to vector<16xf32>
      %parallel_loop3A_285 = arith.mulf %parallel_loop3A_284, %parallel_loop3A_263 : vector<16xf32>
      %parallel_loop3A_286 = arith.mulf %parallel_loop3A_285, %parallel_loop3A_282 : vector<16xf32>
      %parallel_loop3A_287 = arith.addf %parallel_loop3A_249, %parallel_loop3A_286 : vector<16xf32>
      %parallel_loop3A_288 = arith.constant 0.288811326 : f32
      %parallel_loop3A_289 = vector.broadcast %parallel_loop3A_288 : f32 to vector<16xf32>
      %parallel_loop3A_290 = arith.mulf %parallel_loop3A_287, %parallel_loop3A_289 : vector<16xf32>
      %parallel_loop3A_291 = math.exp %parallel_loop3A_290 : vector<16xf32>
      %parallel_loop3A_292 = arith.constant 3.130800e-03 : f32
      %parallel_loop3A_293 = vector.broadcast %parallel_loop3A_292 : f32 to vector<16xf32>
      %parallel_loop3A_294 = arith.cmpf ole, %parallel_loop3A_232, %parallel_loop3A_293 : vector<16xf32>
      %parallel_loop3A_295 = arith.constant 1.292000e+01 : f32
      %parallel_loop3A_296 = vector.broadcast %parallel_loop3A_295 : f32 to vector<16xf32>
      %parallel_loop3A_297 = arith.mulf %parallel_loop3A_296, %parallel_loop3A_232 : vector<16xf32>
      %parallel_loop3A_298 = arith.constant 1.055000e+00 : f32
      %parallel_loop3A_299 = vector.broadcast %parallel_loop3A_298 : f32 to vector<16xf32>
      %parallel_loop3A_300 = arith.mulf %parallel_loop3A_299, %parallel_loop3A_291 : vector<16xf32>
      %parallel_loop3A_301 = arith.constant 5.500000e-02 : f32
      %parallel_loop3A_302 = vector.broadcast %parallel_loop3A_301 : f32 to vector<16xf32>
      %parallel_loop3A_303 = arith.subf %parallel_loop3A_300, %parallel_loop3A_302 : vector<16xf32>
      %parallel_loop3A_304 = arith.select %parallel_loop3A_294, %parallel_loop3A_297, %parallel_loop3A_303 : vector<16xi1>, vector<16xf32>
      %parallel_loop3A_305 = arith.constant 0 : i32
      %parallel_loop3A_306 = arith.addi %parallel_loop3A_305, %parallel_loop3A_215 : i32
      %parallel_loop3A_307 = arith.index_cast %parallel_loop3A_306 : i32 to index
      %parallel_loop3A_308 = tpu.vector_load %arg29[%parallel_loop3A_307] {strides = array<i32>} : memref<6144xf32, #tpu.memory_space<vmem>>, vector<16xf32>,
      tpu.vector_store %arg29[%parallel_loop3A_307], %parallel_loop3A_304 {strides = array<i32>} : memref<6144xf32, #tpu.memory_space<vmem>>, vector<16xf32>,
      %parallel_loop3A_309 = arith.constant 2064 : i32
      %parallel_loop3A_310 = arith.addi %parallel_loop3A_309, %parallel_loop3A_215 : i32
      %parallel_loop3A_311 = arith.index_cast %parallel_loop3A_310 : i32 to index
      %parallel_loop3A_312 = tpu.vector_load %arg27[%parallel_loop3A_311] {strides = array<i32>} : memref<8256xf32, #tpu.memory_space<vmem>>, vector<16xf32>,
      %parallel_loop3A_313 = arith.constant 2048 : i32
      %parallel_loop3A_314 = arith.addi %parallel_loop3A_313, %parallel_loop3A_215 : i32
      %parallel_loop3A_315 = arith.index_cast %parallel_loop3A_314 : i32 to index
      %parallel_loop3A_316 = tpu.vector_load %arg28[%parallel_loop3A_315] {strides = array<i32>} : memref<6144xf32, #tpu.memory_space<vmem>>, vector<16xf32>,
      %parallel_loop3A_317 = arith.mulf %parallel_loop3A_316, %parallel_loop3A_222 : vector<16xf32>
      %parallel_loop3A_318 = arith.addf %parallel_loop3A_312, %parallel_loop3A_317 : vector<16xf32>
      %parallel_loop3A_319 = arith.constant 3.130800e-03 : f32
      %parallel_loop3A_320 = vector.broadcast %parallel_loop3A_319 : f32 to vector<16xf32>
      %parallel_loop3A_321 = arith.cmpf ogt, %parallel_loop3A_318, %parallel_loop3A_320 : vector<16xf32>
      %parallel_loop3A_322 = arith.constant 5.000000e-01 : f32
      %parallel_loop3A_323 = vector.broadcast %parallel_loop3A_322 : f32 to vector<16xf32>
      %parallel_loop3A_324 = arith.select %parallel_loop3A_321, %parallel_loop3A_318, %parallel_loop3A_323 : vector<16xi1>, vector<16xf32>
      %parallel_loop3A_325 = vector.bitcast %parallel_loop3A_324 : vector<16xf32> to vector<16xi32>
      %parallel_loop3A_326 = arith.constant 23 : i32
      %parallel_loop3A_327 = vector.broadcast %parallel_loop3A_326 : i32 to vector<16xi32>
      %parallel_loop3A_328 = arith.shrsi %parallel_loop3A_325, %parallel_loop3A_327 : vector<16xi32>
      %parallel_loop3A_329 = arith.constant 255 : i32
      %parallel_loop3A_330 = vector.broadcast %parallel_loop3A_329 : i32 to vector<16xi32>
      %parallel_loop3A_331 = arith.andi %parallel_loop3A_328, %parallel_loop3A_330 : vector<16xi32>
      %parallel_loop3A_332 = arith.constant 127 : i32
      %parallel_loop3A_333 = vector.broadcast %parallel_loop3A_332 : i32 to vector<16xi32>
      %parallel_loop3A_334 = arith.subi %parallel_loop3A_331, %parallel_loop3A_333 : vector<16xi32>
      %parallel_loop3A_335 = arith.sitofp %parallel_loop3A_334 : vector<16xi32> to vector<16xf32>
      %parallel_loop3A_336 = arith.constant 8388607 : i32
      %parallel_loop3A_337 = vector.broadcast %parallel_loop3A_336 : i32 to vector<16xi32>
      %parallel_loop3A_338 = arith.andi %parallel_loop3A_325, %parallel_loop3A_337 : vector<16xi32>
      %parallel_loop3A_339 = arith.constant 1065353216 : i32
      %parallel_loop3A_340 = vector.broadcast %parallel_loop3A_339 : i32 to vector<16xi32>
      %parallel_loop3A_341 = arith.ori %parallel_loop3A_338, %parallel_loop3A_340 : vector<16xi32>
      %parallel_loop3A_342 = vector.bitcast %parallel_loop3A_341 : vector<16xi32> to vector<16xf32>
      %parallel_loop3A_343 = arith.constant 1.000000e+00 : f32
      %parallel_loop3A_344 = vector.broadcast %parallel_loop3A_343 : f32 to vector<16xf32>
      %parallel_loop3A_345 = arith.subf %parallel_loop3A_342, %parallel_loop3A_344 : vector<16xf32>
      %parallel_loop3A_346 = arith.constant 1.000000e+00 : f32
      %parallel_loop3A_347 = vector.broadcast %parallel_loop3A_346 : f32 to vector<16xf32>
      %parallel_loop3A_348 = arith.addf %parallel_loop3A_342, %parallel_loop3A_347 : vector<16xf32>
      %parallel_loop3A_349 = arith.divf %parallel_loop3A_345, %parallel_loop3A_348 : vector<16xf32>
      %parallel_loop3A_350 = arith.mulf %parallel_loop3A_349, %parallel_loop3A_349 : vector<16xf32>
      %parallel_loop3A_351 = arith.constant 0.111111112 : f32
      %parallel_loop3A_352 = vector.broadcast %parallel_loop3A_351 : f32 to vector<16xf32>
      %parallel_loop3A_353 = arith.mulf %parallel_loop3A_350, %parallel_loop3A_352 : vector<16xf32>
      %parallel_loop3A_354 = arith.constant 0.142857149 : f32
      %parallel_loop3A_355 = vector.broadcast %parallel_loop3A_354 : f32 to vector<16xf32>
      %parallel_loop3A_356 = arith.addf %parallel_loop3A_355, %parallel_loop3A_353 : vector<16xf32>
      %parallel_loop3A_357 = arith.mulf %parallel_loop3A_350, %parallel_loop3A_356 : vector<16xf32>
      %parallel_loop3A_358 = arith.constant 2.000000e-01 : f32
      %parallel_loop3A_359 = vector.broadcast %parallel_loop3A_358 : f32 to vector<16xf32>
      %parallel_loop3A_360 = arith.addf %parallel_loop3A_359, %parallel_loop3A_357 : vector<16xf32>
      %parallel_loop3A_361 = arith.mulf %parallel_loop3A_350, %parallel_loop3A_360 : vector<16xf32>
      %parallel_loop3A_362 = arith.constant 0.333333343 : f32
      %parallel_loop3A_363 = vector.broadcast %parallel_loop3A_362 : f32 to vector<16xf32>
      %parallel_loop3A_364 = arith.addf %parallel_loop3A_363, %parallel_loop3A_361 : vector<16xf32>
      %parallel_loop3A_365 = arith.mulf %parallel_loop3A_350, %parallel_loop3A_364 : vector<16xf32>
      %parallel_loop3A_366 = arith.constant 1.000000e+00 : f32
      %parallel_loop3A_367 = vector.broadcast %parallel_loop3A_366 : f32 to vector<16xf32>
      %parallel_loop3A_368 = arith.addf %parallel_loop3A_367, %parallel_loop3A_365 : vector<16xf32>
      %parallel_loop3A_369 = arith.constant 2.885390e+00 : f32
      %parallel_loop3A_370 = vector.broadcast %parallel_loop3A_369 : f32 to vector<16xf32>
      %parallel_loop3A_371 = arith.mulf %parallel_loop3A_370, %parallel_loop3A_349 : vector<16xf32>
      %parallel_loop3A_372 = arith.mulf %parallel_loop3A_371, %parallel_loop3A_368 : vector<16xf32>
      %parallel_loop3A_373 = arith.addf %parallel_loop3A_335, %parallel_loop3A_372 : vector<16xf32>
      %parallel_loop3A_374 = arith.constant 0.288811326 : f32
      %parallel_loop3A_375 = vector.broadcast %parallel_loop3A_374 : f32 to vector<16xf32>
      %parallel_loop3A_376 = arith.mulf %parallel_loop3A_373, %parallel_loop3A_375 : vector<16xf32>
      %parallel_loop3A_377 = math.exp %parallel_loop3A_376 : vector<16xf32>
      %parallel_loop3A_378 = arith.constant 3.130800e-03 : f32
      %parallel_loop3A_379 = vector.broadcast %parallel_loop3A_378 : f32 to vector<16xf32>
      %parallel_loop3A_380 = arith.cmpf ole, %parallel_loop3A_318, %parallel_loop3A_379 : vector<16xf32>
      %parallel_loop3A_381 = arith.constant 1.292000e+01 : f32
      %parallel_loop3A_382 = vector.broadcast %parallel_loop3A_381 : f32 to vector<16xf32>
      %parallel_loop3A_383 = arith.mulf %parallel_loop3A_382, %parallel_loop3A_318 : vector<16xf32>
      %parallel_loop3A_384 = arith.constant 1.055000e+00 : f32
      %parallel_loop3A_385 = vector.broadcast %parallel_loop3A_384 : f32 to vector<16xf32>
      %parallel_loop3A_386 = arith.mulf %parallel_loop3A_385, %parallel_loop3A_377 : vector<16xf32>
      %parallel_loop3A_387 = arith.constant 5.500000e-02 : f32
      %parallel_loop3A_388 = vector.broadcast %parallel_loop3A_387 : f32 to vector<16xf32>
      %parallel_loop3A_389 = arith.subf %parallel_loop3A_386, %parallel_loop3A_388 : vector<16xf32>
      %parallel_loop3A_390 = arith.select %parallel_loop3A_380, %parallel_loop3A_383, %parallel_loop3A_389 : vector<16xi1>, vector<16xf32>
      %parallel_loop3A_391 = arith.constant 2048 : i32
      %parallel_loop3A_392 = arith.addi %parallel_loop3A_391, %parallel_loop3A_215 : i32
      %parallel_loop3A_393 = arith.index_cast %parallel_loop3A_392 : i32 to index
      %parallel_loop3A_394 = tpu.vector_load %arg29[%parallel_loop3A_393] {strides = array<i32>} : memref<6144xf32, #tpu.memory_space<vmem>>, vector<16xf32>,
      tpu.vector_store %arg29[%parallel_loop3A_393], %parallel_loop3A_390 {strides = array<i32>} : memref<6144xf32, #tpu.memory_space<vmem>>, vector<16xf32>,
      %parallel_loop3A_395 = arith.constant 4128 : i32
      %parallel_loop3A_396 = arith.addi %parallel_loop3A_395, %parallel_loop3A_215 : i32
      %parallel_loop3A_397 = arith.index_cast %parallel_loop3A_396 : i32 to index
      %parallel_loop3A_398 = tpu.vector_load %arg27[%parallel_loop3A_397] {strides = array<i32>} : memref<8256xf32, #tpu.memory_space<vmem>>, vector<16xf32>,
      %parallel_loop3A_399 = arith.constant 4096 : i32
      %parallel_loop3A_400 = arith.addi %parallel_loop3A_399, %parallel_loop3A_215 : i32
      %parallel_loop3A_401 = arith.index_cast %parallel_loop3A_400 : i32 to index
      %parallel_loop3A_402 = tpu.vector_load %arg28[%parallel_loop3A_401] {strides = array<i32>} : memref<6144xf32, #tpu.memory_space<vmem>>, vector<16xf32>,
      %parallel_loop3A_403 = arith.mulf %parallel_loop3A_402, %parallel_loop3A_222 : vector<16xf32>
      %parallel_loop3A_404 = arith.addf %parallel_loop3A_398, %parallel_loop3A_403 : vector<16xf32>
      %parallel_loop3A_405 = arith.constant 3.130800e-03 : f32
      %parallel_loop3A_406 = vector.broadcast %parallel_loop3A_405 : f32 to vector<16xf32>
      %parallel_loop3A_407 = arith.cmpf ogt, %parallel_loop3A_404, %parallel_loop3A_406 : vector<16xf32>
      %parallel_loop3A_408 = arith.constant 5.000000e-01 : f32
      %parallel_loop3A_409 = vector.broadcast %parallel_loop3A_408 : f32 to vector<16xf32>
      %parallel_loop3A_410 = arith.select %parallel_loop3A_407, %parallel_loop3A_404, %parallel_loop3A_409 : vector<16xi1>, vector<16xf32>
      %parallel_loop3A_411 = vector.bitcast %parallel_loop3A_410 : vector<16xf32> to vector<16xi32>
      %parallel_loop3A_412 = arith.constant 23 : i32
      %parallel_loop3A_413 = vector.broadcast %parallel_loop3A_412 : i32 to vector<16xi32>
      %parallel_loop3A_414 = arith.shrsi %parallel_loop3A_411, %parallel_loop3A_413 : vector<16xi32>
      %parallel_loop3A_415 = arith.constant 255 : i32
      %parallel_loop3A_416 = vector.broadcast %parallel_loop3A_415 : i32 to vector<16xi32>
      %parallel_loop3A_417 = arith.andi %parallel_loop3A_414, %parallel_loop3A_416 : vector<16xi32>
      %parallel_loop3A_418 = arith.constant 127 : i32
      %parallel_loop3A_419 = vector.broadcast %parallel_loop3A_418 : i32 to vector<16xi32>
      %parallel_loop3A_420 = arith.subi %parallel_loop3A_417, %parallel_loop3A_419 : vector<16xi32>
      %parallel_loop3A_421 = arith.sitofp %parallel_loop3A_420 : vector<16xi32> to vector<16xf32>
      %parallel_loop3A_422 = arith.constant 8388607 : i32
      %parallel_loop3A_423 = vector.broadcast %parallel_loop3A_422 : i32 to vector<16xi32>
      %parallel_loop3A_424 = arith.andi %parallel_loop3A_411, %parallel_loop3A_423 : vector<16xi32>
      %parallel_loop3A_425 = arith.constant 1065353216 : i32
      %parallel_loop3A_426 = vector.broadcast %parallel_loop3A_425 : i32 to vector<16xi32>
      %parallel_loop3A_427 = arith.ori %parallel_loop3A_424, %parallel_loop3A_426 : vector<16xi32>
      %parallel_loop3A_428 = vector.bitcast %parallel_loop3A_427 : vector<16xi32> to vector<16xf32>
      %parallel_loop3A_429 = arith.constant 1.000000e+00 : f32
      %parallel_loop3A_430 = vector.broadcast %parallel_loop3A_429 : f32 to vector<16xf32>
      %parallel_loop3A_431 = arith.subf %parallel_loop3A_428, %parallel_loop3A_430 : vector<16xf32>
      %parallel_loop3A_432 = arith.constant 1.000000e+00 : f32
      %parallel_loop3A_433 = vector.broadcast %parallel_loop3A_432 : f32 to vector<16xf32>
      %parallel_loop3A_434 = arith.addf %parallel_loop3A_428, %parallel_loop3A_433 : vector<16xf32>
      %parallel_loop3A_435 = arith.divf %parallel_loop3A_431, %parallel_loop3A_434 : vector<16xf32>
      %parallel_loop3A_436 = arith.mulf %parallel_loop3A_435, %parallel_loop3A_435 : vector<16xf32>
      %parallel_loop3A_437 = arith.constant 0.111111112 : f32
      %parallel_loop3A_438 = vector.broadcast %parallel_loop3A_437 : f32 to vector<16xf32>
      %parallel_loop3A_439 = arith.mulf %parallel_loop3A_436, %parallel_loop3A_438 : vector<16xf32>
      %parallel_loop3A_440 = arith.constant 0.142857149 : f32
      %parallel_loop3A_441 = vector.broadcast %parallel_loop3A_440 : f32 to vector<16xf32>
      %parallel_loop3A_442 = arith.addf %parallel_loop3A_441, %parallel_loop3A_439 : vector<16xf32>
      %parallel_loop3A_443 = arith.mulf %parallel_loop3A_436, %parallel_loop3A_442 : vector<16xf32>
      %parallel_loop3A_444 = arith.constant 2.000000e-01 : f32
      %parallel_loop3A_445 = vector.broadcast %parallel_loop3A_444 : f32 to vector<16xf32>
      %parallel_loop3A_446 = arith.addf %parallel_loop3A_445, %parallel_loop3A_443 : vector<16xf32>
      %parallel_loop3A_447 = arith.mulf %parallel_loop3A_436, %parallel_loop3A_446 : vector<16xf32>
      %parallel_loop3A_448 = arith.constant 0.333333343 : f32
      %parallel_loop3A_449 = vector.broadcast %parallel_loop3A_448 : f32 to vector<16xf32>
      %parallel_loop3A_450 = arith.addf %parallel_loop3A_449, %parallel_loop3A_447 : vector<16xf32>
      %parallel_loop3A_451 = arith.mulf %parallel_loop3A_436, %parallel_loop3A_450 : vector<16xf32>
      %parallel_loop3A_452 = arith.constant 1.000000e+00 : f32
      %parallel_loop3A_453 = vector.broadcast %parallel_loop3A_452 : f32 to vector<16xf32>
      %parallel_loop3A_454 = arith.addf %parallel_loop3A_453, %parallel_loop3A_451 : vector<16xf32>
      %parallel_loop3A_455 = arith.constant 2.885390e+00 : f32
      %parallel_loop3A_456 = vector.broadcast %parallel_loop3A_455 : f32 to vector<16xf32>
      %parallel_loop3A_457 = arith.mulf %parallel_loop3A_456, %parallel_loop3A_435 : vector<16xf32>
      %parallel_loop3A_458 = arith.mulf %parallel_loop3A_457, %parallel_loop3A_454 : vector<16xf32>
      %parallel_loop3A_459 = arith.addf %parallel_loop3A_421, %parallel_loop3A_458 : vector<16xf32>
      %parallel_loop3A_460 = arith.constant 0.288811326 : f32
      %parallel_loop3A_461 = vector.broadcast %parallel_loop3A_460 : f32 to vector<16xf32>
      %parallel_loop3A_462 = arith.mulf %parallel_loop3A_459, %parallel_loop3A_461 : vector<16xf32>
      %parallel_loop3A_463 = math.exp %parallel_loop3A_462 : vector<16xf32>
      %parallel_loop3A_464 = arith.constant 3.130800e-03 : f32
      %parallel_loop3A_465 = vector.broadcast %parallel_loop3A_464 : f32 to vector<16xf32>
      %parallel_loop3A_466 = arith.cmpf ole, %parallel_loop3A_404, %parallel_loop3A_465 : vector<16xf32>
      %parallel_loop3A_467 = arith.constant 1.292000e+01 : f32
      %parallel_loop3A_468 = vector.broadcast %parallel_loop3A_467 : f32 to vector<16xf32>
      %parallel_loop3A_469 = arith.mulf %parallel_loop3A_468, %parallel_loop3A_404 : vector<16xf32>
      %parallel_loop3A_470 = arith.constant 1.055000e+00 : f32
      %parallel_loop3A_471 = vector.broadcast %parallel_loop3A_470 : f32 to vector<16xf32>
      %parallel_loop3A_472 = arith.mulf %parallel_loop3A_471, %parallel_loop3A_463 : vector<16xf32>
      %parallel_loop3A_473 = arith.constant 5.500000e-02 : f32
      %parallel_loop3A_474 = vector.broadcast %parallel_loop3A_473 : f32 to vector<16xf32>
      %parallel_loop3A_475 = arith.subf %parallel_loop3A_472, %parallel_loop3A_474 : vector<16xf32>
      %parallel_loop3A_476 = arith.select %parallel_loop3A_466, %parallel_loop3A_469, %parallel_loop3A_475 : vector<16xi1>, vector<16xf32>
      %parallel_loop3A_477 = arith.constant 4096 : i32
      %parallel_loop3A_478 = arith.addi %parallel_loop3A_477, %parallel_loop3A_215 : i32
      %parallel_loop3A_479 = arith.index_cast %parallel_loop3A_478 : i32 to index
      %parallel_loop3A_480 = tpu.vector_load %arg29[%parallel_loop3A_479] {strides = array<i32>} : memref<6144xf32, #tpu.memory_space<vmem>>, vector<16xf32>,
      tpu.vector_store %arg29[%parallel_loop3A_479], %parallel_loop3A_476 {strides = array<i32>} : memref<6144xf32, #tpu.memory_space<vmem>>, vector<16xf32>,
    } {sc.loop_unroll_factor = 4 : i64, sc.parallel_access}
    %add3A_207 = arith.constant 0 : i32
    %add3A_208 = arith.addi %add3A_207, %mul3A_163 : i32
    "tpu.region"() ({
      %run_scoped3A = tpu.sem_alloc : memref<!tpu.dma_semaphore, #tpu.memory_space<semaphore_mem>>
      %dma_start3A_213 = arith.constant 0 : i32
      %dma_start3A_214 = tpu.memref_slice %arg29[%dma_start3A_213] : memref<6144xf32, #tpu.memory_space<vmem>> -> memref<2048xf32, #tpu.memory_space<vmem>>
      %dma_start3A_215 = tpu.memref_slice %arg11[%add3A_208] : memref<196608xf32, #tpu.memory_space<hbm>> -> memref<2048xf32, #tpu.memory_space<hbm>>
      %dma_start3A_216 = tpu.memref_slice %arg11[%add3A_208] : memref<196608xf32, #tpu.memory_space<hbm>> -> memref<2048xf32, #tpu.memory_space<hbm>>
      %dma_start3A_217 = arith.constant 0 : i32
      %dma_start3A_218 = tpu.memref_slice %arg29[%dma_start3A_217] : memref<6144xf32, #tpu.memory_space<vmem>> -> memref<2048xf32, #tpu.memory_space<vmem>>
      tpu.enqueue_dma source(%dma_start3A_218 : memref<2048xf32, #tpu.memory_space<vmem>>) target(%dma_start3A_216 : memref<2048xf32, #tpu.memory_space<hbm>>) target_semaphore(%run_scoped3A : memref<!tpu.dma_semaphore, #tpu.memory_space<semaphore_mem>>)
      %dma_wait3A_219 = arith.constant 0 : i32
      %dma_wait3A_220 = tpu.memref_slice %arg29[%dma_wait3A_219] : memref<6144xf32, #tpu.memory_space<vmem>> -> memref<2048xf32, #tpu.memory_space<vmem>>
      %dma_wait3A_221 = tpu.memref_slice %arg11[%add3A_208] : memref<196608xf32, #tpu.memory_space<hbm>> -> memref<2048xf32, #tpu.memory_space<hbm>>
      %dma_wait3A_222 = tpu.memref_slice %arg11[%add3A_208] : memref<196608xf32, #tpu.memory_space<hbm>> -> memref<2048xf32, #tpu.memory_space<hbm>>
      %dma_wait3A_223 = arith.constant 0 : i32
      %dma_wait3A_224 = tpu.memref_slice %arg29[%dma_wait3A_223] : memref<6144xf32, #tpu.memory_space<vmem>> -> memref<2048xf32, #tpu.memory_space<vmem>>
      tpu.wait_dma2 semaphore(%run_scoped3A : memref<!tpu.dma_semaphore, #tpu.memory_space<semaphore_mem>>) src(%dma_wait3A_224 : memref<2048xf32, #tpu.memory_space<vmem>>) dst(%dma_wait3A_222 : memref<2048xf32, #tpu.memory_space<hbm>>)
      tpu.yield
    }) : () -> ()
    %add3A_209 = arith.constant 65536 : i32
    %add3A_210 = arith.addi %add3A_209, %mul3A_163 : i32
    "tpu.region"() ({
      %run_scoped3A = tpu.sem_alloc : memref<!tpu.dma_semaphore, #tpu.memory_space<semaphore_mem>>
      %dma_start3A_213 = arith.constant 2048 : i32
      %dma_start3A_214 = tpu.memref_slice %arg29[%dma_start3A_213] : memref<6144xf32, #tpu.memory_space<vmem>> -> memref<2048xf32, #tpu.memory_space<vmem>>
      %dma_start3A_215 = tpu.memref_slice %arg11[%add3A_210] : memref<196608xf32, #tpu.memory_space<hbm>> -> memref<2048xf32, #tpu.memory_space<hbm>>
      %dma_start3A_216 = tpu.memref_slice %arg11[%add3A_210] : memref<196608xf32, #tpu.memory_space<hbm>> -> memref<2048xf32, #tpu.memory_space<hbm>>
      %dma_start3A_217 = arith.constant 2048 : i32
      %dma_start3A_218 = tpu.memref_slice %arg29[%dma_start3A_217] : memref<6144xf32, #tpu.memory_space<vmem>> -> memref<2048xf32, #tpu.memory_space<vmem>>
      tpu.enqueue_dma source(%dma_start3A_218 : memref<2048xf32, #tpu.memory_space<vmem>>) target(%dma_start3A_216 : memref<2048xf32, #tpu.memory_space<hbm>>) target_semaphore(%run_scoped3A : memref<!tpu.dma_semaphore, #tpu.memory_space<semaphore_mem>>)
      %dma_wait3A_219 = arith.constant 2048 : i32
      %dma_wait3A_220 = tpu.memref_slice %arg29[%dma_wait3A_219] : memref<6144xf32, #tpu.memory_space<vmem>> -> memref<2048xf32, #tpu.memory_space<vmem>>
      %dma_wait3A_221 = tpu.memref_slice %arg11[%add3A_210] : memref<196608xf32, #tpu.memory_space<hbm>> -> memref<2048xf32, #tpu.memory_space<hbm>>
      %dma_wait3A_222 = tpu.memref_slice %arg11[%add3A_210] : memref<196608xf32, #tpu.memory_space<hbm>> -> memref<2048xf32, #tpu.memory_space<hbm>>
      %dma_wait3A_223 = arith.constant 2048 : i32
      %dma_wait3A_224 = tpu.memref_slice %arg29[%dma_wait3A_223] : memref<6144xf32, #tpu.memory_space<vmem>> -> memref<2048xf32, #tpu.memory_space<vmem>>
      tpu.wait_dma2 semaphore(%run_scoped3A : memref<!tpu.dma_semaphore, #tpu.memory_space<semaphore_mem>>) src(%dma_wait3A_224 : memref<2048xf32, #tpu.memory_space<vmem>>) dst(%dma_wait3A_222 : memref<2048xf32, #tpu.memory_space<hbm>>)
      tpu.yield
    }) : () -> ()
    %add3A_211 = arith.constant 131072 : i32
    %add3A_212 = arith.addi %add3A_211, %mul3A_163 : i32
    "tpu.region"() ({
      %run_scoped3A = tpu.sem_alloc : memref<!tpu.dma_semaphore, #tpu.memory_space<semaphore_mem>>
      %dma_start3A_213 = arith.constant 4096 : i32
      %dma_start3A_214 = tpu.memref_slice %arg29[%dma_start3A_213] : memref<6144xf32, #tpu.memory_space<vmem>> -> memref<2048xf32, #tpu.memory_space<vmem>>
      %dma_start3A_215 = tpu.memref_slice %arg11[%add3A_212] : memref<196608xf32, #tpu.memory_space<hbm>> -> memref<2048xf32, #tpu.memory_space<hbm>>
      %dma_start3A_216 = tpu.memref_slice %arg11[%add3A_212] : memref<196608xf32, #tpu.memory_space<hbm>> -> memref<2048xf32, #tpu.memory_space<hbm>>
      %dma_start3A_217 = arith.constant 4096 : i32
      %dma_start3A_218 = tpu.memref_slice %arg29[%dma_start3A_217] : memref<6144xf32, #tpu.memory_space<vmem>> -> memref<2048xf32, #tpu.memory_space<vmem>>
      tpu.enqueue_dma source(%dma_start3A_218 : memref<2048xf32, #tpu.memory_space<vmem>>) target(%dma_start3A_216 : memref<2048xf32, #tpu.memory_space<hbm>>) target_semaphore(%run_scoped3A : memref<!tpu.dma_semaphore, #tpu.memory_space<semaphore_mem>>)
      %dma_wait3A_219 = arith.constant 4096 : i32
      %dma_wait3A_220 = tpu.memref_slice %arg29[%dma_wait3A_219] : memref<6144xf32, #tpu.memory_space<vmem>> -> memref<2048xf32, #tpu.memory_space<vmem>>
      %dma_wait3A_221 = tpu.memref_slice %arg11[%add3A_212] : memref<196608xf32, #tpu.memory_space<hbm>> -> memref<2048xf32, #tpu.memory_space<hbm>>
      %dma_wait3A_222 = tpu.memref_slice %arg11[%add3A_212] : memref<196608xf32, #tpu.memory_space<hbm>> -> memref<2048xf32, #tpu.memory_space<hbm>>
      %dma_wait3A_223 = arith.constant 4096 : i32
      %dma_wait3A_224 = tpu.memref_slice %arg29[%dma_wait3A_223] : memref<6144xf32, #tpu.memory_space<vmem>> -> memref<2048xf32, #tpu.memory_space<vmem>>
      tpu.wait_dma2 semaphore(%run_scoped3A : memref<!tpu.dma_semaphore, #tpu.memory_space<semaphore_mem>>) src(%dma_wait3A_224 : memref<2048xf32, #tpu.memory_space<vmem>>) dst(%dma_wait3A_222 : memref<2048xf32, #tpu.memory_space<hbm>>)
      tpu.yield
    }) : () -> ()
    return
  }
}

</mosaic_0001>

<sc_bundles>
// kernel: kernel.3.cloned.1.call-start
scs
__scs_entry_jumppad:
0x0: {  	(pc) =	sbr.rel $0x88, $3  }
0x1: {  	(tag) =	ssettag $0x0;
	lr =	simm.s32 $0x1  }
0x2: {  	[smem:$0x3F98] =	sst lr;
	_ =	strace $0xD0000000  }
0x3: {  	_ = 	snop  }
0x4: {  	_ = 	snop  }
0x5: {  	_ = 	snop  }
0x6: {  	_ = 	snop  }
0x7: {  	_ = 	snop  }
__scs_overlays_trampoline_lowered:
0x8: {  	[smem:$0x3FA7] =	sst s0  }
0x9: {  	[smem:$0x3FA8] =	sst s1  }
0xa: {  	[smem:$0x3FA9] =	sst s2  }
0xb: {  	[smem:$0x3FAA] =	sst s3  }
0xc: {  	[smem:$0x3FAB] =	sst s4  }
0xd: {  	[smem:$0x3FAC] =	sst s5  }
0xe: {  	[smem:$0x3FAD] =	sst s6  }
0xf: {  	[smem:$0x3FAE] =	sst s7  }
0x10: {  	[smem:$0x3FAF] =	sst s8  }
0x11: {  	[smem:$0x3FB0] =	sst s9;
	s0 =	simm.s32 @!p0 $0x0  }
0x12: {  	s1 =	sld [smem:$0x3F96];
	s0 =	simm.s32 @p0 $0x1  }
0x13: {  	[smem:$0x3FB1] =	sst s0;
	s0 =	simm.s32 @!p1 $0x0  }
0x14: {  	s2 =	sld [smem:$0x3F95];
	s0 =	simm.s32 @p1 $0x1  }
0x15: {  	[smem:$0x3FB2] =	sst s0;
	s0 =	simm.s32 @!p2 $0x0  }
0x16: {  	s3 =	sld [smem:$0x3FDB];
	s0 =	simm.s32 @p2 $0x1  }
0x17: {  	s4 =	simm.s32 $0x1BF5;
	[smem:$0x3FB4] =	sst s0  }
0x18: {  	s0 =	sld [smem:$0x3F97];
	_ =	swait.ge [sflag:s4], $0x0  }
0x19: {  	s7 =	sld [smem:$0x3F98]  }
0x1a: {  	s8 =	sadd.s32 $0xFFFFE003, lr  }
0x1b: {  	s9 =	sadd.s32 $0xFFFFFEF7, lr;
	s5 =	simm.s32 $0xFFFFFFFF;
	p2 =	slt.u32 s8, $0xFFFFF086  }
0x1c: {  	p1 =	slt.u32 s9, $0xF7A;
	s5 =	simm.s32 @!p2 $0x0  }
0x1d: {  	s5 =	simm.s32 @p1 $0x1;
	p0 =	seq.s32 s7, s2  }
0x1e: {  	s7 =	smul.u32 @!p0 $0xF7A, s2;
	p2 =	seq.s32 @!p0 s5, $0x0  }
0x1f: {  	s9 =	smul.u32 $0xF7A, s1;
	s8 =	simm.s32 @!p0 $0x1BF5;
	p2 =	por !p2, p0  }
0x20: {  	[sflag:s8] =	ssyncset.s32 @!p0 $0xFFFFF086;
	s6 =	sadd.s32 @!p0 s3, s7;
	s7 =	simm.s32 @!p0 $0x108  }
0x21: {  	s3 =	sadd.s32 s3, s9;
	s6 =	sadd.s32 @!p0 $0x88, s6;
	s7 =	simm.s32 @p2 $0x1082  }
0x22: {  	[simem:s7], [sflag:s8] =	dma.local @!p0 [hbm:s6], $0xF7A  }
0x23: {  	s9 =	sor.u32 $0xD0000000, s2;
	s6 =	simm.s32 $0x108;
	_ =	swait.ge @!p0 [sflag:s8], $0x0  }
0x24: {  	s3 =	sadd.s32 $0x88, s3;
	s6 =	simm.s32 @!p1 $0x1082;
	[sflag:s4] =	ssyncset.s32 $0xFFFFF086  }
0x25: {  	[simem:s6], [sflag:s4] =	dma.local [hbm:s3], $0xF7A  }
0x26: {  	[smem:$0x3F98] =	sst s1;
	(tag) =	ssettag s2;
	_ =	strace s9  }
0x27: {  	s1 =	sld [smem:$0x3FA8]  }
0x28: {  	s2 =	sld [smem:$0x3FA9]  }
0x29: {  	s4 =	sld [smem:$0x3FAB]  }
0x2a: {  	p0 =	seq.s32 s5, $0x0;
	s5 =	sld [smem:$0x3FAC]  }
0x2b: {  	s6 =	sld [smem:$0x3FAD]  }
0x2c: {  	s7 =	sld [smem:$0x3FAE]  }
0x2d: {  	s3 =	simm.s32 $0x108;
	s8 =	sld [smem:$0x3FAF]  }
0x2e: {  	s3 =	simm.s32 @!p0 $0x1082;
	s9 =	sld [smem:$0x3FB0]  }
0x2f: {  	lr =	sadd.s32 s0, s3;
	s0 =	sld [smem:$0x3FA7]  }
0x30: {  	s3 =	sld [smem:$0x3FAA]  }
0x31: {  	[smem:$0x3FB3] =	sst s10  }
0x32: {  	s10 =	sld [smem:$0x3FB1];
	_ =	sdelay $0x3  }
0x33: {  	p0 =	seq.s32 s10, $0x1;
	s10 =	sld [smem:$0x3FB3];
	_ =	sdelay $0x3  }
0x34: {  	[smem:$0x3FB3] =	sst s10  }
0x35: {  	s10 =	sld [smem:$0x3FB2];
	_ =	sdelay $0x3  }
0x36: {  	p1 =	seq.s32 s10, $0x1;
	s10 =	sld [smem:$0x3FB3];
	_ =	sdelay $0x3  }
0x37: {  	[smem:$0x3FB3] =	sst s10  }
0x38: {  	s10 =	sld [smem:$0x3FB4]  }
0x39: {  	_ = 	snop;
	(pc) =	sbr.ind lr, $3  }
0x3a: {  	_ = 	snop  }
0x3b: {  	_ = 	snop  }
0x3c: {  	p2 =	seq.s32 s10, $0x1;
	s10 =	sld [smem:$0x3FB3]  }
0x3d: {  	_ =	shalt  }
0x3e: {  	_ =	shalt  }
0x3f: {  	_ =	shalt  }
0x40: {  	_ =	shalt  }
0x41: {  	_ =	shalt  }
0x42: {  	_ =	shalt  }
0x43: {  	_ =	shalt  }
0x44: {  	_ =	shalt  }
0x45: {  	_ =	shalt  }
0x46: {  	_ =	shalt  }
0x47: {  	_ =	shalt  }
0x48: {  	_ =	shalt  }
0x49: {  	_ =	shalt  }
0x4a: {  	_ =	shalt  }
0x4b: {  	_ =	shalt  }
0x4c: {  	_ =	shalt  }
0x4d: {  	_ =	shalt  }
0x4e: {  	_ =	shalt  }
0x4f: {  	_ =	shalt  }
0x50: {  	_ =	shalt  }
0x51: {  	_ =	shalt  }
0x52: {  	_ =	shalt  }
0x53: {  	_ =	shalt  }
0x54: {  	_ =	shalt  }
0x55: {  	_ =	shalt  }
0x56: {  	_ =	shalt  }
0x57: {  	_ =	shalt  }
0x58: {  	_ =	shalt  }
0x59: {  	_ =	shalt  }
0x5a: {  	_ =	shalt  }
0x5b: {  	_ =	shalt  }
0x5c: {  	_ =	shalt  }
0x5d: {  	_ =	shalt  }
0x5e: {  	_ =	shalt  }
0x5f: {  	_ =	shalt  }
0x60: {  	_ =	shalt  }
0x61: {  	_ =	shalt  }
0x62: {  	_ =	shalt  }
0x63: {  	_ =	shalt  }
0x64: {  	_ =	shalt  }
0x65: {  	_ =	shalt  }
0x66: {  	_ =	shalt  }
0x67: {  	_ =	shalt  }
0x68: {  	_ =	shalt  }
0x69: {  	_ =	shalt  }
0x6a: {  	_ =	shalt  }
0x6b: {  	_ =	shalt  }
0x6c: {  	_ =	shalt  }
0x6d: {  	_ =	shalt  }
0x6e: {  	_ =	shalt  }
0x6f: {  	_ =	shalt  }
0x70: {  	_ =	shalt  }
0x71: {  	_ =	shalt  }
0x72: {  	_ =	shalt  }
0x73: {  	_ =	shalt  }
0x74: {  	_ =	shalt  }
0x75: {  	_ =	shalt  }
0x76: {  	_ =	shalt  }
0x77: {  	_ =	shalt  }
0x78: {  	_ =	shalt  }
0x79: {  	_ =	shalt  }
0x7a: {  	_ =	shalt  }
0x7b: {  	_ =	shalt  }
0x7c: {  	_ =	shalt  }
0x7d: {  	_ =	shalt  }
0x7e: {  	_ =	shalt  }
0x7f: {  	_ =	shalt  }
0x80: {  	_ =	shalt  }
0x81: {  	_ =	shalt  }
0x82: {  	_ =	shalt  }
0x83: {  	_ =	shalt  }
0x84: {  	_ =	shalt  }
0x85: {  	_ =	shalt  }
0x86: {  	_ =	shalt  }
0x87: {  	_ =	shalt  }
.Lfunc_end0:
.L_simem_size_0:
called_computation_lowered:
.L_overlay_start_0:
0x88: {  	s2 =	sld [smem:$0x3FD9]  }
0x89: {  	s3 =	sld [smem:$0x3FFE];
	_ =	sdelay $0x1  }
0x8a: {  	s1 =	srdreg.scid  }
0x8b: {  	s0 =	sand.u32 $0x1, s1  }
0x8c: {  	s17 =	sshll.u32 s0, $0xA;
	s2 =	sadd.s32 s3, s2  }
0x8d: {  	s2 =	sadd.s32 s2, s17  }
0x8e: {  	[smem:$0x3FBF] =	sst s2  }
0x8f: {  	_ = 	snop  }
0x90: {  	s2 =	sld [smem:$0x3FC7]  }
0x91: {  	s18 =	sld [smem:$0x3FC6]  }
0x92: {  	s4 =	sld [smem:$0x3FC5]  }
0x93: {  	s5 =	sld [smem:$0x3FC3]  }
0x94: {  	s6 =	sld [smem:$0x3FD0];
	(tm) =	ssettm $0x1  }
0x95: {  	s7 =	sld [smem:$0x3FFB];
	_ =	sdelay $0x3  }
0x96: {  	_ =	strace s7  }
0x97: {  	s7 =	sld [smem:$0x3FFC];
	_ =	sdelay $0x3  }
0x98: {  	_ =	strace s7  }
0x99: {  	s7 =	sld [smem:$0x3FFD];
	_ =	sdelay $0x3  }
0x9a: {  	_ =	strace s7  }
0x9b: {  	_ =	strace $0x8FFFFFFF  }
0x9c: {  	s19 =	sld [smem:$0x3FDB];
	_ =	sdelay $0x1  }
0x9d: {  	s8 =	simm.s32 $_scs_section_size  }
0x9e: {  	s9 =	simm.s32 $_size__tile_overlayer_lowered;
	s10 =	simm.s32 $_tile_overlayer_lowered  }
0x9f: {  	s22 =	simm.s32 $0x1BFF;
	s21 =	sshll.u32 s10, $0x1;
	s7 =	sadd.s32 s8, s19  }
0xa0: {  	s11 =	simm.s32 $0x0;
	s20 =	sshll.u32 s9, $0x1;
	s9 =	sadd.s32 s21, s7  }
0xa1: {  	[timem:s11], [sflag:s22] =	dma.local [hbm:s9], s20  }
0xa2: {  	_ =	swait.ge [sflag:s22], s20  }
0xa3: {  	s8 =	ssub.s32 $0x0, s20;
	[sflag:s22] =	ssyncset.done $0x0  }
0xa4: {  	[sflag:s22] =	ssyncadd.s32 s8;
	_ =	sdelay $0x1  }
0xa5: {  	s23 =	simm.s32 $0x1B8B  }
0xa6: {  	_ =	swait.ge [sflag:s23], $0x1  }
0xa7: {  	[sflag:s23] =	ssyncset.done $0x0  }
0xa8: {  	s25 =	simm.s32 $0x1B8E;
	s24 =	sld [smem:$0x3FFE];
	[sflag:s23] =	ssyncadd.s32 $0xFFFFFFFF  }
0xa9: {  	s26 =	simm.s32 $execute0_lowered;
	[smem:$0x3FD2] =	sst s25  }
0xaa: {  	s9 =	sshll.u32 s26, $0x1;
	_ =	strace $0x80000046;
	[dreg:$0x1] =	wrdreg $0xFFFFFFFF  }
0xab: {  	s28 =	simm.s32 $_size_execute0_lowered;
	s7 =	sadd.s32 s7, s9;
	[dreg:$0x0] =	wrdreg $0x0  }
0xac: {  	s9 =	sshll.u32 s28, $0x1;
	[dreg:$0x2] =	wrdreg s7  }
0xad: {  	[dreg:$0x3] =	wrdreg s9  }
0xae: {  	[dreg:$0x4] =	wrdreg $0xC0  }
0xaf: {  	_ =	task [dreg:s11], $0x5FFFF  }
0xb0: {  	[dreg:$0x1] =	wrdreg $0xFFFFFFFF  }
0xb1: {  	[dreg:$0x0] =	wrdreg $0x60  }
0xb2: {  	[dreg:$0x2] =	wrdreg s24  }
0xb3: {  	[dreg:$0x3] =	wrdreg s2  }
0xb4: {  	[dreg:$0x4] =	wrdreg s18  }
0xb5: {  	[dreg:$0x5] =	wrdreg s4  }
0xb6: {  	[dreg:$0x6] =	wrdreg s5  }
0xb7: {  	[dreg:$0x7] =	wrdreg s6  }
0xb8: {  	[dreg:$0x8] =	wrdreg $0x9  }
0xb9: {  	_ =	task.clear_ibuf [dreg:s11], $0x9FFFF;
	_ =	strace $0x90000046  }
0xba: {  	s29 =	simm.s32 $0x9;
	_ =	strace $0x80000048  }
0xbb: {  	_ =	swait.ge [sflag:s29], $0x1  }
0xbc: {  	[sflag:s29] =	ssyncadd.s32 $0xFFFFFFFF  }
0xbd: {  	_ =	strace $0x90000048  }
0xbe: {  	_ =	sfence  }
0xbf: {  	s30 =	sld [smem:$0x0];
	_ =	sdelay $0x2  }
0xc0: {  	s31 =	sshll.u32 s1, $0xD;
	s1 =	sshrl.u32 s1, $0x2  }
0xc1: {  	s3 =	sand.u32 $0x4000, s31;
	s1 =	sadd.s32 s1, s30  }
0xc2: {  	s0 =	sor.u32 s3, s0;
	s1 =	sshll.u32 s1, $0x11  }
0xc3: {  	s0 =	sor.u32 s1, s0  }
0xc4: {  	s0 =	sadd.s32 $0x8F2B, s0  }
0xc5: {  	[sflag:s0] =	ssyncadd.remote.s32 $0x1  }
0xc6: {  	_ =	sfence.sel $0xFFFF  }
0xc7: {  	[dreg:$0x0] =	wrdreg $0xFFFFFFFF;
	(pc) =	sbr.abs _section_cstart, $3  }
0xc8: {  	[dreg:$0x1] =	wrdreg $0xFFFFFFFF  }
0xc9: {  	_ =	task.clear_ibuf [dreg:s11], $0x2FFFF;
	_ =	strace $0x9FFFFFFF  }
0xca: {  	(tm) =	ssettm $0x7FFFFFFF  }
0xcb: {  	_ =	shalt  }
tec
execute0_lowered:
.L_overlay_start_1:
0x0: {  	(tag) =	ssettag $0x1  }
0x1: {  	s0 =	rddreg [dreg:$0x0]  }
0x2: {  	s1 =	rddreg [dreg:$0x1]  }
0x3: {  	s2 =	rddreg [dreg:$0x2]  }
0x4: {  	s3 =	rddreg [dreg:$0x3]  }
0x5: {  	s4 =	rddreg [dreg:$0x4]  }
0x6: {  	s6 =	rddreg [dreg:$0x5];
	s5 =	simm.s32 $0x0  }
0x7: {  	s9 =	srdreg.scid;
	s18 =	stileid.u32;
	s24 =	simm.s32 $0x4  }
0x8: {  	s25 =	simm.s32 $0x1;
	[smem:$0x7FF] =	sst s5;
	s7 =	sadd.s32 $0x21A00, s0  }
0x9: {  	s8 =	sadd.s32 $0x81A00, s0;
	s10 =	sand.u32 $0x1, s9;
	s9 =	sadd.s32 $0x1A00, s0  }
0xa: {  	s12 =	sadd.s32 $0xE1A00, s0;
	s0 =	sadd.s32 $0xE1C00, s0;
	_ =	strace $0x80000047  }
0xb: {  	s11 =	sshll.u32 s10, $0x4;
	[dreg:$0x7] =	wrdreg s12;
	s19 =	ssub.s32 $0x2, s10  }
0xc: {  	s10 =	sshll.u32 s10, $0x6;
	s11 =	sor.u32 s18, s11;
	s13 =	sshrl.u32 s19, $0x1  }
0xd: {  	s30 =	sshrl.u32 s10, $0x2;
	s14 =	sshll.u32 s11, $0x8;
	s12 =	ssub.s32 s19, s13  }
0xe: {  	s16 =	sshll.u32 s11, $0xB;
	s11 =	sadd.s32 $0x1, s11;
	[dreg:$0xf] =	wrdreg s30  }
0xf: {  	s13 =	simm.s32 $0xA500;
	s20 =	sadd.s32 s6, s14;
	s21 =	sor.u32 $0x2000, s14  }
0x10: {  	s15 =	sor.u32 $0x4000, s14;
	s22 =	sshll.u32 s11, $0x2;
	s23 =	sand.u32 $0xF, s11  }
0x11: {  	s26 =	sadd.s32 s0, s14;
	s29 =	smax.u32 s12, $0x1;
	[dreg:$0x8] =	wrdreg s20  }
0x12: {  	s11 =	simm.s32 $0x9B00;
	s12 =	simm.s32 $0xA000;
	[dreg:$0xb] =	wrdreg s26  }
0x13: {  	s14 =	simm.s32 $0xAA00;
	s17 =	sadd.s32 s6, s21;
	[dreg:$0xe] =	wrdreg s29  }
0x14: {  	v47 =	vmov s16;
	s16 =	simm.s32 $0x3;
	s6 =	sadd.s32 s6, s15;
	[dreg:$0x9] =	wrdreg s17  }
0x15: {  	s28 =	sadd.s32 s0, s21;
	s0 =	sadd.s32 s0, s15;
	[dreg:$0xa] =	wrdreg s6  }
0x16: {  	v0 =	vimm.f32 $0.0e+00;
	s15 =	simm.s32 $0xAF00;
	s6 =	sand.u32 $0xC0, s22;
	[dreg:$0xc] =	wrdreg s28  }
0x17: {  	v56 =	vlaneseq.u32;
	v4 =	vmov s18;
	v3 =	vmov s23;
	s23 =	simm.s32 $0x2;
	[dreg:$0xd] =	wrdreg s0;
	s31 =	sshrl.u32 s6, $0x2  }
0x18: {  	v62 =	vimm.s32 $0x0;
	vm1 =	veq.s32 v4, v56;
	[tilespmem:$0x1FFF0] =	vst v47;
	s22 =	simm.s32 $0x16880;
	vm0 =	veq.s32 v3, v56;
	s17 =	simm.s32 $0x0;
	[dreg:$0x10] =	wrdreg s31  }
.LBB2_1:
0x19: {  	s0 =	rddreg [dreg:$0x8];
	s6 =	simm.s32 $0x18900  }
0x1a: {  	[tilespmem:s6], [sflag:$0x3] =	stream.linear.gather [hbm4b:s0+s5], $0x800, $0x38;
	[tilespmem:$0x1B900] =	vst v63  }
0x1b: {  	s21 =	rddreg [dreg:$0x9];
	s26 =	simm.s32 $0x19100  }
0x1c: {  	[tilespmem:s26], [sflag:$0x3] =	stream.linear.gather [hbm4b:s21+s5], $0x800, $0x38;
	[tilespmem:$0x1B900] =	vst v63  }
0x1d: {  	s28 =	rddreg [dreg:$0xa];
	s29 =	simm.s32 $0x19900  }
0x1e: {  	[tilespmem:s29], [sflag:$0x3] =	stream.linear.gather [hbm4b:s28+s5], $0x800, $0x38;
	[tilespmem:$0x1B900] =	vst v63  }
0x1f: {  	s30 =	rddreg [dreg:$0x7];
	s31 =	simm.s32 $0x16800  }
0x20: {  	[tilespmem:s31], [sflag:$0x4] =	stream.linear.gather [hbm4b:s30+s5], $0x80, $0x38;
	[tilespmem:$0x1B900] =	vst v63  }
0x21: {  	_ =	swait.ge [sflag:s24], $0x80  }
0x22: {  	[sflag:s24] =	ssyncset.done $0x0  }
0x23: {  	s0 =	simm.s32 $0x40;
	s6 =	simm.s32 $0x0;
	[sflag:s24] =	ssyncadd.s32 $0xFFFFFF80  }
.LBB2_2:
0x24: {  	p0 =	sne.s32 s0, $0x80C0;
	[tilespmem:s6+$0x16880] =	vst v0;
	s6 =	smov.u32 s0;
	s0 =	sadd.s32 $0x40, s0  }
.Ltmp0:
0x25: {  	(pc) =	sbr.rel @p0 .LBB2_2-.Ltmp0, $2  }
0x26: {  	_ =	sdelay $0x2  }
0x27: {  	s6 =	sshra.s32 s6, $0x2  }
0x28: {  	[tilespmem:s6+$0x16880] =	vst v0;
	s0 =	rddreg [dreg:$0xf]  }
0x29: {  	v4 =	vld [tilespmem:s0+$0x16800];
	_ =	sdelay $0x4  }
0x2a: {  	v4 =	vnsel vm1, $0x0, v4  }
0x2b: {  	s26 =	rddreg [dreg:$0x10];
	(xrf0) =	vadd.scan.msk.s32 $0xffff, v4  }
0x2c: {  	v63 =	vld [tilespmem:s26+$0x16800];
	_ =	sdelay $0x4  }
0x2d: {  	v4 =	vnsel vm0, $0x0, v63;
	v5, _, _ =	vpop (xrf0)  }
0x2e: {  	(xrf0) =	vadd.scan.msk.s32 $0xffff, v4;
	(v2sf) =	vpush v5, $0xF;
	_ =	sdelay $0x5  }
0x2f: {  	v4, _, _ =	vpop (xrf0)  }
0x30: {  	(v2sf) =	vpush v4, $0xF;
	_ =	sdelay $0x7  }
0x31: {  	s28 =	spop (v2sf)  }
0x32: {  	s29 =	sand.u32 $0x7F, s28  }
0x33: {  	s18 =	sshra.s32 s28, $0x1F;
	p0 =	slt.s32 s28, $0x1;
	p1 =	sne.s32 s29, $0x0  }
0x34: {  	s30 =	sshrl.u32 s18, $0x19;
	p0 =	por !p0, !p1  }
0x35: {  	s6 =	simm.s32 $0x1;
	s0 =	sadd.s32 s30, s28;
	p0 =	por !p0, !p0  }
0x36: {  	s0 =	sshrl.u32 s0, $0x7;
	s6 =	simm.s32 @!p0 $0x0  }
0x37: {  	s0 =	ssub.s32 s0, s6  }
0x38: {  	s31 =	spop (v2sf);
	s26 =	sshll.u32 s0, $0x7  }
0x39: {  	s0 =	ssub.s32 s31, s26  }
0x3a: {  	s0 =	sadd.s32 $0x4FF, s0  }
0x3b: {  	p0 =	slt.s32 s0, $0x500  }
.Ltmp1:
0x3c: {  	_ = 	snop;
	(pc) =	sbr.rel @p0 .LBB2_15-.Ltmp1, $1  }
0x3d: {  	_ =	sdelay $0x3  }
0x3e: {  	p0 =	slt.s32 s26, $0xFFB00;
	s6 =	smov.u32 s26  }
0x3f: {  	s6 =	simm.s32 @!p0 $0xFFB00  }
0x40: {  	s18 =	sshrl.u32 s6, $0x3  }
0x41: {  	s28 =	simm.s32 $0x0;
	s19 =	sadd.s32 s7, s18  }
0x42: {  	[tilespmem:s28], [sflag:$0x1] =	stream.linear.gather [hbm4b:s19+s28], $0x500, $0x38;
	[tilespmem:$0x1B900] =	vst v63  }
0x43: {  	s19 =	sshll.u32 s6, $0x2  }
0x44: {  	s20 =	simm.s32 $0xF00;
	s21 =	sadd.s32 s8, s18;
	s29 =	sshrl.u32 s19, $0x3  }
0x45: {  	[tilespmem:s20], [sflag:$0x1] =	stream.linear.gather [hbm4b:s21+s28], $0x500, $0x38;
	[tilespmem:$0x1B900] =	vst v63  }
0x46: {  	s31 =	simm.s32 $0x1E00;
	s30 =	sadd.s32 s1, s29  }
0x47: {  	[tilespmem:s31], [sflag:$0x1] =	stream.linear.gather [hbm4b:s30+s28], $0x1400, $0x38;
	[tilespmem:$0x1B900] =	vst v63  }
0x48: {  	s10 =	simm.s32 $0x5A00;
	s29 =	sadd.s32 s2, s29  }
0x49: {  	[tilespmem:s10], [sflag:$0x1] =	stream.linear.gather [hbm4b:s29+s28], $0x1400, $0x38;
	[tilespmem:$0x1B900] =	vst v63  }
0x4a: {  	s29 =	sadd.s32 $0x100000, s6  }
0x4b: {  	s29 =	sshrl.u32 s29, $0x3  }
0x4c: {  	s21 =	simm.s32 $0x500;
	s30 =	sadd.s32 s7, s29  }
0x4d: {  	[tilespmem:s21], [sflag:$0x1] =	stream.linear.gather [hbm4b:s30+s28], $0x500, $0x38;
	[tilespmem:$0x1B900] =	vst v63  }
0x4e: {  	s31 =	simm.s32 $0x1400;
	s30 =	sadd.s32 s8, s29  }
0x4f: {  	[tilespmem:s31], [sflag:$0x1] =	stream.linear.gather [hbm4b:s30+s28], $0x500, $0x38;
	[tilespmem:$0x1B900] =	vst v63  }
0x50: {  	s30 =	sadd.s32 $0x400000, s19  }
0x51: {  	s30 =	sshrl.u32 s30, $0x3  }
0x52: {  	s10 =	simm.s32 $0x3200;
	s31 =	sadd.s32 s1, s30  }
0x53: {  	[tilespmem:s10], [sflag:$0x1] =	stream.linear.gather [hbm4b:s31+s28], $0x1400, $0x38;
	[tilespmem:$0x1B900] =	vst v63  }
0x54: {  	s30 =	sadd.s32 s2, s30;
	s10 =	simm.s32 $0x6E00  }
0x55: {  	[tilespmem:s10], [sflag:$0x1] =	stream.linear.gather [hbm4b:s30+s28], $0x1400, $0x38;
	[tilespmem:$0x1B900] =	vst v63  }
0x56: {  	s30 =	sadd.s32 $0x200000, s6  }
0x57: {  	s30 =	sshrl.u32 s30, $0x3  }
0x58: {  	s21 =	simm.s32 $0xA00;
	s19 =	sadd.s32 $0x800000, s19;
	s20 =	sadd.s32 s7, s30  }
0x59: {  	[tilespmem:s21], [sflag:$0x1] =	stream.linear.gather [hbm4b:s20+s28], $0x500, $0x38;
	[tilespmem:$0x1B900] =	vst v63  }
0x5a: {  	s19 =	sshrl.u32 s19, $0x3;
	s20 =	sadd.s32 s8, s30;
	s21 =	simm.s32 $0x1900  }
0x5b: {  	[tilespmem:s21], [sflag:$0x1] =	stream.linear.gather [hbm4b:s20+s28], $0x500, $0x38;
	[tilespmem:$0x1B900] =	vst v63  }
0x5c: {  	s20 =	sadd.s32 s1, s19;
	s21 =	simm.s32 $0x4600  }
0x5d: {  	[tilespmem:s21], [sflag:$0x1] =	stream.linear.gather [hbm4b:s20+s28], $0x1400, $0x38;
	[tilespmem:$0x1B900] =	vst v63  }
0x5e: {  	s19 =	sadd.s32 s2, s19;
	s20 =	simm.s32 $0x8200  }
0x5f: {  	[tilespmem:s20], [sflag:$0x1] =	stream.linear.gather [hbm4b:s19+s28], $0x1400, $0x38;
	[tilespmem:$0x1B900] =	vst v63  }
0x60: {  	s31 =	simm.s32 $0x9600;
	s21 =	sadd.s32 s3, s18  }
0x61: {  	[tilespmem:s31], [sflag:$0x1] =	stream.linear.gather [hbm4b:s21+s28], $0x500, $0x38;
	[tilespmem:$0x1B900] =	vst v63  }
0x62: {  	s10 =	sshra.s32 s0, $0x1F;
	s31 =	smulhi.u32 $0x66666667, s0  }
0x63: {  	s6 =	sadd.s32 $0x300000, s6;
	s20 =	sadd.s32 s3, s29;
	s0 =	smul.u32 $0x66666667, s10  }
0x64: {  	[tilespmem:s11], [sflag:$0x1] =	stream.linear.gather [hbm4b:s20+s28], $0x500, $0x38;
	[tilespmem:$0x1B900] =	vst v63  }
0x65: {  	s6 =	sshrl.u32 s6, $0x3;
	s0 =	sadd.s32 s0, s31  }
0x66: {  	s21 =	sadd.s32 s3, s30;
	s20 =	sshrl.u32 s0, $0x1F;
	s0 =	sshra.s32 s0, $0x9  }
0x67: {  	[tilespmem:s12], [sflag:$0x1] =	stream.linear.gather [hbm4b:s21+s28], $0x500, $0x38;
	[tilespmem:$0x1B900] =	vst v63  }
0x68: {  	s6 =	sadd.s32 s3, s6;
	s29 =	sadd.s32 s20, s0  }
0x69: {  	[tilespmem:s13], [sflag:$0x1] =	stream.linear.gather [hbm4b:s6+s28], $0x500, $0x38;
	[tilespmem:$0x1B900] =	vst v63  }
.Ltmp2:
0x6a: {  	s31 =	sadd.s32 $0x1, s29;
	(pc) =	sbr.rel .LBB2_5-.Ltmp2, $4  }
0x6b: {  	s19 =	sadd.s32 s4, s18;
	s0 =	sshrl.u32 s31, $0x1  }
0x6c: {  	[tilespmem:s14], [sflag:$0x1] =	stream.linear.gather [hbm4b:s19+s28], $0x500, $0x38;
	[tilespmem:$0x1B900] =	vst v63  }
0x6d: {  	s21 =	sadd.s32 s9, s18;
	s30 =	smax.u32 s0, $0x1  }
0x6e: {  	[tilespmem:s15], [sflag:$0x1] =	stream.linear.gather [hbm4b:s21+s28], $0x500, $0x38;
	[tilespmem:$0x1B900] =	vst v63  }
.LBB2_14:
0x6f: {  	s28 =	sadd.s32 $0x1, s28  }
0x70: {  	p0 =	sne.s32 s28, s30  }
.Ltmp3:
0x71: {  	_ = 	snop;
	(pc) =	sbr.rel @!p0 .LBB2_15-.Ltmp3, $1  }
0x72: {  	_ =	sdelay $0x3  }
.LBB2_5:
0x73: {  	s0 =	sshllo.u32 s28, $0x1  }
0x74: {  	p0 =	sge.s32 s0, s29  }
.Ltmp4:
0x75: {  	_ = 	snop;
	(pc) =	sbr.rel @p0 .LBB2_7-.Ltmp4, $3  }
0x76: {  	_ = 	snop  }
0x77: {  	s6 =	smul.u32 $0x500, s0;
	_ =	sdelay $0x1  }
0x78: {  	s31 =	sadd.s32 s26, s6  }
0x79: {  	p1 =	slt.s32 s31, $0xFFB00;
	s0 =	smov.u32 s31  }
0x7a: {  	s0 =	simm.s32 @!p1 $0xFFB00  }
0x7b: {  	s6 =	sshrl.u32 s0, $0x3  }
0x7c: {  	s10 =	simm.s32 $0xB400;
	s18 =	sadd.s32 s7, s6  }
0x7d: {  	[tilespmem:s10], [sflag:$0x2] =	stream.linear.gather [hbm4b:s18+s5], $0x500, $0x38;
	[tilespmem:$0x1B900] =	vst v63  }
0x7e: {  	s20 =	simm.s32 $0xC300;
	s19 =	sadd.s32 s8, s6;
	s18 =	sshll.u32 s0, $0x2  }
0x7f: {  	[tilespmem:s20], [sflag:$0x2] =	stream.linear.gather [hbm4b:s19+s5], $0x500, $0x38;
	[tilespmem:$0x1B900] =	vst v63  }
0x80: {  	s19 =	sshrl.u32 s18, $0x3  }
0x81: {  	s21 =	simm.s32 $0xD200;
	s20 =	sadd.s32 s1, s19  }
0x82: {  	[tilespmem:s21], [sflag:$0x2] =	stream.linear.gather [hbm4b:s20+s5], $0x1400, $0x38;
	[tilespmem:$0x1B900] =	vst v63  }
0x83: {  	s19 =	sadd.s32 s2, s19;
	s20 =	simm.s32 $0x10E00;
	s21 =	sadd.s32 $0x100000, s0  }
0x84: {  	[tilespmem:s20], [sflag:$0x2] =	stream.linear.gather [hbm4b:s19+s5], $0x1400, $0x38;
	[tilespmem:$0x1B900] =	vst v63  }
0x85: {  	s19 =	sshrl.u32 s21, $0x3  }
0x86: {  	s21 =	simm.s32 $0xB900;
	s10 =	sadd.s32 s7, s19  }
0x87: {  	[tilespmem:s21], [sflag:$0x2] =	stream.linear.gather [hbm4b:s10+s5], $0x500, $0x38;
	[tilespmem:$0x1B900] =	vst v63  }
0x88: {  	s10 =	sadd.s32 s8, s19;
	s21 =	simm.s32 $0xC800  }
0x89: {  	[tilespmem:s21], [sflag:$0x2] =	stream.linear.gather [hbm4b:s10+s5], $0x500, $0x38;
	[tilespmem:$0x1B900] =	vst v63  }
0x8a: {  	s10 =	sadd.s32 $0x400000, s18  }
0x8b: {  	s20 =	sshrl.u32 s10, $0x3  }
0x8c: {  	s10 =	simm.s32 $0xE600;
	s21 =	sadd.s32 s1, s20  }
0x8d: {  	[tilespmem:s10], [sflag:$0x2] =	stream.linear.gather [hbm4b:s21+s5], $0x1400, $0x38;
	[tilespmem:$0x1B900] =	vst v63  }
0x8e: {  	s20 =	sadd.s32 s2, s20;
	s21 =	simm.s32 $0x12200;
	s10 =	sadd.s32 $0x200000, s0  }
0x8f: {  	[tilespmem:s21], [sflag:$0x2] =	stream.linear.gather [hbm4b:s20+s5], $0x1400, $0x38;
	[tilespmem:$0x1B900] =	vst v63  }
0x90: {  	s20 =	sshrl.u32 s10, $0x3  }
0x91: {  	s18 =	sadd.s32 $0x800000, s18;
	s10 =	simm.s32 $0xBE00;
	s21 =	sadd.s32 s7, s20  }
0x92: {  	[tilespmem:s10], [sflag:$0x2] =	stream.linear.gather [hbm4b:s21+s5], $0x500, $0x38;
	[tilespmem:$0x1B900] =	vst v63  }
0x93: {  	s18 =	sshrl.u32 s18, $0x3;
	s21 =	sadd.s32 s8, s20;
	s10 =	simm.s32 $0xCD00  }
0x94: {  	[tilespmem:s10], [sflag:$0x2] =	stream.linear.gather [hbm4b:s21+s5], $0x500, $0x38;
	[tilespmem:$0x1B900] =	vst v63  }
0x95: {  	s21 =	sadd.s32 s1, s18;
	s10 =	simm.s32 $0xFA00  }
0x96: {  	[tilespmem:s10], [sflag:$0x2] =	stream.linear.gather [hbm4b:s21+s5], $0x1400, $0x38;
	[tilespmem:$0x1B900] =	vst v63  }
0x97: {  	s18 =	sadd.s32 s2, s18;
	s21 =	simm.s32 $0x13600  }
0x98: {  	[tilespmem:s21], [sflag:$0x2] =	stream.linear.gather [hbm4b:s18+s5], $0x1400, $0x38;
	[tilespmem:$0x1B900] =	vst v63  }
0x99: {  	s10 =	sadd.s32 s3, s6;
	s21 =	simm.s32 $0x14A00  }
0x9a: {  	[tilespmem:s21], [sflag:$0x2] =	stream.linear.gather [hbm4b:s10+s5], $0x500, $0x38;
	[tilespmem:$0x1B900] =	vst v63  }
0x9b: {  	s19 =	sadd.s32 s3, s19;
	s0 =	sadd.s32 $0x300000, s0;
	s21 =	simm.s32 $0x14F00  }
0x9c: {  	[tilespmem:s21], [sflag:$0x2] =	stream.linear.gather [hbm4b:s19+s5], $0x500, $0x38;
	[tilespmem:$0x1B900] =	vst v63  }
0x9d: {  	s0 =	sshrl.u32 s0, $0x3;
	s19 =	sadd.s32 s3, s20;
	s20 =	simm.s32 $0x15400  }
0x9e: {  	[tilespmem:s20], [sflag:$0x2] =	stream.linear.gather [hbm4b:s19+s5], $0x500, $0x38;
	[tilespmem:$0x1B900] =	vst v63  }
0x9f: {  	s0 =	sadd.s32 s3, s0;
	s21 =	simm.s32 $0x15900  }
0xa0: {  	[tilespmem:s21], [sflag:$0x2] =	stream.linear.gather [hbm4b:s0+s5], $0x500, $0x38;
	[tilespmem:$0x1B900] =	vst v63  }
0xa1: {  	s18 =	sadd.s32 s4, s6;
	s19 =	simm.s32 $0x15E00  }
0xa2: {  	[tilespmem:s19], [sflag:$0x2] =	stream.linear.gather [hbm4b:s18+s5], $0x500, $0x38;
	[tilespmem:$0x1B900] =	vst v63  }
0xa3: {  	s20 =	sadd.s32 s9, s6;
	s21 =	simm.s32 $0x16300  }
0xa4: {  	[tilespmem:s21], [sflag:$0x2] =	stream.linear.gather [hbm4b:s20+s5], $0x500, $0x38;
	[tilespmem:$0x1B900] =	vst v63  }
.LBB2_7:
0xa5: {  	_ =	swait.ge [sflag:s25], $0x500  }
0xa6: {  	[sflag:s25] =	ssyncset.done $0x0  }
0xa7: {  	[sflag:s25] =	ssyncadd.s32 $0xFFFFFB00  }
0xa8: {  	_ =	swait.ge [sflag:s25], $0x500  }
0xa9: {  	[sflag:s25] =	ssyncset.done $0x0  }
0xaa: {  	[sflag:s25] =	ssyncadd.s32 $0xFFFFFB00  }
0xab: {  	_ =	swait.ge [sflag:s25], $0x1400  }
0xac: {  	[sflag:s25] =	ssyncset.done $0x0  }
0xad: {  	[sflag:s25] =	ssyncadd.s32 $0xFFFFEC00  }
0xae: {  	_ =	swait.ge [sflag:s25], $0x1400  }
0xaf: {  	[sflag:s25] =	ssyncset.done $0x0  }
0xb0: {  	[sflag:s25] =	ssyncadd.s32 $0xFFFFEC00  }
0xb1: {  	_ =	swait.ge [sflag:s25], $0x500  }
0xb2: {  	[sflag:s25] =	ssyncset.done $0x0  }
0xb3: {  	[sflag:s25] =	ssyncadd.s32 $0xFFFFFB00  }
0xb4: {  	_ =	swait.ge [sflag:s25], $0x500  }
0xb5: {  	[sflag:s25] =	ssyncset.done $0x0  }
0xb6: {  	[sflag:s25] =	ssyncadd.s32 $0xFFFFFB00  }
0xb7: {  	_ =	swait.ge [sflag:s25], $0x1400  }
0xb8: {  	[sflag:s25] =	ssyncset.done $0x0  }
0xb9: {  	[sflag:s25] =	ssyncadd.s32 $0xFFFFEC00  }
0xba: {  	_ =	swait.ge [sflag:s25], $0x1400  }
0xbb: {  	[sflag:s25] =	ssyncset.done $0x0  }
0xbc: {  	[sflag:s25] =	ssyncadd.s32 $0xFFFFEC00  }
0xbd: {  	_ =	swait.ge [sflag:s25], $0x500  }
0xbe: {  	[sflag:s25] =	ssyncset.done $0x0  }
0xbf: {  	[sflag:s25] =	ssyncadd.s32 $0xFFFFFB00  }
0xc0: {  	_ =	swait.ge [sflag:s25], $0x500  }
0xc1: {  	[sflag:s25] =	ssyncset.done $0x0  }
0xc2: {  	[sflag:s25] =	ssyncadd.s32 $0xFFFFFB00  }
0xc3: {  	_ =	swait.ge [sflag:s25], $0x1400  }
0xc4: {  	[sflag:s25] =	ssyncset.done $0x0  }
0xc5: {  	[sflag:s25] =	ssyncadd.s32 $0xFFFFEC00  }
0xc6: {  	_ =	swait.ge [sflag:s25], $0x1400  }
0xc7: {  	[sflag:s25] =	ssyncset.done $0x0  }
0xc8: {  	[sflag:s25] =	ssyncadd.s32 $0xFFFFEC00  }
0xc9: {  	_ =	swait.ge [sflag:s25], $0x500  }
0xca: {  	[sflag:s25] =	ssyncset.done $0x0  }
0xcb: {  	[sflag:s25] =	ssyncadd.s32 $0xFFFFFB00  }
0xcc: {  	_ =	swait.ge [sflag:s25], $0x500  }
0xcd: {  	[sflag:s25] =	ssyncset.done $0x0  }
0xce: {  	[sflag:s25] =	ssyncadd.s32 $0xFFFFFB00  }
0xcf: {  	_ =	swait.ge [sflag:s25], $0x500  }
0xd0: {  	[sflag:s25] =	ssyncset.done $0x0  }
0xd1: {  	[sflag:s25] =	ssyncadd.s32 $0xFFFFFB00  }
0xd2: {  	_ =	swait.ge [sflag:s25], $0x500  }
0xd3: {  	s0 =	smul.u32 $0xA00, s28;
	[sflag:s25] =	ssyncset.done $0x0  }
0xd4: {  	[sflag:s25] =	ssyncadd.s32 $0xFFFFFB00  }
0xd5: {  	s0 =	sadd.s32 s26, s0;
	_ =	swait.ge [sflag:s25], $0x500  }
0xd6: {  	p1 =	slt.s32 s0, $0xFFB00;
	s6 =	smov.u32 s0;
	[sflag:s25] =	ssyncset.done $0x0  }
0xd7: {  	s6 =	simm.s32 @!p1 $0xFFB00;
	[sflag:s25] =	ssyncadd.s32 $0xFFFFFB00  }
0xd8: {  	s6 =	ssub.s32 s0, s6;
	_ =	swait.ge [sflag:s25], $0x500  }
0xd9: {  	v0 =	vmov s6;
	[sflag:s25] =	ssyncset.done $0x0  }
0xda: {  	s0 =	sshll.u32 s28, $0x1;
	s6 =	simm.s32 $0x0;
	[tilespmem:$0x1FFE0] =	vst v0;
	[sflag:s25] =	ssyncadd.s32 $0xFFFFFB00  }
.LBB2_8:
0xdb: {  	s18 =	sshll.u32 s6, $0x4  }
0xdc: {  	v5 =	vld [tilespmem:s18+$0xF00]  }
0xdd: {  	v6 =	vld [tilespmem:s18+$0x1400]  }
0xde: {  	s19 =	sshll.u32 s6, $0x6;
	v7 =	vld [tilespmem:s18+$0x1900]  }
0xdf: {  	v8 =	vld [tilespmem:s19+$0x1E00]  }
0xe0: {  	v9 =	vld [tilespmem:s19+$0x3200]  }
0xe1: {  	v10 =	vld [tilespmem:s19+$0x4600]  }
0xe2: {  	v11 =	vld [tilespmem:s19+$0x1E80]  }
0xe3: {  	v12 =	vld [tilespmem:s19+$0x3280]  }
0xe4: {  	v13 =	vld [tilespmem:s19+$0x4680]  }
0xe5: {  	v14 =	vld [tilespmem:s19+$0x1F00]  }
0xe6: {  	v15 =	vld [tilespmem:s19+$0x3300]  }
0xe7: {  	v16 =	vld [tilespmem:s19+$0x4700]  }
0xe8: {  	v17 =	vld [tilespmem:s19+$0x1F80]  }
0xe9: {  	v27 =	vld [tilespmem:s19+$0x3380]  }
0xea: {  	v29 =	vld [tilespmem:s19+$0x4780]  }
0xeb: {  	v44 =	vld [tilespmem:s18+$0x9600]  }
0xec: {  	v45 =	vld [tilespmem:s19+$0x5A00]  }
0xed: {  	v46 =	vld [tilespmem:s19+$0x6E00]  }
0xee: {  	v48 =	vld [tilespmem:s18+$0x9B00]  }
0xef: {  	v49 =	vld [tilespmem:s19+$0x5A80]  }
0xf0: {  	v18 =	vld [tilespmem:s19+$0x6E80]  }
0xf1: {  	v19 =	vld [tilespmem:s18+$0xA000]  }
0xf2: {  	v20 =	vld [tilespmem:s19+$0x5B00]  }
0xf3: {  	v21 =	vld [tilespmem:s19+$0x6F00];
	v8 =	vmul.f32 v8, v5  }
0xf4: {  	v0 =	vld [tilespmem:s19+$0x8300];
	v9 =	vmul.f32 v9, v6;
	v10 =	vmul.f32 v10, v7  }
0xf5: {  	v22 =	vld [tilespmem:s18+$0xA500];
	v25 =	vmul.f32 v11, v5;
	v26 =	vmul.f32 v12, v6  }
0xf6: {  	v50 =	vld [tilespmem:s18+$0xAF00];
	v30 =	vmul.f32 v14, v5;
	v31 =	vmul.f32 v15, v6  }
0xf7: {  	v51 =	vld [tilespmem:s18+$0xF10];
	v28 =	vmul.f32 v13, v7;
	v8 =	vadd.f32 v9, v8;
	v9 =	vadd.f32 v26, v25  }
0xf8: {  	v53 =	vld [tilespmem:s18+$0x1410];
	v5 =	vmul.f32 v17, v5;
	v6 =	vmul.f32 v27, v6;
	v13 =	vadd.f32 v31, v30  }
0xf9: {  	v54 =	vld [tilespmem:s19+$0x1E10];
	v32 =	vmul.f32 v16, v7;
	v8 =	vadd.f32 v10, v8;
	v9 =	vadd.f32 v28, v9  }
0xfa: {  	v55 =	vld [tilespmem:s19+$0x3210];
	v36 =	vmul.f32 v29, v7;
	v5 =	vadd.f32 v6, v5  }
0xfb: {  	v58 =	vld [tilespmem:s19+$0x4610];
	v35 =	vadd.f32 v32, v13;
	v8 =	vmax.f32 v8, $0.0e+00;
	v34 =	vmax.f32 v9, $0.0e+00  }
0xfc: {  	v59 =	vld [tilespmem:s19+$0x1E90];
	v5 =	vadd.f32 v36, v5;
	v33 =	vmin.f32 v8, $1.000000000e+00;
	v37 =	vmin.f32 v34, $1.000000000e+00  }
0xfd: {  	v61 =	vld [tilespmem:s19+$0x4690];
	v38 =	vmax.f32 v35, $0.0e+00;
	vm2 =	vgt.f32 v33, $0.0e+00;
	vm3 =	vgt.f32 v37, $0.0e+00  }
0xfe: {  	v63 =	vld [tilespmem:s19+$0x1F10];
	v41 =	vmin.f32 v38, $1.000000000e+00;
	v39 =	vsel vm2, $0x3F800000, v62;
	v40 =	vsel vm3, $0x3F800000, v62  }
0xff: {  	v2 =	vld [tilespmem:s19+$0x4710];
	v5 =	vmax.f32 v5, $0.0e+00;
	vm2 =	vgt.f32 v41, $0.0e+00;
	v6 =	vadd.f32 v40, v39  }
0x100: {  	v14 =	vld [tilespmem:s18+$0xAA00];
	v5 =	vmin.f32 v5, $1.000000000e+00;
	v42 =	vsel vm2, $0x3F800000, v62  }
0x101: {  	v27 =	vld [tilespmem:s18+$0x0];
	vm2 =	vgt.f32 v5, $0.0e+00;
	v6 =	vadd.f32 v42, v6  }
0x102: {  	v29 =	vld [tilespmem:s18+$0x1910];
	v43 =	vsel vm2, $0x3F800000, v62  }
0x103: {  	v26 =	vld [tilespmem:s19+$0x5B80];
	v6 =	vadd.f32 v43, v6  }
0x104: {  	v30 =	vld [tilespmem:s19+$0x3290]  }
0x105: {  	v10 =	vld [tilespmem:s19+$0x8280];
	v8 =	vmax.f32 v6, $1.000000000e+00  }
0x106: {  	v28 =	vld [tilespmem:s19+$0x6F80];
	(erf) = vrcp.f32 v8  }
0x107: {  	v32 =	vld [tilespmem:s19+$0x3310]  }
0x108: {  	v36 =	vld [tilespmem:s19+$0x3390]  }
0x109: {  	v3 =	vmul.f32 v27, v14;
	v27 =	vld [tilespmem:s19+$0x8380]  }
0x10a: {  	v9 =	vsub.s32 v50, v47;
	v50 =	vld [tilespmem:s19+$0x4620]  }
0x10b: {  	v38 =	vld [tilespmem:s19+$0x4790]  }
0x10c: {  	v1 =	vmul.f32 v55, v53;
	v8 =	vld [tilespmem:$0x1FFE0]  }
0x10d: {  	v34 =	vmul.f32 v59, v51;
	v35 =	vmul.f32 v30, v53;
	v59 =	vld [tilespmem:s19+$0x3320]  }
0x10e: {  	v16 =	vmul.f32 v36, v53;
	v39 =	vmul.f32 v32, v53;
	v53 =	vld [tilespmem:s19+$0x32A0]  }
0x10f: {  	v42 =	vld [tilespmem:s18+$0x1420];
	v23 =	vpop (erf)  }
0x110: {  	v60 =	vor.u32 s18, v56;
	v43 =	vmul.f32 v38, v29;
	v6 =	vld [tilespmem:s19+$0x8200];
	v12 =	vmul.f32 v23, v33  }
0x111: {  	vm3 =	vge.s32 v60, v8;
	v60 =	vld [tilespmem:s19+$0x4720];
	v7 =	vmul.f32 v23, v37;
	v52 =	vmul.f32 v23, v41  }
0x112: {  	v5 =	vmul.f32 v23, v5;
	v33 =	vld [tilespmem:s19+$0x1F90];
	v37 =	vmul.f32 v61, v29  }
0x113: {  	v41 =	vld [tilespmem:s18+$0xF20];
	v25 =	vmul.f32 v12, v44;
	v24 =	vmul.f32 v7, v48  }
0x114: {  	vm5 =	vgt.s32 v9, $0x0;
	v11 =	vmul.f32 v52, v19;
	v7 =	vmul.f32 v54, v51;
	v44 =	vld [tilespmem:s18+$0x1920]  }
0x115: {  	vm2 =	vlt.u32 v9, $0x800;
	v19 =	vmul.f32 v2, v29;
	v54 =	vld [tilespmem:s19+$0x46A0];
	v12 =	vmul.f32 v25, v45  }
0x116: {  	v9 =	vnsel vm5, $0x0, v9;
	v2 =	vld [tilespmem:s19+$0x47A0];
	v17 =	vmul.f32 v24, v49;
	v57 =	vmul.f32 v11, v20  }
0x117: {  	vm4 =	vmand vm3, vm2;
	v20 =	vmul.f32 v58, v29;
	v15 =	vmul.f32 v25, v46;
	v45 =	vld [tilespmem:s19+$0x1E20]  }
0x118: {  	v7 =	vadd.f32 v1, v7;
	v18 =	vmul.f32 v24, v18;
	v46 =	vld [tilespmem:s19+$0x3220];
	v21 =	vmul.f32 v21, v11  }
0x119: {  	v58 =	vld [tilespmem:s19+$0x1F20];
	v25 =	vmul.f32 v25, v6;
	v13 =	vmul.f32 v33, v51;
	v12 =	vadd.f32 $0.0e+00, v12  }
0x11a: {  	v11 =	vmul.f32 v0, v11;
	v6 =	vld [tilespmem:s19+$0x6FA0];
	v7 =	vadd.f32 v20, v7;
	v15 =	vadd.f32 $0.0e+00, v15  }
0x11b: {  	s20 =	sor.u32 $0x10, s18;
	v0 =	vld [tilespmem:s19+$0x4730];
	v13 =	vadd.f32 v16, v13;
	v30 =	vmul.f32 v50, v44;
	v4 =	vmul.f32 v60, v44  }
0x11c: {  	v60 =	vld [tilespmem:s20+$0x0];
	v12 =	vadd.f32 v12, v17;
	v7 =	vmax.f32 v7, $0.0e+00;
	v15 =	vadd.f32 v15, v18  }
0x11d: {  	v7 =	vmin.f32 v7, $1.000000000e+00;
	v13 =	vadd.f32 v43, v13;
	v16 =	vmul.f32 v46, v42;
	v46 =	vld [tilespmem:s18+$0x9B10]  }
0x11e: {  	v17 =	vadd.f32 v12, v57;
	v12 =	vmul.f32 v22, v5;
	v5 =	vmul.f32 v63, v51;
	v51 =	vld [tilespmem:s19+$0x1EA0]  }
0x11f: {  	v18 =	vmul.f32 v45, v41;
	vm2 =	vgt.f32 v7, $0.0e+00;
	v15 =	vadd.f32 v15, v21;
	v63 =	vld [tilespmem:s19+$0x33A0]  }
0x120: {  	v31 =	vmul.f32 v26, v12;
	v26 =	vmin.u32 v9, $0x800;
	v9 =	vadd.f32 v35, v34;
	v34 =	vld [tilespmem:s19+$0x1FA0]  }
0x121: {  	v48 =	vsel vm2, $0x3F800000, v62;
	v13 =	vmax.f32 v13, $0.0e+00;
	v5 =	vadd.f32 v39, v5;
	v39 =	vld [tilespmem:s18+$0x9610]  }
0x122: {  	v16 =	vadd.f32 v16, v18;
	v32 =	vmin.f32 v13, $1.000000000e+00;
	v13 =	vmul.f32 v53, v42;
	v53 =	vld [tilespmem:s18+$0xA010]  }
0x123: {  	v55 =	vmul.f32 v28, v12;
	v28 =	vmul.f32 v59, v42;
	v59 =	vld [tilespmem:s19+$0x5B90];
	v9 =	vadd.f32 v37, v9  }
0x124: {  	v27 =	vmul.f32 v27, v12;
	v12 =	vld [tilespmem:s19+$0x8320];
	v16 =	vadd.f32 v30, v16;
	v17 =	vadd.f32 v31, v17  }
0x125: {  	v30 =	vld [tilespmem:s19+$0x6E10];
	v5 =	vadd.f32 v19, v5;
	v15 =	vadd.f32 v55, v15;
	v9 =	vmax.f32 v9, $0.0e+00  }
0x126: {  	v55 =	vld [tilespmem:s19+$0x5B10];
	v61 =	vmul.f32 v51, v41;
	v20 =	vmul.f32 v63, v42;
	v9 =	vmin.f32 v9, $1.000000000e+00  }
0x127: {  	v63 =	vld [tilespmem:s18+$0x9620];
	v17 =	vmul.f32 v3, v17;
	v5 =	vmax.f32 v5, $0.0e+00;
	vm3 =	vgt.f32 v9, $0.0e+00  }
0x128: {  	v3 =	vmul.f32 v58, v41;
	v58 =	vld [tilespmem:s18+$0xAF10];
	v5 =	vmin.f32 v5, $1.000000000e+00;
	v49 =	vsel vm3, $0x3F800000, v62  }
0x129: {  	v1 =	vmul.f32 v54, v44;
	[tilespmem:v26+s22+$0x0] =	vst.idx.add.f32.msk vm4, v17;
	vm2 =	vgt.f32 v5, $0.0e+00;
	v22 =	vadd.f32 v49, v48  }
0x12a: {  	v38 =	vmul.f32 v2, v44;
	v13 =	vadd.f32 v13, v61;
	v40 =	vld [tilespmem:s18+$0x500];
	v52 =	vsel vm2, $0x3F800000, v62  }
0x12b: {  	v17 =	vmul.f32 v34, v41;
	v34 =	vld [tilespmem:s19+$0x6E90];
	vm2 =	vgt.f32 v32, $0.0e+00;
	v22 =	vadd.f32 v52, v22  }
0x12c: {  	v33 =	vadd.f32 v28, v3;
	v3 =	vld [tilespmem:s19+$0x5A20];
	v13 =	vadd.f32 v1, v13;
	v57 =	vsel vm2, $0x3F800000, v62  }
0x12d: {  	v35 =	vadd.s32 $0x810, v26;
	v16 =	vmax.f32 v16, $0.0e+00;
	v1 =	vld [tilespmem:s18+$0xAA10];
	v22 =	vadd.f32 v57, v22  }
0x12e: {  	v36 =	vadd.f32 v4, v33;
	v37 =	vadd.f32 v20, v17;
	v49 =	vld [tilespmem:s19+$0x5A90];
	v13 =	vmax.f32 v13, $0.0e+00  }
0x12f: {  	v29 =	vmin.f32 v13, $1.000000000e+00;
	v13 =	vld [tilespmem:s19+$0x8210];
	v23 =	vmul.f32 v40, v14;
	v22 =	vmax.f32 v22, $1.000000000e+00  }
0x130: {  	v41 =	vmax.f32 v36, $0.0e+00;
	v42 =	vadd.f32 v38, v37;
	v37 =	vld [tilespmem:s19+$0x6F90];
	(erf) = vrcp.f32 v22  }
0x131: {  	v31 =	vmin.f32 v41, $1.000000000e+00;
	v41 =	vld [tilespmem:s18+$0xA020];
	v15 =	vmul.f32 v23, v15;
	v23 =	vmin.f32 v16, $1.000000000e+00  }
0x132: {  	vm3 =	vgt.f32 v29, $0.0e+00;
	v40 =	vld [tilespmem:s19+$0x5A10];
	vm2 =	vgt.f32 v23, $0.0e+00  }
0x133: {  	v44 =	vsel vm3, $0x3F800000, v62;
	v57 =	vld [tilespmem:s18+$0xA510];
	v43 =	vsel vm2, $0x3F800000, v62  }
0x134: {  	[tilespmem:v35+s22+$0x0] =	vst.idx.add.f32.msk vm4, v15;
	vm2 =	vgt.f32 v31, $0.0e+00;
	v15 =	vmax.f32 v42, $0.0e+00;
	v16 =	vadd.f32 v44, v43  }
0x135: {  	v35 =	vld [tilespmem:s19+$0x6F10];
	v48 =	vsel vm2, $0x3F800000, v62;
	v33 =	vmin.f32 v15, $1.000000000e+00  }
0x136: {  	v28 =	vld [tilespmem:s18+$0xA00];
	vm2 =	vgt.f32 v33, $0.0e+00;
	v50 =	vadd.f32 v48, v16  }
0x137: {  	v15 =	vld [tilespmem:s19+$0x8290];
	v51 =	vsel vm2, $0x3F800000, v62  }
0x138: {  	v48 =	vld [tilespmem:s18+$0xA520];
	v54 =	vadd.f32 v51, v50  }
0x139: {  	s21 =	sor.u32 $0x20, s18;
	v50 =	vld [tilespmem:s18+$0xAF20];
	v45 =	vpop (erf)  }
0x13a: {  	v18 =	vmax.f32 v54, $1.000000000e+00;
	v54 =	vld [tilespmem:s21+$0x0];
	v7 =	vmul.f32 v45, v7;
	v52 =	vmul.f32 v45, v9  }
0x13b: {  	v5 =	vmul.f32 v45, v5;
	v20 =	vmul.f32 v45, v32;
	v45 =	vld [tilespmem:s19+$0x5B20]  }
0x13c: {  	v9 =	vsub.s32 v58, v47;
	v58 =	vld [tilespmem:s19+$0x6EA0]  }
0x13d: {  	(erf) = vrcp.f32 v18;
	v32 =	vmul.f32 v60, v1;
	v60 =	vld [tilespmem:s19+$0x6F20]  }
0x13e: {  	v16 =	vmul.f32 v7, v39;
	v39 =	vld [tilespmem:s18+$0x9B20]  }
0x13f: {  	v17 =	vmul.f32 v52, v46;
	v52 =	vld [tilespmem:s19+$0x5BA0]  }
0x140: {  	v18 =	vmul.f32 v5, v53;
	v53 =	vmul.f32 v24, v10;
	v24 =	vld [tilespmem:s19+$0x8220]  }
0x141: {  	v61 =	vor.u32 s20, v56;
	v20 =	vmul.f32 v57, v20;
	v57 =	vor.u32 s21, v56;
	v56 =	vld [tilespmem:s19+$0x3230]  }
0x142: {  	v5 =	vld [tilespmem:s19+$0x47B0]  }
0x143: {  	vm14 =	vge.s32 v57, v8;
	v57 =	vld [tilespmem:s19+$0x4630];
	v19 =	vmul.f32 v16, v40  }
0x144: {  	v25 =	vadd.f32 $0.0e+00, v25;
	v40 =	vld [tilespmem:s19+$0x5AA0]  }
0x145: {  	v22 =	vmul.f32 v17, v49;
	v7 =	vmul.f32 v18, v55;
	v55 =	vld [tilespmem:s19+$0x6E20];
	v36 =	vadd.f32 $0.0e+00, v19  }
0x146: {  	vm13 =	vgt.s32 v9, $0x0;
	v30 =	vmul.f32 v16, v30;
	v13 =	vmul.f32 v16, v13;
	v16 =	vld [tilespmem:s19+$0x3270];
	v38 =	vpop (erf)  }
0x147: {  	v19 =	vld [tilespmem:s19+$0x8310];
	v22 =	vadd.f32 v36, v22;
	v23 =	vmul.f32 v38, v23;
	v29 =	vmul.f32 v38, v29  }
0x148: {  	v46 =	vmul.f32 v38, v31;
	v33 =	vmul.f32 v38, v33;
	v38 =	vadd.f32 v25, v53;
	v25 =	vld [tilespmem:s19+$0x82A0]  }
0x149: {  	v2 =	vnsel vm13, $0x0, v9;
	v36 =	vmul.f32 v59, v20;
	v53 =	vld [tilespmem:s18+$0x1430];
	v22 =	vadd.f32 v22, v7  }
0x14a: {  	vm3 =	vge.s32 v61, v8;
	v7 =	vmin.u32 v2, $0x800;
	v2 =	vld [tilespmem:s18+$0xAA20];
	v21 =	vmul.f32 v23, v63  }
0x14b: {  	vm2 =	vlt.u32 v9, $0x800;
	v10 =	vmul.f32 v48, v33;
	v36 =	vadd.f32 v36, v22;
	v22 =	vld [tilespmem:s19+$0x8390]  }
0x14c: {  	vm2 =	vmand vm3, vm2;
	v9 =	vmul.f32 v21, v3;
	v3 =	vld [tilespmem:s19+$0x83A0]  }
0x14d: {  	v23 =	vmul.f32 v29, v39;
	v11 =	vadd.f32 v38, v11;
	v33 =	vmul.f32 v52, v10;
	v52 =	vld [tilespmem:s18+$0xF30]  }
0x14e: {  	v28 =	vmul.f32 v28, v14;
	v30 =	vadd.f32 $0.0e+00, v30;
	v63 =	vmul.f32 v21, v55;
	v55 =	vld [tilespmem:s19+$0x1E30]  }
0x14f: {  	v27 =	vadd.f32 v27, v11;
	v11 =	vmul.f32 v17, v34;
	v31 =	vmul.f32 v23, v58;
	v58 =	vld [tilespmem:s19+$0x1EB0]  }
0x150: {  	v29 =	vsub.s32 v50, v47;
	v39 =	vmul.f32 v23, v40;
	v61 =	vmul.f32 v54, v2;
	v54 =	vld [tilespmem:s18+$0x1930]  }
0x151: {  	v44 =	vmul.f32 v32, v36;
	v49 =	vadd.f32 $0.0e+00, v9;
	v30 =	vadd.f32 v30, v11;
	v11 =	vld [tilespmem:s18+$0x1440]  }
0x152: {  	vm3 =	vlt.u32 v29, $0x800;
	v9 =	vmul.f32 v46, v41;
	v41 =	vmul.f32 v35, v18;
	v35 =	vld [tilespmem:s18+$0x1940]  }
0x153: {  	vm6 =	vgt.s32 v29, $0x0;
	[tilespmem:v7+s22+$0x0] =	vst.idx.add.f32.msk vm2, v44;
	v36 =	vadd.f32 v49, v39;
	v39 =	vadd.s32 $0x1020, v26  }
0x154: {  	vm3 =	vmand vm14, vm3;
	v29 =	vnsel vm6, $0x0, v29;
	v51 =	vld [tilespmem:s18+$0x510];
	v32 =	vmul.f32 v9, v45  }
0x155: {  	v59 =	vmin.u32 v29, $0x800;
	v27 =	vmul.f32 v28, v27;
	v29 =	vmul.f32 v60, v9;
	v60 =	vld [tilespmem:s19+$0x46B0]  }
0x156: {  	v26 =	vadd.s32 $0x1830, v26;
	[tilespmem:$0x1FFB0] =	vst v3;
	v3 =	vmul.f32 v58, v52;
	v58 =	vld [tilespmem:s19+$0x1F40];
	v32 =	vadd.f32 v36, v32  }
0x157: {  	v36 =	vadd.f32 $0.0e+00, v63;
	v63 =	vld [tilespmem:s19+$0x3330]  }
0x158: {  	v32 =	vadd.f32 v33, v32;
	[tilespmem:v39+s22+$0x0] =	vst.idx.add.f32.msk vm4, v27  }
0x159: {  	[tilespmem:$0x1FFA0] =	vst v1;
	v47 =	vmul.f32 v51, v1;
	v1 =	vld [tilespmem:s19+$0x1FB0]  }
0x15a: {  	v39 =	vld [tilespmem:s18+$0xF40];
	v32 =	vmul.f32 v61, v32  }
0x15b: {  	[tilespmem:v26+s22+$0x0] =	vst.idx.add.f32.msk vm4, v14  }
0x15c: {  	v44 =	vmul.f32 v37, v20;
	v30 =	vadd.f32 v30, v41;
	[tilespmem:v59+s22+$0x0] =	vst.idx.add.f32.msk vm3, v32  }
0x15d: {  	[tilespmem:$0x1FFD0] =	vst v59;
	v48 =	vadd.s32 $0x810, v59;
	v45 =	vadd.s32 $0x810, v7;
	v59 =	vld [tilespmem:s19+$0x32B0]  }
0x15e: {  	v30 =	vadd.f32 v44, v30;
	v43 =	vadd.f32 v36, v31;
	v42 =	vld [tilespmem:s18+$0x520]  }
0x15f: {  	v61 =	vld [tilespmem:s19+$0x1F30]  }
0x160: {  	v46 =	vmul.f32 v6, v10;
	v28 =	vadd.f32 v43, v29;
	v43 =	vld [tilespmem:s19+$0x1FC0];
	v50 =	vmul.f32 v47, v30  }
0x161: {  	v6 =	vmul.f32 v60, v54;
	v47 =	vmul.f32 v0, v54;
	v0 =	vld [tilespmem:s19+$0x33C0]  }
0x162: {  	v29 =	vmul.f32 v56, v53;
	v30 =	vmul.f32 v57, v54;
	[tilespmem:v45+s22+$0x0] =	vst.idx.add.f32.msk vm2, v50  }
0x163: {  	v28 =	vadd.f32 v46, v28;
	v4 =	vmul.f32 v59, v53;
	v59 =	vld [tilespmem:s19+$0x3340];
	v49 =	vmul.f32 v42, v2  }
0x164: {  	[tilespmem:$0x1FFC0] =	vst v2;
	v46 =	vmul.f32 v63, v53;
	v45 =	vmul.f32 v61, v52;
	v2 =	vld [tilespmem:s19+$0x33B0]  }
0x165: {  	v61 =	vld [tilespmem:s19+$0x4740];
	v51 =	vmul.f32 v49, v28;
	v28 =	vmul.f32 v55, v52  }
0x166: {  	v14 =	vmul.f32 v1, v52;
	v33 =	vmul.f32 v0, v11;
	v49 =	vld [tilespmem:s19+$0x3240]  }
0x167: {  	v31 =	vadd.f32 v46, v45;
	v52 =	vmul.f32 v5, v54;
	v55 =	vld [tilespmem:s19+$0x46C0];
	v28 =	vadd.f32 v29, v28  }
0x168: {  	[tilespmem:v48+s22+$0x0] =	vst.idx.add.f32.msk vm3, v51;
	v29 =	vadd.f32 v4, v3;
	v4 =	vmul.f32 v58, v39  }
0x169: {  	v48 =	vld [tilespmem:s19+$0x1E40];
	v32 =	vmul.f32 v59, v11;
	v26 =	vmul.f32 v2, v53;
	v28 =	vadd.f32 v30, v28  }
0x16a: {  	v5 =	vmul.f32 v61, v35;
	v51 =	vld [tilespmem:s19+$0x4640];
	v29 =	vadd.f32 v6, v29;
	v30 =	vadd.f32 v47, v31  }
0x16b: {  	v54 =	vld [tilespmem:s19+$0x32C0];
	v32 =	vadd.f32 v32, v4;
	v6 =	vmul.f32 v43, v39;
	v14 =	vadd.f32 v26, v14  }
0x16c: {  	v44 =	vld [tilespmem:s18+$0x9630];
	v34 =	vmul.f32 v49, v11;
	v26 =	vmul.f32 v55, v35;
	v28 =	vmax.f32 v28, $0.0e+00  }
0x16d: {  	v53 =	vld [tilespmem:s19+$0x1EC0];
	v50 =	vmax.f32 v29, $0.0e+00;
	v30 =	vmax.f32 v30, $0.0e+00;
	v33 =	vadd.f32 v33, v6  }
0x16e: {  	v0 =	vld [tilespmem:s19+$0x5AB0];
	v37 =	vmin.f32 v28, $1.000000000e+00;
	v38 =	vmin.f32 v50, $1.000000000e+00;
	v14 =	vadd.f32 v52, v14  }
0x16f: {  	v46 =	vld [tilespmem:s19+$0x5A30];
	v41 =	vmin.f32 v30, $1.000000000e+00;
	v60 =	vmul.f32 v48, v39;
	v29 =	vmul.f32 v51, v35  }
0x170: {  	v2 =	vld [tilespmem:s19+$0x47C0];
	v28 =	vmul.f32 v54, v11;
	vm15 =	vgt.f32 v37, $0.0e+00;
	vm8 =	vgt.f32 v38, $0.0e+00  }
0x171: {  	v45 =	vld [tilespmem:s19+$0x6F30];
	vm9 =	vgt.f32 v41, $0.0e+00;
	v56 =	vsel vm15, $0x3F800000, v62;
	v57 =	vsel vm8, $0x3F800000, v62  }
0x172: {  	v61 =	vld [tilespmem:s18+$0x9640];
	v27 =	vmul.f32 v53, v39;
	v14 =	vmax.f32 v14, $0.0e+00;
	v31 =	vadd.f32 v57, v56  }
0x173: {  	v43 =	vld [tilespmem:s19+$0x6EB0];
	v63 =	vsel vm9, $0x3F800000, v62;
	v42 =	vmin.f32 v14, $1.000000000e+00;
	v14 =	vadd.f32 v34, v60  }
0x174: {  	v49 =	vld [tilespmem:s18+$0xA530];
	v27 =	vadd.f32 v28, v27;
	vm10 =	vgt.f32 v42, $0.0e+00;
	v31 =	vadd.f32 v63, v31  }
0x175: {  	v55 =	vld [tilespmem:s18+$0xA040];
	v28 =	vmul.f32 v2, v35;
	v1 =	vsel vm10, $0x3F800000, v62;
	v14 =	vadd.f32 v29, v14  }
0x176: {  	v6 =	vld [tilespmem:s19+$0x5B30];
	v26 =	vadd.f32 v26, v27;
	v3 =	vadd.f32 v1, v31  }
0x177: {  	v30 =	vld [tilespmem:s19+$0x8230];
	v27 =	vadd.f32 v5, v32;
	v2 =	vadd.f32 v28, v33  }
0x178: {  	v11 =	vld [tilespmem:s18+$0x9B30];
	v14 =	vmax.f32 v14, $0.0e+00;
	v63 =	vmax.f32 v26, $0.0e+00;
	v29 =	vmax.f32 v3, $1.000000000e+00  }
0x179: {  	v50 =	vld [tilespmem:s19+$0x5BB0];
	v47 =	vmin.f32 v14, $1.000000000e+00;
	(erf) = vrcp.f32 v29;
	v29 =	vmin.f32 v63, $1.000000000e+00  }
0x17a: {  	v51 =	vld [tilespmem:s18+$0xAF30];
	v1 =	vmax.f32 v27, $0.0e+00;
	vm11 =	vgt.f32 v47, $0.0e+00;
	vm12 =	vgt.f32 v29, $0.0e+00  }
0x17b: {  	s10 =	sor.u32 $0x30, s18;
	v54 =	vld [tilespmem:s19+$0x5A40];
	v48 =	vmin.f32 v1, $1.000000000e+00;
	v4 =	vsel vm11, $0x3F800000, v62;
	v5 =	vsel vm12, $0x3F800000, v62  }
0x17c: {  	v53 =	vld [tilespmem:s10+$0x0];
	v27 =	vmax.f32 v2, $0.0e+00;
	vm13 =	vgt.f32 v48, $0.0e+00;
	v57 =	vadd.f32 v5, v4  }
0x17d: {  	v56 =	vld [tilespmem:s18+$0xA540];
	v27 =	vmin.f32 v27, $1.000000000e+00;
	v58 =	vsel vm13, $0x3F800000, v62  }
0x17e: {  	v32 =	vld [tilespmem:s19+$0x82B0];
	vm14 =	vgt.f32 v27, $0.0e+00;
	v14 =	vadd.f32 v58, v57  }
0x17f: {  	v28 =	vld [tilespmem:s19+$0x8330];
	v59 =	vsel vm14, $0x3F800000, v62  }
0x180: {  	v31 =	vld [tilespmem:s19+$0x6E30];
	v35 =	vadd.f32 v59, v14  }
0x181: {  	v3 =	vld [tilespmem:s18+$0xA030]  }
0x182: {  	v63 =	vld [tilespmem:s18+$0x9B40];
	v35 =	vmax.f32 v35, $1.000000000e+00  }
0x183: {  	v5 =	vld [tilespmem:$0x1FFF0];
	v52 =	vpop (erf);
	(erf) = vrcp.f32 v35  }
0x184: {  	v57 =	vld [tilespmem:s19+$0x5BC0];
	v60 =	vmul.f32 v52, v37  }
0x185: {  	v58 =	vld [tilespmem:s19+$0x3250];
	v1 =	vmul.f32 v52, v38;
	v2 =	vmul.f32 v52, v41  }
0x186: {  	v14 =	vld [tilespmem:s18+$0xAA30];
	v40 =	vmul.f32 v60, v44  }
0x187: {  	v38 =	vld [tilespmem:s19+$0x5AC0];
	v39 =	vmul.f32 v1, v11;
	v35 =	vmul.f32 v2, v3  }
0x188: {  	v41 =	vld [tilespmem:s19+$0x5B40];
	v3 =	vmul.f32 v52, v42;
	v46 =	vmul.f32 v40, v46  }
0x189: {  	v52 =	vld [tilespmem:s18+$0xAF40]  }
0x18a: {  	v60 =	vld [tilespmem:s19+$0x1E50];
	v26 =	vmul.f32 v39, v0;
	v36 =	vmul.f32 v49, v3;
	v46 =	vadd.f32 $0.0e+00, v46  }
0x18b: {  	v11 =	vlaneseq.u32;
	v44 =	vld [tilespmem:s19+$0x4650];
	v53 =	vmul.f32 v53, v14  }
0x18c: {  	v34 =	vmul.f32 v35, v6;
	v49 =	vld [tilespmem:s18+$0x1450];
	v33 =	vmul.f32 v50, v36;
	v26 =	vadd.f32 v46, v26;
	v42 =	vpop (erf)  }
0x18d: {  	v6 =	vsub.s32 v51, v5;
	v50 =	vld [tilespmem:s19+$0x1F50];
	v4 =	vmul.f32 v42, v47;
	v29 =	vmul.f32 v42, v29  }
0x18e: {  	vm15 =	vlt.u32 v6, $0x800;
	v46 =	vld [tilespmem:s18+$0x1950];
	v26 =	vadd.f32 v26, v34;
	v1 =	vmul.f32 v42, v27  }
0x18f: {  	vm9 =	vgt.s32 v6, $0x0;
	v47 =	vld [tilespmem:s18+$0xF50];
	v34 =	vmul.f32 v4, v61;
	v37 =	vmul.f32 v29, v63  }
0x190: {  	v27 =	vld [tilespmem:s19+$0x1ED0];
	v63 =	vmul.f32 v42, v48;
	v0 =	vadd.f32 v33, v26;
	v33 =	vmul.f32 v56, v1  }
0x191: {  	v29 =	vld [tilespmem:s19+$0x32D0];
	v4 =	vnsel vm9, $0x0, v6;
	v6 =	vmul.f32 v58, v49;
	v54 =	vmul.f32 v34, v54  }
0x192: {  	s21 =	sor.u32 $0x40, s18;
	v61 =	vor.u32 s10, v11;
	v3 =	vmul.f32 v37, v38;
	v38 =	vmul.f32 v63, v55;
	v55 =	vld [tilespmem:s19+$0x46D0]  }
0x193: {  	vm8 =	vge.s32 v61, v8;
	v26 =	vmin.u32 v4, $0x800;
	v61 =	vor.u32 s21, v11;
	v63 =	vld [tilespmem:$0x1FFF0]  }
0x194: {  	v44 =	vmul.f32 v44, v46;
	v5 =	vmul.f32 v60, v47;
	v60 =	vld [tilespmem:s19+$0x4750];
	v2 =	vadd.f32 $0.0e+00, v54  }
0x195: {  	vm4 =	vmand vm8, vm15;
	v48 =	vmul.f32 v53, v0;
	v53 =	vmul.f32 v57, v33;
	v54 =	vld [tilespmem:s19+$0x3350]  }
0x196: {  	v4 =	vld [tilespmem:s19+$0x33D0];
	v27 =	vmul.f32 v27, v47;
	v41 =	vmul.f32 v38, v41;
	v42 =	vadd.f32 v2, v3  }
0x197: {  	vm11 =	vge.s32 v61, v8;
	v50 =	vmul.f32 v50, v47;
	v29 =	vmul.f32 v29, v49;
	v3 =	vld [tilespmem:s19+$0x1FD0]  }
0x198: {  	v59 =	vld [tilespmem:s19+$0x6FB0];
	v52 =	vsub.s32 v52, v63;
	v41 =	vadd.f32 v42, v41;
	v42 =	vadd.f32 v6, v5  }
0x199: {  	v27 =	vadd.f32 v29, v27;
	vm10 =	vlt.u32 v52, $0x800;
	v5 =	vmul.f32 v55, v46;
	v6 =	vld [tilespmem:s19+$0x47D0]  }
0x19a: {  	v56 =	vld [tilespmem:s19+$0x6EC0];
	v57 =	vmul.f32 v60, v46;
	v54 =	vmul.f32 v54, v49;
	v42 =	vadd.f32 v44, v42  }
0x19b: {  	v58 =	vld [tilespmem:s19+$0x6F40];
	v49 =	vmul.f32 v4, v49;
	v53 =	vadd.f32 v53, v41;
	v27 =	vadd.f32 v5, v27  }
0x19c: {  	v41 =	vld [tilespmem:s19+$0x83B0];
	v60 =	vadd.f32 v54, v50;
	v47 =	vmul.f32 v3, v47;
	v42 =	vmax.f32 v42, $0.0e+00  }
0x19d: {  	vm12 =	vgt.s32 v52, $0x0;
	[tilespmem:v26+s22+$0x0] =	vst.idx.add.f32.msk vm4, v48;
	v61 =	vmax.f32 v27, $0.0e+00;
	v50 =	vmin.f32 v42, $1.000000000e+00  }
0x19e: {  	v0 =	vld [tilespmem:s21+$0x0];
	v29 =	vadd.f32 v57, v60;
	v47 =	vadd.f32 v49, v47;
	v44 =	vmul.f32 v6, v46  }
0x19f: {  	v63 =	vnsel vm12, $0x0, v52;
	v51 =	vld [tilespmem:s18+$0x530];
	v52 =	vmin.f32 v61, $1.000000000e+00;
	vm13 =	vgt.f32 v50, $0.0e+00  }
0x1a0: {  	v54 =	vld [tilespmem:s19+$0x6E40];
	vm7 =	vgt.f32 v52, $0.0e+00;
	v29 =	vmax.f32 v29, $0.0e+00;
	v1 =	vadd.f32 v44, v47  }
0x1a1: {  	v27 =	vld [tilespmem:s18+$0xAA40];
	v2 =	vsel vm13, $0x3F800000, v62;
	v3 =	vsel vm7, $0x3F800000, v62;
	v55 =	vmin.f32 v29, $1.000000000e+00  }
0x1a2: {  	v46 =	vld [tilespmem:s19+$0x82C0];
	v47 =	vadd.f32 v3, v2;
	vm14 =	vgt.f32 v55, $0.0e+00;
	v42 =	vmax.f32 v1, $0.0e+00  }
0x1a3: {  	v60 =	vld [tilespmem:s19+$0x6FC0];
	v4 =	vsel vm14, $0x3F800000, v62;
	v57 =	vmin.f32 v42, $1.000000000e+00  }
0x1a4: {  	v49 =	vld [tilespmem:s19+$0x5A50];
	v48 =	vadd.f32 v4, v47;
	vm15 =	vgt.f32 v57, $0.0e+00  }
0x1a5: {  	v61 =	vld [tilespmem:s18+$0x9B50];
	v6 =	vsel vm15, $0x3F800000, v62  }
0x1a6: {  	v44 =	vld [tilespmem:s19+$0x8240];
	v48 =	vadd.f32 v6, v48  }
0x1a7: {  	v29 =	vmin.u32 v63, $0x800;
	v63 =	vld [tilespmem:s18+$0xA050]  }
0x1a8: {  	v2 =	vld [tilespmem:s18+$0xA550];
	v48 =	vmax.f32 v48, $1.000000000e+00  }
0x1a9: {  	v31 =	vmul.f32 v40, v31;
	v3 =	vld [tilespmem:s19+$0x5BD0];
	(erf) = vrcp.f32 v48  }
0x1aa: {  	v1 =	vld [tilespmem:s19+$0x5B50]  }
0x1ab: {  	v5 =	vmul.f32 v0, v27;
	v0 =	vadd.f32 $0.0e+00, v31;
	v31 =	vld [tilespmem:s18+$0xAA50]  }
0x1ac: {  	vm5 =	vmand vm11, vm10;
	v42 =	vld [tilespmem:s19+$0x83C0]  }
0x1ad: {  	v54 =	vmul.f32 v34, v54;
	v47 =	vld [tilespmem:s19+$0x8340]  }
0x1ae: {  	v53 =	vmul.f32 v5, v53;
	v5 =	vld [tilespmem:s18+$0xAF50]  }
0x1af: {  	v56 =	vmul.f32 v37, v56;
	v54 =	vadd.f32 $0.0e+00, v54;
	v62 =	vld [tilespmem:s19+$0x5AD0]  }
0x1b0: {  	v43 =	vmul.f32 v39, v43;
	v48 =	vld [tilespmem:s18+$0x9650]  }
0x1b1: {  	v54 =	vadd.f32 v54, v56;
	v56 =	vmul.f32 v58, v38;
	v58 =	vld [tilespmem:s19+$0x1E60]  }
0x1b2: {  	v0 =	vadd.f32 v0, v43;
	v43 =	vmul.f32 v45, v35;
	[tilespmem:v29+s22+$0x0] =	vst.idx.add.f32.msk vm5, v53;
	v4 =	vpop (erf)  }
0x1b3: {  	v53 =	vld [tilespmem:s18+$0x540];
	v54 =	vadd.f32 v54, v56;
	v56 =	vmul.f32 v60, v33;
	v45 =	vmul.f32 v4, v50  }
0x1b4: {  	v59 =	vmul.f32 v59, v36;
	v43 =	vadd.f32 v0, v43;
	v60 =	vld [tilespmem:s19+$0x3260]  }
0x1b5: {  	v54 =	vadd.f32 v56, v54;
	v56 =	vld [tilespmem:s19+$0x1EE0];
	v52 =	vmul.f32 v4, v52;
	v0 =	vmul.f32 v45, v48  }
0x1b6: {  	v51 =	vmul.f32 v51, v14;
	v43 =	vadd.f32 v59, v43;
	v50 =	vld [tilespmem:s18+$0xF60];
	v55 =	vmul.f32 v4, v55  }
0x1b7: {  	v45 =	vld [tilespmem:s18+$0x1460];
	v48 =	vmul.f32 v52, v61;
	v49 =	vmul.f32 v0, v49  }
0x1b8: {  	v15 =	vmul.f32 v17, v15;
	v43 =	vmul.f32 v51, v43;
	v51 =	vld [tilespmem:s19+$0x46E0]  }
0x1b9: {  	v52 =	vld [tilespmem:s18+$0x1960];
	v59 =	vmul.f32 v48, v62;
	v61 =	vadd.f32 $0.0e+00, v49;
	v49 =	vmul.f32 v55, v63  }
0x1ba: {  	v13 =	vadd.f32 $0.0e+00, v13;
	v53 =	vmul.f32 v53, v27;
	v4 =	vmul.f32 v4, v57;
	v55 =	vld [tilespmem:s19+$0x4660]  }
0x1bb: {  	v57 =	vld [tilespmem:s19+$0x1F60];
	v58 =	vmul.f32 v58, v50;
	v61 =	vadd.f32 v61, v59;
	v62 =	vmul.f32 v49, v1  }
0x1bc: {  	v13 =	vadd.f32 v13, v15;
	v60 =	vmul.f32 v60, v45;
	v1 =	vmul.f32 v2, v4;
	v2 =	vld [tilespmem:s19+$0x32E0]  }
0x1bd: {  	v18 =	vmul.f32 v19, v18;
	v53 =	vmul.f32 v53, v54;
	v54 =	vadd.f32 v61, v62;
	v62 =	vld [tilespmem:$0x1FFF0]  }
0x1be: {  	v15 =	vmul.f32 v22, v20;
	v4 =	vadd.s32 $0x810, v26;
	v58 =	vadd.f32 v60, v58;
	v60 =	vld [tilespmem:s19+$0x1FE0]  }
0x1bf: {  	v3 =	vmul.f32 v3, v1;
	v61 =	vld [tilespmem:s19+$0x3360];
	v55 =	vmul.f32 v55, v52  }
0x1c0: {  	v20 =	vmul.f32 v21, v24;
	s10 =	sor.u32 $0x50, s18;
	v63 =	vmul.f32 v56, v50;
	v56 =	vld [tilespmem:s19+$0x33E0];
	v59 =	vadd.s32 $0x810, v29  }
0x1c1: {  	v51 =	vmul.f32 v51, v52;
	v3 =	vadd.f32 v3, v54;
	v55 =	vadd.f32 v55, v58;
	v58 =	vld [tilespmem:s10+$0x0]  }
0x1c2: {  	v54 =	vor.u32 s10, v11;
	v2 =	vmul.f32 v2, v45;
	v5 =	vsub.s32 v5, v62;
	v62 =	vld [tilespmem:s19+$0x4760]  }
0x1c3: {  	v6 =	vimm.s32 $0x0;
	vm10 =	vge.s32 v54, v8;
	[tilespmem:v4+s22+$0x0] =	vst.idx.add.f32.msk vm4, v43;
	v4 =	vmul.f32 v57, v50  }
0x1c4: {  	v60 =	vmul.f32 v60, v50;
	v2 =	vadd.f32 v2, v63;
	v63 =	vld [tilespmem:s19+$0x47E0];
	v57 =	vmul.f32 v61, v45  }
0x1c5: {  	[tilespmem:v59+s22+$0x0] =	vst.idx.add.f32.msk vm5, v53;
	v59 =	vmax.f32 v55, $0.0e+00;
	v45 =	vmul.f32 v56, v45;
	vm11 =	vgt.s32 v5, $0x0  }
0x1c6: {  	v17 =	vld [tilespmem:s19+$0x1EF0];
	vm9 =	vlt.u32 v5, $0x800;
	v56 =	vmin.f32 v59, $1.000000000e+00;
	v5 =	vnsel vm11, $0x0, v5  }
0x1c7: {  	v19 =	vld [tilespmem:s19+$0x1F70];
	v2 =	vadd.f32 v51, v2;
	v4 =	vadd.f32 v57, v4;
	v62 =	vmul.f32 v62, v52  }
0x1c8: {  	v21 =	vld [tilespmem:s19+$0x46F0];
	vm6 =	vmand vm10, vm9;
	v43 =	vmin.u32 v5, $0x800;
	v5 =	vadd.f32 v45, v60  }
0x1c9: {  	v54 =	vld [tilespmem:s19+$0x8250];
	v2 =	vmax.f32 v2, $0.0e+00;
	v4 =	vadd.f32 v62, v4;
	v62 =	vmul.f32 v63, v52  }
0x1ca: {  	v55 =	vld [tilespmem:s19+$0x6E50];
	vm12 =	vgt.f32 v56, $0.0e+00;
	v61 =	vmul.f32 v58, v31;
	v2 =	vmin.f32 v2, $1.000000000e+00  }
0x1cb: {  	v53 =	vld [tilespmem:s19+$0x82D0];
	vm8 =	vgt.f32 v2, $0.0e+00;
	v4 =	vmax.f32 v4, $0.0e+00;
	v5 =	vadd.f32 v62, v5  }
0x1cc: {  	v57 =	vld [tilespmem:s19+$0x6ED0];
	v63 =	vsel vm12, $0x3F800000, v6;
	v60 =	vsel vm8, $0x3F800000, v6;
	v4 =	vmin.f32 v4, $1.000000000e+00  }
0x1cd: {  	v50 =	vld [tilespmem:s19+$0x6F50];
	v45 =	vadd.f32 v60, v63;
	vm13 =	vgt.f32 v4, $0.0e+00;
	v5 =	vmax.f32 v5, $0.0e+00  }
0x1ce: {  	v51 =	vld [tilespmem:s19+$0x83D0];
	v3 =	vmul.f32 v61, v3;
	v61 =	vsel vm13, $0x3F800000, v6;
	v5 =	vmin.f32 v5, $1.000000000e+00  }
0x1cf: {  	v58 =	vld [tilespmem:s19+$0x6FD0];
	v55 =	vmul.f32 v0, v55;
	v62 =	vadd.f32 v61, v45;
	vm14 =	vgt.f32 v5, $0.0e+00  }
0x1d0: {  	v52 =	vld [tilespmem:s19+$0x8350];
	v63 =	vsel vm14, $0x3F800000, v6  }
0x1d1: {  	v55 =	vadd.f32 $0.0e+00, v55;
	v57 =	vmul.f32 v48, v57;
	[tilespmem:v43+s22+$0x0] =	vst.idx.add.f32.msk vm6, v3;
	v3 =	vadd.f32 v63, v62  }
0x1d2: {  	v22 =	vmul.f32 v23, v25;
	v45 =	vld [tilespmem:s18+$0x550]  }
0x1d3: {  	v25 =	vld [tilespmem:s19+$0x3370];
	v50 =	vmul.f32 v50, v49;
	v55 =	vadd.f32 v55, v57;
	v3 =	vmax.f32 v3, $1.000000000e+00  }
0x1d4: {  	v57 =	vld [tilespmem:s19+$0x1E70];
	(erf) = vrcp.f32 v3  }
0x1d5: {  	v50 =	vadd.f32 v55, v50;
	v6 =	vmul.f32 v58, v1;
	v62 =	vld [tilespmem:s18+$0x1470]  }
0x1d6: {  	v3 =	vld [tilespmem:s18+$0xF70]  }
0x1d7: {  	v55 =	vadd.f32 v6, v50;
	v50 =	vld [tilespmem:s19+$0x32F0];
	v45 =	vmul.f32 v45, v31  }
0x1d8: {  	v63 =	vld [tilespmem:s18+$0x1970]  }
0x1d9: {  	v23 =	vmul.f32 v45, v55;
	v55 =	vld [tilespmem:s19+$0x4770]  }
0x1da: {  	v30 =	vmul.f32 v40, v30;
	v0 =	vmul.f32 v0, v54;
	v45 =	vld [tilespmem:s19+$0x33F0]  }
0x1db: {  	v59 =	vld [tilespmem:s18+$0x9660];
	v16 =	vmul.f32 v16, v62;
	v6 =	vmul.f32 v57, v3  }
0x1dc: {  	v13 =	vadd.f32 v13, v18;
	v61 =	vld [tilespmem:s18+$0x9B60];
	v50 =	vmul.f32 v50, v62;
	v17 =	vmul.f32 v17, v3  }
0x1dd: {  	v48 =	vmul.f32 v48, v53;
	v58 =	vld [tilespmem:s19+$0x4670];
	v21 =	vmul.f32 v21, v63;
	v16 =	vadd.f32 v16, v6;
	v24 =	vpop (erf)  }
0x1de: {  	v57 =	vld [tilespmem:s19+$0x1FF0];
	v17 =	vadd.f32 v50, v17;
	v55 =	vmul.f32 v55, v63;
	v18 =	vmul.f32 v24, v56  }
0x1df: {  	v6 =	vadd.s32 $0x810, v43;
	v45 =	vmul.f32 v45, v62;
	v2 =	vmul.f32 v24, v2  }
0x1e0: {  	v60 =	vld [tilespmem:s19+$0x5A60];
	v56 =	vadd.f32 v15, v13;
	v4 =	vmul.f32 v24, v4;
	v15 =	vmul.f32 v18, v59  }
0x1e1: {  	v17 =	vadd.f32 v21, v17;
	v13 =	vmul.f32 v2, v61;
	v61 =	vmul.f32 v25, v62;
	v25 =	vld [tilespmem:s19+$0x47F0]  }
0x1e2: {  	v40 =	vld [tilespmem:s19+$0x5BE0];
	v59 =	vmul.f32 v58, v63;
	v18 =	vmul.f32 v19, v3  }
0x1e3: {  	s10 =	sor.u32 $0x70, s18;
	v54 =	vld [tilespmem:s19+$0x6E70];
	v5 =	vmul.f32 v24, v5;
	v17 =	vmax.f32 v17, $0.0e+00;
	v3 =	vmul.f32 v57, v3  }
0x1e4: {  	v53 =	vld [tilespmem:s10+$0x0];
	v62 =	vimm.s32 $0x0;
	v16 =	vadd.f32 v59, v16;
	v18 =	vadd.f32 v61, v18  }
0x1e5: {  	[tilespmem:v6+s22+$0x0] =	vst.idx.add.f32.msk vm6, v23;
	v23 =	vmin.f32 v17, $1.000000000e+00;
	v60 =	vmul.f32 v15, v60;
	v3 =	vadd.f32 v45, v3  }
0x1e6: {  	v16 =	vmax.f32 v16, $0.0e+00;
	v61 =	vadd.f32 v55, v18;
	v55 =	vld [tilespmem:s18+$0xA060];
	v25 =	vmul.f32 v25, v63  }
0x1e7: {  	v50 =	vld [tilespmem:s18+$0xA10];
	vm12 =	vgt.f32 v23, $0.0e+00;
	v58 =	vadd.f32 $0.0e+00, v60;
	v60 =	vmin.f32 v16, $1.000000000e+00  }
0x1e8: {  	v2 =	vld [tilespmem:s19+$0x5AE0];
	vm15 =	vgt.f32 v60, $0.0e+00;
	v16 =	vmax.f32 v61, $0.0e+00;
	v3 =	vadd.f32 v25, v3  }
0x1e9: {  	v21 =	vld [tilespmem:s19+$0x8260];
	v6 =	vsel vm12, $0x3F800000, v62;
	v17 =	vsel vm15, $0x3F800000, v62;
	v45 =	vmin.f32 v16, $1.000000000e+00  }
0x1ea: {  	v24 =	vld [tilespmem:s19+$0x6EE0];
	v63 =	vadd.f32 v6, v17;
	vm13 =	vgt.f32 v45, $0.0e+00;
	v3 =	vmax.f32 v3, $0.0e+00  }
0x1eb: {  	v17 =	vmul.f32 v4, v55;
	v4 =	vld [tilespmem:s18+$0xA560];
	v55 =	vsel vm13, $0x3F800000, v62;
	v3 =	vmin.f32 v3, $1.000000000e+00  }
0x1ec: {  	v57 =	vld [tilespmem:s18+$0xA30];
	v16 =	vadd.f32 v55, v63;
	vm14 =	vgt.f32 v3, $0.0e+00  }
0x1ed: {  	v59 =	vld [tilespmem:s18+$0xA20];
	v2 =	vmul.f32 v13, v2;
	v63 =	vsel vm14, $0x3F800000, v62  }
0x1ee: {  	v20 =	vadd.f32 $0.0e+00, v20;
	v25 =	vld [tilespmem:s19+$0x5B60];
	v63 =	vadd.f32 v63, v16  }
0x1ef: {  	v2 =	vadd.f32 v58, v2;
	v55 =	vld [tilespmem:s18+$0xAF60]  }
0x1f0: {  	v58 =	vadd.f32 v20, v22;
	v20 =	vmul.f32 v4, v5;
	v5 =	vmax.f32 v63, $1.000000000e+00;
	v63 =	vld [tilespmem:$0x1FFF0]  }
0x1f1: {  	v61 =	vld [tilespmem:s19+$0x6E60]  }
0x1f2: {  	v22 =	vld [tilespmem:s19+$0x82E0]  }
0x1f3: {  	v6 =	vmul.f32 v17, v25;
	v25 =	vld [tilespmem:s19+$0x6F60]  }
0x1f4: {  	v32 =	vmul.f32 v39, v32;
	v30 =	vadd.f32 $0.0e+00, v30;
	s21 =	sor.u32 $0x60, s18;
	v16 =	vld [tilespmem:s18+$0xAA60]  }
0x1f5: {  	v2 =	vadd.f32 v2, v6;
	v4 =	vld [tilespmem:s21+$0x0];
	v6 =	vsub.s32 v55, v63;
	v55 =	vmul.f32 v12, v9  }
0x1f6: {  	v30 =	vadd.f32 v30, v32;
	(erf) = vrcp.f32 v5;
	v5 =	vmul.f32 v28, v35;
	v28 =	vld [tilespmem:s19+$0x6FE0]  }
0x1f7: {  	v11 =	vor.u32 s21, v11;
	vm9 =	vgt.s32 v6, $0x0;
	v32 =	vadd.f32 v58, v55;
	v55 =	vld [tilespmem:$0x1FFA0]  }
0x1f8: {  	vm12 =	vge.s32 v11, v8;
	v12 =	vld [tilespmem:s19+$0x8360];
	v11 =	vnsel vm9, $0x0, v6  }
0x1f9: {  	v63 =	vmul.f32 v40, v20;
	v9 =	vmin.u32 v11, $0x800;
	v11 =	vld [tilespmem:$0x1FFB0]  }
0x1fa: {  	v40 =	vmul.f32 v41, v36;
	v41 =	vmul.f32 v34, v44;
	v34 =	vld [tilespmem:s18+$0xAF70]  }
0x1fb: {  	v5 =	vadd.f32 v30, v5;
	v36 =	vld [tilespmem:s18+$0xA070];
	vm15 =	vlt.u32 v6, $0x800  }
0x1fc: {  	vm7 =	vmand vm12, vm15;
	v2 =	vadd.f32 v63, v2;
	v63 =	vmul.f32 v50, v55;
	v50 =	vld [tilespmem:$0x1FFC0]  }
0x1fd: {  	v4 =	vmul.f32 v4, v16;
	v5 =	vadd.f32 v40, v5;
	v40 =	vld [tilespmem:s18+$0x9B70]  }
0x1fe: {  	v58 =	vmul.f32 v57, v14;
	v57 =	vld [tilespmem:s19+$0x5AF0];
	v39 =	vmul.f32 v11, v10  }
0x1ff: {  	v33 =	vmul.f32 v42, v33;
	v2 =	vmul.f32 v4, v2;
	v4 =	vld [tilespmem:s18+$0x9670]  }
0x200: {  	v1 =	vmul.f32 v51, v1;
	v21 =	vmul.f32 v15, v21;
	v10 =	vld [tilespmem:s19+$0x83E0];
	v11 =	vadd.f32 v39, v32  }
0x201: {  	v32 =	vadd.f32 $0.0e+00, v41;
	v39 =	vld [tilespmem:s19+$0x5A70];
	v44 =	vmul.f32 v59, v50;
	v59 =	vmul.f32 v37, v46;
	v37 =	vpop (erf)  }
0x202: {  	v0 =	vadd.f32 $0.0e+00, v0;
	[tilespmem:v9+s22+$0x0] =	vst.idx.add.f32.msk vm7, v2;
	v35 =	vmul.f32 v63, v56;
	v63 =	vmul.f32 v37, v60  }
0x203: {  	v2 =	vmul.f32 v58, v5;
	v5 =	vadd.f32 v32, v59;
	v32 =	vmul.f32 v47, v38;
	v47 =	vld [tilespmem:$0x1FFF0]  }
0x204: {  	v0 =	vadd.f32 v0, v48;
	v23 =	vmul.f32 v37, v23;
	v59 =	vld [tilespmem:s19+$0x5B70];
	v4 =	vmul.f32 v63, v4  }
0x205: {  	v24 =	vmul.f32 v13, v24;
	v56 =	vlaneseq.u32;
	v60 =	vmul.f32 v37, v45;
	v63 =	vld [tilespmem:s18+$0xA570]  }
0x206: {  	v19 =	vld [tilespmem:s18+$0xA40];
	v58 =	vor.u32 s10, v56;
	v23 =	vmul.f32 v23, v40;
	v39 =	vmul.f32 v4, v39  }
0x207: {  	vm14 =	vge.s32 v58, v8;
	v8 =	vld [tilespmem:s19+$0x5BF0];
	v5 =	vadd.f32 v5, v32;
	v32 =	vmul.f32 v60, v36  }
0x208: {  	v48 =	vld [tilespmem:s19+$0x6FF0];
	v3 =	vmul.f32 v37, v3;
	v30 =	vmul.f32 v23, v57;
	v46 =	vadd.f32 $0.0e+00, v39  }
0x209: {  	v58 =	vmul.f32 v52, v49;
	v37 =	vld [tilespmem:s18+$0xAA70];
	v34 =	vsub.s32 v34, v47;
	v41 =	vmul.f32 v32, v59  }
0x20a: {  	v49 =	vld [tilespmem:$0x1FFD0];
	vm13 =	vlt.u32 v34, $0x800;
	v3 =	vmul.f32 v63, v3;
	v30 =	vadd.f32 v46, v30  }
0x20b: {  	v19 =	vmul.f32 v19, v27;
	v38 =	vld [tilespmem:s19+$0x8370];
	vm15 =	vgt.s32 v34, $0x0;
	vm8 =	vmand vm14, vm13  }
0x20c: {  	v40 =	vld [tilespmem:s18+$0x560];
	v34 =	vnsel vm15, $0x0, v34;
	v36 =	vmul.f32 v8, v3;
	v30 =	vadd.f32 v30, v41  }
0x20d: {  	v25 =	vmul.f32 v25, v17;
	v57 =	vmul.f32 v15, v61;
	v59 =	vld [tilespmem:s19+$0x6EF0];
	v34 =	vmin.u32 v34, $0x800  }
0x20e: {  	v28 =	vmul.f32 v28, v20;
	v60 =	vld [tilespmem:s19+$0x6F70];
	v61 =	vmul.f32 v53, v37;
	v30 =	vadd.f32 v36, v30  }
0x20f: {  	v5 =	vadd.f32 v33, v5;
	v39 =	vld [tilespmem:s19+$0x8270];
	v33 =	vadd.f32 $0.0e+00, v57;
	v46 =	vmul.f32 v4, v54  }
0x210: {  	v0 =	vadd.f32 v0, v58;
	v10 =	vmul.f32 v10, v20;
	v41 =	vld [tilespmem:s19+$0x82F0];
	v30 =	vmul.f32 v61, v30  }
0x211: {  	v51 =	vadd.s32 $0x1020, v49;
	v24 =	vadd.f32 v33, v24;
	v33 =	vadd.f32 $0.0e+00, v46;
	v46 =	vld [tilespmem:s19+$0x83F0]  }
0x212: {  	v11 =	vmul.f32 v44, v11;
	v63 =	vadd.s32 $0x1020, v7;
	v45 =	vmul.f32 v23, v59;
	[tilespmem:v34+s22+$0x0] =	vst.idx.add.f32.msk vm8, v30  }
0x213: {  	v44 =	vmul.f32 v12, v17;
	v7 =	vadd.s32 $0x1830, v7;
	v24 =	vadd.f32 v24, v25;
	v54 =	vld [tilespmem:s18+$0x570]  }
0x214: {  	v57 =	vadd.s32 $0x810, v9;
	v53 =	vmul.f32 v60, v32;
	v52 =	vadd.f32 v33, v45  }
0x215: {  	v18 =	vld [tilespmem:s18+$0xA50];
	v0 =	vadd.f32 v1, v0;
	v60 =	vmul.f32 v40, v16;
	v58 =	vadd.f32 v28, v24  }
0x216: {  	[tilespmem:v51+s22+$0x0] =	vst.idx.add.f32.msk vm3, v11;
	v6 =	vmul.f32 v48, v3;
	v61 =	vadd.s32 $0x1830, v49;
	v59 =	vadd.f32 v52, v53  }
0x217: {  	v5 =	vmul.f32 v19, v5;
	[tilespmem:v63+s22+$0x0] =	vst.idx.add.f32.msk vm2, v35;
	v28 =	vadd.s32 $0x810, v34;
	v25 =	vmul.f32 v60, v58  }
0x218: {  	[tilespmem:v7+s22+$0x0] =	vst.idx.add.f32.msk vm2, v55;
	v30 =	vadd.f32 v6, v59;
	v33 =	vmul.f32 v54, v37  }
0x219: {  	v11 =	vadd.f32 $0.0e+00, v21;
	v35 =	vmul.f32 v13, v22;
	v36 =	vadd.s32 $0x1020, v26;
	[tilespmem:v57+s22+$0x0] =	vst.idx.add.f32.msk vm7, v25  }
0x21a: {  	v40 =	vadd.s32 $0x1830, v26;
	v4 =	vmul.f32 v4, v39;
	v42 =	vld [tilespmem:s18+$0xA60];
	v8 =	vmul.f32 v33, v30  }
0x21b: {  	v63 =	vmul.f32 v18, v31;
	v45 =	vadd.s32 $0x1020, v29;
	v1 =	vadd.f32 v11, v35;
	[tilespmem:v61+s22+$0x0] =	vst.idx.add.f32.msk vm3, v50  }
0x21c: {  	v4 =	vadd.f32 $0.0e+00, v4;
	v49 =	vadd.s32 $0x1830, v29;
	v48 =	vmul.f32 v23, v41;
	[tilespmem:v28+s22+$0x0] =	vst.idx.add.f32.msk vm8, v8  }
0x21d: {  	v0 =	vmul.f32 v63, v0;
	v1 =	vadd.f32 v1, v44;
	v50 =	vadd.s32 $0x1020, v43;
	v51 =	vld [tilespmem:s18+$0xA70]  }
0x21e: {  	v55 =	vadd.s32 $0x1020, v9;
	v53 =	vmul.f32 v38, v32;
	[tilespmem:v36+s22+$0x0] =	vst.idx.add.f32.msk vm4, v2;
	v52 =	vadd.f32 v4, v48  }
0x21f: {  	[tilespmem:v40+s22+$0x0] =	vst.idx.add.f32.msk vm4, v14;
	v1 =	vadd.f32 v10, v1;
	v54 =	vadd.s32 $0x1830, v43;
	v57 =	vmul.f32 v42, v16  }
0x220: {  	v58 =	vadd.s32 $0x1830, v9;
	v3 =	vmul.f32 v46, v3;
	[tilespmem:v45+s22+$0x0] =	vst.idx.add.f32.msk vm5, v5;
	v2 =	vadd.f32 v52, v53  }
0x221: {  	v59 =	vadd.s32 $0x1020, v34;
	[tilespmem:v49+s22+$0x0] =	vst.idx.add.f32.msk vm5, v27;
	v1 =	vmul.f32 v57, v1  }
0x222: {  	p1 =	slt.u32 s6, $0x48;
	v63 =	vadd.s32 $0x1830, v34;
	v60 =	vadd.f32 v3, v2;
	[tilespmem:v50+s22+$0x0] =	vst.idx.add.f32.msk vm6, v0;
	v61 =	vmul.f32 v51, v37  }
.Ltmp5:
0x223: {  	[tilespmem:v55+s22+$0x0] =	vst.idx.add.f32.msk vm7, v1;
	(pc) =	sbr.rel @p1 .LBB2_8-.Ltmp5, $4  }
0x224: {  	[tilespmem:v54+s22+$0x0] =	vst.idx.add.f32.msk vm6, v31;
	v0 =	vmul.f32 v61, v60  }
0x225: {  	[tilespmem:v58+s22+$0x0] =	vst.idx.add.f32.msk vm7, v16  }
0x226: {  	s21 =	sadd.s32 $0x8, s6;
	[tilespmem:v59+s22+$0x0] =	vst.idx.add.f32.msk vm8, v0  }
0x227: {  	s6 =	smov.u32 s21;
	[tilespmem:v63+s22+$0x0] =	vst.idx.add.f32.msk vm8, v37  }
0x228: {  	s0 =	sadd.s32 $0x2, s0  }
0x229: {  	p1 =	sge.s32 s0, s29  }
.Ltmp6:
0x22a: {  	_ = 	snop;
	(pc) =	sbr.rel @p1 .LBB2_11-.Ltmp6, $1  }
0x22b: {  	_ =	sdelay $0x3  }
0x22c: {  	s0 =	smul.u32 $0x500, s0;
	_ =	sdelay $0x1  }
0x22d: {  	s0 =	sadd.s32 s26, s0  }
0x22e: {  	p1 =	slt.s32 s0, $0xFFB00  }
0x22f: {  	s0 =	simm.s32 @!p1 $0xFFB00  }
0x230: {  	s6 =	sshrl.u32 s0, $0x3  }
0x231: {  	s18 =	sadd.s32 s7, s6  }
0x232: {  	[tilespmem:s5], [sflag:$0x1] =	stream.linear.gather [hbm4b:s18+s5], $0x500, $0x38;
	[tilespmem:$0x1B900] =	vst v63  }
0x233: {  	s18 =	sshll.u32 s0, $0x2  }
0x234: {  	s19 =	simm.s32 $0xF00;
	s21 =	sadd.s32 s8, s6;
	s10 =	sshrl.u32 s18, $0x3  }
0x235: {  	[tilespmem:s19], [sflag:$0x1] =	stream.linear.gather [hbm4b:s21+s5], $0x500, $0x38;
	[tilespmem:$0x1B900] =	vst v63  }
0x236: {  	s20 =	sadd.s32 s1, s10;
	s21 =	simm.s32 $0x1E00  }
0x237: {  	[tilespmem:s21], [sflag:$0x1] =	stream.linear.gather [hbm4b:s20+s5], $0x1400, $0x38;
	[tilespmem:$0x1B900] =	vst v63  }
0x238: {  	s19 =	sadd.s32 s2, s10;
	s10 =	simm.s32 $0x5A00;
	s20 =	sadd.s32 $0x100000, s0  }
0x239: {  	[tilespmem:s10], [sflag:$0x1] =	stream.linear.gather [hbm4b:s19+s5], $0x1400, $0x38;
	[tilespmem:$0x1B900] =	vst v63  }
0x23a: {  	s19 =	sshrl.u32 s20, $0x3  }
0x23b: {  	s10 =	simm.s32 $0x500;
	s21 =	sadd.s32 s7, s19  }
0x23c: {  	[tilespmem:s10], [sflag:$0x1] =	stream.linear.gather [hbm4b:s21+s5], $0x500, $0x38;
	[tilespmem:$0x1B900] =	vst v63  }
0x23d: {  	s21 =	sadd.s32 s8, s19;
	s10 =	simm.s32 $0x1400  }
0x23e: {  	[tilespmem:s10], [sflag:$0x1] =	stream.linear.gather [hbm4b:s21+s5], $0x500, $0x38;
	[tilespmem:$0x1B900] =	vst v63  }
0x23f: {  	s10 =	sadd.s32 $0x400000, s18  }
0x240: {  	s20 =	sshrl.u32 s10, $0x3  }
0x241: {  	s10 =	simm.s32 $0x3200;
	s21 =	sadd.s32 s1, s20  }
0x242: {  	[tilespmem:s10], [sflag:$0x1] =	stream.linear.gather [hbm4b:s21+s5], $0x1400, $0x38;
	[tilespmem:$0x1B900] =	vst v63  }
0x243: {  	s20 =	sadd.s32 s2, s20;
	s21 =	simm.s32 $0x6E00;
	s10 =	sadd.s32 $0x200000, s0  }
0x244: {  	[tilespmem:s21], [sflag:$0x1] =	stream.linear.gather [hbm4b:s20+s5], $0x1400, $0x38;
	[tilespmem:$0x1B900] =	vst v63  }
0x245: {  	s20 =	sshrl.u32 s10, $0x3  }
0x246: {  	s18 =	sadd.s32 $0x800000, s18;
	s10 =	simm.s32 $0xA00;
	s21 =	sadd.s32 s7, s20  }
0x247: {  	[tilespmem:s10], [sflag:$0x1] =	stream.linear.gather [hbm4b:s21+s5], $0x500, $0x38;
	[tilespmem:$0x1B900] =	vst v63  }
0x248: {  	s18 =	sshrl.u32 s18, $0x3;
	s21 =	sadd.s32 s8, s20;
	s10 =	simm.s32 $0x1900  }
0x249: {  	[tilespmem:s10], [sflag:$0x1] =	stream.linear.gather [hbm4b:s21+s5], $0x500, $0x38;
	[tilespmem:$0x1B900] =	vst v63  }
0x24a: {  	s21 =	sadd.s32 s1, s18;
	s10 =	simm.s32 $0x4600  }
0x24b: {  	[tilespmem:s10], [sflag:$0x1] =	stream.linear.gather [hbm4b:s21+s5], $0x1400, $0x38;
	[tilespmem:$0x1B900] =	vst v63  }
0x24c: {  	s18 =	sadd.s32 s2, s18;
	s21 =	simm.s32 $0x8200  }
0x24d: {  	[tilespmem:s21], [sflag:$0x1] =	stream.linear.gather [hbm4b:s18+s5], $0x1400, $0x38;
	[tilespmem:$0x1B900] =	vst v63  }
0x24e: {  	s10 =	sadd.s32 s3, s6;
	s21 =	simm.s32 $0x9600  }
0x24f: {  	[tilespmem:s21], [sflag:$0x1] =	stream.linear.gather [hbm4b:s10+s5], $0x500, $0x38;
	[tilespmem:$0x1B900] =	vst v63  }
0x250: {  	s0 =	sadd.s32 $0x300000, s0;
	s10 =	sadd.s32 s3, s19  }
0x251: {  	[tilespmem:s11], [sflag:$0x1] =	stream.linear.gather [hbm4b:s10+s5], $0x500, $0x38;
	[tilespmem:$0x1B900] =	vst v63  }
0x252: {  	s0 =	sshrl.u32 s0, $0x3;
	s19 =	sadd.s32 s3, s20  }
0x253: {  	[tilespmem:s12], [sflag:$0x1] =	stream.linear.gather [hbm4b:s19+s5], $0x500, $0x38;
	[tilespmem:$0x1B900] =	vst v63  }
0x254: {  	s0 =	sadd.s32 s3, s0  }
0x255: {  	[tilespmem:s13], [sflag:$0x1] =	stream.linear.gather [hbm4b:s0+s5], $0x500, $0x38;
	[tilespmem:$0x1B900] =	vst v63  }
0x256: {  	s20 =	sadd.s32 s4, s6  }
0x257: {  	[tilespmem:s14], [sflag:$0x1] =	stream.linear.gather [hbm4b:s20+s5], $0x500, $0x38;
	[tilespmem:$0x1B900] =	vst v63  }
0x258: {  	s21 =	sadd.s32 s9, s6  }
0x259: {  	[tilespmem:s15], [sflag:$0x1] =	stream.linear.gather [hbm4b:s21+s5], $0x500, $0x38;
	[tilespmem:$0x1B900] =	vst v63  }
.LBB2_11:
.Ltmp7:
0x25a: {  	(pc) =	sbr.rel @p0 .LBB2_14-.Ltmp7, $1  }
0x25b: {  	_ =	sdelay $0x3  }
0x25c: {  	_ =	swait.ge [sflag:s23], $0x500  }
0x25d: {  	[sflag:s23] =	ssyncset.done $0x0  }
0x25e: {  	[sflag:s23] =	ssyncadd.s32 $0xFFFFFB00  }
0x25f: {  	_ =	swait.ge [sflag:s23], $0x500  }
0x260: {  	[sflag:s23] =	ssyncset.done $0x0  }
0x261: {  	[sflag:s23] =	ssyncadd.s32 $0xFFFFFB00  }
0x262: {  	_ =	swait.ge [sflag:s23], $0x1400  }
0x263: {  	[sflag:s23] =	ssyncset.done $0x0  }
0x264: {  	[sflag:s23] =	ssyncadd.s32 $0xFFFFEC00  }
0x265: {  	_ =	swait.ge [sflag:s23], $0x1400  }
0x266: {  	[sflag:s23] =	ssyncset.done $0x0  }
0x267: {  	[sflag:s23] =	ssyncadd.s32 $0xFFFFEC00  }
0x268: {  	_ =	swait.ge [sflag:s23], $0x500  }
0x269: {  	[sflag:s23] =	ssyncset.done $0x0  }
0x26a: {  	[sflag:s23] =	ssyncadd.s32 $0xFFFFFB00  }
0x26b: {  	_ =	swait.ge [sflag:s23], $0x500  }
0x26c: {  	[sflag:s23] =	ssyncset.done $0x0  }
0x26d: {  	[sflag:s23] =	ssyncadd.s32 $0xFFFFFB00  }
0x26e: {  	_ =	swait.ge [sflag:s23], $0x1400  }
0x26f: {  	[sflag:s23] =	ssyncset.done $0x0  }
0x270: {  	[sflag:s23] =	ssyncadd.s32 $0xFFFFEC00  }
0x271: {  	_ =	swait.ge [sflag:s23], $0x1400  }
0x272: {  	[sflag:s23] =	ssyncset.done $0x0  }
0x273: {  	[sflag:s23] =	ssyncadd.s32 $0xFFFFEC00  }
0x274: {  	_ =	swait.ge [sflag:s23], $0x500  }
0x275: {  	[sflag:s23] =	ssyncset.done $0x0  }
0x276: {  	[sflag:s23] =	ssyncadd.s32 $0xFFFFFB00  }
0x277: {  	_ =	swait.ge [sflag:s23], $0x500  }
0x278: {  	[sflag:s23] =	ssyncset.done $0x0  }
0x279: {  	[sflag:s23] =	ssyncadd.s32 $0xFFFFFB00  }
0x27a: {  	_ =	swait.ge [sflag:s23], $0x1400  }
0x27b: {  	[sflag:s23] =	ssyncset.done $0x0  }
0x27c: {  	[sflag:s23] =	ssyncadd.s32 $0xFFFFEC00  }
0x27d: {  	_ =	swait.ge [sflag:s23], $0x1400  }
0x27e: {  	[sflag:s23] =	ssyncset.done $0x0  }
0x27f: {  	[sflag:s23] =	ssyncadd.s32 $0xFFFFEC00  }
0x280: {  	_ =	swait.ge [sflag:s23], $0x500  }
0x281: {  	[sflag:s23] =	ssyncset.done $0x0  }
0x282: {  	[sflag:s23] =	ssyncadd.s32 $0xFFFFFB00  }
0x283: {  	_ =	swait.ge [sflag:s23], $0x500  }
0x284: {  	[sflag:s23] =	ssyncset.done $0x0  }
0x285: {  	[sflag:s23] =	ssyncadd.s32 $0xFFFFFB00  }
0x286: {  	_ =	swait.ge [sflag:s23], $0x500  }
0x287: {  	[sflag:s23] =	ssyncset.done $0x0  }
0x288: {  	[sflag:s23] =	ssyncadd.s32 $0xFFFFFB00  }
0x289: {  	_ =	swait.ge [sflag:s23], $0x500  }
0x28a: {  	[sflag:s23] =	ssyncset.done $0x0  }
0x28b: {  	[sflag:s23] =	ssyncadd.s32 $0xFFFFFB00  }
0x28c: {  	_ =	swait.ge [sflag:s23], $0x500  }
0x28d: {  	p0 =	slt.s32 s31, $0xFFB00;
	s0 =	smov.u32 s31;
	[sflag:s23] =	ssyncset.done $0x0  }
0x28e: {  	s0 =	simm.s32 @!p0 $0xFFB00;
	[sflag:s23] =	ssyncadd.s32 $0xFFFFFB00  }
0x28f: {  	s0 =	ssub.s32 s31, s0;
	_ =	swait.ge [sflag:s23], $0x500  }
0x290: {  	v0 =	vmov s0;
	[sflag:s23] =	ssyncset.done $0x0  }
0x291: {  	s0 =	simm.s32 $0x0;
	[tilespmem:$0x1FF90] =	vst v0;
	[sflag:s23] =	ssyncadd.s32 $0xFFFFFB00  }
.LBB2_13:
0x292: {  	s6 =	sshll.u32 s0, $0x4  }
0x293: {  	v0 =	vld [tilespmem:s6+$0xC300]  }
0x294: {  	v1 =	vld [tilespmem:s6+$0xC800]  }
0x295: {  	s18 =	sshll.u32 s0, $0x6;
	v2 =	vld [tilespmem:s6+$0xCD00]  }
0x296: {  	v3 =	vld [tilespmem:s18+$0xD200]  }
0x297: {  	v5 =	vld [tilespmem:s18+$0xE600]  }
0x298: {  	v6 =	vld [tilespmem:s18+$0xFA00]  }
0x299: {  	v7 =	vld [tilespmem:s18+$0xD280]  }
0x29a: {  	v8 =	vld [tilespmem:s18+$0xE680]  }
0x29b: {  	v9 =	vld [tilespmem:s18+$0xFA80]  }
0x29c: {  	v10 =	vld [tilespmem:s18+$0xD300]  }
0x29d: {  	v11 =	vld [tilespmem:s18+$0xE700]  }
0x29e: {  	v12 =	vld [tilespmem:s18+$0xFB00]  }
0x29f: {  	v13 =	vld [tilespmem:s18+$0xD380]  }
0x2a0: {  	v33 =	vld [tilespmem:s18+$0xE780]  }
0x2a1: {  	v35 =	vld [tilespmem:s18+$0xFB80]  }
0x2a2: {  	v46 =	vld [tilespmem:s6+$0x14A00]  }
0x2a3: {  	v48 =	vld [tilespmem:s18+$0x10E00]  }
0x2a4: {  	v49 =	vld [tilespmem:s18+$0x12200]  }
0x2a5: {  	v50 =	vld [tilespmem:s6+$0x14F00]  }
0x2a6: {  	v51 =	vld [tilespmem:s18+$0x10E80]  }
0x2a7: {  	v15 =	vld [tilespmem:s18+$0x12280]  }
0x2a8: {  	v52 =	vld [tilespmem:s6+$0x15400]  }
0x2a9: {  	v16 =	vld [tilespmem:s18+$0x10F00]  }
0x2aa: {  	v17 =	vld [tilespmem:s18+$0x12300]  }
0x2ab: {  	v4 =	vld [tilespmem:s18+$0x13700];
	v3 =	vmul.f32 v3, v0  }
0x2ac: {  	v18 =	vld [tilespmem:s6+$0x15900];
	v5 =	vmul.f32 v5, v1;
	v6 =	vmul.f32 v6, v2  }
0x2ad: {  	v20 =	vld [tilespmem:s18+$0x10F80];
	v31 =	vmul.f32 v7, v0;
	v32 =	vmul.f32 v8, v1  }
0x2ae: {  	v21 =	vld [tilespmem:s18+$0x12380];
	v36 =	vmul.f32 v10, v0;
	v37 =	vmul.f32 v11, v1  }
0x2af: {  	v14 =	vld [tilespmem:s6+$0x15E00];
	v34 =	vmul.f32 v9, v2;
	v3 =	vadd.f32 v5, v3;
	v5 =	vadd.f32 v32, v31  }
0x2b0: {  	v53 =	vld [tilespmem:s6+$0x16300];
	v0 =	vmul.f32 v13, v0;
	v1 =	vmul.f32 v33, v1;
	v9 =	vadd.f32 v37, v36  }
0x2b1: {  	v54 =	vld [tilespmem:s6+$0xB400];
	v38 =	vmul.f32 v12, v2;
	v3 =	vadd.f32 v6, v3;
	v5 =	vadd.f32 v34, v5  }
0x2b2: {  	v22 =	vld [tilespmem:s6+$0xC310];
	v39 =	vmul.f32 v35, v2;
	v0 =	vadd.f32 v1, v0  }
0x2b3: {  	v57 =	vld [tilespmem:s6+$0xC810];
	v6 =	vadd.f32 v38, v9;
	v3 =	vmax.f32 v3, $0.0e+00;
	v5 =	vmax.f32 v5, $0.0e+00  }
0x2b4: {  	v58 =	vld [tilespmem:s6+$0xCD10];
	v0 =	vadd.f32 v39, v0;
	v3 =	vmin.f32 v3, $1.000000000e+00;
	v40 =	vmin.f32 v5, $1.000000000e+00  }
0x2b5: {  	v59 =	vld [tilespmem:s18+$0xD210];
	v41 =	vmax.f32 v6, $0.0e+00;
	vm2 =	vgt.f32 v3, $0.0e+00;
	vm3 =	vgt.f32 v40, $0.0e+00  }
0x2b6: {  	v27 =	vld [tilespmem:s18+$0xE610];
	v5 =	vmin.f32 v41, $1.000000000e+00;
	v42 =	vsel vm2, $0x3F800000, v62;
	v43 =	vsel vm3, $0x3F800000, v62  }
0x2b7: {  	v60 =	vld [tilespmem:s18+$0xFA10];
	v0 =	vmax.f32 v0, $0.0e+00;
	vm2 =	vgt.f32 v5, $0.0e+00;
	v1 =	vadd.f32 v43, v42  }
0x2b8: {  	v61 =	vld [tilespmem:s18+$0xD290];
	v0 =	vmin.f32 v0, $1.000000000e+00;
	v44 =	vsel vm2, $0x3F800000, v62  }
0x2b9: {  	v63 =	vld [tilespmem:s18+$0xE690];
	vm2 =	vgt.f32 v0, $0.0e+00;
	v1 =	vadd.f32 v44, v1  }
0x2ba: {  	v28 =	vld [tilespmem:s18+$0xE710];
	v45 =	vsel vm2, $0x3F800000, v62  }
0x2bb: {  	v29 =	vld [tilespmem:s18+$0xFB10];
	v1 =	vadd.f32 v45, v1  }
0x2bc: {  	v30 =	vld [tilespmem:s18+$0xD3A0]  }
0x2bd: {  	v10 =	vld [tilespmem:s18+$0x13680];
	v1 =	vmax.f32 v1, $1.000000000e+00  }
0x2be: {  	v8 =	vld [tilespmem:$0x1FF90];
	(erf) = vrcp.f32 v1  }
0x2bf: {  	v35 =	vld [tilespmem:s18+$0xD390]  }
0x2c0: {  	v32 =	vld [tilespmem:s18+$0xFA90]  }
0x2c1: {  	v7 =	vmul.f32 v54, v14;
	v54 =	vld [tilespmem:s18+$0xD2A0]  }
0x2c2: {  	v45 =	vld [tilespmem:s6+$0xC320]  }
0x2c3: {  	v33 =	vld [tilespmem:s18+$0xD310];
	v36 =	vmul.f32 v61, v22  }
0x2c4: {  	v37 =	vmul.f32 v63, v57;
	v61 =	vld [tilespmem:s18+$0xD320];
	v34 =	vmul.f32 v27, v57  }
0x2c5: {  	v63 =	vld [tilespmem:s18+$0xE720];
	v39 =	vmul.f32 v32, v58;
	v1 =	vmul.f32 v59, v22  }
0x2c6: {  	v38 =	vld [tilespmem:s18+$0xE790];
	v41 =	vmul.f32 v28, v57;
	v43 =	vmul.f32 v29, v58  }
0x2c7: {  	v27 =	vld [tilespmem:s18+$0x13780];
	v44 =	vmul.f32 v35, v22;
	v1 =	vadd.f32 v34, v1;
	v34 =	vmul.f32 v54, v45;
	v19 =	vpop (erf)  }
0x2c8: {  	v6 =	vld [tilespmem:s18+$0x13600];
	v3 =	vmul.f32 v19, v3;
	v2 =	vmul.f32 v19, v40  }
0x2c9: {  	v31 =	vor.u32 s6, v56;
	v32 =	vld [tilespmem:s18+$0x12290];
	v55 =	vmul.f32 v19, v5;
	v0 =	vmul.f32 v19, v0  }
0x2ca: {  	vm3 =	vge.s32 v31, v8;
	v29 =	vld [tilespmem:s18+$0x12210];
	v25 =	vmul.f32 v3, v46;
	v24 =	vmul.f32 v2, v50  }
0x2cb: {  	v40 =	vld [tilespmem:s18+$0xFB90];
	v11 =	vmul.f32 v55, v52;
	v3 =	vsub.s32 v53, v47;
	v2 =	vmul.f32 v38, v57  }
0x2cc: {  	v46 =	vld [tilespmem:s6+$0xC820];
	vm2 =	vlt.u32 v3, $0x800;
	vm5 =	vgt.s32 v3, $0x0;
	v9 =	vmul.f32 v25, v48  }
0x2cd: {  	v50 =	vld [tilespmem:s18+$0xE620];
	v23 =	vmul.f32 v24, v51;
	v12 =	vmul.f32 v11, v16;
	vm4 =	vmand vm3, vm2  }
0x2ce: {  	v57 =	vld [tilespmem:s18+$0xE6A0];
	v3 =	vnsel vm5, $0x0, v3;
	v16 =	vmul.f32 v60, v58;
	v9 =	vadd.f32 $0.0e+00, v9  }
0x2cf: {  	v19 =	vld [tilespmem:s18+$0x13710];
	v13 =	vmul.f32 v25, v49;
	v15 =	vmul.f32 v24, v15;
	v2 =	vadd.f32 v2, v44  }
0x2d0: {  	v53 =	vld [tilespmem:s18+$0xFA20];
	v17 =	vmul.f32 v17, v11;
	v26 =	vmin.u32 v3, $0x800;
	v9 =	vadd.f32 v9, v23  }
0x2d1: {  	v38 =	vld [tilespmem:s18+$0xFBA0];
	v3 =	vadd.f32 v37, v36;
	v5 =	vmul.f32 v40, v58;
	v1 =	vadd.f32 v16, v1  }
0x2d2: {  	v49 =	vld [tilespmem:s18+$0xD220];
	v13 =	vadd.f32 $0.0e+00, v13;
	v9 =	vadd.f32 v9, v12;
	v12 =	vmul.f32 v18, v0  }
0x2d3: {  	v58 =	vld [tilespmem:s18+$0xFAA0];
	v2 =	vadd.f32 v5, v2;
	v5 =	vmul.f32 v50, v46;
	v35 =	vmul.f32 v57, v46  }
0x2d4: {  	v36 =	vld [tilespmem:s18+$0xE7A0];
	v3 =	vadd.f32 v39, v3;
	v0 =	vmul.f32 v33, v22;
	v20 =	vmul.f32 v20, v12  }
0x2d5: {  	v39 =	vmul.f32 v61, v45;
	v50 =	vld [tilespmem:s18+$0x10E10];
	v1 =	vmax.f32 v1, $0.0e+00;
	v48 =	vadd.f32 v13, v15  }
0x2d6: {  	v61 =	vld [tilespmem:s6+$0x15410];
	v1 =	vmin.f32 v1, $1.000000000e+00;
	v0 =	vadd.f32 v41, v0;
	v9 =	vadd.f32 v20, v9  }
0x2d7: {  	v3 =	vmax.f32 v3, $0.0e+00;
	v2 =	vmax.f32 v2, $0.0e+00;
	v13 =	vmul.f32 v49, v45;
	v49 =	vld [tilespmem:s6+$0x14A10]  }
0x2d8: {  	vm2 =	vgt.f32 v1, $0.0e+00;
	v33 =	vld [tilespmem:s18+$0xFB20];
	v0 =	vadd.f32 v43, v0;
	v7 =	vmul.f32 v7, v9  }
0x2d9: {  	v3 =	vmin.f32 v3, $1.000000000e+00;
	v5 =	vadd.f32 v5, v13;
	v13 =	vadd.f32 v35, v34;
	v34 =	vld [tilespmem:s18+$0x12390]  }
0x2da: {  	vm3 =	vgt.f32 v3, $0.0e+00;
	v51 =	vsel vm2, $0x3F800000, v62;
	v0 =	vmax.f32 v0, $0.0e+00;
	[tilespmem:v26+s22+$0x0] =	vst.idx.add.f32.msk vm4, v7  }
0x2db: {  	v52 =	vsel vm3, $0x3F800000, v62;
	v59 =	vmul.f32 v21, v12;
	v0 =	vmin.f32 v0, $1.000000000e+00;
	v7 =	vld [tilespmem:s6+$0xCD20]  }
0x2dc: {  	v21 =	vmul.f32 v63, v46;
	v63 =	vld [tilespmem:s18+$0x10F10];
	v15 =	vadd.f32 v52, v51;
	vm2 =	vgt.f32 v0, $0.0e+00  }
0x2dd: {  	v31 =	vadd.s32 $0x810, v26;
	v2 =	vmin.f32 v2, $1.000000000e+00;
	v42 =	vld [tilespmem:s6+$0xB900];
	v55 =	vsel vm2, $0x3F800000, v62  }
0x2de: {  	v27 =	vmul.f32 v27, v12;
	v12 =	vld [tilespmem:s18+$0x13720];
	vm2 =	vgt.f32 v2, $0.0e+00;
	v15 =	vadd.f32 v55, v15  }
0x2df: {  	v43 =	vmul.f32 v36, v46;
	v36 =	vld [tilespmem:s6+$0x15910];
	v9 =	vadd.f32 v48, v17;
	v60 =	vsel vm2, $0x3F800000, v62  }
0x2e0: {  	v41 =	vadd.f32 v21, v39;
	v39 =	vld [tilespmem:s18+$0x10F90];
	v15 =	vadd.f32 v60, v15;
	v22 =	vmul.f32 v53, v7  }
0x2e1: {  	v9 =	vadd.f32 v59, v9;
	v55 =	vld [tilespmem:s6+$0x14F10];
	v37 =	vmul.f32 v58, v7;
	v40 =	vmul.f32 v33, v7  }
0x2e2: {  	v7 =	vmul.f32 v38, v7;
	v58 =	vld [tilespmem:s18+$0x10E90];
	v18 =	vmul.f32 v42, v14;
	v15 =	vmax.f32 v15, $1.000000000e+00  }
0x2e3: {  	v33 =	vld [tilespmem:s18+$0x12310];
	v42 =	vmul.f32 v30, v45;
	v5 =	vadd.f32 v22, v5;
	v13 =	vadd.f32 v37, v13  }
0x2e4: {  	(erf) = vrcp.f32 v15;
	v46 =	vadd.f32 v40, v41;
	v37 =	vld [tilespmem:s6+$0x16310];
	v9 =	vmul.f32 v18, v9  }
0x2e5: {  	v40 =	vld [tilespmem:s6+$0xB410];
	v48 =	vadd.f32 v43, v42;
	v5 =	vmax.f32 v5, $0.0e+00;
	v45 =	vmax.f32 v13, $0.0e+00  }
0x2e6: {  	v22 =	vld [tilespmem:s18+$0x13790];
	v13 =	vmax.f32 v46, $0.0e+00;
	v44 =	vmin.f32 v5, $1.000000000e+00;
	v23 =	vmin.f32 v45, $1.000000000e+00  }
0x2e7: {  	v42 =	vld [tilespmem:s6+$0x14A20];
	v7 =	vadd.f32 v7, v48;
	vm2 =	vgt.f32 v44, $0.0e+00;
	vm3 =	vgt.f32 v23, $0.0e+00  }
0x2e8: {  	[tilespmem:v31+s22+$0x0] =	vst.idx.add.f32.msk vm4, v9;
	v53 =	vmin.f32 v13, $1.000000000e+00;
	v51 =	vsel vm2, $0x3F800000, v62;
	v52 =	vsel vm3, $0x3F800000, v62  }
0x2e9: {  	v13 =	vld [tilespmem:s18+$0x13610];
	vm2 =	vgt.f32 v53, $0.0e+00;
	v7 =	vmax.f32 v7, $0.0e+00;
	v15 =	vadd.f32 v52, v51  }
0x2ea: {  	v45 =	vld [tilespmem:s6+$0x14F20];
	v57 =	vsel vm2, $0x3F800000, v62;
	v31 =	vmin.f32 v7, $1.000000000e+00  }
0x2eb: {  	v48 =	vld [tilespmem:s18+$0x10EA0];
	vm2 =	vgt.f32 v31, $0.0e+00;
	v15 =	vadd.f32 v57, v15  }
0x2ec: {  	v28 =	vld [tilespmem:s6+$0xBE00];
	v59 =	vsel vm2, $0x3F800000, v62  }
0x2ed: {  	v52 =	vld [tilespmem:s6+$0x15920];
	v54 =	vpop (erf);
	v18 =	vadd.f32 v59, v15  }
0x2ee: {  	v1 =	vmul.f32 v54, v1;
	v60 =	vmul.f32 v54, v3;
	v15 =	vld [tilespmem:s18+$0x13690]  }
0x2ef: {  	v0 =	vmul.f32 v54, v0;
	v2 =	vmul.f32 v54, v2;
	v54 =	vld [tilespmem:s6+$0x16320];
	v18 =	vmax.f32 v18, $1.000000000e+00  }
0x2f0: {  	v59 =	vld [tilespmem:s6+$0x15E20];
	v16 =	vmul.f32 v1, v49;
	(erf) = vrcp.f32 v18  }
0x2f1: {  	v20 =	vmul.f32 v36, v2;
	v36 =	vld [tilespmem:s18+$0x10E20]  }
0x2f2: {  	v17 =	vmul.f32 v60, v55;
	v49 =	vld [tilespmem:s6+$0x15420];
	v5 =	vmul.f32 v16, v50  }
0x2f3: {  	v60 =	vmul.f32 v24, v10;
	v24 =	vld [tilespmem:s18+$0x13620];
	v18 =	vmul.f32 v0, v61  }
0x2f4: {  	v0 =	vsub.s32 v37, v47;
	v37 =	vld [tilespmem:s18+$0x10F20];
	v7 =	vmul.f32 v17, v58;
	v5 =	vadd.f32 $0.0e+00, v5  }
0x2f5: {  	s19 =	sor.u32 $0x10, s6;
	v25 =	vmul.f32 v25, v6;
	v61 =	vld [tilespmem:s6+$0xB420]  }
0x2f6: {  	v41 =	vor.u32 s19, v56;
	v38 =	vadd.f32 v5, v7;
	v5 =	vld [tilespmem:s6+$0x15E10]  }
0x2f7: {  	v25 =	vadd.f32 $0.0e+00, v25;
	vm3 =	vge.s32 v41, v8;
	vm2 =	vlt.u32 v0, $0x800;
	v58 =	vld [tilespmem:s18+$0x10FA0]  }
0x2f8: {  	vm13 =	vgt.s32 v0, $0x0;
	v29 =	vmul.f32 v16, v29;
	v13 =	vmul.f32 v16, v13;
	v16 =	vld [tilespmem:s18+$0xE670]  }
0x2f9: {  	v43 =	vmul.f32 v39, v20;
	v1 =	vmul.f32 v18, v63;
	vm2 =	vmand vm3, vm2;
	v63 =	vld [tilespmem:s18+$0x12220];
	v35 =	vpop (erf)  }
0x2fa: {  	v0 =	vnsel vm13, $0x0, v0;
	v30 =	vmul.f32 v61, v59;
	v61 =	vld [tilespmem:s6+$0xC840];
	v44 =	vmul.f32 v35, v44  }
0x2fb: {  	v1 =	vadd.f32 v38, v1;
	v46 =	vmul.f32 v40, v5;
	v50 =	vmul.f32 v35, v23;
	v40 =	vld [tilespmem:s18+$0x122A0]  }
0x2fc: {  	v51 =	vmul.f32 v35, v53;
	v31 =	vmul.f32 v35, v31;
	v35 =	vadd.f32 v25, v60;
	v25 =	vld [tilespmem:s18+$0x136A0]  }
0x2fd: {  	v7 =	vmin.u32 v0, $0x800;
	v1 =	vadd.f32 v43, v1;
	v21 =	vmul.f32 v44, v42;
	v42 =	vld [tilespmem:s18+$0x12320]  }
0x2fe: {  	v11 =	vmul.f32 v4, v11;
	v44 =	vld [tilespmem:s18+$0x123A0]  }
0x2ff: {  	v1 =	vmul.f32 v46, v1;
	v46 =	vld [tilespmem:s18+$0x137A0]  }
0x300: {  	v15 =	vmul.f32 v17, v15;
	v23 =	vmul.f32 v50, v45;
	v11 =	vadd.f32 v35, v11;
	v35 =	vld [tilespmem:s6+$0x14F30]  }
0x301: {  	v10 =	vmul.f32 v52, v31;
	v45 =	vmul.f32 v17, v32;
	v17 =	vld [tilespmem:s18+$0xD2F0]  }
0x302: {  	v29 =	vadd.f32 $0.0e+00, v29;
	[tilespmem:v7+s22+$0x0] =	vst.idx.add.f32.msk vm2, v1  }
0x303: {  	v31 =	vmul.f32 v58, v10;
	v58 =	vld [tilespmem:s6+$0xC830]  }
0x304: {  	v29 =	vadd.f32 v29, v45;
	v45 =	vld [tilespmem:s18+$0xFAB0]  }
0x305: {  	v3 =	vmul.f32 v23, v48;
	v27 =	vadd.f32 v27, v11;
	v11 =	vld [tilespmem:s6+$0xCD40]  }
0x306: {  	v0 =	vsub.s32 v54, v47;
	v48 =	vmul.f32 v33, v18;
	v18 =	vmul.f32 v19, v18;
	v19 =	vld [tilespmem:s18+$0xD370]  }
0x307: {  	v28 =	vmul.f32 v28, v14;
	v47 =	vadd.s32 $0x1020, v26;
	vm3 =	vlt.u32 v0, $0x800;
	v55 =	vld [tilespmem:s6+$0xB910]  }
0x308: {  	vm6 =	vgt.s32 v0, $0x0;
	v9 =	vmul.f32 v51, v49;
	v2 =	vmul.f32 v23, v40;
	v40 =	vld [tilespmem:s18+$0xD230]  }
0x309: {  	v0 =	vnsel vm6, $0x0, v0;
	v36 =	vmul.f32 v21, v36;
	v50 =	vadd.f32 v29, v48;
	v48 =	vld [tilespmem:s18+$0xFB30]  }
0x30a: {  	v41 =	vmin.u32 v0, $0x800;
	v27 =	vmul.f32 v28, v27;
	v0 =	vmul.f32 v42, v9;
	v42 =	vld [tilespmem:s18+$0xFA30]  }
0x30b: {  	v26 =	vadd.s32 $0x1830, v26;
	v53 =	vadd.f32 $0.0e+00, v36;
	[tilespmem:$0x1FF60] =	vst v46;
	v46 =	vld [tilespmem:s18+$0xD330]  }
0x30c: {  	[tilespmem:v47+s22+$0x0] =	vst.idx.add.f32.msk vm4, v27  }
0x30d: {  	s20 =	sor.u32 $0x20, s6;
	v51 =	vmul.f32 v34, v20;
	v3 =	vadd.f32 v53, v3;
	v53 =	vmul.f32 v44, v10;
	v44 =	vld [tilespmem:s18+$0xE6B0]  }
0x30e: {  	v39 =	vor.u32 s20, v56;
	v52 =	vadd.s32 $0x810, v7;
	v57 =	vmul.f32 v9, v37;
	v47 =	vld [tilespmem:s18+$0xE730]  }
0x30f: {  	vm14 =	vge.s32 v39, v8;
	v28 =	vadd.f32 v51, v50;
	v50 =	vld [tilespmem:s18+$0xE7B0];
	v1 =	vmul.f32 v55, v5  }
0x310: {  	vm3 =	vmand vm14, vm3;
	v43 =	vmul.f32 v21, v63;
	[tilespmem:v26+s22+$0x0] =	vst.idx.add.f32.msk vm4, v14;
	v3 =	vadd.f32 v3, v57  }
0x311: {  	v57 =	vld [tilespmem:s6+$0xC330];
	v1 =	vmul.f32 v1, v28  }
0x312: {  	v3 =	vadd.f32 v31, v3;
	v31 =	vadd.f32 $0.0e+00, v43;
	v43 =	vld [tilespmem:s18+$0xD2B0]  }
0x313: {  	[tilespmem:v52+s22+$0x0] =	vst.idx.add.f32.msk vm2, v1  }
0x314: {  	v3 =	vmul.f32 v30, v3;
	v52 =	vmul.f32 v44, v58;
	v44 =	vld [tilespmem:s18+$0xD2C0]  }
0x315: {  	v1 =	vmul.f32 v50, v58;
	v50 =	vld [tilespmem:s18+$0xE740]  }
0x316: {  	[tilespmem:v41+s22+$0x0] =	vst.idx.add.f32.msk vm3, v3  }
0x317: {  	v2 =	vadd.f32 v31, v2;
	v49 =	vld [tilespmem:s6+$0xB920]  }
0x318: {  	[tilespmem:$0x1FF80] =	vst v41;
	v54 =	vadd.s32 $0x810, v41;
	v41 =	vld [tilespmem:s18+$0xE630]  }
0x319: {  	v63 =	vmul.f32 v46, v57;
	v46 =	vld [tilespmem:s18+$0xFAC0];
	v0 =	vadd.f32 v2, v0  }
0x31a: {  	v3 =	vmul.f32 v40, v57;
	v40 =	vld [tilespmem:s18+$0xD240]  }
0x31b: {  	v0 =	vadd.f32 v53, v0;
	v53 =	vld [tilespmem:s18+$0xFBB0]  }
0x31c: {  	[tilespmem:$0x1FF70] =	vst v59;
	v13 =	vadd.f32 $0.0e+00, v13;
	v55 =	vmul.f32 v49, v59;
	v59 =	vld [tilespmem:s6+$0xCD30]  }
0x31d: {  	v51 =	vmul.f32 v43, v57;
	v14 =	vmul.f32 v41, v58;
	v41 =	vld [tilespmem:s18+$0xE640]  }
0x31e: {  	v13 =	vadd.f32 v13, v15;
	v49 =	vld [tilespmem:s18+$0xD3B0];
	v0 =	vmul.f32 v55, v0  }
0x31f: {  	v3 =	vadd.f32 v14, v3;
	v14 =	vadd.f32 v52, v51;
	v51 =	vld [tilespmem:s18+$0xFB40]  }
0x320: {  	v6 =	vmul.f32 v47, v58;
	[tilespmem:v54+s22+$0x0] =	vst.idx.add.f32.msk vm3, v0  }
0x321: {  	v13 =	vadd.f32 v13, v18;
	v33 =	vmul.f32 v50, v61;
	v54 =	vld [tilespmem:s6+$0xC340];
	v26 =	vmul.f32 v42, v59  }
0x322: {  	v29 =	vadd.f32 v6, v63;
	v60 =	vmul.f32 v45, v59;
	v39 =	vmul.f32 v48, v59;
	v42 =	vld [tilespmem:s18+$0xFA40]  }
0x323: {  	v30 =	vmul.f32 v41, v61;
	v0 =	vmul.f32 v49, v57;
	v45 =	vld [tilespmem:s18+$0xE6C0];
	v3 =	vadd.f32 v26, v3  }
0x324: {  	v43 =	vmul.f32 v53, v59;
	v49 =	vld [tilespmem:s18+$0xD340];
	v14 =	vadd.f32 v60, v14;
	v26 =	vadd.f32 v39, v29  }
0x325: {  	v18 =	vld [tilespmem:s18+$0xE770];
	v59 =	vmul.f32 v51, v11;
	v0 =	vadd.f32 v1, v0;
	v1 =	vmul.f32 v46, v11  }
0x326: {  	v63 =	vld [tilespmem:s6+$0x15430];
	v3 =	vmax.f32 v3, $0.0e+00;
	v14 =	vmax.f32 v14, $0.0e+00;
	v26 =	vmax.f32 v26, $0.0e+00  }
0x327: {  	v50 =	vld [tilespmem:s18+$0x10E40];
	v0 =	vadd.f32 v43, v0;
	v31 =	vmul.f32 v40, v54;
	v2 =	vmul.f32 v44, v54  }
0x328: {  	v39 =	vld [tilespmem:s18+$0xD3C0];
	v3 =	vmin.f32 v3, $1.000000000e+00;
	v29 =	vmin.f32 v14, $1.000000000e+00;
	v32 =	vmul.f32 v42, v11  }
0x329: {  	v55 =	vld [tilespmem:s18+$0xFBC0];
	v26 =	vmin.f32 v26, $1.000000000e+00;
	v14 =	vmul.f32 v45, v61;
	v57 =	vmul.f32 v49, v54  }
0x32a: {  	v41 =	vld [tilespmem:s18+$0x10E30];
	vm15 =	vgt.f32 v3, $0.0e+00;
	vm8 =	vgt.f32 v29, $0.0e+00;
	vm9 =	vgt.f32 v26, $0.0e+00  }
0x32b: {  	v40 =	vld [tilespmem:s18+$0xE7C0];
	v0 =	vmax.f32 v0, $0.0e+00;
	v30 =	vadd.f32 v30, v31;
	v47 =	vsel vm15, $0x3F800000, v62  }
0x32c: {  	v53 =	vld [tilespmem:s6+$0x14A30];
	v48 =	vsel vm8, $0x3F800000, v62;
	v0 =	vmin.f32 v0, $1.000000000e+00;
	v38 =	vsel vm9, $0x3F800000, v62  }
0x32d: {  	v51 =	vld [tilespmem:s6+$0x15440];
	v2 =	vadd.f32 v14, v2;
	v60 =	vmul.f32 v39, v54;
	v28 =	vadd.f32 v48, v47  }
0x32e: {  	v46 =	vld [tilespmem:s6+$0x16330];
	v14 =	vmul.f32 v55, v11;
	vm10 =	vgt.f32 v0, $0.0e+00;
	v30 =	vadd.f32 v32, v30  }
0x32f: {  	v43 =	vld [tilespmem:s18+$0x122B0];
	v32 =	vadd.f32 v33, v57;
	v52 =	vsel vm10, $0x3F800000, v62;
	v28 =	vadd.f32 v38, v28  }
0x330: {  	v44 =	vld [tilespmem:s18+$0x10FB0];
	v1 =	vadd.f32 v1, v2;
	v27 =	vmul.f32 v40, v61;
	v58 =	vmax.f32 v30, $0.0e+00  }
0x331: {  	v45 =	vld [tilespmem:s18+$0x12330];
	v2 =	vadd.f32 v59, v32;
	v34 =	vmin.f32 v58, $1.000000000e+00;
	v28 =	vadd.f32 v52, v28  }
0x332: {  	v49 =	vld [tilespmem:s6+$0x14A40];
	v1 =	vmax.f32 v1, $0.0e+00;
	v27 =	vadd.f32 v27, v60;
	vm11 =	vgt.f32 v34, $0.0e+00  }
0x333: {  	v31 =	vld [tilespmem:s18+$0x12230];
	v1 =	vmin.f32 v1, $1.000000000e+00;
	v2 =	vmax.f32 v2, $0.0e+00;
	v28 =	vmax.f32 v28, $1.000000000e+00  }
0x334: {  	v11 =	vld [tilespmem:s18+$0x10F30];
	vm12 =	vgt.f32 v1, $0.0e+00;
	v14 =	vadd.f32 v14, v27;
	(erf) = vrcp.f32 v28  }
0x335: {  	[tilespmem:$0x1FF50] =	vst v5;
	v57 =	vld [tilespmem:s6+$0x15930];
	v5 =	vsel vm11, $0x3F800000, v62;
	v2 =	vmin.f32 v2, $1.000000000e+00;
	v6 =	vsel vm12, $0x3F800000, v62  }
0x336: {  	v48 =	vld [tilespmem:s6+$0xB430];
	vm13 =	vgt.f32 v2, $0.0e+00;
	v33 =	vadd.f32 v6, v5;
	v14 =	vmax.f32 v14, $0.0e+00  }
0x337: {  	v47 =	vld [tilespmem:s6+$0x16340];
	v54 =	vsel vm13, $0x3F800000, v62;
	v42 =	vmin.f32 v14, $1.000000000e+00  }
0x338: {  	v61 =	vld [tilespmem:s18+$0x10EB0];
	v55 =	vadd.f32 v54, v33;
	vm14 =	vgt.f32 v42, $0.0e+00  }
0x339: {  	v30 =	vld [tilespmem:s18+$0x13630];
	v58 =	vsel vm14, $0x3F800000, v62  }
0x33a: {  	v32 =	vld [tilespmem:s18+$0x136B0];
	v39 =	vadd.f32 v58, v55  }
0x33b: {  	v38 =	vld [tilespmem:s18+$0x10EC0]  }
0x33c: {  	v60 =	vld [tilespmem:s6+$0x14F40];
	v39 =	vmax.f32 v39, $1.000000000e+00  }
0x33d: {  	v52 =	vld [tilespmem:s6+$0x15940];
	v59 =	vpop (erf);
	(erf) = vrcp.f32 v39  }
0x33e: {  	v27 =	vld [tilespmem:s18+$0x10FC0]  }
0x33f: {  	v14 =	vld [tilespmem:s6+$0x15E30];
	v3 =	vmul.f32 v59, v3  }
0x340: {  	v28 =	vld [tilespmem:s18+$0x13730]  }
0x341: {  	v55 =	vld [tilespmem:$0x1FFF0];
	v29 =	vmul.f32 v59, v29;
	v40 =	vmul.f32 v3, v53  }
0x342: {  	v54 =	vld [tilespmem:s18+$0xE650];
	v26 =	vmul.f32 v59, v26  }
0x343: {  	v58 =	vld [tilespmem:s18+$0xD250];
	v39 =	vmul.f32 v29, v35;
	v41 =	vmul.f32 v40, v41  }
0x344: {  	v48 =	vmul.f32 v48, v14;
	v0 =	vmul.f32 v59, v0;
	v29 =	vld [tilespmem:s18+$0x10F40]  }
0x345: {  	s21 =	sor.u32 $0x30, s6;
	v35 =	vmul.f32 v26, v63;
	v53 =	vld [tilespmem:s6+$0xC350];
	v37 =	vmul.f32 v39, v61;
	v41 =	vadd.f32 $0.0e+00, v41  }
0x346: {  	v59 =	vor.u32 s21, v56;
	v36 =	vmul.f32 v57, v0;
	v0 =	vld [tilespmem:s6+$0xC850];
	v57 =	vsub.s32 v46, v55;
	v26 =	vpop (erf)  }
0x347: {  	v55 =	vld [tilespmem:s18+$0x123B0];
	v61 =	vmul.f32 v35, v11;
	v37 =	vadd.f32 v41, v37;
	v34 =	vmul.f32 v26, v34  }
0x348: {  	vm8 =	vge.s32 v59, v8;
	v11 =	vmul.f32 v44, v36;
	v44 =	vld [tilespmem:s18+$0xD350];
	v1 =	vmul.f32 v26, v1  }
0x349: {  	v31 =	vmul.f32 v40, v31;
	v63 =	vadd.f32 v37, v61;
	v34 =	vmul.f32 v34, v49;
	v49 =	vld [tilespmem:s6+$0xCD50]  }
0x34a: {  	vm15 =	vlt.u32 v57, $0x800;
	v37 =	vmul.f32 v1, v60;
	v60 =	vmul.f32 v26, v2;
	v2 =	vld [tilespmem:s18+$0xFA50]  }
0x34b: {  	v43 =	vmul.f32 v39, v43;
	v30 =	vmul.f32 v40, v30;
	v61 =	vadd.f32 v11, v63;
	v63 =	vld [tilespmem:s18+$0xD2D0]  }
0x34c: {  	vm9 =	vgt.s32 v57, $0x0;
	v32 =	vmul.f32 v39, v32;
	v11 =	vld [tilespmem:s18+$0xE6D0];
	v50 =	vmul.f32 v34, v50  }
0x34d: {  	vm4 =	vmand vm8, vm15;
	v6 =	vmul.f32 v37, v38;
	v38 =	vmul.f32 v60, v51;
	v51 =	vld [tilespmem:s18+$0xFAD0]  }
0x34e: {  	v57 =	vnsel vm9, $0x0, v57;
	v58 =	vmul.f32 v58, v53;
	v26 =	vmul.f32 v26, v42;
	v60 =	vld [tilespmem:$0x1FFF0]  }
0x34f: {  	s31 =	sor.u32 $0x40, s6;
	v59 =	vmul.f32 v54, v0;
	v3 =	vmul.f32 v48, v61;
	v48 =	vld [tilespmem:s18+$0xE750];
	v5 =	vadd.f32 $0.0e+00, v50  }
0x350: {  	v33 =	vmul.f32 v52, v26;
	v26 =	vmin.u32 v57, $0x800;
	v52 =	vor.u32 s31, v56;
	v61 =	vld [tilespmem:s18+$0xD3D0]  }
0x351: {  	v57 =	vmul.f32 v44, v53;
	v29 =	vmul.f32 v38, v29;
	v50 =	vld [tilespmem:s18+$0xFB50];
	v42 =	vadd.f32 v5, v6  }
0x352: {  	vm11 =	vge.s32 v52, v8;
	v41 =	vmul.f32 v63, v53;
	v1 =	vmul.f32 v11, v0;
	v63 =	vld [tilespmem:s18+$0xE7D0]  }
0x353: {  	v27 =	vmul.f32 v27, v33;
	v2 =	vmul.f32 v2, v49;
	v6 =	vld [tilespmem:s18+$0xFBD0];
	v29 =	vadd.f32 v42, v29  }
0x354: {  	v46 =	vld [tilespmem:s18+$0x136C0];
	v5 =	vmul.f32 v51, v49;
	v42 =	vadd.f32 v59, v58;
	v1 =	vadd.f32 v1, v41  }
0x355: {  	v40 =	vld [tilespmem:s18+$0x10FE0];
	v47 =	vsub.s32 v47, v60;
	v58 =	vmul.f32 v48, v0;
	v60 =	vmul.f32 v61, v53  }
0x356: {  	v39 =	vld [tilespmem:$0x1FFF0];
	v59 =	vmul.f32 v50, v49;
	v2 =	vadd.f32 v2, v42;
	v1 =	vadd.f32 v5, v1  }
0x357: {  	v54 =	vld [tilespmem:s18+$0x123C0];
	v56 =	vadd.f32 v27, v29;
	v42 =	vadd.f32 v58, v57;
	v0 =	vmul.f32 v63, v0  }
0x358: {  	v41 =	vld [tilespmem:s18+$0x137B0];
	v29 =	vmul.f32 v6, v49;
	v2 =	vmax.f32 v2, $0.0e+00;
	v1 =	vmax.f32 v1, $0.0e+00  }
0x359: {  	[tilespmem:v26+s22+$0x0] =	vst.idx.add.f32.msk vm4, v3;
	v3 =	vadd.f32 v59, v42;
	v2 =	vmin.f32 v2, $1.000000000e+00;
	v0 =	vadd.f32 v0, v60  }
0x35a: {  	vm10 =	vlt.u32 v47, $0x800;
	v27 =	vld [tilespmem:s6+$0x15E40];
	v1 =	vmin.f32 v1, $1.000000000e+00;
	vm13 =	vgt.f32 v2, $0.0e+00  }
0x35b: {  	v63 =	vld [tilespmem:s6+$0xB440];
	vm7 =	vgt.f32 v1, $0.0e+00;
	v3 =	vmax.f32 v3, $0.0e+00;
	v0 =	vadd.f32 v29, v0  }
0x35c: {  	v44 =	vld [tilespmem:s18+$0x13640];
	v57 =	vsel vm13, $0x3F800000, v62;
	v58 =	vsel vm7, $0x3F800000, v62;
	v3 =	vmin.f32 v3, $1.000000000e+00  }
0x35d: {  	v52 =	vld [tilespmem:s18+$0x12340];
	v59 =	vadd.f32 v58, v57;
	vm14 =	vgt.f32 v3, $0.0e+00;
	v0 =	vmax.f32 v0, $0.0e+00  }
0x35e: {  	vm12 =	vgt.s32 v47, $0x0;
	v48 =	vld [tilespmem:s18+$0x12240];
	v60 =	vsel vm14, $0x3F800000, v62;
	v5 =	vmin.f32 v0, $1.000000000e+00  }
0x35f: {  	v51 =	vld [tilespmem:s6+$0xB930];
	v61 =	vnsel vm12, $0x0, v47;
	v42 =	vadd.f32 v60, v59;
	vm15 =	vgt.f32 v5, $0.0e+00  }
0x360: {  	v47 =	vld [tilespmem:s18+$0x13740];
	v29 =	vmin.u32 v61, $0x800;
	v61 =	vmul.f32 v63, v27;
	v63 =	vsel vm15, $0x3F800000, v62  }
0x361: {  	v49 =	vld [tilespmem:s18+$0x122C0];
	v50 =	vadd.f32 v63, v42  }
0x362: {  	v57 =	vld [tilespmem:s6+$0x14F50]  }
0x363: {  	v58 =	vld [tilespmem:s18+$0x10ED0];
	v50 =	vmax.f32 v50, $1.000000000e+00  }
0x364: {  	v53 =	vmul.f32 v61, v56;
	v56 =	vld [tilespmem:s18+$0x10E50];
	(erf) = vrcp.f32 v50  }
0x365: {  	v59 =	vld [tilespmem:s6+$0x15450]  }
0x366: {  	vm5 =	vmand vm11, vm10;
	v60 =	vld [tilespmem:s18+$0x10F50]  }
0x367: {  	v61 =	vld [tilespmem:s6+$0x15950];
	v0 =	vadd.f32 $0.0e+00, v31  }
0x368: {  	v62 =	vld [tilespmem:s6+$0x16350]  }
0x369: {  	v43 =	vadd.f32 v0, v43;
	v0 =	vld [tilespmem:s6+$0xC360]  }
0x36a: {  	v48 =	vmul.f32 v34, v48;
	v42 =	vld [tilespmem:s18+$0x137C0]  }
0x36b: {  	v50 =	vld [tilespmem:s6+$0x14A50]  }
0x36c: {  	v48 =	vadd.f32 $0.0e+00, v48;
	v49 =	vmul.f32 v37, v49;
	[tilespmem:v29+s22+$0x0] =	vst.idx.add.f32.msk vm5, v53  }
0x36d: {  	v45 =	vmul.f32 v45, v35;
	v63 =	vld [tilespmem:s18+$0x10FD0];
	v4 =	vpop (erf)  }
0x36e: {  	v52 =	vmul.f32 v52, v38;
	v49 =	vadd.f32 v48, v49;
	v53 =	vld [tilespmem:s6+$0xB940];
	v2 =	vmul.f32 v4, v2  }
0x36f: {  	v43 =	vadd.f32 v43, v45;
	v45 =	vmul.f32 v55, v36;
	v55 =	vld [tilespmem:s18+$0xD260];
	v1 =	vmul.f32 v4, v1  }
0x370: {  	v3 =	vmul.f32 v4, v3;
	v50 =	vmul.f32 v2, v50;
	v2 =	vld [tilespmem:s6+$0xC860]  }
0x371: {  	v54 =	vmul.f32 v54, v33;
	v52 =	vadd.f32 v49, v52;
	v48 =	vmul.f32 v1, v57;
	v1 =	vld [tilespmem:s6+$0xCD60]  }
0x372: {  	v43 =	vadd.f32 v45, v43;
	v57 =	vld [tilespmem:s18+$0xE660];
	v49 =	vmul.f32 v3, v59;
	v45 =	vmul.f32 v50, v56  }
0x373: {  	v3 =	vmul.f32 v4, v5;
	v4 =	vld [tilespmem:s18+$0xFA60];
	v5 =	vmul.f32 v51, v14;
	v51 =	vadd.f32 v54, v52  }
0x374: {  	v52 =	vmul.f32 v53, v27;
	v53 =	vld [tilespmem:s18+$0xD2E0];
	v56 =	vmul.f32 v48, v58;
	v45 =	vadd.f32 $0.0e+00, v45  }
0x375: {  	v58 =	vadd.s32 $0x810, v26;
	v5 =	vmul.f32 v5, v43;
	v43 =	vld [tilespmem:s18+$0xFAE0]  }
0x376: {  	v54 =	vadd.f32 v45, v56;
	v45 =	vmul.f32 v61, v3;
	v3 =	vld [tilespmem:s18+$0xE6E0]  }
0x377: {  	v55 =	vmul.f32 v55, v0;
	v57 =	vmul.f32 v57, v2;
	v61 =	vld [tilespmem:$0x1FFF0]  }
0x378: {  	v46 =	vmul.f32 v37, v46;
	v60 =	vmul.f32 v49, v60;
	v56 =	vld [tilespmem:s18+$0xD360]  }
0x379: {  	v11 =	vlaneseq.u32;
	v51 =	vmul.f32 v52, v51;
	v55 =	vadd.f32 v57, v55;
	v57 =	vld [tilespmem:s18+$0xD3E0]  }
0x37a: {  	v6 =	vimm.s32 $0x0;
	[tilespmem:v58+s22+$0x0] =	vst.idx.add.f32.msk vm4, v5;
	v52 =	vadd.f32 v54, v60;
	v54 =	vmul.f32 v63, v45  }
0x37b: {  	s10 =	sor.u32 $0x50, s6;
	v59 =	vadd.s32 $0x810, v29;
	v4 =	vmul.f32 v4, v1;
	v53 =	vmul.f32 v53, v0;
	v60 =	vld [tilespmem:s18+$0xE760]  }
0x37c: {  	v52 =	vadd.f32 v54, v52;
	v54 =	vor.u32 s10, v11;
	v61 =	vsub.s32 v62, v61;
	v62 =	vld [tilespmem:s18+$0xFB60]  }
0x37d: {  	v4 =	vadd.f32 v4, v55;
	vm10 =	vge.s32 v54, v8;
	v3 =	vmul.f32 v3, v2;
	v54 =	vld [tilespmem:s18+$0xE7E0]  }
0x37e: {  	v63 =	vld [tilespmem:s18+$0xFBE0];
	v5 =	vmul.f32 v56, v0;
	vm9 =	vlt.u32 v61, $0x800;
	vm11 =	vgt.s32 v61, $0x0  }
0x37f: {  	v31 =	vld [tilespmem:s6+$0x15E50];
	v61 =	vnsel vm11, $0x0, v61;
	v3 =	vadd.f32 v3, v53;
	v53 =	vmul.f32 v43, v1  }
0x380: {  	v55 =	vld [tilespmem:s6+$0xB450];
	v4 =	vmax.f32 v4, $0.0e+00;
	v43 =	vmin.u32 v61, $0x800;
	v61 =	vmul.f32 v60, v2  }
0x381: {  	[tilespmem:v59+s22+$0x0] =	vst.idx.add.f32.msk vm5, v51;
	v0 =	vmul.f32 v57, v0;
	v4 =	vmin.f32 v4, $1.000000000e+00;
	v3 =	vadd.f32 v53, v3  }
0x382: {  	v37 =	vld [tilespmem:s18+$0x10E70];
	v62 =	vmul.f32 v62, v1;
	v5 =	vadd.f32 v61, v5;
	v2 =	vmul.f32 v54, v2  }
0x383: {  	v51 =	vld [tilespmem:s18+$0x137D0];
	vm6 =	vmand vm10, vm9;
	vm12 =	vgt.f32 v4, $0.0e+00;
	v1 =	vmul.f32 v63, v1  }
0x384: {  	v58 =	vld [tilespmem:s18+$0x12250];
	v3 =	vmax.f32 v3, $0.0e+00;
	v5 =	vadd.f32 v62, v5;
	v0 =	vadd.f32 v2, v0  }
0x385: {  	v56 =	vld [tilespmem:s18+$0x122D0];
	v55 =	vmul.f32 v55, v31;
	v60 =	vsel vm12, $0x3F800000, v6;
	v3 =	vmin.f32 v3, $1.000000000e+00  }
0x386: {  	v57 =	vld [tilespmem:s18+$0x123D0];
	vm8 =	vgt.f32 v3, $0.0e+00;
	v5 =	vmax.f32 v5, $0.0e+00;
	v0 =	vadd.f32 v1, v0  }
0x387: {  	v53 =	vld [tilespmem:s18+$0x136D0];
	v63 =	vmul.f32 v55, v52;
	v61 =	vsel vm8, $0x3F800000, v6;
	v5 =	vmin.f32 v5, $1.000000000e+00  }
0x388: {  	v55 =	vld [tilespmem:s18+$0x12350];
	v1 =	vadd.f32 v61, v60;
	vm13 =	vgt.f32 v5, $0.0e+00;
	v0 =	vmax.f32 v0, $0.0e+00  }
0x389: {  	v58 =	vmul.f32 v50, v58;
	v54 =	vld [tilespmem:s18+$0x13650];
	v62 =	vsel vm13, $0x3F800000, v6;
	v0 =	vmin.f32 v0, $1.000000000e+00  }
0x38a: {  	v52 =	vld [tilespmem:s18+$0x13750];
	v1 =	vadd.f32 v62, v1;
	vm14 =	vgt.f32 v0, $0.0e+00  }
0x38b: {  	v58 =	vadd.f32 $0.0e+00, v58;
	v56 =	vmul.f32 v48, v56;
	[tilespmem:v43+s22+$0x0] =	vst.idx.add.f32.msk vm6, v63;
	v63 =	vsel vm14, $0x3F800000, v6  }
0x38c: {  	v59 =	vld [tilespmem:s6+$0x14A60];
	v1 =	vadd.f32 v63, v1  }
0x38d: {  	v56 =	vadd.f32 v58, v56;
	v58 =	vld [tilespmem:s18+$0xD270];
	v55 =	vmul.f32 v55, v49  }
0x38e: {  	v2 =	vld [tilespmem:s6+$0xB950];
	v1 =	vmax.f32 v1, $1.000000000e+00  }
0x38f: {  	v60 =	vld [tilespmem:s18+$0x10E60];
	v55 =	vadd.f32 v56, v55;
	v6 =	vmul.f32 v57, v45;
	(erf) = vrcp.f32 v1  }
0x390: {  	v62 =	vld [tilespmem:s6+$0xC870]  }
0x391: {  	v6 =	vadd.f32 v6, v55;
	v55 =	vld [tilespmem:s18+$0xE6F0]  }
0x392: {  	v1 =	vld [tilespmem:s6+$0xC370]  }
0x393: {  	v56 =	vmul.f32 v22, v20;
	v20 =	vmul.f32 v21, v24;
	v21 =	vld [tilespmem:s18+$0xFAF0]  }
0x394: {  	v2 =	vmul.f32 v2, v31;
	v63 =	vld [tilespmem:s6+$0xCD70]  }
0x395: {  	v22 =	vmul.f32 v23, v25;
	v24 =	vld [tilespmem:s18+$0xE7F0]  }
0x396: {  	v61 =	vld [tilespmem:s6+$0x14F60];
	v2 =	vmul.f32 v2, v6;
	v16 =	vmul.f32 v16, v62  }
0x397: {  	v57 =	vld [tilespmem:s18+$0xFA70];
	v55 =	vmul.f32 v55, v62;
	v17 =	vmul.f32 v17, v1  }
0x398: {  	v18 =	vmul.f32 v18, v62;
	v6 =	vmul.f32 v58, v1;
	v58 =	vld [tilespmem:s18+$0xD3F0];
	v23 =	vpop (erf)  }
0x399: {  	v25 =	vld [tilespmem:s18+$0xFB70];
	v21 =	vmul.f32 v21, v63;
	v17 =	vadd.f32 v55, v17;
	v3 =	vmul.f32 v23, v3  }
0x39a: {  	v56 =	vadd.f32 v56, v13;
	v24 =	vmul.f32 v24, v62;
	v55 =	vld [tilespmem:s18+$0xFBF0];
	v4 =	vmul.f32 v23, v4  }
0x39b: {  	v17 =	vadd.f32 v21, v17;
	v21 =	vadd.s32 $0x810, v43;
	v13 =	vmul.f32 v3, v61;
	v3 =	vld [tilespmem:s18+$0x10EE0]  }
0x39c: {  	v15 =	vmul.f32 v4, v59;
	v4 =	vadd.f32 v16, v6;
	v59 =	vmul.f32 v57, v63;
	v57 =	vld [tilespmem:s6+$0xBE10]  }
0x39d: {  	v20 =	vadd.f32 $0.0e+00, v20;
	v6 =	vmul.f32 v19, v1;
	v1 =	vmul.f32 v58, v1;
	v19 =	vld [tilespmem:s6+$0xBE40]  }
0x39e: {  	v62 =	vimm.s32 $0x0;
	v4 =	vadd.f32 v59, v4;
	v61 =	vmul.f32 v15, v60;
	v59 =	vld [tilespmem:s6+$0xBE20]  }
0x39f: {  	v16 =	vadd.f32 v18, v6;
	v18 =	vmul.f32 v25, v63;
	v25 =	vld [tilespmem:s6+$0xBE30];
	v1 =	vadd.f32 v24, v1  }
0x3a0: {  	v17 =	vmax.f32 v17, $0.0e+00;
	v63 =	vmul.f32 v55, v63;
	[tilespmem:v21+s22+$0x0] =	vst.idx.add.f32.msk vm6, v2;
	v2 =	vmul.f32 v23, v5  }
0x3a1: {  	v60 =	vld [tilespmem:s6+$0x15460];
	v5 =	vmin.f32 v17, $1.000000000e+00;
	v4 =	vmax.f32 v4, $0.0e+00;
	v16 =	vadd.f32 v18, v16  }
0x3a2: {  	v0 =	vmul.f32 v23, v0;
	v24 =	vld [tilespmem:s18+$0x10F60];
	vm12 =	vgt.f32 v5, $0.0e+00;
	v4 =	vmin.f32 v4, $1.000000000e+00  }
0x3a3: {  	v21 =	vld [tilespmem:s18+$0x13660];
	v1 =	vadd.f32 v63, v1;
	vm15 =	vgt.f32 v4, $0.0e+00;
	v16 =	vmax.f32 v16, $0.0e+00  }
0x3a4: {  	v23 =	vld [tilespmem:s18+$0x122E0];
	v6 =	vsel vm12, $0x3F800000, v62;
	v17 =	vsel vm15, $0x3F800000, v62;
	v55 =	vmin.f32 v16, $1.000000000e+00  }
0x3a5: {  	v58 =	vadd.f32 $0.0e+00, v61;
	v18 =	vld [tilespmem:s6+$0xBE50];
	v6 =	vadd.f32 v6, v17;
	vm13 =	vgt.f32 v55, $0.0e+00  }
0x3a6: {  	v61 =	vld [tilespmem:s18+$0x12260];
	v1 =	vmax.f32 v1, $0.0e+00;
	v17 =	vmul.f32 v2, v60;
	v60 =	vsel vm13, $0x3F800000, v62  }
0x3a7: {  	v3 =	vmul.f32 v13, v3;
	v1 =	vmin.f32 v1, $1.000000000e+00;
	v16 =	vadd.f32 v60, v6;
	v60 =	vld [tilespmem:s6+$0x16360]  }
0x3a8: {  	v2 =	vld [tilespmem:s6+$0x15960];
	vm14 =	vgt.f32 v1, $0.0e+00  }
0x3a9: {  	v3 =	vadd.f32 v58, v3;
	v58 =	vadd.f32 v20, v22;
	v22 =	vld [tilespmem:s18+$0x136E0];
	v63 =	vsel vm14, $0x3F800000, v62  }
0x3aa: {  	v6 =	vmul.f32 v17, v24;
	v24 =	vld [tilespmem:s18+$0x12360];
	v63 =	vadd.f32 v63, v16  }
0x3ab: {  	v30 =	vadd.f32 $0.0e+00, v30;
	v16 =	vld [tilespmem:s6+$0x15E60]  }
0x3ac: {  	v3 =	vadd.f32 v3, v6;
	v6 =	vmax.f32 v63, $1.000000000e+00;
	v60 =	vsub.s32 v60, v39;
	v39 =	vld [tilespmem:$0x1FF60]  }
0x3ad: {  	v20 =	vmul.f32 v2, v0;
	v0 =	vld [tilespmem:s6+$0xB460];
	(erf) = vrcp.f32 v6;
	vm9 =	vgt.s32 v60, $0x0  }
0x3ae: {  	vm15 =	vlt.u32 v60, $0x800;
	v63 =	vnsel vm9, $0x0, v60;
	v60 =	vmul.f32 v12, v9;
	v12 =	vld [tilespmem:s18+$0x13760]  }
0x3af: {  	s20 =	sor.u32 $0x60, s6;
	v9 =	vmin.u32 v63, $0x800;
	v63 =	vmul.f32 v28, v35;
	v28 =	vld [tilespmem:s18+$0x123E0]  }
0x3b0: {  	v30 =	vadd.f32 v30, v32;
	v11 =	vor.u32 s20, v11;
	v32 =	vadd.f32 v58, v60;
	v58 =	vld [tilespmem:$0x1FF50]  }
0x3b1: {  	vm12 =	vge.s32 v11, v8;
	v6 =	vmul.f32 v40, v20;
	v40 =	vmul.f32 v39, v10;
	v10 =	vld [tilespmem:s18+$0x137E0]  }
0x3b2: {  	v33 =	vmul.f32 v42, v33;
	vm7 =	vmand vm12, vm15;
	v2 =	vadd.f32 v30, v63;
	v63 =	vld [tilespmem:s6+$0x14A70]  }
0x3b3: {  	v60 =	vmul.f32 v41, v36;
	v39 =	vmul.f32 v34, v44;
	v34 =	vld [tilespmem:s6+$0x16370]  }
0x3b4: {  	v45 =	vmul.f32 v51, v45;
	v3 =	vadd.f32 v6, v3;
	v0 =	vmul.f32 v0, v16;
	v30 =	vld [tilespmem:s6+$0x14F70]  }
0x3b5: {  	v19 =	vmul.f32 v19, v27;
	v2 =	vadd.f32 v60, v2;
	v60 =	vld [tilespmem:s6+$0x15470];
	v57 =	vmul.f32 v57, v58  }
0x3b6: {  	v23 =	vmul.f32 v13, v23;
	v0 =	vmul.f32 v0, v3;
	v44 =	vadd.f32 $0.0e+00, v39;
	v39 =	vld [tilespmem:s18+$0x10F70]  }
0x3b7: {  	v41 =	vmul.f32 v25, v14;
	v36 =	vpop (erf);
	v35 =	vmul.f32 v57, v56;
	v57 =	vld [tilespmem:$0x1FF70]  }
0x3b8: {  	v21 =	vmul.f32 v15, v21;
	[tilespmem:v9+s22+$0x0] =	vst.idx.add.f32.msk vm7, v0;
	v4 =	vmul.f32 v36, v4  }
0x3b9: {  	v0 =	vmul.f32 v41, v2;
	v2 =	vadd.f32 v44, v46;
	v46 =	vmul.f32 v36, v55;
	v55 =	vld [tilespmem:s6+$0x15970]  }
0x3ba: {  	v5 =	vmul.f32 v36, v5;
	v3 =	vmul.f32 v4, v63;
	v63 =	vld [tilespmem:s18+$0x10EF0]  }
0x3bb: {  	v11 =	vadd.f32 v40, v32;
	v1 =	vmul.f32 v36, v1;
	v32 =	vmul.f32 v46, v60;
	v60 =	vld [tilespmem:s18+$0x10FF0]  }
0x3bc: {  	v42 =	vadd.s32 $0x1830, v26;
	v40 =	vmul.f32 v59, v57;
	v59 =	vmul.f32 v47, v38;
	v47 =	vld [tilespmem:$0x1FFF0]  }
0x3bd: {  	s21 =	sor.u32 $0x70, s6;
	v36 =	vld [tilespmem:s6+$0x15E70];
	v56 =	vlaneseq.u32;
	v5 =	vmul.f32 v5, v30;
	v37 =	vmul.f32 v3, v37  }
0x3be: {  	v44 =	vor.u32 s21, v56;
	v30 =	vld [tilespmem:s6+$0xB960];
	v39 =	vmul.f32 v32, v39;
	v1 =	vmul.f32 v55, v1  }
0x3bf: {  	v46 =	vld [tilespmem:s18+$0x137F0];
	v37 =	vadd.f32 $0.0e+00, v37;
	v4 =	vmul.f32 v5, v63;
	v63 =	vmul.f32 v48, v53  }
0x3c0: {  	vm14 =	vge.s32 v44, v8;
	v8 =	vld [tilespmem:s6+$0xB470];
	v38 =	vmul.f32 v60, v1;
	v11 =	vmul.f32 v40, v11  }
0x3c1: {  	v55 =	vld [tilespmem:s18+$0x12370];
	v2 =	vadd.f32 v2, v59;
	v4 =	vadd.f32 v37, v4;
	v34 =	vsub.s32 v34, v47  }
0x3c2: {  	v48 =	vld [tilespmem:s18+$0x12270];
	v59 =	vmul.f32 v50, v54;
	vm13 =	vlt.u32 v34, $0x800;
	vm15 =	vgt.s32 v34, $0x0  }
0x3c3: {  	v40 =	vld [tilespmem:s18+$0x13670];
	v4 =	vadd.f32 v4, v39;
	vm8 =	vmand vm14, vm13;
	v34 =	vnsel vm15, $0x0, v34  }
0x3c4: {  	v24 =	vmul.f32 v24, v17;
	v50 =	vmul.f32 v15, v61;
	v54 =	vld [tilespmem:s18+$0x122F0];
	v34 =	vmin.u32 v34, $0x800  }
0x3c5: {  	v37 =	vld [tilespmem:s18+$0x13770];
	v25 =	vadd.f32 $0.0e+00, v59;
	v59 =	vmul.f32 v8, v36;
	v4 =	vadd.f32 v38, v4  }
0x3c6: {  	v41 =	vadd.s32 $0x1020, v26;
	v2 =	vadd.f32 v33, v2;
	v33 =	vadd.f32 $0.0e+00, v50;
	v39 =	vld [tilespmem:s18+$0x136F0]  }
0x3c7: {  	v25 =	vadd.f32 v25, v63;
	v61 =	vmul.f32 v3, v48;
	v63 =	vld [tilespmem:$0x1FF80];
	v4 =	vmul.f32 v59, v4  }
0x3c8: {  	v10 =	vmul.f32 v10, v20;
	v60 =	vadd.s32 $0x1020, v7;
	v23 =	vadd.f32 v33, v23;
	v38 =	vld [tilespmem:s18+$0x123F0]  }
0x3c9: {  	v7 =	vadd.s32 $0x1830, v7;
	v44 =	vmul.f32 v5, v54;
	v33 =	vadd.f32 $0.0e+00, v61;
	[tilespmem:v34+s22+$0x0] =	vst.idx.add.f32.msk vm8, v4  }
0x3ca: {  	v53 =	vmul.f32 v52, v49;
	v49 =	vmul.f32 v28, v20;
	v23 =	vadd.f32 v23, v24;
	v52 =	vld [tilespmem:s6+$0xB970]  }
0x3cb: {  	[tilespmem:v41+s22+$0x0] =	vst.idx.add.f32.msk vm4, v0;
	v51 =	vmul.f32 v55, v32;
	v54 =	vadd.s32 $0x810, v9;
	v50 =	vadd.f32 v33, v44  }
0x3cc: {  	[tilespmem:v42+s22+$0x0] =	vst.idx.add.f32.msk vm4, v14;
	v59 =	vmul.f32 v30, v16;
	v23 =	vadd.f32 v49, v23;
	v48 =	vadd.s32 $0x1020, v63  }
0x3cd: {  	[tilespmem:v60+s22+$0x0] =	vst.idx.add.f32.msk vm2, v35;
	v60 =	vadd.s32 $0x1830, v63;
	v55 =	vadd.f32 v50, v51;
	v63 =	vmul.f32 v38, v1  }
0x3ce: {  	[tilespmem:v7+s22+$0x0] =	vst.idx.add.f32.msk vm2, v58;
	v25 =	vadd.f32 v25, v53;
	v33 =	vadd.s32 $0x810, v34;
	v30 =	vmul.f32 v59, v23  }
0x3cf: {  	v61 =	vmul.f32 v18, v31;
	v18 =	vadd.f32 v63, v55;
	v35 =	vmul.f32 v52, v36  }
0x3d0: {  	v3 =	vmul.f32 v3, v40;
	v38 =	vmul.f32 v13, v22;
	v4 =	vadd.f32 $0.0e+00, v21;
	[tilespmem:v54+s22+$0x0] =	vst.idx.add.f32.msk vm7, v30  }
0x3d1: {  	v53 =	vadd.f32 v45, v25;
	v50 =	vadd.s32 $0x1020, v43;
	v44 =	vld [tilespmem:s6+$0xBE60];
	v18 =	vmul.f32 v35, v18  }
0x3d2: {  	v45 =	vmul.f32 v12, v17;
	v54 =	vadd.s32 $0x1830, v43;
	v4 =	vadd.f32 v4, v38;
	[tilespmem:v48+s22+$0x0] =	vst.idx.add.f32.msk vm3, v11  }
0x3d3: {  	v3 =	vadd.f32 $0.0e+00, v3;
	v5 =	vmul.f32 v5, v39;
	v48 =	vadd.s32 $0x1020, v29;
	[tilespmem:v33+s22+$0x0] =	vst.idx.add.f32.msk vm8, v18  }
0x3d4: {  	v2 =	vmul.f32 v19, v2;
	v8 =	vmul.f32 v61, v53;
	v4 =	vadd.f32 v4, v45;
	v51 =	vld [tilespmem:s6+$0xBE70]  }
0x3d5: {  	v49 =	vadd.s32 $0x1830, v29;
	v53 =	vmul.f32 v37, v32;
	[tilespmem:v60+s22+$0x0] =	vst.idx.add.f32.msk vm3, v57;
	v52 =	vadd.f32 v3, v5  }
0x3d6: {  	v1 =	vmul.f32 v46, v1;
	v55 =	vadd.s32 $0x1020, v9;
	[tilespmem:v50+s22+$0x0] =	vst.idx.add.f32.msk vm6, v8;
	v4 =	vadd.f32 v10, v4  }
0x3d7: {  	v58 =	vadd.s32 $0x1830, v9;
	[tilespmem:v54+s22+$0x0] =	vst.idx.add.f32.msk vm6, v31;
	v57 =	vmul.f32 v44, v16;
	v0 =	vadd.f32 v52, v53  }
0x3d8: {  	v63 =	vadd.s32 $0x1830, v34;
	v60 =	vadd.s32 $0x1020, v34;
	[tilespmem:v48+s22+$0x0] =	vst.idx.add.f32.msk vm5, v2  }
0x3d9: {  	p0 =	slt.u32 s0, $0x48;
	v59 =	vmul.f32 v57, v4;
	v0 =	vadd.f32 v1, v0;
	v61 =	vmul.f32 v51, v36  }
.Ltmp8:
0x3da: {  	[tilespmem:v49+s22+$0x0] =	vst.idx.add.f32.msk vm5, v27;
	(pc) =	sbr.rel @p0 .LBB2_13-.Ltmp8, $4  }
0x3db: {  	[tilespmem:v55+s22+$0x0] =	vst.idx.add.f32.msk vm7, v59;
	v0 =	vmul.f32 v61, v0  }
0x3dc: {  	[tilespmem:v58+s22+$0x0] =	vst.idx.add.f32.msk vm7, v16  }
0x3dd: {  	s31 =	sadd.s32 $0x8, s0;
	[tilespmem:v60+s22+$0x0] =	vst.idx.add.f32.msk vm8, v0  }
0x3de: {  	s0 =	smov.u32 s31;
	[tilespmem:v63+s22+$0x0] =	vst.idx.add.f32.msk vm8, v36  }
.Ltmp9:
0x3df: {  	_ = 	snop;
	(pc) =	sbr.rel .LBB2_14-.Ltmp9, $1  }
0x3e0: {  	_ =	sdelay $0x3  }
.LBB2_15:
0x3e1: {  	_ =	swait.ge [sflag:s16], $0x800  }
0x3e2: {  	[sflag:s16] =	ssyncset.done $0x0  }
0x3e3: {  	[sflag:s16] =	ssyncadd.s32 $0xFFFFF800  }
0x3e4: {  	_ =	swait.ge [sflag:s16], $0x800  }
0x3e5: {  	[sflag:s16] =	ssyncset.done $0x0  }
0x3e6: {  	[sflag:s16] =	ssyncadd.s32 $0xFFFFF800  }
0x3e7: {  	_ =	swait.ge [sflag:s16], $0x800  }
0x3e8: {  	[sflag:s16] =	ssyncset.done $0x0  }
0x3e9: {  	s0 =	simm.s32 $0x178A0;
	[sflag:s16] =	ssyncadd.s32 $0xFFFFF800  }
0x3ea: {  	v0 =	vld [tilespmem:s0+$0x840]  }
0x3eb: {  	s6 =	simm.s32 $0x19120  }
0x3ec: {  	v1 =	vld [tilespmem:s6+$0xFFFFF810];
	_ =	sdelay $0x1  }
0x3ed: {  	v2 =	vld [tilespmem:s0+$0xFFFFF010]  }
0x3ee: {  	v4 =	vsub.f32 $1.000000000e+00, v0;
	_ =	sdelay $0x1  }
0x3ef: {  	v0 =	vmul.f32 v1, v4;
	_ =	sdelay $0x1  }
0x3f0: {  	v0 =	vadd.f32 v0, v2;
	_ =	sdelay $0x1  }
0x3f1: {  	vm2 =	vgt.f32 v0, $3.130800090e-03  }
0x3f2: {  	v24 =	vnsel vm2, $0x3F000000, v0  }
0x3f3: {  	v25 =	vand.u32 $0x7FFFFF, v24  }
0x3f4: {  	v2 =	vor.u32 $0x3F800000, v25  }
0x3f5: {  	v3 =	vadd.f32 $1.000000000e+00, v2;
	_ =	sdelay $0x1  }
0x3f6: {  	(erf) = vrcp.f32 v3  }
0x3f7: {  	v5 =	vld [tilespmem:s0+$0x820]  }
0x3f8: {  	v6 =	vld [tilespmem:s0+$0x810]  }
0x3f9: {  	v7 =	vld [tilespmem:s6+$0xFFFFF7E0]  }
0x3fa: {  	v3 =	vld [tilespmem:s0+$0x830]  }
0x3fb: {  	v11 =	vld [tilespmem:s6+$0xFFFFF7F0]  }
0x3fc: {  	v12 =	vld [tilespmem:s6+$0xFFFFF800]  }
0x3fd: {  	v13 =	vld [tilespmem:s0+$0xFFFFEFE0];
	v8 =	vsub.f32 $1.000000000e+00, v6  }
0x3fe: {  	v6 =	vld [tilespmem:s0+$0xFFFFEFF0];
	v2 =	vadd.f32 $-1.000000000e+00, v2  }
0x3ff: {  	v9 =	vsub.f32 $1.000000000e+00, v5;
	v5 =	vld [tilespmem:s0+$0xFFFFF000];
	v10 =	vsub.f32 $1.000000000e+00, v3;
	v3 =	vmul.f32 v7, v8;
	v7 =	vpop (erf)  }
0x400: {  	v2 =	vmul.f32 v7, v2  }
0x401: {  	v11 =	vmul.f32 v11, v9  }
0x402: {  	v12 =	vmul.f32 v12, v10;
	v7 =	vadd.f32 v3, v13;
	v3 =	vmul.f32 v2, v2  }
0x403: {  	v6 =	vadd.f32 v11, v6  }
0x404: {  	v5 =	vadd.f32 v12, v5;
	vm2 =	vgt.f32 v7, $3.130800090e-03;
	v12 =	vmul.f32 $1.111111120e-01, v3  }
0x405: {  	v11 =	vnsel vm2, $0x3F000000, v7;
	vm2 =	vgt.f32 v6, $3.130800090e-03  }
0x406: {  	v13 =	vand.u32 $0x7FFFFF, v11;
	v14 =	vnsel vm2, $0x3F000000, v6;
	v12 =	vadd.f32 $1.428571490e-01, v12  }
0x407: {  	vm2 =	vgt.f32 v5, $3.130800090e-03;
	v13 =	vor.u32 $0x3F800000, v13;
	v15 =	vand.u32 $0x7FFFFF, v14  }
0x408: {  	v17 =	vadd.f32 $1.000000000e+00, v13;
	v15 =	vor.u32 $0x3F800000, v15;
	v12 =	vmul.f32 v12, v3  }
0x409: {  	v16 =	vnsel vm2, $0x3F000000, v5;
	v19 =	vadd.f32 $1.000000000e+00, v15  }
0x40a: {  	v18 =	vand.u32 $0x7FFFFF, v16;
	(erf) = vrcp.f32 v17;
	v12 =	vadd.f32 $2.000000030e-01, v12  }
0x40b: {  	v18 =	vor.u32 $0x3F800000, v18;
	(erf) = vrcp.f32 v19  }
0x40c: {  	v20 =	vadd.f32 $1.000000000e+00, v18;
	v12 =	vmul.f32 v12, v3;
	_ =	sdelay $0x1  }
0x40d: {  	(erf) = vrcp.f32 v20;
	v12 =	vadd.f32 $3.333333430e-01, v12;
	_ =	sdelay $0x1  }
0x40e: {  	v3 =	vmul.f32 v12, v3  }
0x40f: {  	v1 =	vshrl.u32 v24, $0x17  }
0x410: {  	v1 =	vand.u32 $0xFF, v1;
	v2 =	vmul.f32 $2.885390040e+00, v2;
	v3 =	vadd.f32 $1.000000000e+00, v3  }
0x411: {  	v1 =	vadd.s32 $0xFFFFFF81, v1;
	v12 =	vadd.f32 $-1.000000000e+00, v13;
	v13 =	vadd.f32 $-1.000000000e+00, v15;
	v15 =	vpop (erf)  }
0x412: {  	v1 =	vcvt.s32.f32 v1;
	v17 =	vadd.f32 $-1.000000000e+00, v18;
	v18 =	vpop (erf);
	v2 =	vmul.f32 v3, v2  }
0x413: {  	v3 =	vmul.f32 v15, v12;
	v12 =	vmul.f32 v18, v13  }
0x414: {  	v1 =	vadd.f32 v1, v2  }
0x415: {  	v13 =	vpop (erf);
	v26 =	vmul.f32 v3, v3;
	v15 =	vmul.f32 v12, v12  }
0x416: {  	v13 =	vmul.f32 v13, v17;
	v1 =	vmul.f32 $2.888113260e-01, v1  }
0x417: {  	v18 =	vmul.f32 $1.111111120e-01, v26;
	v19 =	vmul.f32 $1.111111120e-01, v15  }
0x418: {  	v17 =	vmul.f32 v13, v13;
	v1 =	vmul.f32 $1.442695020e+00, v1  }
0x419: {  	v18 =	vadd.f32 $1.428571490e-01, v18;
	v19 =	vadd.f32 $1.428571490e-01, v19  }
0x41a: {  	v20 =	vmul.f32 $1.111111120e-01, v17;
	(erf) = vpow2.f32 v1  }
0x41b: {  	v27 =	vmul.f32 v18, v26;
	v18 =	vmul.f32 v19, v15  }
0x41c: {  	v20 =	vadd.f32 $1.428571490e-01, v20  }
0x41d: {  	v11 =	vshrl.u32 v11, $0x17;
	v1 =	vadd.f32 $2.000000030e-01, v27;
	v18 =	vadd.f32 $2.000000030e-01, v18  }
0x41e: {  	v14 =	vshrl.u32 v14, $0x17;
	v11 =	vand.u32 $0xFF, v11;
	v19 =	vmul.f32 v20, v17  }
0x41f: {  	v14 =	vand.u32 $0xFF, v14;
	v1 =	vmul.f32 v1, v26;
	v18 =	vmul.f32 v18, v15  }
0x420: {  	v11 =	vadd.s32 $0xFFFFFF81, v11;
	v14 =	vadd.s32 $0xFFFFFF81, v14;
	v19 =	vadd.f32 $2.000000030e-01, v19  }
0x421: {  	v11 =	vcvt.s32.f32 v11;
	v1 =	vadd.f32 $3.333333430e-01, v1;
	v18 =	vadd.f32 $3.333333430e-01, v18  }
0x422: {  	vm2 =	vle.f32 v0, $3.130800090e-03;
	v14 =	vcvt.s32.f32 v14;
	v19 =	vmul.f32 v19, v17  }
0x423: {  	v16 =	vshrl.u32 v16, $0x17;
	v1 =	vmul.f32 v1, v26;
	v28 =	vmul.f32 v18, v15;
	v15 =	vpop (erf)  }
0x424: {  	v3 =	vmul.f32 $2.885390040e+00, v3;
	v19 =	vadd.f32 $3.333333430e-01, v19;
	v15 =	vmul.f32 $1.054999950e+00, v15  }
0x425: {  	v12 =	vmul.f32 $2.885390040e+00, v12;
	v18 =	vmul.f32 $1.292000010e+01, v0;
	v1 =	vadd.f32 $1.000000000e+00, v1  }
0x426: {  	v17 =	vmul.f32 v19, v17;
	v2 =	vadd.f32 $1.000000000e+00, v28;
	v15 =	vadd.f32 $-5.499999970e-02, v15  }
0x427: {  	v16 =	vand.u32 $0xFF, v16;
	v13 =	vmul.f32 $2.885390040e+00, v13;
	v1 =	vmul.f32 v1, v3  }
0x428: {  	s26 =	simm.s32 $0x1A920;
	v17 =	vadd.f32 $1.000000000e+00, v17;
	v29 =	vmul.f32 v2, v12;
	v3 =	vsel vm2, v18, v15  }
0x429: {  	v16 =	vadd.s32 $0xFFFFFF81, v16;
	v1 =	vadd.f32 v11, v1;
	[tilespmem:s26+$0xFFFFF810] =	vst v3  }
0x42a: {  	v16 =	vcvt.s32.f32 v16;
	v30 =	vmul.f32 v17, v13;
	v0 =	vadd.f32 v14, v29;
	v3 =	vld [tilespmem:s6+$0x10]  }
0x42b: {  	v1 =	vmul.f32 $2.888113260e-01, v1  }
0x42c: {  	v2 =	vadd.f32 v16, v30;
	v0 =	vmul.f32 $2.888113260e-01, v0;
	v11 =	vld [tilespmem:s0+$0xFFFFF820]  }
0x42d: {  	v1 =	vmul.f32 $1.442695020e+00, v1  }
0x42e: {  	v2 =	vmul.f32 $2.888113260e-01, v2;
	v0 =	vmul.f32 $1.442695020e+00, v0  }
0x42f: {  	(erf) = vpow2.f32 v1;
	v31 =	vmul.f32 v3, v4  }
0x430: {  	v2 =	vmul.f32 $1.442695020e+00, v2  }
0x431: {  	(erf) = vpow2.f32 v0;
	v32 =	vadd.f32 v31, v11  }
0x432: {  	(erf) = vpow2.f32 v2  }
0x433: {  	vm2 =	vgt.f32 v32, $3.130800090e-03  }
0x434: {  	v1 =	vnsel vm2, $0x3F000000, v32  }
0x435: {  	v33 =	vand.u32 $0x7FFFFF, v1  }
0x436: {  	v2 =	vor.u32 $0x3F800000, v33  }
0x437: {  	v3 =	vadd.f32 $1.000000000e+00, v2  }
0x438: {  	v11 =	vpop (erf)  }
0x439: {  	v11 =	vmul.f32 $1.054999950e+00, v11;
	(erf) = vrcp.f32 v3  }
0x43a: {  	vm2 =	vle.f32 v7, $3.130800090e-03;
	v12 =	vpop (erf)  }
0x43b: {  	v3 =	vmul.f32 $1.292000010e+01, v7;
	v12 =	vmul.f32 $1.054999950e+00, v12;
	v13 =	vpop (erf);
	v7 =	vadd.f32 $-5.499999970e-02, v11  }
0x43c: {  	vm3 =	vle.f32 v6, $3.130800090e-03;
	v11 =	vmul.f32 $1.054999950e+00, v13  }
0x43d: {  	v6 =	vmul.f32 $1.292000010e+01, v6;
	v12 =	vadd.f32 $-5.499999970e-02, v12;
	v3 =	vsel vm2, v3, v7  }
0x43e: {  	v13 =	vmul.f32 $1.292000010e+01, v5;
	v7 =	vadd.f32 $-5.499999970e-02, v11;
	[tilespmem:s26+$0xFFFFF7E0] =	vst v3  }
0x43f: {  	vm2 =	vle.f32 v5, $3.130800090e-03;
	v3 =	vsel vm3, v6, v12;
	v5 =	vld [tilespmem:s6+$0xFFFFFFE0]  }
0x440: {  	[tilespmem:s26+$0xFFFFF7F0] =	vst v3;
	v3 =	vsel vm2, v13, v7;
	v7 =	vld [tilespmem:s0+$0xFFFFF7F0]  }
0x441: {  	v2 =	vadd.f32 $-1.000000000e+00, v2;
	v6 =	vld [tilespmem:s6+$0xFFFFFFF0]  }
0x442: {  	[tilespmem:s26+$0xFFFFF800] =	vst v3;
	v12 =	vld [tilespmem:s0+$0xFFFFF800];
	v11 =	vpop (erf)  }
0x443: {  	v3 =	vld [tilespmem:s6+$0x0];
	v2 =	vmul.f32 v11, v2;
	_ =	sdelay $0x1  }
0x444: {  	v11 =	vld [tilespmem:s0+$0xFFFFF810];
	v14 =	vmul.f32 v2, v2  }
0x445: {  	v5 =	vmul.f32 v5, v8;
	v6 =	vmul.f32 v6, v9  }
0x446: {  	v13 =	vmul.f32 $1.111111120e-01, v14  }
0x447: {  	v3 =	vmul.f32 v3, v10;
	v15 =	vadd.f32 v5, v7;
	v12 =	vadd.f32 v6, v12  }
0x448: {  	v5 =	vadd.f32 $1.428571490e-01, v13  }
0x449: {  	vm2 =	vgt.f32 v15, $3.130800090e-03;
	vm3 =	vgt.f32 v12, $3.130800090e-03;
	v13 =	vadd.f32 v3, v11  }
0x44a: {  	v3 =	vnsel vm2, $0x3F000000, v15;
	v6 =	vnsel vm3, $0x3F000000, v12;
	v5 =	vmul.f32 v5, v14  }
0x44b: {  	v7 =	vand.u32 $0x7FFFFF, v3;
	v11 =	vand.u32 $0x7FFFFF, v6;
	vm2 =	vgt.f32 v13, $3.130800090e-03  }
0x44c: {  	v7 =	vor.u32 $0x3F800000, v7;
	v16 =	vnsel vm2, $0x3F000000, v13;
	v5 =	vadd.f32 $2.000000030e-01, v5  }
0x44d: {  	v11 =	vor.u32 $0x3F800000, v11;
	v18 =	vadd.f32 $1.000000000e+00, v7;
	v17 =	vand.u32 $0x7FFFFF, v16  }
0x44e: {  	v19 =	vadd.f32 $1.000000000e+00, v11;
	v17 =	vor.u32 $0x3F800000, v17;
	v5 =	vmul.f32 v5, v14  }
0x44f: {  	(erf) = vrcp.f32 v18;
	v20 =	vadd.f32 $1.000000000e+00, v17  }
0x450: {  	(erf) = vrcp.f32 v19;
	v5 =	vadd.f32 $3.333333430e-01, v5  }
0x451: {  	(erf) = vrcp.f32 v20  }
0x452: {  	v5 =	vmul.f32 v5, v14  }
0x453: {  	v1 =	vshrl.u32 v1, $0x17  }
0x454: {  	v1 =	vand.u32 $0xFF, v1;
	v2 =	vmul.f32 $2.885390040e+00, v2;
	v5 =	vadd.f32 $1.000000000e+00, v5  }
0x455: {  	v1 =	vadd.s32 $0xFFFFFF81, v1  }
0x456: {  	v1 =	vcvt.s32.f32 v1;
	v2 =	vmul.f32 v5, v2  }
0x457: {  	v5 =	vadd.f32 $-1.000000000e+00, v7  }
0x458: {  	v7 =	vadd.f32 $-1.000000000e+00, v11;
	v11 =	vpop (erf);
	v1 =	vadd.f32 v1, v2  }
0x459: {  	v34 =	vadd.f32 $-1.000000000e+00, v17;
	v5 =	vmul.f32 v11, v5;
	v11 =	vpop (erf)  }
0x45a: {  	v7 =	vmul.f32 v11, v7;
	v11 =	vpop (erf);
	v1 =	vmul.f32 $2.888113260e-01, v1  }
0x45b: {  	v14 =	vmul.f32 v5, v5;
	v2 =	vmul.f32 v11, v34  }
0x45c: {  	v11 =	vmul.f32 v7, v7;
	v1 =	vmul.f32 $1.442695020e+00, v1  }
0x45d: {  	v17 =	vmul.f32 v2, v2;
	v18 =	vmul.f32 $1.111111120e-01, v14  }
0x45e: {  	v19 =	vmul.f32 $1.111111120e-01, v11;
	(erf) = vpow2.f32 v1  }
0x45f: {  	v35 =	vmul.f32 $1.111111120e-01, v17;
	v18 =	vadd.f32 $1.428571490e-01, v18  }
0x460: {  	v19 =	vadd.f32 $1.428571490e-01, v19  }
0x461: {  	v1 =	vadd.f32 $1.428571490e-01, v35;
	v18 =	vmul.f32 v18, v14  }
0x462: {  	v3 =	vshrl.u32 v3, $0x17;
	v19 =	vmul.f32 v19, v11  }
0x463: {  	v6 =	vshrl.u32 v6, $0x17;
	v1 =	vmul.f32 v1, v17;
	v18 =	vadd.f32 $2.000000030e-01, v18  }
0x464: {  	v3 =	vand.u32 $0xFF, v3;
	v6 =	vand.u32 $0xFF, v6;
	v19 =	vadd.f32 $2.000000030e-01, v19  }
0x465: {  	v3 =	vadd.s32 $0xFFFFFF81, v3;
	v1 =	vadd.f32 $2.000000030e-01, v1;
	v18 =	vmul.f32 v18, v14  }
0x466: {  	v6 =	vadd.s32 $0xFFFFFF81, v6;
	vm2 =	vle.f32 v32, $3.130800090e-03;
	v19 =	vmul.f32 v19, v11  }
0x467: {  	v16 =	vshrl.u32 v16, $0x17;
	v1 =	vmul.f32 v1, v17;
	v18 =	vadd.f32 $3.333333430e-01, v18;
	v20 =	vpop (erf)  }
0x468: {  	v3 =	vcvt.s32.f32 v3;
	v19 =	vadd.f32 $3.333333430e-01, v19;
	v20 =	vmul.f32 $1.054999950e+00, v20  }
0x469: {  	v5 =	vmul.f32 $2.885390040e+00, v5;
	v1 =	vadd.f32 $3.333333430e-01, v1;
	v14 =	vmul.f32 v18, v14  }
0x46a: {  	v18 =	vmul.f32 $1.292000010e+01, v32;
	v11 =	vmul.f32 v19, v11;
	v19 =	vadd.f32 $-5.499999970e-02, v20  }
0x46b: {  	v16 =	vand.u32 $0xFF, v16;
	v7 =	vmul.f32 $2.885390040e+00, v7;
	v1 =	vmul.f32 v1, v17  }
0x46c: {  	s28 =	simm.s32 $0x178E0;
	v36 =	vadd.f32 $1.000000000e+00, v14;
	v11 =	vadd.f32 $1.000000000e+00, v11;
	v14 =	vsel vm2, v18, v19  }
0x46d: {  	v6 =	vcvt.s32.f32 v6;
	v16 =	vadd.s32 $0xFFFFFF81, v16;
	v2 =	vmul.f32 $2.885390040e+00, v2;
	[tilespmem:s26+$0x10] =	vst v14;
	v14 =	vld [tilespmem:s28+$0x840]  }
0x46e: {  	s29 =	simm.s32 $0x19160;
	v1 =	vadd.f32 $1.000000000e+00, v1;
	v0 =	vmul.f32 v36, v5;
	v5 =	vmul.f32 v11, v7;
	v11 =	vld [tilespmem:s6+$0x810]  }
0x46f: {  	v37 =	vld [tilespmem:s29+$0xFFFFF810];
	v7 =	vcvt.s32.f32 v16  }
0x470: {  	v1 =	vmul.f32 v1, v2;
	v0 =	vadd.f32 v3, v0;
	v3 =	vadd.f32 v6, v5;
	v5 =	vld [tilespmem:s0+$0x30]  }
0x471: {  	v6 =	vld [tilespmem:s28+$0xFFFFF010]  }
0x472: {  	v1 =	vadd.f32 v7, v1;
	v7 =	vsub.f32 $1.000000000e+00, v14  }
0x473: {  	v38 =	vld [tilespmem:s28+$0x830];
	v0 =	vmul.f32 $2.888113260e-01, v0;
	v4 =	vmul.f32 v11, v4  }
0x474: {  	v39 =	vld [tilespmem:s29+$0xFFFFF7E0];
	v3 =	vmul.f32 $2.888113260e-01, v3;
	v2 =	vmul.f32 v37, v7  }
0x475: {  	v24 =	vmul.f32 $1.292000010e+01, v15;
	v17 =	vld [tilespmem:s28+$0x810];
	v0 =	vmul.f32 $1.442695020e+00, v0;
	v11 =	vadd.f32 v4, v5  }
0x476: {  	vm4 =	vle.f32 v12, $3.130800090e-03;
	v16 =	vld [tilespmem:s28+$0x820];
	v3 =	vmul.f32 $1.442695020e+00, v3;
	v14 =	vadd.f32 v2, v6  }
0x477: {  	v40 =	vld [tilespmem:s29+$0xFFFFF7F0];
	v42 =	vmul.f32 $1.292000010e+01, v13;
	(erf) = vpow2.f32 v0;
	vm2 =	vgt.f32 v11, $3.130800090e-03  }
0x478: {  	v22 =	vld [tilespmem:s29+$0xFFFFF800];
	(erf) = vpow2.f32 v3;
	v3 =	vnsel vm2, $0x3F000000, v11;
	vm2 =	vgt.f32 v14, $3.130800090e-03  }
0x479: {  	v18 =	vld [tilespmem:s28+$0xFFFFEFE0];
	v1 =	vmul.f32 $2.888113260e-01, v1;
	v5 =	vand.u32 $0x7FFFFF, v3;
	v21 =	vnsel vm2, $0x3F000000, v14  }
0x47a: {  	v4 =	vsub.f32 $1.000000000e+00, v17;
	v17 =	vld [tilespmem:s28+$0xFFFFEFF0];
	v23 =	vor.u32 $0x3F800000, v5;
	v5 =	vand.u32 $0x7FFFFF, v21  }
0x47b: {  	v1 =	vmul.f32 $1.442695020e+00, v1;
	v25 =	vor.u32 $0x3F800000, v5;
	v5 =	vsub.f32 $1.000000000e+00, v16;
	v16 =	vld [tilespmem:s28+$0xFFFFF000]  }
0x47c: {  	v6 =	vsub.f32 $1.000000000e+00, v38;
	v2 =	vmul.f32 v39, v4;
	v19 =	vadd.f32 $1.000000000e+00, v23  }
0x47d: {  	(erf) = vpow2.f32 v1;
	v26 =	vadd.f32 $1.000000000e+00, v25;
	v41 =	vmul.f32 v40, v5  }
0x47e: {  	v22 =	vmul.f32 v22, v6;
	(erf) = vrcp.f32 v19;
	v19 =	vadd.f32 v2, v18  }
0x47f: {  	vm3 =	vle.f32 v13, $3.130800090e-03;
	(erf) = vrcp.f32 v26;
	v18 =	vadd.f32 v41, v17  }
0x480: {  	v20 =	vmul.f32 $1.292000010e+01, v12;
	vm2 =	vgt.f32 v19, $3.130800090e-03;
	v17 =	vadd.f32 v22, v16  }
0x481: {  	v38 =	vmul.f32 $1.292000010e+01, v11;
	v22 =	vnsel vm2, $0x3F000000, v19;
	vm2 =	vgt.f32 v18, $3.130800090e-03  }
0x482: {  	v16 =	vand.u32 $0x7FFFFF, v22;
	v27 =	vnsel vm2, $0x3F000000, v18;
	vm2 =	vgt.f32 v17, $3.130800090e-03  }
0x483: {  	v28 =	vor.u32 $0x3F800000, v16;
	v16 =	vand.u32 $0x7FFFFF, v27;
	v29 =	vnsel vm2, $0x3F000000, v17  }
0x484: {  	v3 =	vshrl.u32 v3, $0x17;
	v43 =	vpop (erf);
	v31 =	vor.u32 $0x3F800000, v16;
	v16 =	vand.u32 $0x7FFFFF, v29  }
0x485: {  	v3 =	vand.u32 $0xFF, v3;
	v21 =	vshrl.u32 v21, $0x17;
	v23 =	vadd.f32 $-1.000000000e+00, v23;
	v44 =	vpop (erf)  }
0x486: {  	v3 =	vadd.s32 $0xFFFFFF81, v3;
	v21 =	vand.u32 $0xFF, v21;
	v25 =	vadd.f32 $-1.000000000e+00, v25;
	v45 =	vpop (erf)  }
0x487: {  	v3 =	vcvt.s32.f32 v3;
	v21 =	vadd.s32 $0xFFFFFF81, v21;
	v33 =	vor.u32 $0x3F800000, v16;
	v16 =	vpop (erf)  }
0x488: {  	vm6 =	vle.f32 v11, $3.130800090e-03;
	v21 =	vcvt.s32.f32 v21;
	v23 =	vmul.f32 v16, v23;
	v16 =	vpop (erf)  }
0x489: {  	v2 =	vmul.f32 $1.054999950e+00, v43;
	v30 =	vadd.f32 $1.000000000e+00, v28;
	v25 =	vmul.f32 v16, v25  }
0x48a: {  	v26 =	vmul.f32 $1.054999950e+00, v44;
	vm2 =	vle.f32 v15, $3.130800090e-03;
	v15 =	vmul.f32 v23, v23  }
0x48b: {  	v32 =	vadd.f32 $1.000000000e+00, v31;
	(erf) = vrcp.f32 v30;
	v46 =	vmul.f32 v25, v25  }
0x48c: {  	v0 =	vmul.f32 $1.054999950e+00, v45;
	v34 =	vadd.f32 $1.000000000e+00, v33;
	v49 =	vmul.f32 $1.111111120e-01, v15  }
0x48d: {  	v2 =	vadd.f32 $-5.499999970e-02, v2;
	(erf) = vrcp.f32 v32;
	v50 =	vmul.f32 $1.111111120e-01, v46  }
0x48e: {  	v48 =	vadd.f32 $-1.000000000e+00, v33;
	(erf) = vrcp.f32 v34;
	v33 =	vadd.f32 $1.428571490e-01, v49  }
0x48f: {  	v22 =	vshrl.u32 v22, $0x17;
	v12 =	vmul.f32 $1.292000010e+01, v18;
	v34 =	vadd.f32 $1.428571490e-01, v50  }
0x490: {  	v22 =	vand.u32 $0xFF, v22;
	v0 =	vadd.f32 $-5.499999970e-02, v0;
	v33 =	vmul.f32 v33, v15  }
0x491: {  	v28 =	vadd.f32 $-1.000000000e+00, v28;
	v27 =	vshrl.u32 v27, $0x17;
	v34 =	vmul.f32 v34, v46  }
0x492: {  	v22 =	vadd.s32 $0xFFFFFF81, v22;
	v29 =	vshrl.u32 v29, $0x17;
	v33 =	vadd.f32 $2.000000030e-01, v33  }
0x493: {  	v27 =	vand.u32 $0xFF, v27;
	v22 =	vcvt.s32.f32 v22;
	v34 =	vadd.f32 $2.000000030e-01, v34  }
0x494: {  	v2 =	vsel vm2, v24, v2;
	v0 =	vsel vm3, v42, v0;
	v35 =	vpop (erf);
	v33 =	vmul.f32 v33, v15  }
0x495: {  	v31 =	vadd.f32 $-1.000000000e+00, v31;
	v28 =	vmul.f32 v35, v28;
	v34 =	vmul.f32 v34, v46  }
0x496: {  	vm2 =	vle.f32 v19, $3.130800090e-03;
	v23 =	vmul.f32 $2.885390040e+00, v23;
	v36 =	vpop (erf);
	v33 =	vadd.f32 $3.333333430e-01, v33  }
0x497: {  	v31 =	vmul.f32 v36, v31;
	v51 =	vpop (erf);
	v13 =	vmul.f32 v28, v28;
	v34 =	vadd.f32 $3.333333430e-01, v34  }
0x498: {  	vm3 =	vle.f32 v18, $3.130800090e-03;
	v32 =	vmul.f32 v51, v48;
	v15 =	vmul.f32 v33, v15  }
0x499: {  	v29 =	vand.u32 $0xFF, v29;
	v52 =	vmul.f32 v31, v31;
	v30 =	vmul.f32 v34, v46  }
0x49a: {  	v37 =	vmul.f32 $1.111111120e-01, v13;
	v53 =	vmul.f32 v32, v32;
	v15 =	vadd.f32 $1.000000000e+00, v15  }
0x49b: {  	v25 =	vmul.f32 $2.885390040e+00, v25;
	v54 =	vmul.f32 $1.111111120e-01, v52;
	v30 =	vadd.f32 $1.000000000e+00, v30  }
0x49c: {  	v37 =	vadd.f32 $1.428571490e-01, v37;
	v55 =	vmul.f32 $1.111111120e-01, v53;
	v15 =	vmul.f32 v15, v23  }
0x49d: {  	v27 =	vadd.s32 $0xFFFFFF81, v27;
	v23 =	vadd.f32 $1.428571490e-01, v54;
	v25 =	vmul.f32 v30, v25  }
0x49e: {  	v58 =	vmul.f32 v37, v13;
	v57 =	vadd.f32 $1.428571490e-01, v55;
	v3 =	vadd.f32 v3, v15  }
0x49f: {  	v27 =	vcvt.s32.f32 v27;
	v23 =	vmul.f32 v23, v52;
	v21 =	vadd.f32 v21, v25  }
0x4a0: {  	[tilespmem:s26+$0xFFFFFFE0] =	vst v2;
	v59 =	vadd.f32 $2.000000030e-01, v58;
	v60 =	vmul.f32 v57, v53;
	v3 =	vmul.f32 $2.888113260e-01, v3  }
0x4a1: {  	v15 =	vadd.f32 $-5.499999970e-02, v26;
	v23 =	vadd.f32 $2.000000030e-01, v23;
	v21 =	vmul.f32 $2.888113260e-01, v21  }
0x4a2: {  	v61 =	vmul.f32 v59, v13;
	v63 =	vadd.f32 $2.000000030e-01, v60;
	v30 =	vld [tilespmem:s6+$0x7E0];
	v3 =	vmul.f32 $1.442695020e+00, v3  }
0x4a3: {  	[tilespmem:s26+$0x0] =	vst v0;
	v33 =	vld [tilespmem:s0+$0x0];
	v15 =	vsel vm4, v20, v15;
	v23 =	vmul.f32 v23, v52;
	v21 =	vmul.f32 $1.442695020e+00, v21  }
0x4a4: {  	v2 =	vadd.f32 $3.333333430e-01, v61;
	[tilespmem:s26+$0xFFFFFFF0] =	vst v15;
	v15 =	vld [tilespmem:s6+$0x800];
	(erf) = vpow2.f32 v3;
	v3 =	vmul.f32 v63, v53  }
0x4a5: {  	v16 =	vmul.f32 $1.292000010e+01, v19;
	v20 =	vadd.f32 $3.333333430e-01, v23;
	(erf) = vpow2.f32 v21  }
0x4a6: {  	v19 =	vmul.f32 $2.885390040e+00, v31;
	v2 =	vmul.f32 v2, v13;
	v34 =	vadd.f32 $3.333333430e-01, v3  }
0x4a7: {  	v29 =	vadd.s32 $0xFFFFFF81, v29;
	v13 =	vld [tilespmem:s6+$0x7F0];
	v8 =	vmul.f32 v30, v8;
	v35 =	vmul.f32 v20, v52  }
0x4a8: {  	v2 =	vadd.f32 $1.000000000e+00, v2;
	v3 =	vmul.f32 $2.885390040e+00, v28;
	v1 =	vmul.f32 v34, v53  }
0x4a9: {  	v8 =	vadd.f32 v8, v33;
	v10 =	vmul.f32 v15, v10;
	v15 =	vld [tilespmem:s0+$0x10];
	v0 =	vadd.f32 $1.000000000e+00, v35  }
0x4aa: {  	v20 =	vmul.f32 $2.885390040e+00, v32;
	v2 =	vmul.f32 v2, v3;
	v1 =	vadd.f32 $1.000000000e+00, v1  }
0x4ab: {  	v29 =	vcvt.s32.f32 v29;
	vm4 =	vgt.f32 v8, $3.130800090e-03;
	v0 =	vmul.f32 v0, v19  }
0x4ac: {  	v9 =	vmul.f32 v13, v9;
	v2 =	vadd.f32 v22, v2;
	v1 =	vmul.f32 v1, v20  }
0x4ad: {  	v3 =	vmul.f32 $1.292000010e+01, v17;
	v22 =	vmul.f32 $1.292000010e+01, v14;
	v0 =	vadd.f32 v27, v0;
	v13 =	vpop (erf)  }
0x4ae: {  	v9 =	vadd.f32 v9, v15;
	v2 =	vmul.f32 $2.888113260e-01, v2;
	v1 =	vadd.f32 v29, v1;
	v18 =	vpop (erf)  }
0x4af: {  	v19 =	vld [tilespmem:s0+$0x20];
	v20 =	vnsel vm4, $0x3F000000, v8;
	v0 =	vmul.f32 $2.888113260e-01, v0;
	v18 =	vmul.f32 $1.054999950e+00, v18  }
0x4b0: {  	vm4 =	vle.f32 v14, $3.130800090e-03;
	v2 =	vmul.f32 $1.442695020e+00, v2;
	v1 =	vmul.f32 $2.888113260e-01, v1  }
0x4b1: {  	v21 =	vand.u32 $0x7FFFFF, v20;
	v0 =	vmul.f32 $1.442695020e+00, v0;
	v18 =	vadd.f32 $-5.499999970e-02, v18  }
0x4b2: {  	vm5 =	vgt.f32 v9, $3.130800090e-03;
	(erf) = vpow2.f32 v2;
	v1 =	vmul.f32 $1.442695020e+00, v1  }
0x4b3: {  	s0 =	simm.s32 $0x1A960;
	v13 =	vmul.f32 $1.054999950e+00, v13;
	(erf) = vpow2.f32 v0;
	v37 =	vsel vm4, v22, v18  }
0x4b4: {  	v11 =	vnsel vm5, $0x3F000000, v9;
	v10 =	vadd.f32 v10, v19;
	[tilespmem:s0+$0xFFFFF810] =	vst v37;
	(erf) = vpow2.f32 v1  }
0x4b5: {  	v14 =	vand.u32 $0x7FFFFF, v11;
	v11 =	vshrl.u32 v11, $0x17;
	v39 =	vadd.f32 $-5.499999970e-02, v13;
	v2 =	vld [tilespmem:s29+$0x10]  }
0x4b6: {  	v13 =	vor.u32 $0x3F800000, v21;
	v19 =	vor.u32 $0x3F800000, v14;
	v11 =	vand.u32 $0xFF, v11  }
0x4b7: {  	vm5 =	vgt.f32 v10, $3.130800090e-03;
	v40 =	vadd.f32 $1.000000000e+00, v19;
	v48 =	vadd.s32 $0xFFFFFF81, v11;
	v15 =	vld [tilespmem:s28+$0xFFFFF820]  }
0x4b8: {  	vm4 =	vle.f32 v17, $3.130800090e-03;
	v17 =	vnsel vm5, $0x3F000000, v10;
	v18 =	vadd.f32 $1.000000000e+00, v13  }
0x4b9: {  	v14 =	vsel vm6, v38, v39;
	v13 =	vadd.f32 $-1.000000000e+00, v13;
	v21 =	vand.u32 $0x7FFFFF, v17  }
0x4ba: {  	v41 =	vor.u32 $0x3F800000, v21;
	(erf) = vrcp.f32 v18;
	v2 =	vmul.f32 v2, v7  }
0x4bb: {  	v18 =	vadd.f32 $-1.000000000e+00, v19;
	v19 =	vshrl.u32 v20, $0x17;
	v21 =	vadd.f32 $1.000000000e+00, v41;
	v42 =	vpop (erf)  }
0x4bc: {  	(erf) = vrcp.f32 v40;
	v0 =	vmul.f32 $1.054999950e+00, v42;
	v43 =	vpop (erf);
	v15 =	vadd.f32 v2, v15  }
0x4bd: {  	v1 =	vadd.f32 $-1.000000000e+00, v41;
	(erf) = vrcp.f32 v21;
	v2 =	vmul.f32 $1.054999950e+00, v43;
	v20 =	vpop (erf)  }
0x4be: {  	v0 =	vadd.f32 $-5.499999970e-02, v0;
	v20 =	vmul.f32 $1.054999950e+00, v20;
	vm5 =	vgt.f32 v15, $3.130800090e-03  }
0x4bf: {  	v19 =	vand.u32 $0xFF, v19;
	v2 =	vadd.f32 $-5.499999970e-02, v2;
	v21 =	vnsel vm5, $0x3F000000, v15  }
0x4c0: {  	v0 =	vsel vm2, v16, v0;
	v16 =	vadd.f32 $-5.499999970e-02, v20;
	v20 =	vand.u32 $0x7FFFFF, v21  }
0x4c1: {  	v44 =	vsel vm3, v12, v2;
	v12 =	vadd.s32 $0xFFFFFF81, v19;
	v45 =	vor.u32 $0x3F800000, v20  }
0x4c2: {  	[tilespmem:s0+$0xFFFFF7E0] =	vst v0;
	v21 =	vshrl.u32 v21, $0x17;
	v46 =	vsel vm4, v3, v16;
	v3 =	vadd.f32 $1.000000000e+00, v45  }
0x4c3: {  	vm2 =	vle.f32 v8, $3.130800090e-03;
	v20 =	vld [tilespmem:s29+$0xFFFFFFE0];
	[tilespmem:s0+$0xFFFFF7F0] =	vst v44;
	v21 =	vand.u32 $0xFF, v21;
	v16 =	vshrl.u32 v17, $0x17  }
0x4c4: {  	v17 =	vcvt.s32.f32 v12;
	v22 =	vld [tilespmem:s29+$0xFFFFFFF0];
	v21 =	vadd.s32 $0xFFFFFF81, v21;
	v12 =	vpop (erf);
	(erf) = vrcp.f32 v3  }
0x4c5: {  	vm8 =	vle.f32 v15, $3.130800090e-03;
	v23 =	vld [tilespmem:s28+$0xFFFFF7F0];
	[tilespmem:s0+$0xFFFFF800] =	vst v46;
	v21 =	vcvt.s32.f32 v21;
	v11 =	vmul.f32 v12, v13;
	v12 =	vpop (erf)  }
0x4c6: {  	v13 =	vld [tilespmem:s29+$0x0];
	v3 =	vand.u32 $0xFF, v16;
	v16 =	vcvt.s32.f32 v48;
	v49 =	vmul.f32 v12, v18;
	v12 =	vpop (erf)  }
0x4c7: {  	v18 =	vadd.s32 $0xFFFFFF81, v3;
	v1 =	vmul.f32 v12, v1;
	v3 =	vmul.f32 v11, v11;
	v12 =	vld [tilespmem:s28+$0xFFFFF800]  }
0x4c8: {  	vm2 =	vmmov vm2;
	v19 =	vmul.f32 $2.885390040e+00, v11;
	v11 =	vld [tilespmem:s28+$0xFFFFF810];
	v20 =	vmul.f32 v20, v4  }
0x4c9: {  	vm3 =	vle.f32 v10, $3.130800090e-03;
	v24 =	vmul.f32 v49, v49;
	v22 =	vmul.f32 v22, v5  }
0x4ca: {  	v2 =	vadd.f32 $-1.000000000e+00, v45;
	v0 =	vmul.f32 $2.885390040e+00, v49;
	v50 =	vmul.f32 $1.111111120e-01, v3  }
0x4cb: {  	v25 =	vmul.f32 v1, v1;
	v20 =	vadd.f32 v20, v23;
	v13 =	vmul.f32 v13, v6  }
0x4cc: {  	v51 =	vmul.f32 $1.111111120e-01, v24;
	v26 =	vadd.f32 $1.428571490e-01, v50;
	v22 =	vadd.f32 v22, v12  }
0x4cd: {  	v52 =	vmul.f32 $1.111111120e-01, v25;
	vm5 =	vgt.f32 v20, $3.130800090e-03;
	v53 =	vadd.f32 v13, v11;
	v11 =	vpop (erf)  }
0x4ce: {  	v23 =	vadd.f32 $1.428571490e-01, v51;
	vm6 =	vgt.f32 v22, $3.130800090e-03;
	v2 =	vmul.f32 v11, v2  }
0x4cf: {  	v12 =	vnsel vm5, $0x3F000000, v20;
	vm5 =	vgt.f32 v53, $3.130800090e-03;
	v13 =	vnsel vm6, $0x3F000000, v22  }
0x4d0: {  	v11 =	vand.u32 $0x7FFFFF, v12;
	v55 =	vnsel vm5, $0x3F000000, v53;
	v58 =	vmul.f32 v2, v2  }
0x4d1: {  	v54 =	vand.u32 $0x7FFFFF, v13;
	v57 =	vor.u32 $0x3F800000, v11;
	v11 =	vand.u32 $0x7FFFFF, v55  }
0x4d2: {  	v59 =	vadd.f32 $1.000000000e+00, v57;
	v29 =	vor.u32 $0x3F800000, v54;
	v61 =	vmul.f32 $1.111111120e-01, v58  }
0x4d3: {  	v26 =	vmul.f32 v26, v3;
	v60 =	vor.u32 $0x3F800000, v11;
	v11 =	vadd.f32 $1.000000000e+00, v29  }
0x4d4: {  	v63 =	vadd.f32 $1.000000000e+00, v60;
	(erf) = vrcp.f32 v59;
	v39 =	vadd.f32 $1.428571490e-01, v61  }
0x4d5: {  	vm3 =	vmmov vm3;
	v23 =	vmul.f32 v23, v24;
	(erf) = vrcp.f32 v11  }
0x4d6: {  	vm4 =	vle.f32 v9, $3.130800090e-03;
	(erf) = vrcp.f32 v63;
	v33 =	vmul.f32 v39, v58  }
0x4d7: {  	v12 =	vshrl.u32 v12, $0x17;
	vm5 =	vle.f32 v22, $3.130800090e-03;
	v26 =	vadd.f32 $2.000000030e-01, v26  }
0x4d8: {  	v13 =	vshrl.u32 v13, $0x17;
	v12 =	vand.u32 $0xFF, v12;
	v33 =	vadd.f32 $2.000000030e-01, v33  }
0x4d9: {  	v30 =	vshrl.u32 v55, $0x17;
	v23 =	vadd.f32 $2.000000030e-01, v23;
	v31 =	vadd.f32 $-1.000000000e+00, v57  }
0x4da: {  	v12 =	vadd.s32 $0xFFFFFF81, v12;
	v13 =	vand.u32 $0xFF, v13;
	v33 =	vmul.f32 v33, v58  }
0x4db: {  	v30 =	vand.u32 $0xFF, v30;
	v2 =	vmul.f32 $2.885390040e+00, v2;
	v26 =	vmul.f32 v26, v3  }
0x4dc: {  	v13 =	vadd.s32 $0xFFFFFF81, v13;
	v40 =	vcvt.s32.f32 v12;
	v33 =	vadd.f32 $3.333333430e-01, v33  }
0x4dd: {  	v29 =	vadd.f32 $-1.000000000e+00, v29;
	v57 =	vmul.f32 v23, v24;
	v41 =	vcvt.s32.f32 v13;
	v43 =	vpop (erf)  }
0x4de: {  	v34 =	vadd.f32 $-1.000000000e+00, v60;
	v13 =	vmul.f32 $1.292000010e+01, v22;
	v45 =	vpop (erf);
	v46 =	vmul.f32 v33, v58  }
0x4df: {  	v12 =	vadd.s32 $0xFFFFFF81, v30;
	v44 =	vmul.f32 v43, v31;
	v22 =	vmul.f32 v45, v29;
	v48 =	vpop (erf)  }
0x4e0: {  	v42 =	vcvt.s32.f32 v12;
	v31 =	vmul.f32 v48, v34;
	v29 =	vadd.f32 $1.000000000e+00, v46  }
0x4e1: {  	vm7 =	vle.f32 v20, $3.130800090e-03;
	v49 =	vmul.f32 v44, v44;
	v50 =	vmul.f32 v22, v22  }
0x4e2: {  	v28 =	vadd.f32 $1.428571490e-01, v52;
	v34 =	vmul.f32 v31, v31;
	v2 =	vmul.f32 v29, v2  }
0x4e3: {  	vm6 =	vle.f32 v53, $3.130800090e-03;
	v51 =	vmul.f32 $1.111111120e-01, v49;
	v52 =	vmul.f32 $1.111111120e-01, v50  }
0x4e4: {  	v12 =	vmul.f32 $1.292000010e+01, v53;
	v53 =	vmul.f32 $1.111111120e-01, v34;
	v2 =	vadd.f32 v21, v2  }
0x4e5: {  	v11 =	vmul.f32 $1.292000010e+01, v20;
	v27 =	vadd.f32 $1.428571490e-01, v51;
	v54 =	vadd.f32 $1.428571490e-01, v52  }
0x4e6: {  	v20 =	vmul.f32 v28, v25;
	v55 =	vadd.f32 $1.428571490e-01, v53;
	v2 =	vmul.f32 $2.888113260e-01, v2  }
0x4e7: {  	v26 =	vadd.f32 $3.333333430e-01, v26;
	v27 =	vmul.f32 v27, v49;
	v28 =	vmul.f32 v54, v50  }
0x4e8: {  	v20 =	vadd.f32 $2.000000030e-01, v20;
	v29 =	vmul.f32 v55, v34;
	v2 =	vmul.f32 $1.442695020e+00, v2  }
0x4e9: {  	v3 =	vmul.f32 v26, v3;
	v27 =	vadd.f32 $2.000000030e-01, v27;
	v28 =	vadd.f32 $2.000000030e-01, v28  }
0x4ea: {  	v20 =	vmul.f32 v20, v25;
	v29 =	vadd.f32 $2.000000030e-01, v29;
	(erf) = vpow2.f32 v2  }
0x4eb: {  	v3 =	vadd.f32 $1.000000000e+00, v3;
	v23 =	vmul.f32 v27, v49;
	v58 =	vmul.f32 v28, v50  }
0x4ec: {  	v1 =	vmul.f32 $2.885390040e+00, v1;
	v20 =	vadd.f32 $3.333333430e-01, v20;
	v59 =	vmul.f32 v29, v34  }
0x4ed: {  	v3 =	vmul.f32 v3, v19;
	v23 =	vadd.f32 $3.333333430e-01, v23;
	v27 =	vadd.f32 $3.333333430e-01, v58  }
0x4ee: {  	v20 =	vmul.f32 v20, v25;
	v22 =	vmul.f32 $2.885390040e+00, v22;
	v60 =	vadd.f32 $3.333333430e-01, v59  }
0x4ef: {  	v2 =	vadd.f32 $3.333333430e-01, v57;
	v23 =	vmul.f32 v23, v49;
	v61 =	vmul.f32 v27, v50  }
0x4f0: {  	v20 =	vadd.f32 $1.000000000e+00, v20;
	v21 =	vmul.f32 $2.885390040e+00, v44;
	v26 =	vmul.f32 v60, v34  }
0x4f1: {  	v2 =	vmul.f32 v2, v24;
	v23 =	vadd.f32 $1.000000000e+00, v23;
	v24 =	vadd.f32 $1.000000000e+00, v61  }
0x4f2: {  	v1 =	vmul.f32 v20, v1;
	v31 =	vmul.f32 $2.885390040e+00, v31;
	v19 =	vadd.f32 $1.000000000e+00, v26  }
0x4f3: {  	v2 =	vadd.f32 $1.000000000e+00, v2;
	v63 =	vmul.f32 v23, v21;
	v21 =	vmul.f32 v24, v22;
	v22 =	vpop (erf)  }
0x4f4: {  	v3 =	vadd.f32 v17, v3;
	v19 =	vmul.f32 v19, v31;
	v17 =	vmul.f32 $1.054999950e+00, v22  }
0x4f5: {  	v0 =	vmul.f32 v2, v0;
	v2 =	vadd.f32 v40, v63;
	v21 =	vadd.f32 v41, v21  }
0x4f6: {  	v20 =	vmul.f32 $1.292000010e+01, v15;
	v19 =	vadd.f32 v42, v19;
	v17 =	vadd.f32 $-5.499999970e-02, v17  }
0x4f7: {  	vm4 =	vmmov vm4;
	v2 =	vmul.f32 $2.888113260e-01, v2;
	v21 =	vmul.f32 $2.888113260e-01, v21  }
0x4f8: {  	s30 =	simm.s32 $0x17920;
	v22 =	vcvt.s32.f32 v18;
	v19 =	vmul.f32 $2.888113260e-01, v19;
	v20 =	vsel vm8, v20, v17  }
0x4f9: {  	s18 =	simm.s32 $0x19160;
	s6 =	simm.s32 $0x1A960;
	v15 =	vadd.f32 v16, v0;
	v18 =	vmul.f32 $1.442695020e+00, v2;
	v17 =	vmul.f32 $1.442695020e+00, v21;
	[tilespmem:s0+$0x10] =	vst v20  }
0x4fa: {  	s19 =	simm.s32 $0x4;
	[tilespmem:s26+$0x810] =	vst v14;
	v16 =	vmul.f32 $1.442695020e+00, v19;
	v19 =	vmul.f32 $2.888113260e-01, v3;
	v20 =	vadd.f32 v22, v1;
	v14 =	vld [tilespmem:s29+$0x810]  }
.LBB2_16:
0x4fb: {  	v0 =	vld [tilespmem:s30+$0x840];
	s19 =	sadd.s32 $0x4, s19;
	(erf) = vpow2.f32 v18;
	v1 =	vmul.f32 $2.888113260e-01, v15  }
0x4fc: {  	s29 =	sadd.s32 $0x40, s29;
	p0 =	slt.u32 s19, $0x7C;
	v2 =	vld [tilespmem:s28+$0x30];
	(erf) = vpow2.f32 v17;
	v3 =	vmul.f32 $2.888113260e-01, v20  }
0x4fd: {  	v15 =	vmul.f32 $1.442695020e+00, v19;
	v17 =	vld [tilespmem:s29+$0xFFFFF810];
	(erf) = vpow2.f32 v16  }
0x4fe: {  	v1 =	vmul.f32 $1.442695020e+00, v1;
	v19 =	vld [tilespmem:s30+$0x820];
	v3 =	vmul.f32 $1.442695020e+00, v3  }
0x4ff: {  	v20 =	vld [tilespmem:s30+$0xFFFFF010];
	v14 =	vmul.f32 v14, v7;
	(erf) = vpow2.f32 v15  }
0x500: {  	v15 =	vmul.f32 $1.292000010e+01, v8;
	v21 =	vld [tilespmem:s30+$0x830];
	v7 =	vsub.f32 $1.000000000e+00, v0;
	(erf) = vpow2.f32 v1  }
0x501: {  	v16 =	vmul.f32 $1.292000010e+01, v9;
	v0 =	vld [tilespmem:s30+$0x810];
	v18 =	vadd.f32 v14, v2;
	(erf) = vpow2.f32 v3  }
0x502: {  	v14 =	vmul.f32 $1.292000010e+01, v10;
	v1 =	vld [tilespmem:s29+$0xFFFFF7E0];
	v8 =	vmul.f32 v17, v7  }
0x503: {  	v9 =	vsub.f32 $1.000000000e+00, v19;
	v3 =	vld [tilespmem:s29+$0xFFFFF7F0];
	vm8 =	vgt.f32 v18, $3.130800090e-03  }
0x504: {  	v17 =	vld [tilespmem:s29+$0xFFFFF800];
	v19 =	vadd.f32 v8, v20;
	v25 =	vnsel vm8, $0x3F000000, v18;
	v2 =	vpop (erf)  }
0x505: {  	v20 =	vld [tilespmem:s30+$0xFFFFEFE0];
	v10 =	vsub.f32 $1.000000000e+00, v21;
	v2 =	vmul.f32 $1.054999950e+00, v2;
	v21 =	vand.u32 $0x7FFFFF, v25;
	v22 =	vpop (erf)  }
0x506: {  	v8 =	vsub.f32 $1.000000000e+00, v0;
	v0 =	vld [tilespmem:s30+$0xFFFFEFF0];
	vm8 =	vgt.f32 v19, $3.130800090e-03;
	v21 =	vor.u32 $0x3F800000, v21;
	v23 =	vpop (erf)  }
0x507: {  	v31 =	vmul.f32 $1.054999950e+00, v22;
	v26 =	vld [tilespmem:s30+$0xFFFFF000];
	v28 =	vnsel vm8, $0x3F000000, v19;
	v22 =	vadd.f32 $1.000000000e+00, v21  }
0x508: {  	v1 =	vmul.f32 v1, v8;
	v3 =	vmul.f32 v3, v9;
	v30 =	vand.u32 $0x7FFFFF, v28;
	v27 =	vpop (erf)  }
0x509: {  	v17 =	vmul.f32 v17, v10;
	v29 =	vor.u32 $0x3F800000, v30;
	(erf) = vrcp.f32 v22;
	v24 =	vpop (erf)  }
0x50a: {  	v32 =	vmul.f32 $1.054999950e+00, v23;
	v1 =	vadd.f32 v1, v20;
	v20 =	vadd.f32 $1.000000000e+00, v29;
	v23 =	vpop (erf)  }
0x50b: {  	v30 =	vadd.f32 $-5.499999970e-02, v2;
	v22 =	vmul.f32 $1.054999950e+00, v27;
	v0 =	vadd.f32 v3, v0  }
0x50c: {  	vm8 =	vgt.f32 v1, $3.130800090e-03;
	v2 =	vadd.f32 v17, v26;
	(erf) = vrcp.f32 v20  }
0x50d: {  	v17 =	vmul.f32 $1.292000010e+01, v1;
	v3 =	vnsel vm8, $0x3F000000, v1;
	vm8 =	vgt.f32 v0, $3.130800090e-03  }
0x50e: {  	v20 =	vand.u32 $0x7FFFFF, v3;
	v26 =	vnsel vm8, $0x3F000000, v0;
	vm8 =	vgt.f32 v2, $3.130800090e-03  }
0x50f: {  	v20 =	vor.u32 $0x3F800000, v20;
	v27 =	vand.u32 $0x7FFFFF, v26;
	v33 =	vnsel vm8, $0x3F000000, v2  }
0x510: {  	v38 =	vadd.f32 $1.000000000e+00, v20;
	v27 =	vor.u32 $0x3F800000, v27;
	v35 =	vand.u32 $0x7FFFFF, v33  }
0x511: {  	v21 =	vadd.f32 $-1.000000000e+00, v21;
	v36 =	vadd.f32 $1.000000000e+00, v27;
	v35 =	vor.u32 $0x3F800000, v35  }
0x512: {  	v20 =	vadd.f32 $-1.000000000e+00, v20;
	v37 =	vadd.f32 $1.000000000e+00, v35;
	(erf) = vrcp.f32 v38;
	v34 =	vpop (erf)  }
0x513: {  	v38 =	vadd.f32 $-1.000000000e+00, v27;
	(erf) = vrcp.f32 v36;
	v34 =	vmul.f32 v34, v21  }
0x514: {  	v35 =	vadd.f32 $-1.000000000e+00, v35;
	v21 =	vadd.f32 $-1.000000000e+00, v29;
	(erf) = vrcp.f32 v37  }
0x515: {  	v3 =	vshrl.u32 v3, $0x17;
	v26 =	vshrl.u32 v26, $0x17;
	v27 =	vpop (erf);
	v36 =	vmul.f32 v34, v34  }
0x516: {  	v3 =	vand.u32 $0xFF, v3;
	v29 =	vshrl.u32 v33, $0x17;
	v33 =	vmul.f32 v27, v21  }
0x517: {  	v21 =	vand.u32 $0xFF, v26;
	v26 =	vand.u32 $0xFF, v29;
	v27 =	vmul.f32 $1.111111120e-01, v36  }
0x518: {  	v3 =	vadd.s32 $0xFFFFFF81, v3;
	v21 =	vadd.s32 $0xFFFFFF81, v21;
	v37 =	vmul.f32 v33, v33  }
0x519: {  	v29 =	vcvt.s32.f32 v3;
	v40 =	vadd.s32 $0xFFFFFF81, v26;
	v39 =	vadd.f32 $1.428571490e-01, v27  }
0x51a: {  	vm9 =	vle.f32 v1, $3.130800090e-03;
	v26 =	vcvt.s32.f32 v21;
	v41 =	vmul.f32 $1.111111120e-01, v37  }
0x51b: {  	vm8 =	vle.f32 v0, $3.130800090e-03;
	v27 =	vcvt.s32.f32 v40;
	v3 =	vpop (erf);
	v39 =	vmul.f32 v39, v36  }
0x51c: {  	v21 =	vmul.f32 $1.292000010e+01, v0;
	v3 =	vmul.f32 v3, v20;
	v0 =	vadd.f32 $1.428571490e-01, v41;
	v1 =	vpop (erf)  }
0x51d: {  	v20 =	vmul.f32 $1.292000010e+01, v2;
	v1 =	vmul.f32 v1, v38;
	v38 =	vpop (erf);
	v39 =	vadd.f32 $2.000000030e-01, v39  }
0x51e: {  	vm10 =	vle.f32 v2, $3.130800090e-03;
	v35 =	vmul.f32 v38, v35;
	v0 =	vmul.f32 v0, v37  }
0x51f: {  	v31 =	vadd.f32 $-5.499999970e-02, v31;
	v2 =	vmul.f32 v3, v3;
	v38 =	vmul.f32 v39, v36  }
0x520: {  	v39 =	vmul.f32 v1, v1;
	v40 =	vmul.f32 v35, v35;
	v0 =	vadd.f32 $2.000000030e-01, v0  }
0x521: {  	v3 =	vmul.f32 $2.885390040e+00, v3;
	v41 =	vmul.f32 $1.111111120e-01, v2;
	v38 =	vadd.f32 $3.333333430e-01, v38  }
0x522: {  	v32 =	vadd.f32 $-5.499999970e-02, v32;
	v42 =	vmul.f32 $1.111111120e-01, v39;
	v0 =	vmul.f32 v0, v37  }
0x523: {  	v41 =	vadd.f32 $1.428571490e-01, v41;
	v43 =	vmul.f32 $1.111111120e-01, v40;
	v36 =	vmul.f32 v38, v36  }
0x524: {  	v25 =	vshrl.u32 v25, $0x17;
	v38 =	vadd.f32 $1.428571490e-01, v42;
	v0 =	vadd.f32 $3.333333430e-01, v0  }
0x525: {  	v25 =	vand.u32 $0xFF, v25;
	v34 =	vmul.f32 $2.885390040e+00, v34;
	v36 =	vadd.f32 $1.000000000e+00, v36  }
0x526: {  	v25 =	vadd.s32 $0xFFFFFF81, v25;
	v42 =	vadd.f32 $1.428571490e-01, v43;
	v0 =	vmul.f32 v0, v37  }
0x527: {  	v28 =	vshrl.u32 v28, $0x17;
	v25 =	vcvt.s32.f32 v25;
	v34 =	vmul.f32 v36, v34  }
0x528: {  	v28 =	vand.u32 $0xFF, v28;
	v33 =	vmul.f32 $2.885390040e+00, v33;
	v0 =	vadd.f32 $1.000000000e+00, v0  }
0x529: {  	v28 =	vadd.s32 $0xFFFFFF81, v28;
	v36 =	vmul.f32 v41, v2;
	v25 =	vadd.f32 v25, v34  }
0x52a: {  	v28 =	vcvt.s32.f32 v28;
	v11 =	vsel vm7, v11, v30;
	v0 =	vmul.f32 v0, v33  }
0x52b: {  	v30 =	vadd.f32 $2.000000030e-01, v36;
	v33 =	vmul.f32 v38, v39;
	[tilespmem:s0+$0xFFFFFFE0] =	vst v11;
	v11 =	vmul.f32 $2.888113260e-01, v25  }
0x52c: {  	v1 =	vmul.f32 $2.885390040e+00, v1;
	v25 =	vmul.f32 v42, v40;
	v0 =	vadd.f32 v28, v0;
	v28 =	vld [tilespmem:s18+$0x7E0]  }
0x52d: {  	v30 =	vmul.f32 v30, v2;
	v33 =	vadd.f32 $2.000000030e-01, v33;
	v34 =	vld [tilespmem:s28+$0x0];
	v11 =	vmul.f32 $1.442695020e+00, v11  }
0x52e: {  	v35 =	vmul.f32 $2.885390040e+00, v35;
	v25 =	vadd.f32 $2.000000030e-01, v25;
	v0 =	vmul.f32 $2.888113260e-01, v0  }
0x52f: {  	v30 =	vadd.f32 $3.333333430e-01, v30;
	v33 =	vmul.f32 v33, v39;
	(erf) = vpow2.f32 v11  }
0x530: {  	v13 =	vsel vm5, v13, v31;
	v11 =	vmul.f32 v25, v40;
	v0 =	vmul.f32 $1.442695020e+00, v0  }
0x531: {  	v12 =	vsel vm6, v12, v32;
	v2 =	vmul.f32 v30, v2;
	v25 =	vadd.f32 $3.333333430e-01, v33;
	[tilespmem:s0+$0xFFFFFFF0] =	vst v13  }
0x532: {  	v11 =	vadd.f32 $3.333333430e-01, v11;
	(erf) = vpow2.f32 v0;
	v0 =	vmul.f32 v28, v4;
	v28 =	vld [tilespmem:s18+$0x7F0];
	[tilespmem:s0+$0x0] =	vst v12;
	v4 =	vmovc v8  }
0x533: {  	v24 =	vmul.f32 $1.054999950e+00, v24;
	v2 =	vadd.f32 $1.000000000e+00, v2;
	v12 =	vmul.f32 v25, v39;
	v25 =	vld [tilespmem:s18+$0x800];
	s18 =	smov.u32 s29  }
0x534: {  	v13 =	vmul.f32 $1.054999950e+00, v23;
	v30 =	vmul.f32 v11, v40;
	v8 =	vadd.f32 v0, v34;
	v0 =	vld [tilespmem:s28+$0x10]  }
0x535: {  	v2 =	vmul.f32 v2, v3;
	v11 =	vadd.f32 $-5.499999970e-02, v22;
	v3 =	vadd.f32 $1.000000000e+00, v12;
	v23 =	vld [tilespmem:s28+$0x20];
	s28 =	smov.u32 s30  }
0x536: {  	v12 =	vadd.f32 $-5.499999970e-02, v24;
	v22 =	vadd.f32 $1.000000000e+00, v30;
	vm5 =	vgt.f32 v8, $3.130800090e-03  }
0x537: {  	v2 =	vadd.f32 v29, v2;
	v1 =	vmul.f32 v3, v1;
	v3 =	vmul.f32 v28, v5;
	v5 =	vmovc v9  }
0x538: {  	v9 =	vmul.f32 v22, v35;
	v22 =	vnsel vm5, $0x3F000000, v8;
	v24 =	vmul.f32 v25, v6;
	v6 =	vpop (erf)  }
0x539: {  	v2 =	vmul.f32 $2.888113260e-01, v2;
	v28 =	vadd.f32 v26, v1;
	v25 =	vmul.f32 $1.054999950e+00, v6;
	v6 =	vmovc v10  }
0x53a: {  	v26 =	vand.u32 $0x7FFFFF, v22;
	v10 =	vadd.f32 v27, v9;
	v9 =	vadd.f32 v3, v0  }
0x53b: {  	v3 =	vmul.f32 $1.292000010e+01, v18;
	v0 =	vmul.f32 $2.888113260e-01, v28;
	v1 =	vpop (erf);
	v25 =	vadd.f32 $-5.499999970e-02, v25  }
0x53c: {  	vm5 =	vle.f32 v18, $3.130800090e-03;
	v27 =	vmul.f32 $2.888113260e-01, v10;
	v1 =	vmul.f32 $1.054999950e+00, v1  }
0x53d: {  	v2 =	vmul.f32 $1.442695020e+00, v2;
	v0 =	vmul.f32 $1.442695020e+00, v0;
	v3 =	vsel vm5, v3, v25  }
0x53e: {  	v18 =	vmul.f32 $1.292000010e+01, v19;
	v10 =	vadd.f32 v24, v23;
	v1 =	vadd.f32 $-5.499999970e-02, v1;
	[tilespmem:s0+$0x810] =	vst v3  }
0x53f: {  	vm5 =	vle.f32 v19, $3.130800090e-03;
	v3 =	vmul.f32 $1.442695020e+00, v27;
	(erf) = vpow2.f32 v2  }
0x540: {  	s0 =	sadd.s32 $0x40, s0;
	v1 =	vsel vm5, v18, v1;
	(erf) = vpow2.f32 v0;
	vm5 =	vgt.f32 v9, $3.130800090e-03  }
0x541: {  	[tilespmem:s0+$0xFFFFF810] =	vst v1;
	(erf) = vpow2.f32 v3;
	v0 =	vnsel vm5, $0x3F000000, v9;
	vm5 =	vgt.f32 v10, $3.130800090e-03  }
0x542: {  	v2 =	vor.u32 $0x3F800000, v26;
	v1 =	vld [tilespmem:s29+$0x10];
	v3 =	vand.u32 $0x7FFFFF, v0;
	v18 =	vnsel vm5, $0x3F000000, v10  }
0x543: {  	v19 =	vadd.f32 $1.000000000e+00, v2;
	v3 =	vor.u32 $0x3F800000, v3;
	v23 =	vand.u32 $0x7FFFFF, v18  }
0x544: {  	v2 =	vadd.f32 $-1.000000000e+00, v2;
	v24 =	vld [tilespmem:s30+$0xFFFFF820];
	v25 =	vadd.f32 $1.000000000e+00, v3;
	v23 =	vor.u32 $0x3F800000, v23  }
0x545: {  	v3 =	vadd.f32 $-1.000000000e+00, v3;
	v26 =	vadd.f32 $1.000000000e+00, v23;
	(erf) = vrcp.f32 v19  }
0x546: {  	v19 =	vshrl.u32 v22, $0x17;
	v22 =	vadd.f32 $-1.000000000e+00, v23;
	(erf) = vrcp.f32 v25  }
0x547: {  	v0 =	vshrl.u32 v0, $0x17;
	v27 =	vmul.f32 v1, v7;
	(erf) = vrcp.f32 v26  }
0x548: {  	v0 =	vand.u32 $0xFF, v0;
	v19 =	vand.u32 $0xFF, v19;
	v26 =	vshrl.u32 v18, $0x17;
	v23 =	vpop (erf)  }
0x549: {  	v23 =	vmul.f32 $1.054999950e+00, v23;
	v18 =	vadd.f32 v27, v24;
	v1 =	vpop (erf);
	v24 =	vand.u32 $0xFF, v26  }
0x54a: {  	v0 =	vadd.s32 $0xFFFFFF81, v0;
	v26 =	vadd.s32 $0xFFFFFF81, v19;
	v1 =	vmul.f32 $1.054999950e+00, v1;
	v25 =	vpop (erf)  }
0x54b: {  	v23 =	vadd.f32 $-5.499999970e-02, v23;
	v27 =	vmul.f32 $1.054999950e+00, v25;
	vm5 =	vgt.f32 v18, $3.130800090e-03  }
0x54c: {  	v19 =	vadd.s32 $0xFFFFFF81, v24;
	v1 =	vadd.f32 $-5.499999970e-02, v1;
	v25 =	vnsel vm5, $0x3F000000, v18  }
0x54d: {  	v17 =	vsel vm9, v17, v23;
	v23 =	vadd.f32 $-5.499999970e-02, v27;
	v24 =	vand.u32 $0x7FFFFF, v25  }
0x54e: {  	[tilespmem:s0+$0xFFFFF7E0] =	vst v17;
	v30 =	vsel vm8, v21, v1;
	v27 =	vor.u32 $0x3F800000, v24;
	v17 =	vcvt.s32.f32 v26;
	v21 =	vpop (erf)  }
0x54f: {  	v28 =	vld [tilespmem:s29+$0xFFFFFFE0];
	[tilespmem:s0+$0xFFFFF7F0] =	vst v30;
	v24 =	vsel vm10, v20, v23;
	v23 =	vadd.f32 $1.000000000e+00, v27;
	v2 =	vmul.f32 v21, v2;
	v21 =	vpop (erf)  }
0x550: {  	v26 =	vadd.f32 $-5.499999970e-02, v13;
	v20 =	vcvt.s32.f32 v0;
	v29 =	vld [tilespmem:s29+$0xFFFFFFF0];
	[tilespmem:s0+$0xFFFFF800] =	vst v24;
	v0 =	vmul.f32 v21, v3;
	v1 =	vpop (erf)  }
0x551: {  	vm9 =	vle.f32 v8, $3.130800090e-03;
	v3 =	vld [tilespmem:s29+$0x0];
	(erf) = vrcp.f32 v23;
	v1 =	vmul.f32 v1, v22  }
0x552: {  	vm10 =	vle.f32 v9, $3.130800090e-03;
	v24 =	vmul.f32 v2, v2;
	v13 =	vld [tilespmem:s30+$0xFFFFF7F0];
	v23 =	vmul.f32 v0, v0  }
0x553: {  	vm8 =	vle.f32 v10, $3.130800090e-03;
	v21 =	vmul.f32 $2.885390040e+00, v2;
	v30 =	vld [tilespmem:s30+$0xFFFFF800];
	v22 =	vmul.f32 v1, v1  }
0x554: {  	v11 =	vsel vm2, v15, v11;
	v31 =	vmul.f32 $1.111111120e-01, v24;
	v2 =	vmul.f32 v28, v4;
	v28 =	vld [tilespmem:s30+$0xFFFFF810]  }
0x555: {  	v15 =	vmul.f32 $1.111111120e-01, v23;
	v29 =	vmul.f32 v29, v5;
	[tilespmem:s26+$0x7E0] =	vst v11;
	v11 =	vsel vm4, v16, v12  }
0x556: {  	v12 =	vadd.f32 $1.428571490e-01, v31;
	v16 =	vmul.f32 $1.111111120e-01, v22;
	v3 =	vmul.f32 v3, v6;
	[tilespmem:s26+$0x7F0] =	vst v11  }
0x557: {  	v31 =	vadd.f32 $1.428571490e-01, v15;
	v15 =	vmul.f32 $2.885390040e+00, v0;
	v2 =	vadd.f32 v2, v13  }
0x558: {  	v16 =	vadd.f32 $1.428571490e-01, v16;
	v0 =	vadd.f32 v29, v30;
	v29 =	vmul.f32 v12, v24  }
0x559: {  	v12 =	vadd.f32 $-1.000000000e+00, v27;
	vm2 =	vgt.f32 v2, $3.130800090e-03;
	v3 =	vadd.f32 v3, v28  }
0x55a: {  	v11 =	vmul.f32 $1.292000010e+01, v2;
	v13 =	vnsel vm2, $0x3F000000, v2;
	vm2 =	vgt.f32 v0, $3.130800090e-03;
	v27 =	vpop (erf)  }
0x55b: {  	v28 =	vnsel vm2, $0x3F000000, v0;
	vm2 =	vgt.f32 v3, $3.130800090e-03;
	v27 =	vmul.f32 v27, v12  }
0x55c: {  	v12 =	vand.u32 $0x7FFFFF, v13;
	v30 =	vand.u32 $0x7FFFFF, v28;
	v32 =	vnsel vm2, $0x3F000000, v3  }
0x55d: {  	v12 =	vor.u32 $0x3F800000, v12;
	v33 =	vand.u32 $0x7FFFFF, v32;
	v34 =	vmul.f32 v27, v27  }
0x55e: {  	v35 =	vadd.f32 $1.000000000e+00, v12;
	v30 =	vor.u32 $0x3F800000, v30;
	v33 =	vor.u32 $0x3F800000, v33  }
0x55f: {  	v36 =	vadd.f32 $1.000000000e+00, v30;
	v37 =	vadd.f32 $1.000000000e+00, v33;
	v38 =	vmul.f32 $1.111111120e-01, v34  }
0x560: {  	v39 =	vadd.f32 $-1.000000000e+00, v12;
	v30 =	vadd.f32 $-1.000000000e+00, v30;
	(erf) = vrcp.f32 v35  }
0x561: {  	v33 =	vadd.f32 $-1.000000000e+00, v33;
	v12 =	vadd.f32 $1.428571490e-01, v38;
	(erf) = vrcp.f32 v36  }
0x562: {  	v13 =	vshrl.u32 v13, $0x17;
	v28 =	vshrl.u32 v28, $0x17;
	(erf) = vrcp.f32 v37  }
0x563: {  	v13 =	vand.u32 $0xFF, v13;
	v32 =	vshrl.u32 v32, $0x17;
	v12 =	vmul.f32 v12, v34  }
0x564: {  	v13 =	vadd.s32 $0xFFFFFF81, v13;
	v28 =	vand.u32 $0xFF, v28;
	v32 =	vand.u32 $0xFF, v32  }
0x565: {  	v28 =	vadd.s32 $0xFFFFFF81, v28;
	v32 =	vadd.s32 $0xFFFFFF81, v32;
	v12 =	vadd.f32 $2.000000030e-01, v12  }
0x566: {  	vm7 =	vle.f32 v2, $3.130800090e-03;
	v2 =	vcvt.s32.f32 v28;
	v35 =	vcvt.s32.f32 v13  }
0x567: {  	vm5 =	vle.f32 v0, $3.130800090e-03;
	v28 =	vcvt.s32.f32 v32;
	v36 =	vmul.f32 v12, v34  }
0x568: {  	vm6 =	vle.f32 v3, $3.130800090e-03;
	v13 =	vmul.f32 $1.292000010e+01, v0;
	v12 =	vmul.f32 $1.292000010e+01, v3  }
0x569: {  	v31 =	vmul.f32 v31, v23;
	v16 =	vmul.f32 v16, v22;
	v0 =	vadd.f32 $3.333333430e-01, v36;
	v3 =	vpop (erf)  }
0x56a: {  	v1 =	vmul.f32 $2.885390040e+00, v1;
	v29 =	vadd.f32 $2.000000030e-01, v29;
	v3 =	vmul.f32 v3, v39;
	v32 =	vpop (erf)  }
0x56b: {  	v31 =	vadd.f32 $2.000000030e-01, v31;
	v30 =	vmul.f32 v32, v30;
	v0 =	vmul.f32 v0, v34;
	v32 =	vpop (erf)  }
0x56c: {  	v25 =	vshrl.u32 v25, $0x17;
	v34 =	vmul.f32 v3, v3;
	v32 =	vmul.f32 v32, v33  }
0x56d: {  	v25 =	vand.u32 $0xFF, v25;
	v27 =	vmul.f32 $2.885390040e+00, v27;
	v0 =	vadd.f32 $1.000000000e+00, v0  }
0x56e: {  	v25 =	vadd.s32 $0xFFFFFF81, v25;
	v33 =	vmul.f32 v30, v30;
	v36 =	vmul.f32 v32, v32  }
0x56f: {  	v25 =	vcvt.s32.f32 v25;
	v16 =	vadd.f32 $2.000000030e-01, v16;
	v0 =	vmul.f32 v0, v27  }
0x570: {  	v14 =	vsel vm3, v14, v26;
	v27 =	vmul.f32 $1.111111120e-01, v34;
	v37 =	vmul.f32 $1.111111120e-01, v33  }
0x571: {  	v3 =	vmul.f32 $2.885390040e+00, v3;
	v26 =	vmul.f32 $1.111111120e-01, v36;
	v0 =	vadd.f32 v25, v0;
	[tilespmem:s26+$0x800] =	vst v14;
	s26 =	smov.u32 s6;
	s6 =	smov.u32 s0  }
0x572: {  	v14 =	vadd.f32 $1.428571490e-01, v27;
	v25 =	vadd.f32 $1.428571490e-01, v37;
	v27 =	vmul.f32 $2.885390040e+00, v30  }
0x573: {  	v30 =	vmul.f32 $2.885390040e+00, v32;
	v26 =	vadd.f32 $1.428571490e-01, v26;
	v0 =	vmul.f32 $2.888113260e-01, v0  }
0x574: {  	vm2 =	vmmov vm9;
	v14 =	vmul.f32 v14, v34;
	v25 =	vmul.f32 v25, v33  }
0x575: {  	vm4 =	vmmov vm10;
	v26 =	vmul.f32 v26, v36;
	v0 =	vmul.f32 $1.442695020e+00, v0  }
0x576: {  	v29 =	vmul.f32 v29, v24;
	v14 =	vadd.f32 $2.000000030e-01, v14;
	v25 =	vadd.f32 $2.000000030e-01, v25  }
0x577: {  	v26 =	vadd.f32 $2.000000030e-01, v26;
	(erf) = vpow2.f32 v0;
	v0 =	vmul.f32 v31, v23  }
0x578: {  	v29 =	vadd.f32 $3.333333430e-01, v29;
	v14 =	vmul.f32 v14, v34;
	v25 =	vmul.f32 v25, v33  }
0x579: {  	v16 =	vmul.f32 v16, v22;
	v26 =	vmul.f32 v26, v36;
	v0 =	vadd.f32 $3.333333430e-01, v0  }
0x57a: {  	v24 =	vmul.f32 v29, v24;
	v14 =	vadd.f32 $3.333333430e-01, v14;
	v25 =	vadd.f32 $3.333333430e-01, v25  }
0x57b: {  	v16 =	vadd.f32 $3.333333430e-01, v16;
	v26 =	vadd.f32 $3.333333430e-01, v26;
	v0 =	vmul.f32 v0, v23  }
0x57c: {  	v24 =	vadd.f32 $1.000000000e+00, v24;
	v14 =	vmul.f32 v14, v34;
	v23 =	vmul.f32 v25, v33  }
0x57d: {  	v16 =	vmul.f32 v16, v22;
	v25 =	vmul.f32 v26, v36;
	v0 =	vadd.f32 $1.000000000e+00, v0  }
0x57e: {  	v21 =	vmul.f32 v24, v21;
	v14 =	vadd.f32 $1.000000000e+00, v14;
	v22 =	vadd.f32 $1.000000000e+00, v23  }
0x57f: {  	v16 =	vadd.f32 $1.000000000e+00, v16;
	v23 =	vadd.f32 $1.000000000e+00, v25;
	v0 =	vmul.f32 v0, v15  }
0x580: {  	v21 =	vadd.f32 v17, v21;
	v3 =	vmul.f32 v14, v3;
	v14 =	vmul.f32 v22, v27;
	v15 =	vpop (erf)  }
0x581: {  	v17 =	vmul.f32 v23, v30;
	v22 =	vmul.f32 $1.054999950e+00, v15;
	v15 =	vadd.f32 v20, v0  }
0x582: {  	v1 =	vmul.f32 v16, v1;
	v0 =	vadd.f32 v35, v3;
	v2 =	vadd.f32 v2, v14  }
.Ltmp10:
0x583: {  	v14 =	vmul.f32 $1.292000010e+01, v18;
	v3 =	vadd.f32 v28, v17;
	v16 =	vadd.f32 $-5.499999970e-02, v22;
	(pc) =	sbr.rel @p0 .LBB2_16-.Ltmp10, $4  }
0x584: {  	vm3 =	vle.f32 v18, $3.130800090e-03;
	v0 =	vmul.f32 $2.888113260e-01, v0;
	v2 =	vmul.f32 $2.888113260e-01, v2  }
0x585: {  	v20 =	vcvt.s32.f32 v19;
	v3 =	vmul.f32 $2.888113260e-01, v3;
	v14 =	vsel vm3, v14, v16  }
0x586: {  	v18 =	vmul.f32 $1.442695020e+00, v0;
	v17 =	vmul.f32 $1.442695020e+00, v2;
	vm3 =	vmmov vm8;
	[tilespmem:s0+$0x10] =	vst v14  }
0x587: {  	s30 =	sadd.s32 $0x40, s30;
	v19 =	vmul.f32 $2.888113260e-01, v21;
	v20 =	vadd.f32 v20, v1;
	v16 =	vmul.f32 $1.442695020e+00, v3;
	v14 =	vld [tilespmem:s29+$0x810]  }
0x588: {  	_ = 	snop  }
0x589: {  	v0 =	vld [tilespmem:s28+$0x30];
	_ =	sdelay $0x2  }
0x58a: {  	v1 =	vmul.f32 v14, v7;
	_ =	sdelay $0x1  }
0x58b: {  	v7 =	vadd.f32 v1, v0  }
0x58c: {  	(erf) = vpow2.f32 v18  }
0x58d: {  	(erf) = vpow2.f32 v17;
	v0 =	vmul.f32 $2.888113260e-01, v15;
	vm8 =	vgt.f32 v7, $3.130800090e-03  }
0x58e: {  	v2 =	vmul.f32 $1.442695020e+00, v19;
	v1 =	vmul.f32 $2.888113260e-01, v20;
	v3 =	vnsel vm8, $0x3F000000, v7  }
0x58f: {  	(erf) = vpow2.f32 v16;
	v0 =	vmul.f32 $1.442695020e+00, v0;
	v58 =	vand.u32 $0x7FFFFF, v3  }
0x590: {  	(erf) = vpow2.f32 v2;
	v1 =	vmul.f32 $1.442695020e+00, v1;
	v2 =	vor.u32 $0x3F800000, v58  }
0x591: {  	(erf) = vpow2.f32 v0;
	v0 =	vadd.f32 $1.000000000e+00, v2  }
0x592: {  	(erf) = vpow2.f32 v1  }
0x593: {  	(erf) = vrcp.f32 v0;
	_ =	sdelay $0x2  }
0x594: {  	v0 =	vpop (erf)  }
0x595: {  	v1 =	vpop (erf)  }
0x596: {  	v59 =	vpop (erf)  }
0x597: {  	v60 =	vpop (erf)  }
0x598: {  	v61 =	vpop (erf)  }
0x599: {  	v2 =	vadd.f32 $-1.000000000e+00, v2;
	v63 =	vpop (erf)  }
0x59a: {  	v24 =	vpop (erf)  }
0x59b: {  	v2 =	vmul.f32 v24, v2;
	_ =	sdelay $0x1  }
0x59c: {  	v18 =	vmul.f32 v2, v2;
	_ =	sdelay $0x1  }
0x59d: {  	v25 =	vmul.f32 $1.111111120e-01, v18;
	_ =	sdelay $0x1  }
0x59e: {  	v19 =	vadd.f32 $1.428571490e-01, v25;
	_ =	sdelay $0x1  }
0x59f: {  	v19 =	vmul.f32 v19, v18  }
0x5a0: {  	v0 =	vmul.f32 $1.054999950e+00, v0  }
0x5a1: {  	v19 =	vadd.f32 $2.000000030e-01, v19  }
0x5a2: {  	v1 =	vmul.f32 $1.054999950e+00, v1;
	v0 =	vadd.f32 $-5.499999970e-02, v0  }
0x5a3: {  	v17 =	vmul.f32 $1.054999950e+00, v59;
	v19 =	vmul.f32 v19, v18  }
0x5a4: {  	v1 =	vadd.f32 $-5.499999970e-02, v1;
	v0 =	vsel vm7, v11, v0  }
0x5a5: {  	v17 =	vadd.f32 $-5.499999970e-02, v17;
	[tilespmem:s0+$0xFFFFFFE0] =	vst v0;
	v26 =	vadd.f32 $3.333333430e-01, v19  }
0x5a6: {  	v1 =	vsel vm5, v13, v1;
	v0 =	vld [tilespmem:s18+$0x7E0]  }
0x5a7: {  	v3 =	vshrl.u32 v3, $0x17;
	v27 =	vld [tilespmem:s28+$0x0];
	[tilespmem:s0+$0xFFFFFFF0] =	vst v1;
	v1 =	vsel vm6, v12, v17;
	v11 =	vmul.f32 v26, v18  }
0x5a8: {  	v28 =	vld [tilespmem:s18+$0x7F0];
	[tilespmem:s0+$0x0] =	vst v1;
	v1 =	vand.u32 $0xFF, v3  }
0x5a9: {  	v29 =	vld [tilespmem:s18+$0x800];
	v1 =	vadd.s32 $0xFFFFFF81, v1;
	v2 =	vmul.f32 $2.885390040e+00, v2;
	v3 =	vadd.f32 $1.000000000e+00, v11  }
0x5aa: {  	v30 =	vld [tilespmem:s28+$0x10];
	v1 =	vcvt.s32.f32 v1  }
0x5ab: {  	v0 =	vmul.f32 v0, v4;
	v2 =	vmul.f32 v3, v2;
	v3 =	vld [tilespmem:s28+$0x20];
	_ =	sdelay $0x1  }
0x5ac: {  	v0 =	vadd.f32 v0, v27;
	v1 =	vadd.f32 v1, v2;
	v2 =	vmul.f32 v28, v5  }
0x5ad: {  	v31 =	vmul.f32 v29, v6  }
0x5ae: {  	vm9 =	vgt.f32 v0, $3.130800090e-03;
	v2 =	vadd.f32 v2, v30  }
0x5af: {  	v32 =	vnsel vm9, $0x3F000000, v0;
	v3 =	vadd.f32 v31, v3  }
0x5b0: {  	v33 =	vand.u32 $0x7FFFFF, v32;
	v1 =	vmul.f32 $2.888113260e-01, v1;
	vm10 =	vgt.f32 v2, $3.130800090e-03  }
0x5b1: {  	v5 =	vor.u32 $0x3F800000, v33;
	v34 =	vnsel vm10, $0x3F000000, v2;
	vm11 =	vgt.f32 v3, $3.130800090e-03  }
0x5b2: {  	v1 =	vmul.f32 $1.442695020e+00, v1;
	v35 =	vand.u32 $0x7FFFFF, v34;
	v36 =	vnsel vm11, $0x3F000000, v3  }
0x5b3: {  	v37 =	vadd.f32 $1.000000000e+00, v5;
	v11 =	vor.u32 $0x3F800000, v35;
	v38 =	vand.u32 $0x7FFFFF, v36  }
0x5b4: {  	(erf) = vpow2.f32 v1;
	v1 =	vadd.f32 $1.000000000e+00, v11;
	v17 =	vor.u32 $0x3F800000, v38  }
0x5b5: {  	(erf) = vrcp.f32 v37;
	v39 =	vadd.f32 $1.000000000e+00, v17  }
0x5b6: {  	(erf) = vrcp.f32 v1  }
0x5b7: {  	(erf) = vrcp.f32 v39;
	_ =	sdelay $0x5  }
0x5b8: {  	v5 =	vadd.f32 $-1.000000000e+00, v5;
	v1 =	vpop (erf)  }
0x5b9: {  	v11 =	vadd.f32 $-1.000000000e+00, v11;
	v13 =	vpop (erf)  }
0x5ba: {  	v17 =	vadd.f32 $-1.000000000e+00, v17;
	v5 =	vmul.f32 v13, v5;
	v40 =	vpop (erf)  }
0x5bb: {  	v41 =	vpop (erf);
	v11 =	vmul.f32 v40, v11  }
0x5bc: {  	v42 =	vmul.f32 v5, v5;
	v13 =	vmul.f32 v41, v17  }
0x5bd: {  	v18 =	vmul.f32 v11, v11  }
0x5be: {  	v44 =	vmul.f32 $1.111111120e-01, v42;
	v43 =	vmul.f32 v13, v13  }
0x5bf: {  	v21 =	vmul.f32 $1.111111120e-01, v18  }
0x5c0: {  	v20 =	vadd.f32 $1.428571490e-01, v44;
	v22 =	vmul.f32 $1.111111120e-01, v43  }
0x5c1: {  	v21 =	vadd.f32 $1.428571490e-01, v21  }
0x5c2: {  	v20 =	vmul.f32 v20, v42;
	v22 =	vadd.f32 $1.428571490e-01, v22  }
0x5c3: {  	v21 =	vmul.f32 v21, v18  }
0x5c4: {  	v20 =	vadd.f32 $2.000000030e-01, v20;
	v22 =	vmul.f32 v22, v43  }
0x5c5: {  	v21 =	vadd.f32 $2.000000030e-01, v21  }
0x5c6: {  	v4 =	vshrl.u32 v32, $0x17;
	v20 =	vmul.f32 v20, v42;
	v22 =	vadd.f32 $2.000000030e-01, v22  }
0x5c7: {  	v4 =	vand.u32 $0xFF, v4;
	v21 =	vmul.f32 v21, v18  }
0x5c8: {  	v4 =	vadd.s32 $0xFFFFFF81, v4;
	v20 =	vadd.f32 $3.333333430e-01, v20;
	v22 =	vmul.f32 v22, v43  }
0x5c9: {  	v4 =	vcvt.s32.f32 v4;
	v6 =	vshrl.u32 v34, $0x17;
	v21 =	vadd.f32 $3.333333430e-01, v21  }
0x5ca: {  	v12 =	vshrl.u32 v36, $0x17;
	v17 =	vmul.f32 v20, v42;
	v22 =	vadd.f32 $3.333333430e-01, v22  }
0x5cb: {  	v6 =	vand.u32 $0xFF, v6;
	v12 =	vand.u32 $0xFF, v12;
	v18 =	vmul.f32 v21, v18  }
0x5cc: {  	v5 =	vmul.f32 $2.885390040e+00, v5;
	v17 =	vadd.f32 $1.000000000e+00, v17;
	v19 =	vmul.f32 v22, v43  }
0x5cd: {  	v6 =	vadd.s32 $0xFFFFFF81, v6;
	v11 =	vmul.f32 $2.885390040e+00, v11;
	v18 =	vadd.f32 $1.000000000e+00, v18  }
0x5ce: {  	v13 =	vmul.f32 $2.885390040e+00, v13;
	v5 =	vmul.f32 v17, v5;
	v45 =	vadd.f32 $1.000000000e+00, v19  }
0x5cf: {  	v12 =	vadd.s32 $0xFFFFFF81, v12;
	v6 =	vcvt.s32.f32 v6;
	v11 =	vmul.f32 v18, v11  }
0x5d0: {  	v12 =	vcvt.s32.f32 v12;
	v4 =	vadd.f32 v4, v5;
	v46 =	vmul.f32 v45, v13  }
0x5d1: {  	v6 =	vadd.f32 v6, v11  }
0x5d2: {  	v4 =	vmul.f32 $2.888113260e-01, v4;
	v5 =	vadd.f32 v12, v46  }
0x5d3: {  	v6 =	vmul.f32 $2.888113260e-01, v6  }
0x5d4: {  	v4 =	vmul.f32 $1.442695020e+00, v4;
	v5 =	vmul.f32 $2.888113260e-01, v5  }
0x5d5: {  	v6 =	vmul.f32 $1.442695020e+00, v6  }
0x5d6: {  	(erf) = vpow2.f32 v4;
	v5 =	vmul.f32 $1.442695020e+00, v5  }
0x5d7: {  	(erf) = vpow2.f32 v6  }
0x5d8: {  	(erf) = vpow2.f32 v5  }
0x5d9: {  	v48 =	vmul.f32 $1.292000010e+01, v8  }
0x5da: {  	v49 =	vmul.f32 $1.292000010e+01, v9;
	v51 =	vmul.f32 $1.054999950e+00, v61  }
0x5db: {  	v10 =	vmul.f32 $1.292000010e+01, v10;
	v52 =	vmul.f32 $1.054999950e+00, v63  }
0x5dc: {  	v53 =	vmul.f32 $1.292000010e+01, v7;
	v54 =	vadd.f32 $-5.499999970e-02, v51;
	v1 =	vmul.f32 $1.054999950e+00, v1  }
0x5dd: {  	vm12 =	vle.f32 v7, $3.130800090e-03;
	v50 =	vmul.f32 $1.054999950e+00, v60;
	v55 =	vadd.f32 $-5.499999970e-02, v52  }
0x5de: {  	v58 =	vsel vm4, v49, v54;
	vm13 =	vle.f32 v0, $3.130800090e-03;
	v1 =	vadd.f32 $-5.499999970e-02, v1  }
0x5df: {  	v0 =	vmul.f32 $1.292000010e+01, v0;
	vm14 =	vle.f32 v2, $3.130800090e-03;
	v6 =	vadd.f32 $-5.499999970e-02, v50;
	v57 =	vpop (erf)  }
0x5e0: {  	vm15 =	vle.f32 v3, $3.130800090e-03;
	v1 =	vsel vm12, v53, v1;
	v60 =	vmul.f32 $1.054999950e+00, v57;
	v59 =	vpop (erf)  }
0x5e1: {  	v2 =	vmul.f32 $1.292000010e+01, v2;
	[tilespmem:s0+$0x810] =	vst v1;
	v1 =	vsel vm2, v48, v6;
	v61 =	vpop (erf);
	v5 =	vmul.f32 $1.054999950e+00, v59  }
0x5e2: {  	[tilespmem:s26+$0x7F0] =	vst v58;
	vm2 =	vmmov vm13;
	v6 =	vadd.f32 $-5.499999970e-02, v60;
	v7 =	vmul.f32 $1.054999950e+00, v61  }
0x5e3: {  	[tilespmem:s26+$0x7E0] =	vst v1;
	v1 =	vsel vm3, v10, v55;
	vm3 =	vmmov vm14;
	v63 =	vadd.f32 $-5.499999970e-02, v5  }
0x5e4: {  	[tilespmem:s26+$0x800] =	vst v1;
	v1 =	vmul.f32 $1.292000010e+01, v3;
	v0 =	vsel vm2, v0, v6;
	v3 =	vadd.f32 $-5.499999970e-02, v7  }
0x5e5: {  	vm2 =	vmmov vm15;
	[tilespmem:s6+$0x7E0] =	vst v0;
	v0 =	vsel vm3, v2, v63  }
0x5e6: {  	[tilespmem:s6+$0x7F0] =	vst v0;
	v0 =	vsel vm2, v1, v3  }
0x5e7: {  	[tilespmem:s6+$0x800] =	vst v0  }
0x5e8: {  	s21 =	simm.s32 $0x1A100;
	s0 =	rddreg [dreg:$0xb]  }
0x5e9: {  	[hbm4b:s0+s5] =	stream.linear.scatter [tilespmem:s21], [sflag:$0x4], $0x800, $0x38;
	[tilespmem:$0x1B900] =	vst v63  }
0x5ea: {  	_ =	swait.ge [sflag:s24], $0x800  }
0x5eb: {  	[sflag:s24] =	ssyncset.done $0x0  }
0x5ec: {  	s28 =	simm.s32 $0x1A900;
	s26 =	rddreg [dreg:$0xc];
	[sflag:s24] =	ssyncadd.s32 $0xFFFFF800  }
0x5ed: {  	[hbm4b:s26+s5] =	stream.linear.scatter [tilespmem:s28], [sflag:$0x4], $0x800, $0x38;
	[tilespmem:$0x1B900] =	vst v63  }
0x5ee: {  	_ =	swait.ge [sflag:s24], $0x800  }
0x5ef: {  	[sflag:s24] =	ssyncset.done $0x0  }
0x5f0: {  	s30 =	simm.s32 $0x1B100;
	s29 =	rddreg [dreg:$0xd];
	[sflag:s24] =	ssyncadd.s32 $0xFFFFF800  }
0x5f1: {  	[hbm4b:s29+s5] =	stream.linear.scatter [tilespmem:s30], [sflag:$0x4], $0x800, $0x38;
	[tilespmem:$0x1B900] =	vst v63  }
0x5f2: {  	_ =	swait.ge [sflag:s24], $0x800  }
0x5f3: {  	s17 =	sadd.s32 $0x1, s17;
	s31 =	rddreg [dreg:$0xe]  }
0x5f4: {  	p0 =	sne.s32 s17, s31  }
.Ltmp11:
0x5f5: {  	_ = 	snop;
	(pc) =	sbr.rel @p0 .LBB2_1-.Ltmp11, $3  }
0x5f6: {  	_ =	sdelay $0x1  }
0x5f7: {  	[sflag:s24] =	ssyncset.done $0x0  }
0x5f8: {  	v0 =	vimm.f32 $0.0e+00;
	[sflag:s24] =	ssyncadd.s32 $0xFFFFF800  }
0x5f9: {  	_ =	sfence.sel $0x180000  }
0x5fa: {  	[bflag:$0x0] =	sbarrier.arrive $0xFFFF  }
0x5fb: {  	_ =	strace $0x90000047  }
0x5fc: {  	s0 =	stileid.u32;
	[bflag:$0x2] =	sbarrier.arrive $0xFFFF  }
0x5fd: {  	p0 =	sne.s32 s0, $0x0;
	s0 =	rddreg [dreg:$0x6]  }
0x5fe: {  	s0 =	sadd.s32 @!p0 $0x100000, s0  }
0x5ff: {  	[sflag:s0] =	ssyncadd.tile.s32 @!p0 $0x1;
	_ =	shalt  }
.Lfunc_end2:
_tile_overlayer_lowered:
.L_overlay_start_2:
0x600: {  	(tag) =	ssettag $0x2  }
0x601: {  	s0 =	rddreg [dreg:$0x0];
	s2 =	stileid.u32  }
0x602: {  	s1 =	rddreg [dreg:$0x1];
	p0 =	sne.s32 s2, $0x0  }
0x603: {  	s3 =	rddreg [dreg:$0x2];
	[bflag:$0x3] =	sbarrier.arrive $0xFFFF;
	s2 =	simm.s32 @!p0 $0x1C04  }
0x604: {  	[timem:s3], [sflag:s2] =	dma.local @!p0 [hbm:s0], s1  }
0x605: {  	s0 =	simm.s32 @!p0 $0x4  }
0x606: {  	_ =	swait.ge @!p0 [sflag:s0], s1  }
0x607: {  	s1 =	ssub.s32 @!p0 $0x0, s1;
	[sflag:s0] =	ssyncset.done @!p0 $0x0  }
0x608: {  	[sflag:s0] =	ssyncadd.s32 @!p0 s1  }
0x609: {  	[bflag:$0x3] =	sbarrier.arrive $0xFFFF  }
0x60a: {  	_ =	shalt  }

</sc_bundles>
